<compile_context>
chip_gen: v7x
topology: tpu7x:2x2x1
jax: 0.10.2.dev20260603
libtpu: 0.0.44.dev20260713+nightly
codegen_flags: <defaults>
</compile_context>

<pallas_src>
import functools

import jax
import jax.numpy as jnp
import numpy as np
from jax import lax
from jax.experimental import pallas as pl
from jax.experimental.pallas import tpu as pltpu
from jax.experimental.pallas import tpu_sc as plsc

N = 10000
E = 320000
D = 128
B = 256
H = 8
DH = D // H
K1 = 75

_NC, _NS = 2, 16
_NW = _NC * _NS
_NPAD = N + 240
_RPS = _NPAD // _NS
_NKC = 80
_EPAD = _NW * _NKC * 128

_UNROLL = 2


@functools.lru_cache(maxsize=None)
def _make_row_scatter(dcols):
    mesh = plsc.VectorSubcoreMesh(core_axis_name="c", subcore_axis_name="s")

    @functools.partial(
        pl.kernel,
        out_type=jax.ShapeDtypeStruct((_NC, _NPAD, dcols), jnp.float32),
        mesh=mesh,
        scratch_types=[
            pltpu.VMEM((_NKC // 2, 128), jnp.int32),
            pltpu.VMEM((_NKC // 2, 128), jnp.int32),
            pltpu.VMEM((_UNROLL, 128, dcols), jnp.float32),
            pltpu.VMEM_SHARED((_NPAD, dcols), jnp.float32),
        ] + [pltpu.SemaphoreType.DMA] * (2 * _UNROLL),
    )
    def pass_k(y_hbm, srcw, dstw, zeros_hbm, out_hbm, src_v, dst_v, rows_v, acc_sh, *sems):
        gsem = sems[:_UNROLL]
        ssem = sems[_UNROLL:]
        cid = lax.axis_index("c")
        sid = lax.axis_index("s")
        wid = sid * _NC + cid
        pltpu.sync_copy(zeros_hbm.at[pl.ds(sid * _RPS, _RPS)],
                        acc_sh.at[pl.ds(sid * _RPS, _RPS)])
        plsc.subcore_barrier()

        def body(i, carry):
            j = i * _UNROLL
            gathers = []
            for u in range(_UNROLL):
                gathers.append(pltpu.async_copy(
                    y_hbm.at[src_v.at[j + u]], rows_v.at[u], gsem[u]))
            scatters = []
            for u in range(_UNROLL):
                gathers[u].wait()
                scatters.append(pltpu.async_copy(
                    rows_v.at[u], acc_sh.at[dst_v.at[j + u]], ssem[u], add=True))
            for u in range(_UNROLL):
                scatters[u].wait()
            return carry

        half = _NKC // 2
        for ph in range(2):
            pltpu.sync_copy(srcw.at[wid, pl.ds(ph * half, half)], src_v)
            pltpu.sync_copy(dstw.at[wid, pl.ds(ph * half, half)], dst_v)
            lax.fori_loop(0, half // _UNROLL, body, 0)
        plsc.subcore_barrier()
        pltpu.sync_copy(acc_sh.at[pl.ds(sid * _RPS, _RPS)],
                        out_hbm.at[cid, pl.ds(sid * _RPS, _RPS)])

    return pass_k


def _pad_rows(y):
    return jnp.concatenate([y, jnp.zeros((_NPAD - N, y.shape[1]), y.dtype)], axis=0)


_BLK = 1024

_row_spec = pl.BlockSpec((_BLK, D), lambda i: (i, 0))
_s_spec = pl.BlockSpec((2, _BLK, D), lambda i: (0, i, 0))
_dinv_spec = pl.BlockSpec((_BLK, 1), lambda i: (i, 0))
_vec_spec = pl.BlockSpec((1, D), lambda i: (0, 0))
_w_spec = pl.BlockSpec((D, D), lambda i: (0, 0))


def _scale_mm_kernel(x_ref, w_ref, dinv_ref, o_ref):
    o_ref[...] = dinv_ref[...] * jnp.dot(
        x_ref[...], w_ref[...], preferred_element_type=jnp.float32)


def _scale_mm(x, w, dinvp):
    return pl.pallas_call(
        _scale_mm_kernel,
        grid=(_NPAD // _BLK,),
        in_specs=[_row_spec, _w_spec, _dinv_spec],
        out_specs=_row_spec,
        out_shape=jax.ShapeDtypeStruct((_NPAD, D), jnp.float32),
    )(x, w, dinvp)


def _epi_mm_kernel(s_ref, y_ref, dinv_ref, b_ref, w_ref, o_ref):
    d = dinv_ref[...]
    t = jax.nn.relu(d * (s_ref[0] + s_ref[1] + y_ref[...]) + b_ref[...])
    o_ref[...] = d * jnp.dot(t, w_ref[...], preferred_element_type=jnp.float32)


def _epi_mm(s, y, dinvp, b, w):
    return pl.pallas_call(
        _epi_mm_kernel,
        grid=(_NPAD // _BLK,),
        in_specs=[_s_spec, _row_spec, _dinv_spec, _vec_spec, _w_spec],
        out_specs=_row_spec,
        out_shape=jax.ShapeDtypeStruct((_NPAD, D), jnp.float32),
    )(s, y, dinvp, b, w)


def _epi_mm_bias_kernel(s_ref, y_ref, dinv_ref, b_ref, w_ref, b2_ref, o_ref):
    d = dinv_ref[...]
    t = jax.nn.relu(d * (s_ref[0] + s_ref[1] + y_ref[...]) + b_ref[...])
    o_ref[...] = jnp.dot(t, w_ref[...],
                         preferred_element_type=jnp.float32) + b2_ref[...]


def _epi_mm_bias(s, y, dinvp, b, w, b2):
    return pl.pallas_call(
        _epi_mm_bias_kernel,
        grid=(_NPAD // _BLK,),
        in_specs=[_s_spec, _row_spec, _dinv_spec, _vec_spec, _w_spec, _vec_spec],
        out_specs=_row_spec,
        out_shape=jax.ShapeDtypeStruct((_NPAD, D), jnp.float32),
    )(s, y, dinvp, b, w, b2)


def _epi_kernel(s_ref, y_ref, dinv_ref, b_ref, o_ref):
    o_ref[...] = dinv_ref[...] * (s_ref[0] + s_ref[1] + y_ref[...]) + b_ref[...]


def _epi(s, y, dinvp, b):
    return pl.pallas_call(
        _epi_kernel,
        grid=(_NPAD // _BLK,),
        in_specs=[_s_spec, _row_spec, _dinv_spec, _vec_spec],
        out_specs=_row_spec,
        out_shape=jax.ShapeDtypeStruct((_NPAD, D), jnp.float32),
    )(s, y, dinvp, b)


_SP = 80


def _pma_att_kernel(offs_ref, k_ref, v_ref, qb_ref, o_ref):
    b = pl.program_id(0)
    start = offs_ref[b]
    end = offs_ref[b + 1]
    c0 = start // 128
    c1 = lax.div(end + 127, 128)

    def body(c, carry):
        m, l, acc = carry
        base = c * 128
        rows = k_ref[pl.ds(base * 1, 128), :]
        vrows = v_ref[pl.ds(base * 1, 128), :]
        ids = base + lax.broadcasted_iota(jnp.int32, (128, 1), 0)
        valid = (ids >= start) & (ids < end)
        s = jnp.dot(rows, qb_ref[...], preferred_element_type=jnp.float32)
        s = jnp.where(valid, s, -1e30)
        m_new = jnp.maximum(m, jnp.max(s, axis=0, keepdims=True))
        corr = jnp.exp(m - m_new)
        e = jnp.exp(s - m_new)
        e = jnp.where(valid, e, 0.0)
        l = l * corr + jnp.sum(e, axis=0, keepdims=True)
        full = lax.dot_general(vrows, e, (((0,), (0,)), ((), ())),
                               preferred_element_type=jnp.float32)
        ext = jnp.concatenate(
            [full[h * DH:(h + 1) * DH, h * _SP:(h + 1) * _SP] for h in range(H)],
            axis=1)
        acc = acc * corr + ext
        return m_new, l, acc

    m0 = jnp.full((1, H * _SP), -1e30, jnp.float32)
    l0 = jnp.zeros((1, H * _SP), jnp.float32)
    a0 = jnp.zeros((DH, H * _SP), jnp.float32)
    m, l, acc = lax.fori_loop(c0, c1, body, (m0, l0, a0))
    acc = acc / jnp.maximum(l, 1e-12)
    o_ref[0] = jnp.concatenate(
        [jnp.transpose(acc[:, h * _SP:(h + 1) * _SP]) for h in range(H)], axis=1)


def _pma_attention(q, kp, vp, offs):
    qh = q.reshape(K1, H, DH)
    qb = jnp.zeros((H, DH, H, _SP), jnp.float32)
    qb = qb.at[jnp.arange(H), :, jnp.arange(H), :K1].set(
        jnp.transpose(qh, (1, 2, 0)) / np.sqrt(D))
    qb = qb.reshape(D, H * _SP)
    att = pl.pallas_call(
        _pma_att_kernel,
        grid=(B,),
        in_specs=[
            pl.BlockSpec(memory_space=pltpu.SMEM),
            pl.BlockSpec((_NPAD, D), lambda b: (0, 0)),
            pl.BlockSpec((_NPAD, D), lambda b: (0, 0)),
            pl.BlockSpec((D, H * _SP), lambda b: (0, 0)),
        ],
        out_specs=pl.BlockSpec((1, _SP, D), lambda b: (b, 0, 0)),
        out_shape=jax.ShapeDtypeStruct((B, _SP, D), jnp.float32),
    )(offs, kp, vp, qb)
    return att[:, :K1, :]


def _pma_graph(xn, offs, p, dinvp, srcw, dstw, zeros):
    q = p['S1'] @ p['p1_q_w'] + p['p1_q_b']
    scatter = _make_row_scatter(D)
    yk = _scale_mm(xn, p['p1_k_w'], dinvp)
    kp = _epi(scatter(yk, srcw, dstw, zeros), yk, dinvp, p['p1_k_b'].reshape(1, D))
    yv = _scale_mm(xn, p['p1_v_w'], dinvp)
    vp = _epi(scatter(yv, srcw, dstw, zeros), yv, dinvp, p['p1_v_b'].reshape(1, D))
    att = _pma_attention(q, kp, vp, offs)
    o = q[None] + att
    o = o + jax.nn.relu(o @ p['p1_o_w'] + p['p1_o_b'])
    return o


def _mab_dense(q_in, kv_in, p, prefix):
    q = q_in @ p[prefix + '_q_w'] + p[prefix + '_q_b']
    k = kv_in @ p[prefix + '_k_w'] + p[prefix + '_k_b']
    v = kv_in @ p[prefix + '_v_w'] + p[prefix + '_v_b']
    b, s = q.shape[0], q.shape[1]
    n = k.shape[1]
    qh = q.reshape(b, s, H, DH)
    kh = k.reshape(b, n, H, DH)
    vh = v.reshape(b, n, H, DH)
    scores = jnp.einsum('bshd,bnhd->bhsn', qh, kh) / np.sqrt(D)
    a = jax.nn.softmax(scores, axis=-1)
    att = jnp.einsum('bhsn,bnhd->bshd', a, vh).reshape(b, s, D)
    o = q + att
    o = o + jax.nn.relu(o @ p[prefix + '_o_w'] + p[prefix + '_o_b'])
    return o


def _tail_kernel(x_ref, w2_ref, b2_ref, wg_ref, bg_ref, o_ref):
    h = jnp.dot(x_ref[...], w2_ref[...], preferred_element_type=jnp.float32)
    h = h + b2_ref[...]
    g = jnp.dot(h, wg_ref[...], preferred_element_type=jnp.float32) + bg_ref[...]
    o_ref[...] = jax.nn.sigmoid(g)


def kernel(herg_em, x, edge_index, edge_attr, batch, mol_rep, params):
    p = params
    src = edge_index[0].astype(jnp.int32)
    dst = edge_index[1].astype(jnp.int32)
    pad_idx = (N + jnp.arange(_EPAD - E, dtype=jnp.int32) % (_NPAD - N))
    srcw = jnp.concatenate([src, pad_idx]).reshape(_NW, _NKC, 128)
    dstw = jnp.concatenate([dst, pad_idx]).reshape(_NW, _NKC, 128)
    zeros = jnp.zeros((_NPAD, D), jnp.float32)
    ones_table = jnp.concatenate(
        [jnp.ones((N, D), jnp.float32), jnp.zeros((_NPAD - N, D), jnp.float32)], axis=0)

    scatter = _make_row_scatter(D)
    degp = scatter(ones_table, srcw, dstw, zeros)
    deg = degp[0, :N, 0] + degp[1, :N, 0] + 1.0
    dinvp = jnp.concatenate(
        [lax.rsqrt(deg), jnp.zeros(_NPAD - N, jnp.float32)])[:, None]

    y = _scale_mm(_pad_rows(x), p['conv0_w'], dinvp)
    for i in (0, 1, 2):
        s = scatter(y, srcw, dstw, zeros)
        y = _epi_mm(s, y, dinvp, p['conv%d_b' % i].reshape(1, D),
                    p['conv%d_w' % (i + 1)])
    s = scatter(y, srcw, dstw, zeros)
    xn = _epi_mm_bias(s, y, dinvp, p['conv3_b'].reshape(1, D),
                      p['lin1_w'], p['lin1_b'].reshape(1, D))
    offs = jnp.searchsorted(batch.astype(jnp.int32), jnp.arange(B + 1, dtype=jnp.int32)).astype(jnp.int32)
    X = _pma_graph(xn, offs, p, dinvp, srcw, dstw, zeros)
    X = _mab_dense(X, X, p, 'sab')
    X = _mab_dense(jnp.broadcast_to(p['S2'][None], (B, 1, D)), X, p, 'p2')
    X = X[:, 0, :]
    out = pl.pallas_call(
        _tail_kernel,
        out_shape=jax.ShapeDtypeStruct((B, 1), jnp.float32),
    )(X, p['lin2_w'], p['lin2_b'], p['gout_w'], p['gout_b'])
    return out

# --- scband reference (transcript-rebuilt; emitter-appended) ---
"""Pipeline reference for scband-gcnmodel-9311489098373 (READ-ONLY COPY).

The authoritative reference and input builder live on the scoring server;
editing this copy changes nothing except your own understanding.
"""

import jax, jax.numpy as jnp
import numpy as np

N = 10000
E = 320000
D = 128
B = 256
H = 8
DH = D // H
K1 = 75  # math.ceil(num_nodes=300 * pooling_ratio=0.25), PyG GMT default


def setup_inputs(seed: int = 0):
    key = jax.random.key(seed)
    kit = iter(jax.random.split(key, 64))
    x = jax.random.normal(next(kit), (N, D), jnp.float32)
    edge_index = jax.random.randint(next(kit), (2, E), 0, N)
    edge_attr = jax.random.normal(next(kit), (E, 4), jnp.float32)
    batch = jnp.sort(jax.random.randint(next(kit), (N,), 0, B))
    herg_em = jax.random.normal(next(kit), (1, 1280), jnp.float32)
    mol_rep = jax.random.normal(next(kit), (B, 1905), jnp.float32)
    params = {}
    def lin(name, din, dout):
        params[name + '_w'] = jax.random.normal(next(kit), (din, dout), jnp.float32) / np.sqrt(din)
        params[name + '_b'] = jnp.zeros((dout,), jnp.float32)
    for i in range(4):
        lin('conv%d' % i, D, D)
    lin('lin1', D, D)
    params['S1'] = jax.random.normal(next(kit), (K1, D), jnp.float32)
    for nm in ('p1_q', 'p1_k', 'p1_v', 'p1_o'):
        lin(nm, D, D)
    for nm in ('sab_q', 'sab_k', 'sab_v', 'sab_o'):
        lin(nm, D, D)
    params['S2'] = jax.random.normal(next(kit), (1, D), jnp.float32)
    for nm in ('p2_q', 'p2_k', 'p2_v', 'p2_o'):
        lin(nm, D, D)
    lin('lin2', D, D)
    lin('gout', D, 1)
    return {'herg_em': herg_em, 'x': x, 'edge_index': edge_index, 'edge_attr': edge_attr,
            'batch': batch, 'mol_rep': mol_rep, 'params': params}


def gcn_conv(x, src, dst, w, b):
    # PyG GCNConv: add self loops, sym norm, x' = D^-1/2 (A+I) D^-1/2 X W + b
    xw = x @ w
    deg = jax.ops.segment_sum(jnp.ones((src.shape[0],), x.dtype), dst, num_segments=N) + 1.0
    dinv = jax.lax.rsqrt(deg)
    norm = dinv[src] * dinv[dst]
    msg = xw[src] * norm[:, None]
    agg = jax.ops.segment_sum(msg, dst, num_segments=N) + xw * (dinv * dinv)[:, None]
    return agg + b


def pma_graph(xn, src, dst, batch, p):
    # GMPool_G: PMA with 75 seeds; K,V via GCNConv; masked softmax over nodes of each graph
    q = p['S1'] @ p['p1_q_w'] + p['p1_q_b']
    k = gcn_conv(xn, src, dst, p['p1_k_w'], p['p1_k_b'])
    v = gcn_conv(xn, src, dst, p['p1_v_w'], p['p1_v_b'])
    qh = q.reshape(K1, H, DH)
    kh = k.reshape(N, H, DH)
    vh = v.reshape(N, H, DH)
    scores = jnp.einsum('nhd,shd->nsh', kh, qh) / np.sqrt(D)
    m = jax.ops.segment_max(scores, batch, num_segments=B)
    e = jnp.exp(scores - m[batch])
    denom = jax.ops.segment_sum(e, batch, num_segments=B)
    a = e / jnp.maximum(denom[batch], 1e-12)
    outs = []
    for h in range(H):
        contrib = a[:, :, h, None] * vh[:, None, h, :]
        outs.append(jax.ops.segment_sum(contrib, batch, num_segments=B))
    att = jnp.stack(outs, axis=2).reshape(B, K1, D)
    o = q[None] + att
    o = o + jax.nn.relu(o @ p['p1_o_w'] + p['p1_o_b'])
    return o


def mab_dense(q_in, kv_in, p, prefix):
    q = q_in @ p[prefix + '_q_w'] + p[prefix + '_q_b']
    k = kv_in @ p[prefix + '_k_w'] + p[prefix + '_k_b']
    v = kv_in @ p[prefix + '_v_w'] + p[prefix + '_v_b']
    b, s = q.shape[0], q.shape[1]
    n = k.shape[1]
    qh = q.reshape(b, s, H, DH)
    kh = k.reshape(b, n, H, DH)
    vh = v.reshape(b, n, H, DH)
    scores = jnp.einsum('bshd,bnhd->bhsn', qh, kh) / np.sqrt(D)
    a = jax.nn.softmax(scores, axis=-1)
    att = jnp.einsum('bhsn,bnhd->bshd', a, vh).reshape(b, s, D)
    o = q + att
    o = o + jax.nn.relu(o @ p[prefix + '_o_w'] + p[prefix + '_o_b'])
    return o


def _forward(herg_em, x, edge_index, edge_attr, batch, mol_rep, params):
    src, dst = edge_index[0], edge_index[1]
    h = jax.nn.relu(gcn_conv(x, src, dst, params['conv0_w'], params['conv0_b']))
    for i in (1, 2, 3):
        h = jax.nn.relu(gcn_conv(h, src, dst, params['conv%d_w' % i], params['conv%d_b' % i]))
    # GraphMultisetTransformer: lin1 -> GMPool_G -> SelfAtt -> GMPool_I -> lin2
    xn = h @ params['lin1_w'] + params['lin1_b']
    X = pma_graph(xn, src, dst, batch, params)
    X = mab_dense(X, X, params, 'sab')
    X = mab_dense(jnp.broadcast_to(params['S2'][None], (B, 1, D)), X, params, 'p2')
    X = X[:, 0, :]
    X = X @ params['lin2_w'] + params['lin2_b']
    # herg_em branch in the original code has an in_features mismatch (459 vs 256),
    # so the only runnable path is herg_em is None -> graph_out + sigmoid
    out = jax.nn.sigmoid(X @ params['gout_w'] + params['gout_b'])
    return out


def reference(herg_em, x, edge_index, edge_attr, batch, mol_rep, params):
    return _forward(herg_em, x, edge_index, edge_attr, batch, mol_rep, params)

if __name__ == "__main__":
    import jax
    _d = setup_inputs()
    print(jax.jit(kernel)(*tuple(_d.values())))

</pallas_src>

<mosaic_0001>
#map = affine_map<(d0, d1) -> (0, 0)>
#map1 = affine_map<(d0, d1) -> (0, 0, 0)>
module attributes {stable_mosaic.version = 14 : i64} {
  func.func @pass_k(%arg0: i32, %arg1: i32, %arg2: memref<10240x128xf32, #tpu.memory_space<hbm>>, %arg3: memref<32x80x128xi32, #tpu.memory_space<hbm>>, %arg4: memref<32x80x128xi32, #tpu.memory_space<hbm>>, %arg5: memref<10240x128xf32, #tpu.memory_space<hbm>>, %arg6: memref<2x10240x128xf32, #tpu.memory_space<hbm>>, %arg7: memref<40x128xi32, #tpu.memory_space<vmem>>, %arg8: memref<40x128xi32, #tpu.memory_space<vmem>>, %arg9: memref<2x128x128xf32, #tpu.memory_space<vmem>>, %arg10: memref<10240x128xf32, #tpu.memory_space<vmem_shared>>, %arg11: memref<!tpu.dma_semaphore, #tpu.memory_space<semaphore_mem>>, %arg12: memref<!tpu.dma_semaphore, #tpu.memory_space<semaphore_mem>>, %arg13: memref<!tpu.dma_semaphore, #tpu.memory_space<semaphore_mem>>, %arg14: memref<!tpu.dma_semaphore, #tpu.memory_space<semaphore_mem>>) attributes {dimension_semantics = [#tpu.dimension_semantics<core_parallel>, #tpu.dimension_semantics<subcore_parallel>], iteration_bounds = array<i64: 2, 16>, scalar_prefetch = 0 : i64, scratch_operands = 8 : i64, tpu.core_type = #tpu.core_type<sc_vector_subcore>, window_params = [{transform_indices = #map}, {transform_indices = #map1}, {transform_indices = #map1}, {transform_indices = #map}, {transform_indices = #map1}]} {
    %mul3A = arith.constant 2 : i32
    %mul3A_0 = arith.muli %arg1, %mul3A : i32
    %add3A = arith.addi %mul3A_0, %arg0 : i32
    %mul3A_1 = arith.constant 640 : i32
    %mul3A_2 = arith.muli %arg1, %mul3A_1 : i32
    %mul3A_3 = arith.constant 640 : i32
    %mul3A_4 = arith.muli %arg1, %mul3A_3 : i32
    "tpu.region"() ({
      %run_scoped3A = tpu.sem_alloc : memref<!tpu.dma_semaphore, #tpu.memory_space<semaphore_mem>>
      %dma_start3A = arith.constant 0 : i32
      %dma_start3A_21 = tpu.memref_slice %arg10[%mul3A_4, %dma_start3A] : memref<10240x128xf32, #tpu.memory_space<vmem_shared>> -> memref<640x128xf32, #tpu.memory_space<vmem_shared>>
      %dma_start3A_22 = arith.constant 0 : i32
      %dma_start3A_23 = tpu.memref_slice %arg5[%mul3A_2, %dma_start3A_22] : memref<10240x128xf32, #tpu.memory_space<hbm>> -> memref<640x128xf32, #tpu.memory_space<hbm>>
      tpu.enqueue_dma source(%dma_start3A_23 : memref<640x128xf32, #tpu.memory_space<hbm>>) target(%dma_start3A_21 : memref<640x128xf32, #tpu.memory_space<vmem_shared>>) target_semaphore(%run_scoped3A : memref<!tpu.dma_semaphore, #tpu.memory_space<semaphore_mem>>)
      %dma_wait3A = arith.constant 0 : i32
      %dma_wait3A_24 = tpu.memref_slice %arg10[%mul3A_4, %dma_wait3A] : memref<10240x128xf32, #tpu.memory_space<vmem_shared>> -> memref<640x128xf32, #tpu.memory_space<vmem_shared>>
      %dma_wait3A_25 = arith.constant 0 : i32
      %dma_wait3A_26 = tpu.memref_slice %arg5[%mul3A_2, %dma_wait3A_25] : memref<10240x128xf32, #tpu.memory_space<hbm>> -> memref<640x128xf32, #tpu.memory_space<hbm>>
      tpu.wait_dma2 semaphore(%run_scoped3A : memref<!tpu.dma_semaphore, #tpu.memory_space<semaphore_mem>>) src(%dma_wait3A_26 : memref<640x128xf32, #tpu.memory_space<hbm>>) dst(%dma_wait3A_24 : memref<640x128xf32, #tpu.memory_space<vmem_shared>>)
      tpu.yield
    }) : () -> ()
    %barrier3A = arith.constant 0 : index
    tpu.barrier barrier_id(%barrier3A)
    "tpu.region"() ({
      %run_scoped3A = tpu.sem_alloc : memref<!tpu.dma_semaphore, #tpu.memory_space<semaphore_mem>>
      %dma_start3A = arith.constant 0 : i32
      %dma_start3A_21 = arith.constant 0 : i32
      %dma_start3A_22 = tpu.memref_slice %arg3[%add3A, %dma_start3A, %dma_start3A_21] : memref<32x80x128xi32, #tpu.memory_space<hbm>> -> memref<1x40x128xi32, #tpu.memory_space<hbm>>
      %dma_start3A_23 = tpu.memref_squeeze %dma_start3A_22 : memref<1x40x128xi32, #tpu.memory_space<hbm>> -> memref<40x128xi32, #tpu.memory_space<hbm>>
      %dma_start3A_24 = arith.constant 0 : i32
      %dma_start3A_25 = arith.constant 0 : i32
      %dma_start3A_26 = tpu.memref_slice %arg3[%add3A, %dma_start3A_24, %dma_start3A_25] : memref<32x80x128xi32, #tpu.memory_space<hbm>> -> memref<1x40x128xi32, #tpu.memory_space<hbm>>
      %dma_start3A_27 = tpu.memref_squeeze %dma_start3A_26 : memref<1x40x128xi32, #tpu.memory_space<hbm>> -> memref<40x128xi32, #tpu.memory_space<hbm>>
      tpu.enqueue_dma source(%dma_start3A_27 : memref<40x128xi32, #tpu.memory_space<hbm>>) target(%arg7 : memref<40x128xi32, #tpu.memory_space<vmem>>) target_semaphore(%run_scoped3A : memref<!tpu.dma_semaphore, #tpu.memory_space<semaphore_mem>>)
      %dma_wait3A = arith.constant 0 : i32
      %dma_wait3A_28 = arith.constant 0 : i32
      %dma_wait3A_29 = tpu.memref_slice %arg3[%add3A, %dma_wait3A, %dma_wait3A_28] : memref<32x80x128xi32, #tpu.memory_space<hbm>> -> memref<1x40x128xi32, #tpu.memory_space<hbm>>
      %dma_wait3A_30 = tpu.memref_squeeze %dma_wait3A_29 : memref<1x40x128xi32, #tpu.memory_space<hbm>> -> memref<40x128xi32, #tpu.memory_space<hbm>>
      %dma_wait3A_31 = arith.constant 0 : i32
      %dma_wait3A_32 = arith.constant 0 : i32
      %dma_wait3A_33 = tpu.memref_slice %arg3[%add3A, %dma_wait3A_31, %dma_wait3A_32] : memref<32x80x128xi32, #tpu.memory_space<hbm>> -> memref<1x40x128xi32, #tpu.memory_space<hbm>>
      %dma_wait3A_34 = tpu.memref_squeeze %dma_wait3A_33 : memref<1x40x128xi32, #tpu.memory_space<hbm>> -> memref<40x128xi32, #tpu.memory_space<hbm>>
      tpu.wait_dma2 semaphore(%run_scoped3A : memref<!tpu.dma_semaphore, #tpu.memory_space<semaphore_mem>>) src(%dma_wait3A_34 : memref<40x128xi32, #tpu.memory_space<hbm>>) dst(%arg7 : memref<40x128xi32, #tpu.memory_space<vmem>>)
      tpu.yield
    }) : () -> ()
    "tpu.region"() ({
      %run_scoped3A = tpu.sem_alloc : memref<!tpu.dma_semaphore, #tpu.memory_space<semaphore_mem>>
      %dma_start3A = arith.constant 0 : i32
      %dma_start3A_21 = arith.constant 0 : i32
      %dma_start3A_22 = tpu.memref_slice %arg4[%add3A, %dma_start3A, %dma_start3A_21] : memref<32x80x128xi32, #tpu.memory_space<hbm>> -> memref<1x40x128xi32, #tpu.memory_space<hbm>>
      %dma_start3A_23 = tpu.memref_squeeze %dma_start3A_22 : memref<1x40x128xi32, #tpu.memory_space<hbm>> -> memref<40x128xi32, #tpu.memory_space<hbm>>
      %dma_start3A_24 = arith.constant 0 : i32
      %dma_start3A_25 = arith.constant 0 : i32
      %dma_start3A_26 = tpu.memref_slice %arg4[%add3A, %dma_start3A_24, %dma_start3A_25] : memref<32x80x128xi32, #tpu.memory_space<hbm>> -> memref<1x40x128xi32, #tpu.memory_space<hbm>>
      %dma_start3A_27 = tpu.memref_squeeze %dma_start3A_26 : memref<1x40x128xi32, #tpu.memory_space<hbm>> -> memref<40x128xi32, #tpu.memory_space<hbm>>
      tpu.enqueue_dma source(%dma_start3A_27 : memref<40x128xi32, #tpu.memory_space<hbm>>) target(%arg8 : memref<40x128xi32, #tpu.memory_space<vmem>>) target_semaphore(%run_scoped3A : memref<!tpu.dma_semaphore, #tpu.memory_space<semaphore_mem>>)
      %dma_wait3A = arith.constant 0 : i32
      %dma_wait3A_28 = arith.constant 0 : i32
      %dma_wait3A_29 = tpu.memref_slice %arg4[%add3A, %dma_wait3A, %dma_wait3A_28] : memref<32x80x128xi32, #tpu.memory_space<hbm>> -> memref<1x40x128xi32, #tpu.memory_space<hbm>>
      %dma_wait3A_30 = tpu.memref_squeeze %dma_wait3A_29 : memref<1x40x128xi32, #tpu.memory_space<hbm>> -> memref<40x128xi32, #tpu.memory_space<hbm>>
      %dma_wait3A_31 = arith.constant 0 : i32
      %dma_wait3A_32 = arith.constant 0 : i32
      %dma_wait3A_33 = tpu.memref_slice %arg4[%add3A, %dma_wait3A_31, %dma_wait3A_32] : memref<32x80x128xi32, #tpu.memory_space<hbm>> -> memref<1x40x128xi32, #tpu.memory_space<hbm>>
      %dma_wait3A_34 = tpu.memref_squeeze %dma_wait3A_33 : memref<1x40x128xi32, #tpu.memory_space<hbm>> -> memref<40x128xi32, #tpu.memory_space<hbm>>
      tpu.wait_dma2 semaphore(%run_scoped3A : memref<!tpu.dma_semaphore, #tpu.memory_space<semaphore_mem>>) src(%dma_wait3A_34 : memref<40x128xi32, #tpu.memory_space<hbm>>) dst(%arg8 : memref<40x128xi32, #tpu.memory_space<vmem>>)
      tpu.yield
    }) : () -> ()
    %scan3A = arith.constant 0 : i32
    %scan3A_5 = arith.constant 0 : i32
    %scan3A_6 = arith.constant 20 : i32
    %scan3A_7 = arith.addi %scan3A_5, %scan3A_6 : i32
    %scan3A_8 = arith.constant 1 : i32
    scf.for %scan3A_21 = %scan3A_5 to %scan3A_7 step %scan3A_8  : i32 {
      %mul3A_22 = arith.constant 2 : i32
      %mul3A_23 = arith.muli %scan3A_21, %mul3A_22 : i32
      %add3A_24 = arith.constant 0 : i32
      %add3A_25 = arith.addi %mul3A_23, %add3A_24 : i32
      %dma_start3A = arith.constant 0 : i32
      %dma_start3A_26 = arith.constant 0 : i32
      %dma_start3A_27 = arith.constant 0 : i32
      %dma_start3A_28 = tpu.memref_slice %arg9[%dma_start3A, %dma_start3A_26, %dma_start3A_27] : memref<2x128x128xf32, #tpu.memory_space<vmem>> -> memref<1x128x128xf32, #tpu.memory_space<vmem>>
      %dma_start3A_29 = tpu.memref_squeeze %dma_start3A_28 : memref<1x128x128xf32, #tpu.memory_space<vmem>> -> memref<128x128xf32, #tpu.memory_space<vmem>>
      %dma_start3A_30 = arith.constant 0 : i32
      %dma_start3A_31 = tpu.memref_slice %arg7[%add3A_25, %dma_start3A_30] : memref<40x128xi32, #tpu.memory_space<vmem>> -> memref<1x128xi32, #tpu.memory_space<vmem>>
      %dma_start3A_32 = tpu.memref_squeeze %dma_start3A_31 : memref<1x128xi32, #tpu.memory_space<vmem>> -> memref<128xi32, #tpu.memory_space<vmem>>
      %dma_start3A_33 = arith.constant 0 : i32
      %dma_start3A_34 = arith.constant 0 : i32
      %dma_start3A_35 = tpu.memref_slice %arg2[%dma_start3A_33, %dma_start3A_34] : memref<10240x128xf32, #tpu.memory_space<hbm>> -> memref<10240x128xf32, #tpu.memory_space<hbm>>
      tpu.enqueue_indirect_dma source(%dma_start3A_35 : memref<10240x128xf32, #tpu.memory_space<hbm>>) target(%dma_start3A_29 : memref<128x128xf32, #tpu.memory_space<vmem>>) offsets(%dma_start3A_32 : memref<128xi32, #tpu.memory_space<vmem>>) semaphore(%arg11 : memref<!tpu.dma_semaphore, #tpu.memory_space<semaphore_mem>>)
      %add3A_36 = arith.constant 1 : i32
      %add3A_37 = arith.addi %mul3A_23, %add3A_36 : i32
      %dma_start3A_38 = arith.constant 1 : i32
      %dma_start3A_39 = arith.constant 0 : i32
      %dma_start3A_40 = arith.constant 0 : i32
      %dma_start3A_41 = tpu.memref_slice %arg9[%dma_start3A_38, %dma_start3A_39, %dma_start3A_40] : memref<2x128x128xf32, #tpu.memory_space<vmem>> -> memref<1x128x128xf32, #tpu.memory_space<vmem>>
      %dma_start3A_42 = tpu.memref_squeeze %dma_start3A_41 : memref<1x128x128xf32, #tpu.memory_space<vmem>> -> memref<128x128xf32, #tpu.memory_space<vmem>>
      %dma_start3A_43 = arith.constant 0 : i32
      %dma_start3A_44 = tpu.memref_slice %arg7[%add3A_37, %dma_start3A_43] : memref<40x128xi32, #tpu.memory_space<vmem>> -> memref<1x128xi32, #tpu.memory_space<vmem>>
      %dma_start3A_45 = tpu.memref_squeeze %dma_start3A_44 : memref<1x128xi32, #tpu.memory_space<vmem>> -> memref<128xi32, #tpu.memory_space<vmem>>
      %dma_start3A_46 = arith.constant 0 : i32
      %dma_start3A_47 = arith.constant 0 : i32
      %dma_start3A_48 = tpu.memref_slice %arg2[%dma_start3A_46, %dma_start3A_47] : memref<10240x128xf32, #tpu.memory_space<hbm>> -> memref<10240x128xf32, #tpu.memory_space<hbm>>
      tpu.enqueue_indirect_dma source(%dma_start3A_48 : memref<10240x128xf32, #tpu.memory_space<hbm>>) target(%dma_start3A_42 : memref<128x128xf32, #tpu.memory_space<vmem>>) offsets(%dma_start3A_45 : memref<128xi32, #tpu.memory_space<vmem>>) semaphore(%arg12 : memref<!tpu.dma_semaphore, #tpu.memory_space<semaphore_mem>>)
      %dma_wait3A = arith.constant 0 : i32
      %dma_wait3A_49 = arith.constant 0 : i32
      %dma_wait3A_50 = arith.constant 0 : i32
      %dma_wait3A_51 = tpu.memref_slice %arg9[%dma_wait3A, %dma_wait3A_49, %dma_wait3A_50] : memref<2x128x128xf32, #tpu.memory_space<vmem>> -> memref<1x128x128xf32, #tpu.memory_space<vmem>>
      %dma_wait3A_52 = tpu.memref_squeeze %dma_wait3A_51 : memref<1x128x128xf32, #tpu.memory_space<vmem>> -> memref<128x128xf32, #tpu.memory_space<vmem>>
      %dma_wait3A_53 = arith.constant 0 : i32
      %dma_wait3A_54 = tpu.memref_slice %arg7[%add3A_25, %dma_wait3A_53] : memref<40x128xi32, #tpu.memory_space<vmem>> -> memref<1x128xi32, #tpu.memory_space<vmem>>
      %dma_wait3A_55 = tpu.memref_squeeze %dma_wait3A_54 : memref<1x128xi32, #tpu.memory_space<vmem>> -> memref<128xi32, #tpu.memory_space<vmem>>
      %dma_wait3A_56 = arith.constant 0 : i32
      %dma_wait3A_57 = arith.constant 0 : i32
      %dma_wait3A_58 = tpu.memref_slice %arg2[%dma_wait3A_56, %dma_wait3A_57] : memref<10240x128xf32, #tpu.memory_space<hbm>> -> memref<10240x128xf32, #tpu.memory_space<hbm>>
      tpu.wait_indirect_dma semaphore(%arg11 : memref<!tpu.dma_semaphore, #tpu.memory_space<semaphore_mem>>) src(%dma_wait3A_58 : memref<10240x128xf32, #tpu.memory_space<hbm>>) dst(%dma_wait3A_52 : memref<128x128xf32, #tpu.memory_space<vmem>>)
      %add3A_59 = arith.constant 0 : i32
      %add3A_60 = arith.addi %mul3A_23, %add3A_59 : i32
      %dma_start3A_61 = arith.constant 0 : i32
      %dma_start3A_62 = arith.constant 0 : i32
      %dma_start3A_63 = arith.constant 0 : i32
      %dma_start3A_64 = tpu.memref_slice %arg9[%dma_start3A_61, %dma_start3A_62, %dma_start3A_63] : memref<2x128x128xf32, #tpu.memory_space<vmem>> -> memref<1x128x128xf32, #tpu.memory_space<vmem>>
      %dma_start3A_65 = tpu.memref_squeeze %dma_start3A_64 : memref<1x128x128xf32, #tpu.memory_space<vmem>> -> memref<128x128xf32, #tpu.memory_space<vmem>>
      %dma_start3A_66 = arith.constant 0 : i32
      %dma_start3A_67 = tpu.memref_slice %arg8[%add3A_60, %dma_start3A_66] : memref<40x128xi32, #tpu.memory_space<vmem>> -> memref<1x128xi32, #tpu.memory_space<vmem>>
      %dma_start3A_68 = tpu.memref_squeeze %dma_start3A_67 : memref<1x128xi32, #tpu.memory_space<vmem>> -> memref<128xi32, #tpu.memory_space<vmem>>
      %dma_start3A_69 = arith.constant 0 : i32
      %dma_start3A_70 = arith.constant 0 : i32
      %dma_start3A_71 = tpu.memref_slice %arg10[%dma_start3A_69, %dma_start3A_70] : memref<10240x128xf32, #tpu.memory_space<vmem_shared>> -> memref<10240x128xf32, #tpu.memory_space<vmem_shared>>
      tpu.enqueue_indirect_dma source(%dma_start3A_65 : memref<128x128xf32, #tpu.memory_space<vmem>>) target(%dma_start3A_71 : memref<10240x128xf32, #tpu.memory_space<vmem_shared>>) offsets(%dma_start3A_68 : memref<128xi32, #tpu.memory_space<vmem>>) semaphore(%arg13 : memref<!tpu.dma_semaphore, #tpu.memory_space<semaphore_mem>>) {add = true}
      %dma_wait3A_72 = arith.constant 1 : i32
      %dma_wait3A_73 = arith.constant 0 : i32
      %dma_wait3A_74 = arith.constant 0 : i32
      %dma_wait3A_75 = tpu.memref_slice %arg9[%dma_wait3A_72, %dma_wait3A_73, %dma_wait3A_74] : memref<2x128x128xf32, #tpu.memory_space<vmem>> -> memref<1x128x128xf32, #tpu.memory_space<vmem>>
      %dma_wait3A_76 = tpu.memref_squeeze %dma_wait3A_75 : memref<1x128x128xf32, #tpu.memory_space<vmem>> -> memref<128x128xf32, #tpu.memory_space<vmem>>
      %dma_wait3A_77 = arith.constant 0 : i32
      %dma_wait3A_78 = tpu.memref_slice %arg7[%add3A_37, %dma_wait3A_77] : memref<40x128xi32, #tpu.memory_space<vmem>> -> memref<1x128xi32, #tpu.memory_space<vmem>>
      %dma_wait3A_79 = tpu.memref_squeeze %dma_wait3A_78 : memref<1x128xi32, #tpu.memory_space<vmem>> -> memref<128xi32, #tpu.memory_space<vmem>>
      %dma_wait3A_80 = arith.constant 0 : i32
      %dma_wait3A_81 = arith.constant 0 : i32
      %dma_wait3A_82 = tpu.memref_slice %arg2[%dma_wait3A_80, %dma_wait3A_81] : memref<10240x128xf32, #tpu.memory_space<hbm>> -> memref<10240x128xf32, #tpu.memory_space<hbm>>
      tpu.wait_indirect_dma semaphore(%arg12 : memref<!tpu.dma_semaphore, #tpu.memory_space<semaphore_mem>>) src(%dma_wait3A_82 : memref<10240x128xf32, #tpu.memory_space<hbm>>) dst(%dma_wait3A_76 : memref<128x128xf32, #tpu.memory_space<vmem>>)
      %add3A_83 = arith.constant 1 : i32
      %add3A_84 = arith.addi %mul3A_23, %add3A_83 : i32
      %dma_start3A_85 = arith.constant 1 : i32
      %dma_start3A_86 = arith.constant 0 : i32
      %dma_start3A_87 = arith.constant 0 : i32
      %dma_start3A_88 = tpu.memref_slice %arg9[%dma_start3A_85, %dma_start3A_86, %dma_start3A_87] : memref<2x128x128xf32, #tpu.memory_space<vmem>> -> memref<1x128x128xf32, #tpu.memory_space<vmem>>
      %dma_start3A_89 = tpu.memref_squeeze %dma_start3A_88 : memref<1x128x128xf32, #tpu.memory_space<vmem>> -> memref<128x128xf32, #tpu.memory_space<vmem>>
      %dma_start3A_90 = arith.constant 0 : i32
      %dma_start3A_91 = tpu.memref_slice %arg8[%add3A_84, %dma_start3A_90] : memref<40x128xi32, #tpu.memory_space<vmem>> -> memref<1x128xi32, #tpu.memory_space<vmem>>
      %dma_start3A_92 = tpu.memref_squeeze %dma_start3A_91 : memref<1x128xi32, #tpu.memory_space<vmem>> -> memref<128xi32, #tpu.memory_space<vmem>>
      %dma_start3A_93 = arith.constant 0 : i32
      %dma_start3A_94 = arith.constant 0 : i32
      %dma_start3A_95 = tpu.memref_slice %arg10[%dma_start3A_93, %dma_start3A_94] : memref<10240x128xf32, #tpu.memory_space<vmem_shared>> -> memref<10240x128xf32, #tpu.memory_space<vmem_shared>>
      tpu.enqueue_indirect_dma source(%dma_start3A_89 : memref<128x128xf32, #tpu.memory_space<vmem>>) target(%dma_start3A_95 : memref<10240x128xf32, #tpu.memory_space<vmem_shared>>) offsets(%dma_start3A_92 : memref<128xi32, #tpu.memory_space<vmem>>) semaphore(%arg14 : memref<!tpu.dma_semaphore, #tpu.memory_space<semaphore_mem>>) {add = true}
      %dma_wait3A_96 = arith.constant 0 : i32
      %dma_wait3A_97 = arith.constant 0 : i32
      %dma_wait3A_98 = arith.constant 0 : i32
      %dma_wait3A_99 = tpu.memref_slice %arg9[%dma_wait3A_96, %dma_wait3A_97, %dma_wait3A_98] : memref<2x128x128xf32, #tpu.memory_space<vmem>> -> memref<1x128x128xf32, #tpu.memory_space<vmem>>
      %dma_wait3A_100 = tpu.memref_squeeze %dma_wait3A_99 : memref<1x128x128xf32, #tpu.memory_space<vmem>> -> memref<128x128xf32, #tpu.memory_space<vmem>>
      %dma_wait3A_101 = arith.constant 0 : i32
      %dma_wait3A_102 = tpu.memref_slice %arg8[%add3A_60, %dma_wait3A_101] : memref<40x128xi32, #tpu.memory_space<vmem>> -> memref<1x128xi32, #tpu.memory_space<vmem>>
      %dma_wait3A_103 = tpu.memref_squeeze %dma_wait3A_102 : memref<1x128xi32, #tpu.memory_space<vmem>> -> memref<128xi32, #tpu.memory_space<vmem>>
      %dma_wait3A_104 = arith.constant 0 : i32
      %dma_wait3A_105 = arith.constant 0 : i32
      %dma_wait3A_106 = tpu.memref_slice %arg10[%dma_wait3A_104, %dma_wait3A_105] : memref<10240x128xf32, #tpu.memory_space<vmem_shared>> -> memref<10240x128xf32, #tpu.memory_space<vmem_shared>>
      tpu.wait_indirect_dma semaphore(%arg13 : memref<!tpu.dma_semaphore, #tpu.memory_space<semaphore_mem>>) src(%dma_wait3A_100 : memref<128x128xf32, #tpu.memory_space<vmem>>) dst(%dma_wait3A_106 : memref<10240x128xf32, #tpu.memory_space<vmem_shared>>)
      %dma_wait3A_107 = arith.constant 1 : i32
      %dma_wait3A_108 = arith.constant 0 : i32
      %dma_wait3A_109 = arith.constant 0 : i32
      %dma_wait3A_110 = tpu.memref_slice %arg9[%dma_wait3A_107, %dma_wait3A_108, %dma_wait3A_109] : memref<2x128x128xf32, #tpu.memory_space<vmem>> -> memref<1x128x128xf32, #tpu.memory_space<vmem>>
      %dma_wait3A_111 = tpu.memref_squeeze %dma_wait3A_110 : memref<1x128x128xf32, #tpu.memory_space<vmem>> -> memref<128x128xf32, #tpu.memory_space<vmem>>
      %dma_wait3A_112 = arith.constant 0 : i32
      %dma_wait3A_113 = tpu.memref_slice %arg8[%add3A_84, %dma_wait3A_112] : memref<40x128xi32, #tpu.memory_space<vmem>> -> memref<1x128xi32, #tpu.memory_space<vmem>>
      %dma_wait3A_114 = tpu.memref_squeeze %dma_wait3A_113 : memref<1x128xi32, #tpu.memory_space<vmem>> -> memref<128xi32, #tpu.memory_space<vmem>>
      %dma_wait3A_115 = arith.constant 0 : i32
      %dma_wait3A_116 = arith.constant 0 : i32
      %dma_wait3A_117 = tpu.memref_slice %arg10[%dma_wait3A_115, %dma_wait3A_116] : memref<10240x128xf32, #tpu.memory_space<vmem_shared>> -> memref<10240x128xf32, #tpu.memory_space<vmem_shared>>
      tpu.wait_indirect_dma semaphore(%arg14 : memref<!tpu.dma_semaphore, #tpu.memory_space<semaphore_mem>>) src(%dma_wait3A_111 : memref<128x128xf32, #tpu.memory_space<vmem>>) dst(%dma_wait3A_117 : memref<10240x128xf32, #tpu.memory_space<vmem_shared>>)
    }
    %scan3A_9 = arith.constant 20 : i32
    "tpu.region"() ({
      %run_scoped3A = tpu.sem_alloc : memref<!tpu.dma_semaphore, #tpu.memory_space<semaphore_mem>>
      %dma_start3A = arith.constant 40 : i32
      %dma_start3A_21 = arith.constant 0 : i32
      %dma_start3A_22 = tpu.memref_slice %arg3[%add3A, %dma_start3A, %dma_start3A_21] : memref<32x80x128xi32, #tpu.memory_space<hbm>> -> memref<1x40x128xi32, #tpu.memory_space<hbm>>
      %dma_start3A_23 = tpu.memref_squeeze %dma_start3A_22 : memref<1x40x128xi32, #tpu.memory_space<hbm>> -> memref<40x128xi32, #tpu.memory_space<hbm>>
      %dma_start3A_24 = arith.constant 40 : i32
      %dma_start3A_25 = arith.constant 0 : i32
      %dma_start3A_26 = tpu.memref_slice %arg3[%add3A, %dma_start3A_24, %dma_start3A_25] : memref<32x80x128xi32, #tpu.memory_space<hbm>> -> memref<1x40x128xi32, #tpu.memory_space<hbm>>
      %dma_start3A_27 = tpu.memref_squeeze %dma_start3A_26 : memref<1x40x128xi32, #tpu.memory_space<hbm>> -> memref<40x128xi32, #tpu.memory_space<hbm>>
      tpu.enqueue_dma source(%dma_start3A_27 : memref<40x128xi32, #tpu.memory_space<hbm>>) target(%arg7 : memref<40x128xi32, #tpu.memory_space<vmem>>) target_semaphore(%run_scoped3A : memref<!tpu.dma_semaphore, #tpu.memory_space<semaphore_mem>>)
      %dma_wait3A = arith.constant 40 : i32
      %dma_wait3A_28 = arith.constant 0 : i32
      %dma_wait3A_29 = tpu.memref_slice %arg3[%add3A, %dma_wait3A, %dma_wait3A_28] : memref<32x80x128xi32, #tpu.memory_space<hbm>> -> memref<1x40x128xi32, #tpu.memory_space<hbm>>
      %dma_wait3A_30 = tpu.memref_squeeze %dma_wait3A_29 : memref<1x40x128xi32, #tpu.memory_space<hbm>> -> memref<40x128xi32, #tpu.memory_space<hbm>>
      %dma_wait3A_31 = arith.constant 40 : i32
      %dma_wait3A_32 = arith.constant 0 : i32
      %dma_wait3A_33 = tpu.memref_slice %arg3[%add3A, %dma_wait3A_31, %dma_wait3A_32] : memref<32x80x128xi32, #tpu.memory_space<hbm>> -> memref<1x40x128xi32, #tpu.memory_space<hbm>>
      %dma_wait3A_34 = tpu.memref_squeeze %dma_wait3A_33 : memref<1x40x128xi32, #tpu.memory_space<hbm>> -> memref<40x128xi32, #tpu.memory_space<hbm>>
      tpu.wait_dma2 semaphore(%run_scoped3A : memref<!tpu.dma_semaphore, #tpu.memory_space<semaphore_mem>>) src(%dma_wait3A_34 : memref<40x128xi32, #tpu.memory_space<hbm>>) dst(%arg7 : memref<40x128xi32, #tpu.memory_space<vmem>>)
      tpu.yield
    }) : () -> ()
    "tpu.region"() ({
      %run_scoped3A = tpu.sem_alloc : memref<!tpu.dma_semaphore, #tpu.memory_space<semaphore_mem>>
      %dma_start3A = arith.constant 40 : i32
      %dma_start3A_21 = arith.constant 0 : i32
      %dma_start3A_22 = tpu.memref_slice %arg4[%add3A, %dma_start3A, %dma_start3A_21] : memref<32x80x128xi32, #tpu.memory_space<hbm>> -> memref<1x40x128xi32, #tpu.memory_space<hbm>>
      %dma_start3A_23 = tpu.memref_squeeze %dma_start3A_22 : memref<1x40x128xi32, #tpu.memory_space<hbm>> -> memref<40x128xi32, #tpu.memory_space<hbm>>
      %dma_start3A_24 = arith.constant 40 : i32
      %dma_start3A_25 = arith.constant 0 : i32
      %dma_start3A_26 = tpu.memref_slice %arg4[%add3A, %dma_start3A_24, %dma_start3A_25] : memref<32x80x128xi32, #tpu.memory_space<hbm>> -> memref<1x40x128xi32, #tpu.memory_space<hbm>>
      %dma_start3A_27 = tpu.memref_squeeze %dma_start3A_26 : memref<1x40x128xi32, #tpu.memory_space<hbm>> -> memref<40x128xi32, #tpu.memory_space<hbm>>
      tpu.enqueue_dma source(%dma_start3A_27 : memref<40x128xi32, #tpu.memory_space<hbm>>) target(%arg8 : memref<40x128xi32, #tpu.memory_space<vmem>>) target_semaphore(%run_scoped3A : memref<!tpu.dma_semaphore, #tpu.memory_space<semaphore_mem>>)
      %dma_wait3A = arith.constant 40 : i32
      %dma_wait3A_28 = arith.constant 0 : i32
      %dma_wait3A_29 = tpu.memref_slice %arg4[%add3A, %dma_wait3A, %dma_wait3A_28] : memref<32x80x128xi32, #tpu.memory_space<hbm>> -> memref<1x40x128xi32, #tpu.memory_space<hbm>>
      %dma_wait3A_30 = tpu.memref_squeeze %dma_wait3A_29 : memref<1x40x128xi32, #tpu.memory_space<hbm>> -> memref<40x128xi32, #tpu.memory_space<hbm>>
      %dma_wait3A_31 = arith.constant 40 : i32
      %dma_wait3A_32 = arith.constant 0 : i32
      %dma_wait3A_33 = tpu.memref_slice %arg4[%add3A, %dma_wait3A_31, %dma_wait3A_32] : memref<32x80x128xi32, #tpu.memory_space<hbm>> -> memref<1x40x128xi32, #tpu.memory_space<hbm>>
      %dma_wait3A_34 = tpu.memref_squeeze %dma_wait3A_33 : memref<1x40x128xi32, #tpu.memory_space<hbm>> -> memref<40x128xi32, #tpu.memory_space<hbm>>
      tpu.wait_dma2 semaphore(%run_scoped3A : memref<!tpu.dma_semaphore, #tpu.memory_space<semaphore_mem>>) src(%dma_wait3A_34 : memref<40x128xi32, #tpu.memory_space<hbm>>) dst(%arg8 : memref<40x128xi32, #tpu.memory_space<vmem>>)
      tpu.yield
    }) : () -> ()
    %scan3A_10 = arith.constant 0 : i32
    %scan3A_11 = arith.constant 0 : i32
    %scan3A_12 = arith.constant 20 : i32
    %scan3A_13 = arith.addi %scan3A_11, %scan3A_12 : i32
    %scan3A_14 = arith.constant 1 : i32
    scf.for %scan3A_21 = %scan3A_11 to %scan3A_13 step %scan3A_14  : i32 {
      %mul3A_22 = arith.constant 2 : i32
      %mul3A_23 = arith.muli %scan3A_21, %mul3A_22 : i32
      %add3A_24 = arith.constant 0 : i32
      %add3A_25 = arith.addi %mul3A_23, %add3A_24 : i32
      %dma_start3A = arith.constant 0 : i32
      %dma_start3A_26 = arith.constant 0 : i32
      %dma_start3A_27 = arith.constant 0 : i32
      %dma_start3A_28 = tpu.memref_slice %arg9[%dma_start3A, %dma_start3A_26, %dma_start3A_27] : memref<2x128x128xf32, #tpu.memory_space<vmem>> -> memref<1x128x128xf32, #tpu.memory_space<vmem>>
      %dma_start3A_29 = tpu.memref_squeeze %dma_start3A_28 : memref<1x128x128xf32, #tpu.memory_space<vmem>> -> memref<128x128xf32, #tpu.memory_space<vmem>>
      %dma_start3A_30 = arith.constant 0 : i32
      %dma_start3A_31 = tpu.memref_slice %arg7[%add3A_25, %dma_start3A_30] : memref<40x128xi32, #tpu.memory_space<vmem>> -> memref<1x128xi32, #tpu.memory_space<vmem>>
      %dma_start3A_32 = tpu.memref_squeeze %dma_start3A_31 : memref<1x128xi32, #tpu.memory_space<vmem>> -> memref<128xi32, #tpu.memory_space<vmem>>
      %dma_start3A_33 = arith.constant 0 : i32
      %dma_start3A_34 = arith.constant 0 : i32
      %dma_start3A_35 = tpu.memref_slice %arg2[%dma_start3A_33, %dma_start3A_34] : memref<10240x128xf32, #tpu.memory_space<hbm>> -> memref<10240x128xf32, #tpu.memory_space<hbm>>
      tpu.enqueue_indirect_dma source(%dma_start3A_35 : memref<10240x128xf32, #tpu.memory_space<hbm>>) target(%dma_start3A_29 : memref<128x128xf32, #tpu.memory_space<vmem>>) offsets(%dma_start3A_32 : memref<128xi32, #tpu.memory_space<vmem>>) semaphore(%arg11 : memref<!tpu.dma_semaphore, #tpu.memory_space<semaphore_mem>>)
      %add3A_36 = arith.constant 1 : i32
      %add3A_37 = arith.addi %mul3A_23, %add3A_36 : i32
      %dma_start3A_38 = arith.constant 1 : i32
      %dma_start3A_39 = arith.constant 0 : i32
      %dma_start3A_40 = arith.constant 0 : i32
      %dma_start3A_41 = tpu.memref_slice %arg9[%dma_start3A_38, %dma_start3A_39, %dma_start3A_40] : memref<2x128x128xf32, #tpu.memory_space<vmem>> -> memref<1x128x128xf32, #tpu.memory_space<vmem>>
      %dma_start3A_42 = tpu.memref_squeeze %dma_start3A_41 : memref<1x128x128xf32, #tpu.memory_space<vmem>> -> memref<128x128xf32, #tpu.memory_space<vmem>>
      %dma_start3A_43 = arith.constant 0 : i32
      %dma_start3A_44 = tpu.memref_slice %arg7[%add3A_37, %dma_start3A_43] : memref<40x128xi32, #tpu.memory_space<vmem>> -> memref<1x128xi32, #tpu.memory_space<vmem>>
      %dma_start3A_45 = tpu.memref_squeeze %dma_start3A_44 : memref<1x128xi32, #tpu.memory_space<vmem>> -> memref<128xi32, #tpu.memory_space<vmem>>
      %dma_start3A_46 = arith.constant 0 : i32
      %dma_start3A_47 = arith.constant 0 : i32
      %dma_start3A_48 = tpu.memref_slice %arg2[%dma_start3A_46, %dma_start3A_47] : memref<10240x128xf32, #tpu.memory_space<hbm>> -> memref<10240x128xf32, #tpu.memory_space<hbm>>
      tpu.enqueue_indirect_dma source(%dma_start3A_48 : memref<10240x128xf32, #tpu.memory_space<hbm>>) target(%dma_start3A_42 : memref<128x128xf32, #tpu.memory_space<vmem>>) offsets(%dma_start3A_45 : memref<128xi32, #tpu.memory_space<vmem>>) semaphore(%arg12 : memref<!tpu.dma_semaphore, #tpu.memory_space<semaphore_mem>>)
      %dma_wait3A = arith.constant 0 : i32
      %dma_wait3A_49 = arith.constant 0 : i32
      %dma_wait3A_50 = arith.constant 0 : i32
      %dma_wait3A_51 = tpu.memref_slice %arg9[%dma_wait3A, %dma_wait3A_49, %dma_wait3A_50] : memref<2x128x128xf32, #tpu.memory_space<vmem>> -> memref<1x128x128xf32, #tpu.memory_space<vmem>>
      %dma_wait3A_52 = tpu.memref_squeeze %dma_wait3A_51 : memref<1x128x128xf32, #tpu.memory_space<vmem>> -> memref<128x128xf32, #tpu.memory_space<vmem>>
      %dma_wait3A_53 = arith.constant 0 : i32
      %dma_wait3A_54 = tpu.memref_slice %arg7[%add3A_25, %dma_wait3A_53] : memref<40x128xi32, #tpu.memory_space<vmem>> -> memref<1x128xi32, #tpu.memory_space<vmem>>
      %dma_wait3A_55 = tpu.memref_squeeze %dma_wait3A_54 : memref<1x128xi32, #tpu.memory_space<vmem>> -> memref<128xi32, #tpu.memory_space<vmem>>
      %dma_wait3A_56 = arith.constant 0 : i32
      %dma_wait3A_57 = arith.constant 0 : i32
      %dma_wait3A_58 = tpu.memref_slice %arg2[%dma_wait3A_56, %dma_wait3A_57] : memref<10240x128xf32, #tpu.memory_space<hbm>> -> memref<10240x128xf32, #tpu.memory_space<hbm>>
      tpu.wait_indirect_dma semaphore(%arg11 : memref<!tpu.dma_semaphore, #tpu.memory_space<semaphore_mem>>) src(%dma_wait3A_58 : memref<10240x128xf32, #tpu.memory_space<hbm>>) dst(%dma_wait3A_52 : memref<128x128xf32, #tpu.memory_space<vmem>>)
      %add3A_59 = arith.constant 0 : i32
      %add3A_60 = arith.addi %mul3A_23, %add3A_59 : i32
      %dma_start3A_61 = arith.constant 0 : i32
      %dma_start3A_62 = arith.constant 0 : i32
      %dma_start3A_63 = arith.constant 0 : i32
      %dma_start3A_64 = tpu.memref_slice %arg9[%dma_start3A_61, %dma_start3A_62, %dma_start3A_63] : memref<2x128x128xf32, #tpu.memory_space<vmem>> -> memref<1x128x128xf32, #tpu.memory_space<vmem>>
      %dma_start3A_65 = tpu.memref_squeeze %dma_start3A_64 : memref<1x128x128xf32, #tpu.memory_space<vmem>> -> memref<128x128xf32, #tpu.memory_space<vmem>>
      %dma_start3A_66 = arith.constant 0 : i32
      %dma_start3A_67 = tpu.memref_slice %arg8[%add3A_60, %dma_start3A_66] : memref<40x128xi32, #tpu.memory_space<vmem>> -> memref<1x128xi32, #tpu.memory_space<vmem>>
      %dma_start3A_68 = tpu.memref_squeeze %dma_start3A_67 : memref<1x128xi32, #tpu.memory_space<vmem>> -> memref<128xi32, #tpu.memory_space<vmem>>
      %dma_start3A_69 = arith.constant 0 : i32
      %dma_start3A_70 = arith.constant 0 : i32
      %dma_start3A_71 = tpu.memref_slice %arg10[%dma_start3A_69, %dma_start3A_70] : memref<10240x128xf32, #tpu.memory_space<vmem_shared>> -> memref<10240x128xf32, #tpu.memory_space<vmem_shared>>
      tpu.enqueue_indirect_dma source(%dma_start3A_65 : memref<128x128xf32, #tpu.memory_space<vmem>>) target(%dma_start3A_71 : memref<10240x128xf32, #tpu.memory_space<vmem_shared>>) offsets(%dma_start3A_68 : memref<128xi32, #tpu.memory_space<vmem>>) semaphore(%arg13 : memref<!tpu.dma_semaphore, #tpu.memory_space<semaphore_mem>>) {add = true}
      %dma_wait3A_72 = arith.constant 1 : i32
      %dma_wait3A_73 = arith.constant 0 : i32
      %dma_wait3A_74 = arith.constant 0 : i32
      %dma_wait3A_75 = tpu.memref_slice %arg9[%dma_wait3A_72, %dma_wait3A_73, %dma_wait3A_74] : memref<2x128x128xf32, #tpu.memory_space<vmem>> -> memref<1x128x128xf32, #tpu.memory_space<vmem>>
      %dma_wait3A_76 = tpu.memref_squeeze %dma_wait3A_75 : memref<1x128x128xf32, #tpu.memory_space<vmem>> -> memref<128x128xf32, #tpu.memory_space<vmem>>
      %dma_wait3A_77 = arith.constant 0 : i32
      %dma_wait3A_78 = tpu.memref_slice %arg7[%add3A_37, %dma_wait3A_77] : memref<40x128xi32, #tpu.memory_space<vmem>> -> memref<1x128xi32, #tpu.memory_space<vmem>>
      %dma_wait3A_79 = tpu.memref_squeeze %dma_wait3A_78 : memref<1x128xi32, #tpu.memory_space<vmem>> -> memref<128xi32, #tpu.memory_space<vmem>>
      %dma_wait3A_80 = arith.constant 0 : i32
      %dma_wait3A_81 = arith.constant 0 : i32
      %dma_wait3A_82 = tpu.memref_slice %arg2[%dma_wait3A_80, %dma_wait3A_81] : memref<10240x128xf32, #tpu.memory_space<hbm>> -> memref<10240x128xf32, #tpu.memory_space<hbm>>
      tpu.wait_indirect_dma semaphore(%arg12 : memref<!tpu.dma_semaphore, #tpu.memory_space<semaphore_mem>>) src(%dma_wait3A_82 : memref<10240x128xf32, #tpu.memory_space<hbm>>) dst(%dma_wait3A_76 : memref<128x128xf32, #tpu.memory_space<vmem>>)
      %add3A_83 = arith.constant 1 : i32
      %add3A_84 = arith.addi %mul3A_23, %add3A_83 : i32
      %dma_start3A_85 = arith.constant 1 : i32
      %dma_start3A_86 = arith.constant 0 : i32
      %dma_start3A_87 = arith.constant 0 : i32
      %dma_start3A_88 = tpu.memref_slice %arg9[%dma_start3A_85, %dma_start3A_86, %dma_start3A_87] : memref<2x128x128xf32, #tpu.memory_space<vmem>> -> memref<1x128x128xf32, #tpu.memory_space<vmem>>
      %dma_start3A_89 = tpu.memref_squeeze %dma_start3A_88 : memref<1x128x128xf32, #tpu.memory_space<vmem>> -> memref<128x128xf32, #tpu.memory_space<vmem>>
      %dma_start3A_90 = arith.constant 0 : i32
      %dma_start3A_91 = tpu.memref_slice %arg8[%add3A_84, %dma_start3A_90] : memref<40x128xi32, #tpu.memory_space<vmem>> -> memref<1x128xi32, #tpu.memory_space<vmem>>
      %dma_start3A_92 = tpu.memref_squeeze %dma_start3A_91 : memref<1x128xi32, #tpu.memory_space<vmem>> -> memref<128xi32, #tpu.memory_space<vmem>>
      %dma_start3A_93 = arith.constant 0 : i32
      %dma_start3A_94 = arith.constant 0 : i32
      %dma_start3A_95 = tpu.memref_slice %arg10[%dma_start3A_93, %dma_start3A_94] : memref<10240x128xf32, #tpu.memory_space<vmem_shared>> -> memref<10240x128xf32, #tpu.memory_space<vmem_shared>>
      tpu.enqueue_indirect_dma source(%dma_start3A_89 : memref<128x128xf32, #tpu.memory_space<vmem>>) target(%dma_start3A_95 : memref<10240x128xf32, #tpu.memory_space<vmem_shared>>) offsets(%dma_start3A_92 : memref<128xi32, #tpu.memory_space<vmem>>) semaphore(%arg14 : memref<!tpu.dma_semaphore, #tpu.memory_space<semaphore_mem>>) {add = true}
      %dma_wait3A_96 = arith.constant 0 : i32
      %dma_wait3A_97 = arith.constant 0 : i32
      %dma_wait3A_98 = arith.constant 0 : i32
      %dma_wait3A_99 = tpu.memref_slice %arg9[%dma_wait3A_96, %dma_wait3A_97, %dma_wait3A_98] : memref<2x128x128xf32, #tpu.memory_space<vmem>> -> memref<1x128x128xf32, #tpu.memory_space<vmem>>
      %dma_wait3A_100 = tpu.memref_squeeze %dma_wait3A_99 : memref<1x128x128xf32, #tpu.memory_space<vmem>> -> memref<128x128xf32, #tpu.memory_space<vmem>>
      %dma_wait3A_101 = arith.constant 0 : i32
      %dma_wait3A_102 = tpu.memref_slice %arg8[%add3A_60, %dma_wait3A_101] : memref<40x128xi32, #tpu.memory_space<vmem>> -> memref<1x128xi32, #tpu.memory_space<vmem>>
      %dma_wait3A_103 = tpu.memref_squeeze %dma_wait3A_102 : memref<1x128xi32, #tpu.memory_space<vmem>> -> memref<128xi32, #tpu.memory_space<vmem>>
      %dma_wait3A_104 = arith.constant 0 : i32
      %dma_wait3A_105 = arith.constant 0 : i32
      %dma_wait3A_106 = tpu.memref_slice %arg10[%dma_wait3A_104, %dma_wait3A_105] : memref<10240x128xf32, #tpu.memory_space<vmem_shared>> -> memref<10240x128xf32, #tpu.memory_space<vmem_shared>>
      tpu.wait_indirect_dma semaphore(%arg13 : memref<!tpu.dma_semaphore, #tpu.memory_space<semaphore_mem>>) src(%dma_wait3A_100 : memref<128x128xf32, #tpu.memory_space<vmem>>) dst(%dma_wait3A_106 : memref<10240x128xf32, #tpu.memory_space<vmem_shared>>)
      %dma_wait3A_107 = arith.constant 1 : i32
      %dma_wait3A_108 = arith.constant 0 : i32
      %dma_wait3A_109 = arith.constant 0 : i32
      %dma_wait3A_110 = tpu.memref_slice %arg9[%dma_wait3A_107, %dma_wait3A_108, %dma_wait3A_109] : memref<2x128x128xf32, #tpu.memory_space<vmem>> -> memref<1x128x128xf32, #tpu.memory_space<vmem>>
      %dma_wait3A_111 = tpu.memref_squeeze %dma_wait3A_110 : memref<1x128x128xf32, #tpu.memory_space<vmem>> -> memref<128x128xf32, #tpu.memory_space<vmem>>
      %dma_wait3A_112 = arith.constant 0 : i32
      %dma_wait3A_113 = tpu.memref_slice %arg8[%add3A_84, %dma_wait3A_112] : memref<40x128xi32, #tpu.memory_space<vmem>> -> memref<1x128xi32, #tpu.memory_space<vmem>>
      %dma_wait3A_114 = tpu.memref_squeeze %dma_wait3A_113 : memref<1x128xi32, #tpu.memory_space<vmem>> -> memref<128xi32, #tpu.memory_space<vmem>>
      %dma_wait3A_115 = arith.constant 0 : i32
      %dma_wait3A_116 = arith.constant 0 : i32
      %dma_wait3A_117 = tpu.memref_slice %arg10[%dma_wait3A_115, %dma_wait3A_116] : memref<10240x128xf32, #tpu.memory_space<vmem_shared>> -> memref<10240x128xf32, #tpu.memory_space<vmem_shared>>
      tpu.wait_indirect_dma semaphore(%arg14 : memref<!tpu.dma_semaphore, #tpu.memory_space<semaphore_mem>>) src(%dma_wait3A_111 : memref<128x128xf32, #tpu.memory_space<vmem>>) dst(%dma_wait3A_117 : memref<10240x128xf32, #tpu.memory_space<vmem_shared>>)
    }
    %scan3A_15 = arith.constant 20 : i32
    %barrier3A_16 = arith.constant 0 : index
    tpu.barrier barrier_id(%barrier3A_16)
    %mul3A_17 = arith.constant 640 : i32
    %mul3A_18 = arith.muli %arg1, %mul3A_17 : i32
    %mul3A_19 = arith.constant 640 : i32
    %mul3A_20 = arith.muli %arg1, %mul3A_19 : i32
    "tpu.region"() ({
      %run_scoped3A = tpu.sem_alloc : memref<!tpu.dma_semaphore, #tpu.memory_space<semaphore_mem>>
      %dma_start3A = arith.constant 0 : i32
      %dma_start3A_21 = tpu.memref_slice %arg6[%arg0, %mul3A_20, %dma_start3A] : memref<2x10240x128xf32, #tpu.memory_space<hbm>> -> memref<1x640x128xf32, #tpu.memory_space<hbm>>
      %dma_start3A_22 = tpu.memref_squeeze %dma_start3A_21 : memref<1x640x128xf32, #tpu.memory_space<hbm>> -> memref<640x128xf32, #tpu.memory_space<hbm>>
      %dma_start3A_23 = arith.constant 0 : i32
      %dma_start3A_24 = tpu.memref_slice %arg10[%mul3A_18, %dma_start3A_23] : memref<10240x128xf32, #tpu.memory_space<vmem_shared>> -> memref<640x128xf32, #tpu.memory_space<vmem_shared>>
      tpu.enqueue_dma source(%dma_start3A_24 : memref<640x128xf32, #tpu.memory_space<vmem_shared>>) target(%dma_start3A_22 : memref<640x128xf32, #tpu.memory_space<hbm>>) target_semaphore(%run_scoped3A : memref<!tpu.dma_semaphore, #tpu.memory_space<semaphore_mem>>)
      %dma_wait3A = arith.constant 0 : i32
      %dma_wait3A_25 = tpu.memref_slice %arg6[%arg0, %mul3A_20, %dma_wait3A] : memref<2x10240x128xf32, #tpu.memory_space<hbm>> -> memref<1x640x128xf32, #tpu.memory_space<hbm>>
      %dma_wait3A_26 = tpu.memref_squeeze %dma_wait3A_25 : memref<1x640x128xf32, #tpu.memory_space<hbm>> -> memref<640x128xf32, #tpu.memory_space<hbm>>
      %dma_wait3A_27 = arith.constant 0 : i32
      %dma_wait3A_28 = tpu.memref_slice %arg10[%mul3A_18, %dma_wait3A_27] : memref<10240x128xf32, #tpu.memory_space<vmem_shared>> -> memref<640x128xf32, #tpu.memory_space<vmem_shared>>
      tpu.wait_dma2 semaphore(%run_scoped3A : memref<!tpu.dma_semaphore, #tpu.memory_space<semaphore_mem>>) src(%dma_wait3A_28 : memref<640x128xf32, #tpu.memory_space<vmem_shared>>) dst(%dma_wait3A_26 : memref<640x128xf32, #tpu.memory_space<hbm>>)
      tpu.yield
    }) : () -> ()
    return
  }
}

#map = affine_map<(d0, d1) -> (0, 0)>
#map1 = affine_map<(d0, d1) -> (0, 0, 0)>
module attributes {stable_mosaic.version = 14 : i64} {
  func.func @pass_k(%arg0: i32, %arg1: i32, %arg2: memref<10240x128xf32, #tpu.memory_space<hbm>>, %arg3: memref<32x80x128xi32, #tpu.memory_space<hbm>>, %arg4: memref<32x80x128xi32, #tpu.memory_space<hbm>>, %arg5: memref<10240x128xf32, #tpu.memory_space<hbm>>, %arg6: memref<2x10240x128xf32, #tpu.memory_space<hbm>>, %arg7: memref<40x128xi32, #tpu.memory_space<vmem>>, %arg8: memref<40x128xi32, #tpu.memory_space<vmem>>, %arg9: memref<2x128x128xf32, #tpu.memory_space<vmem>>, %arg10: memref<10240x128xf32, #tpu.memory_space<vmem_shared>>, %arg11: memref<!tpu.dma_semaphore, #tpu.memory_space<semaphore_mem>>, %arg12: memref<!tpu.dma_semaphore, #tpu.memory_space<semaphore_mem>>, %arg13: memref<!tpu.dma_semaphore, #tpu.memory_space<semaphore_mem>>, %arg14: memref<!tpu.dma_semaphore, #tpu.memory_space<semaphore_mem>>) attributes {dimension_semantics = [#tpu.dimension_semantics<core_parallel>, #tpu.dimension_semantics<subcore_parallel>], iteration_bounds = array<i64: 2, 16>, scalar_prefetch = 0 : i64, scratch_operands = 8 : i64, tpu.core_type = #tpu.core_type<sc_vector_subcore>, window_params = [{transform_indices = #map}, {transform_indices = #map1}, {transform_indices = #map1}, {transform_indices = #map}, {transform_indices = #map1}]} {
    %mul3A = arith.constant 2 : i32
    %mul3A_0 = arith.muli %arg1, %mul3A : i32
    %add3A = arith.addi %mul3A_0, %arg0 : i32
    %mul3A_1 = arith.constant 640 : i32
    %mul3A_2 = arith.muli %arg1, %mul3A_1 : i32
    %mul3A_3 = arith.constant 640 : i32
    %mul3A_4 = arith.muli %arg1, %mul3A_3 : i32
    "tpu.region"() ({
      %run_scoped3A = tpu.sem_alloc : memref<!tpu.dma_semaphore, #tpu.memory_space<semaphore_mem>>
      %dma_start3A = arith.constant 0 : i32
      %dma_start3A_21 = tpu.memref_slice %arg10[%mul3A_4, %dma_start3A] : memref<10240x128xf32, #tpu.memory_space<vmem_shared>> -> memref<640x128xf32, #tpu.memory_space<vmem_shared>>
      %dma_start3A_22 = arith.constant 0 : i32
      %dma_start3A_23 = tpu.memref_slice %arg5[%mul3A_2, %dma_start3A_22] : memref<10240x128xf32, #tpu.memory_space<hbm>> -> memref<640x128xf32, #tpu.memory_space<hbm>>
      tpu.enqueue_dma source(%dma_start3A_23 : memref<640x128xf32, #tpu.memory_space<hbm>>) target(%dma_start3A_21 : memref<640x128xf32, #tpu.memory_space<vmem_shared>>) target_semaphore(%run_scoped3A : memref<!tpu.dma_semaphore, #tpu.memory_space<semaphore_mem>>)
      %dma_wait3A = arith.constant 0 : i32
      %dma_wait3A_24 = tpu.memref_slice %arg10[%mul3A_4, %dma_wait3A] : memref<10240x128xf32, #tpu.memory_space<vmem_shared>> -> memref<640x128xf32, #tpu.memory_space<vmem_shared>>
      %dma_wait3A_25 = arith.constant 0 : i32
      %dma_wait3A_26 = tpu.memref_slice %arg5[%mul3A_2, %dma_wait3A_25] : memref<10240x128xf32, #tpu.memory_space<hbm>> -> memref<640x128xf32, #tpu.memory_space<hbm>>
      tpu.wait_dma2 semaphore(%run_scoped3A : memref<!tpu.dma_semaphore, #tpu.memory_space<semaphore_mem>>) src(%dma_wait3A_26 : memref<640x128xf32, #tpu.memory_space<hbm>>) dst(%dma_wait3A_24 : memref<640x128xf32, #tpu.memory_space<vmem_shared>>)
      tpu.yield
    }) : () -> ()
    %barrier3A = arith.constant 0 : index
    tpu.barrier barrier_id(%barrier3A)
    "tpu.region"() ({
      %run_scoped3A = tpu.sem_alloc : memref<!tpu.dma_semaphore, #tpu.memory_space<semaphore_mem>>
      %dma_start3A = arith.constant 0 : i32
      %dma_start3A_21 = arith.constant 0 : i32
      %dma_start3A_22 = tpu.memref_slice %arg3[%add3A, %dma_start3A, %dma_start3A_21] : memref<32x80x128xi32, #tpu.memory_space<hbm>> -> memref<1x40x128xi32, #tpu.memory_space<hbm>>
      %dma_start3A_23 = tpu.memref_squeeze %dma_start3A_22 : memref<1x40x128xi32, #tpu.memory_space<hbm>> -> memref<40x128xi32, #tpu.memory_space<hbm>>
      %dma_start3A_24 = arith.constant 0 : i32
      %dma_start3A_25 = arith.constant 0 : i32
      %dma_start3A_26 = tpu.memref_slice %arg3[%add3A, %dma_start3A_24, %dma_start3A_25] : memref<32x80x128xi32, #tpu.memory_space<hbm>> -> memref<1x40x128xi32, #tpu.memory_space<hbm>>
      %dma_start3A_27 = tpu.memref_squeeze %dma_start3A_26 : memref<1x40x128xi32, #tpu.memory_space<hbm>> -> memref<40x128xi32, #tpu.memory_space<hbm>>
      tpu.enqueue_dma source(%dma_start3A_27 : memref<40x128xi32, #tpu.memory_space<hbm>>) target(%arg7 : memref<40x128xi32, #tpu.memory_space<vmem>>) target_semaphore(%run_scoped3A : memref<!tpu.dma_semaphore, #tpu.memory_space<semaphore_mem>>)
      %dma_wait3A = arith.constant 0 : i32
      %dma_wait3A_28 = arith.constant 0 : i32
      %dma_wait3A_29 = tpu.memref_slice %arg3[%add3A, %dma_wait3A, %dma_wait3A_28] : memref<32x80x128xi32, #tpu.memory_space<hbm>> -> memref<1x40x128xi32, #tpu.memory_space<hbm>>
      %dma_wait3A_30 = tpu.memref_squeeze %dma_wait3A_29 : memref<1x40x128xi32, #tpu.memory_space<hbm>> -> memref<40x128xi32, #tpu.memory_space<hbm>>
      %dma_wait3A_31 = arith.constant 0 : i32
      %dma_wait3A_32 = arith.constant 0 : i32
      %dma_wait3A_33 = tpu.memref_slice %arg3[%add3A, %dma_wait3A_31, %dma_wait3A_32] : memref<32x80x128xi32, #tpu.memory_space<hbm>> -> memref<1x40x128xi32, #tpu.memory_space<hbm>>
      %dma_wait3A_34 = tpu.memref_squeeze %dma_wait3A_33 : memref<1x40x128xi32, #tpu.memory_space<hbm>> -> memref<40x128xi32, #tpu.memory_space<hbm>>
      tpu.wait_dma2 semaphore(%run_scoped3A : memref<!tpu.dma_semaphore, #tpu.memory_space<semaphore_mem>>) src(%dma_wait3A_34 : memref<40x128xi32, #tpu.memory_space<hbm>>) dst(%arg7 : memref<40x128xi32, #tpu.memory_space<vmem>>)
      tpu.yield
    }) : () -> ()
    "tpu.region"() ({
      %run_scoped3A = tpu.sem_alloc : memref<!tpu.dma_semaphore, #tpu.memory_space<semaphore_mem>>
      %dma_start3A = arith.constant 0 : i32
      %dma_start3A_21 = arith.constant 0 : i32
      %dma_start3A_22 = tpu.memref_slice %arg4[%add3A, %dma_start3A, %dma_start3A_21] : memref<32x80x128xi32, #tpu.memory_space<hbm>> -> memref<1x40x128xi32, #tpu.memory_space<hbm>>
      %dma_start3A_23 = tpu.memref_squeeze %dma_start3A_22 : memref<1x40x128xi32, #tpu.memory_space<hbm>> -> memref<40x128xi32, #tpu.memory_space<hbm>>
      %dma_start3A_24 = arith.constant 0 : i32
      %dma_start3A_25 = arith.constant 0 : i32
      %dma_start3A_26 = tpu.memref_slice %arg4[%add3A, %dma_start3A_24, %dma_start3A_25] : memref<32x80x128xi32, #tpu.memory_space<hbm>> -> memref<1x40x128xi32, #tpu.memory_space<hbm>>
      %dma_start3A_27 = tpu.memref_squeeze %dma_start3A_26 : memref<1x40x128xi32, #tpu.memory_space<hbm>> -> memref<40x128xi32, #tpu.memory_space<hbm>>
      tpu.enqueue_dma source(%dma_start3A_27 : memref<40x128xi32, #tpu.memory_space<hbm>>) target(%arg8 : memref<40x128xi32, #tpu.memory_space<vmem>>) target_semaphore(%run_scoped3A : memref<!tpu.dma_semaphore, #tpu.memory_space<semaphore_mem>>)
      %dma_wait3A = arith.constant 0 : i32
      %dma_wait3A_28 = arith.constant 0 : i32
      %dma_wait3A_29 = tpu.memref_slice %arg4[%add3A, %dma_wait3A, %dma_wait3A_28] : memref<32x80x128xi32, #tpu.memory_space<hbm>> -> memref<1x40x128xi32, #tpu.memory_space<hbm>>
      %dma_wait3A_30 = tpu.memref_squeeze %dma_wait3A_29 : memref<1x40x128xi32, #tpu.memory_space<hbm>> -> memref<40x128xi32, #tpu.memory_space<hbm>>
      %dma_wait3A_31 = arith.constant 0 : i32
      %dma_wait3A_32 = arith.constant 0 : i32
      %dma_wait3A_33 = tpu.memref_slice %arg4[%add3A, %dma_wait3A_31, %dma_wait3A_32] : memref<32x80x128xi32, #tpu.memory_space<hbm>> -> memref<1x40x128xi32, #tpu.memory_space<hbm>>
      %dma_wait3A_34 = tpu.memref_squeeze %dma_wait3A_33 : memref<1x40x128xi32, #tpu.memory_space<hbm>> -> memref<40x128xi32, #tpu.memory_space<hbm>>
      tpu.wait_dma2 semaphore(%run_scoped3A : memref<!tpu.dma_semaphore, #tpu.memory_space<semaphore_mem>>) src(%dma_wait3A_34 : memref<40x128xi32, #tpu.memory_space<hbm>>) dst(%arg8 : memref<40x128xi32, #tpu.memory_space<vmem>>)
      tpu.yield
    }) : () -> ()
    %scan3A = arith.constant 0 : i32
    %scan3A_5 = arith.constant 0 : i32
    %scan3A_6 = arith.constant 20 : i32
    %scan3A_7 = arith.addi %scan3A_5, %scan3A_6 : i32
    %scan3A_8 = arith.constant 1 : i32
    scf.for %scan3A_21 = %scan3A_5 to %scan3A_7 step %scan3A_8  : i32 {
      %mul3A_22 = arith.constant 2 : i32
      %mul3A_23 = arith.muli %scan3A_21, %mul3A_22 : i32
      %add3A_24 = arith.constant 0 : i32
      %add3A_25 = arith.addi %mul3A_23, %add3A_24 : i32
      %dma_start3A = arith.constant 0 : i32
      %dma_start3A_26 = arith.constant 0 : i32
      %dma_start3A_27 = arith.constant 0 : i32
      %dma_start3A_28 = tpu.memref_slice %arg9[%dma_start3A, %dma_start3A_26, %dma_start3A_27] : memref<2x128x128xf32, #tpu.memory_space<vmem>> -> memref<1x128x128xf32, #tpu.memory_space<vmem>>
      %dma_start3A_29 = tpu.memref_squeeze %dma_start3A_28 : memref<1x128x128xf32, #tpu.memory_space<vmem>> -> memref<128x128xf32, #tpu.memory_space<vmem>>
      %dma_start3A_30 = arith.constant 0 : i32
      %dma_start3A_31 = tpu.memref_slice %arg7[%add3A_25, %dma_start3A_30] : memref<40x128xi32, #tpu.memory_space<vmem>> -> memref<1x128xi32, #tpu.memory_space<vmem>>
      %dma_start3A_32 = tpu.memref_squeeze %dma_start3A_31 : memref<1x128xi32, #tpu.memory_space<vmem>> -> memref<128xi32, #tpu.memory_space<vmem>>
      %dma_start3A_33 = arith.constant 0 : i32
      %dma_start3A_34 = arith.constant 0 : i32
      %dma_start3A_35 = tpu.memref_slice %arg2[%dma_start3A_33, %dma_start3A_34] : memref<10240x128xf32, #tpu.memory_space<hbm>> -> memref<10240x128xf32, #tpu.memory_space<hbm>>
      tpu.enqueue_indirect_dma source(%dma_start3A_35 : memref<10240x128xf32, #tpu.memory_space<hbm>>) target(%dma_start3A_29 : memref<128x128xf32, #tpu.memory_space<vmem>>) offsets(%dma_start3A_32 : memref<128xi32, #tpu.memory_space<vmem>>) semaphore(%arg11 : memref<!tpu.dma_semaphore, #tpu.memory_space<semaphore_mem>>)
      %add3A_36 = arith.constant 1 : i32
      %add3A_37 = arith.addi %mul3A_23, %add3A_36 : i32
      %dma_start3A_38 = arith.constant 1 : i32
      %dma_start3A_39 = arith.constant 0 : i32
      %dma_start3A_40 = arith.constant 0 : i32
      %dma_start3A_41 = tpu.memref_slice %arg9[%dma_start3A_38, %dma_start3A_39, %dma_start3A_40] : memref<2x128x128xf32, #tpu.memory_space<vmem>> -> memref<1x128x128xf32, #tpu.memory_space<vmem>>
      %dma_start3A_42 = tpu.memref_squeeze %dma_start3A_41 : memref<1x128x128xf32, #tpu.memory_space<vmem>> -> memref<128x128xf32, #tpu.memory_space<vmem>>
      %dma_start3A_43 = arith.constant 0 : i32
      %dma_start3A_44 = tpu.memref_slice %arg7[%add3A_37, %dma_start3A_43] : memref<40x128xi32, #tpu.memory_space<vmem>> -> memref<1x128xi32, #tpu.memory_space<vmem>>
      %dma_start3A_45 = tpu.memref_squeeze %dma_start3A_44 : memref<1x128xi32, #tpu.memory_space<vmem>> -> memref<128xi32, #tpu.memory_space<vmem>>
      %dma_start3A_46 = arith.constant 0 : i32
      %dma_start3A_47 = arith.constant 0 : i32
      %dma_start3A_48 = tpu.memref_slice %arg2[%dma_start3A_46, %dma_start3A_47] : memref<10240x128xf32, #tpu.memory_space<hbm>> -> memref<10240x128xf32, #tpu.memory_space<hbm>>
      tpu.enqueue_indirect_dma source(%dma_start3A_48 : memref<10240x128xf32, #tpu.memory_space<hbm>>) target(%dma_start3A_42 : memref<128x128xf32, #tpu.memory_space<vmem>>) offsets(%dma_start3A_45 : memref<128xi32, #tpu.memory_space<vmem>>) semaphore(%arg12 : memref<!tpu.dma_semaphore, #tpu.memory_space<semaphore_mem>>)
      %dma_wait3A = arith.constant 0 : i32
      %dma_wait3A_49 = arith.constant 0 : i32
      %dma_wait3A_50 = arith.constant 0 : i32
      %dma_wait3A_51 = tpu.memref_slice %arg9[%dma_wait3A, %dma_wait3A_49, %dma_wait3A_50] : memref<2x128x128xf32, #tpu.memory_space<vmem>> -> memref<1x128x128xf32, #tpu.memory_space<vmem>>
      %dma_wait3A_52 = tpu.memref_squeeze %dma_wait3A_51 : memref<1x128x128xf32, #tpu.memory_space<vmem>> -> memref<128x128xf32, #tpu.memory_space<vmem>>
      %dma_wait3A_53 = arith.constant 0 : i32
      %dma_wait3A_54 = tpu.memref_slice %arg7[%add3A_25, %dma_wait3A_53] : memref<40x128xi32, #tpu.memory_space<vmem>> -> memref<1x128xi32, #tpu.memory_space<vmem>>
      %dma_wait3A_55 = tpu.memref_squeeze %dma_wait3A_54 : memref<1x128xi32, #tpu.memory_space<vmem>> -> memref<128xi32, #tpu.memory_space<vmem>>
      %dma_wait3A_56 = arith.constant 0 : i32
      %dma_wait3A_57 = arith.constant 0 : i32
      %dma_wait3A_58 = tpu.memref_slice %arg2[%dma_wait3A_56, %dma_wait3A_57] : memref<10240x128xf32, #tpu.memory_space<hbm>> -> memref<10240x128xf32, #tpu.memory_space<hbm>>
      tpu.wait_indirect_dma semaphore(%arg11 : memref<!tpu.dma_semaphore, #tpu.memory_space<semaphore_mem>>) src(%dma_wait3A_58 : memref<10240x128xf32, #tpu.memory_space<hbm>>) dst(%dma_wait3A_52 : memref<128x128xf32, #tpu.memory_space<vmem>>)
      %add3A_59 = arith.constant 0 : i32
      %add3A_60 = arith.addi %mul3A_23, %add3A_59 : i32
      %dma_start3A_61 = arith.constant 0 : i32
      %dma_start3A_62 = arith.constant 0 : i32
      %dma_start3A_63 = arith.constant 0 : i32
      %dma_start3A_64 = tpu.memref_slice %arg9[%dma_start3A_61, %dma_start3A_62, %dma_start3A_63] : memref<2x128x128xf32, #tpu.memory_space<vmem>> -> memref<1x128x128xf32, #tpu.memory_space<vmem>>
      %dma_start3A_65 = tpu.memref_squeeze %dma_start3A_64 : memref<1x128x128xf32, #tpu.memory_space<vmem>> -> memref<128x128xf32, #tpu.memory_space<vmem>>
      %dma_start3A_66 = arith.constant 0 : i32
      %dma_start3A_67 = tpu.memref_slice %arg8[%add3A_60, %dma_start3A_66] : memref<40x128xi32, #tpu.memory_space<vmem>> -> memref<1x128xi32, #tpu.memory_space<vmem>>
      %dma_start3A_68 = tpu.memref_squeeze %dma_start3A_67 : memref<1x128xi32, #tpu.memory_space<vmem>> -> memref<128xi32, #tpu.memory_space<vmem>>
      %dma_start3A_69 = arith.constant 0 : i32
      %dma_start3A_70 = arith.constant 0 : i32
      %dma_start3A_71 = tpu.memref_slice %arg10[%dma_start3A_69, %dma_start3A_70] : memref<10240x128xf32, #tpu.memory_space<vmem_shared>> -> memref<10240x128xf32, #tpu.memory_space<vmem_shared>>
      tpu.enqueue_indirect_dma source(%dma_start3A_65 : memref<128x128xf32, #tpu.memory_space<vmem>>) target(%dma_start3A_71 : memref<10240x128xf32, #tpu.memory_space<vmem_shared>>) offsets(%dma_start3A_68 : memref<128xi32, #tpu.memory_space<vmem>>) semaphore(%arg13 : memref<!tpu.dma_semaphore, #tpu.memory_space<semaphore_mem>>) {add = true}
      %dma_wait3A_72 = arith.constant 1 : i32
      %dma_wait3A_73 = arith.constant 0 : i32
      %dma_wait3A_74 = arith.constant 0 : i32
      %dma_wait3A_75 = tpu.memref_slice %arg9[%dma_wait3A_72, %dma_wait3A_73, %dma_wait3A_74] : memref<2x128x128xf32, #tpu.memory_space<vmem>> -> memref<1x128x128xf32, #tpu.memory_space<vmem>>
      %dma_wait3A_76 = tpu.memref_squeeze %dma_wait3A_75 : memref<1x128x128xf32, #tpu.memory_space<vmem>> -> memref<128x128xf32, #tpu.memory_space<vmem>>
      %dma_wait3A_77 = arith.constant 0 : i32
      %dma_wait3A_78 = tpu.memref_slice %arg7[%add3A_37, %dma_wait3A_77] : memref<40x128xi32, #tpu.memory_space<vmem>> -> memref<1x128xi32, #tpu.memory_space<vmem>>
      %dma_wait3A_79 = tpu.memref_squeeze %dma_wait3A_78 : memref<1x128xi32, #tpu.memory_space<vmem>> -> memref<128xi32, #tpu.memory_space<vmem>>
      %dma_wait3A_80 = arith.constant 0 : i32
      %dma_wait3A_81 = arith.constant 0 : i32
      %dma_wait3A_82 = tpu.memref_slice %arg2[%dma_wait3A_80, %dma_wait3A_81] : memref<10240x128xf32, #tpu.memory_space<hbm>> -> memref<10240x128xf32, #tpu.memory_space<hbm>>
      tpu.wait_indirect_dma semaphore(%arg12 : memref<!tpu.dma_semaphore, #tpu.memory_space<semaphore_mem>>) src(%dma_wait3A_82 : memref<10240x128xf32, #tpu.memory_space<hbm>>) dst(%dma_wait3A_76 : memref<128x128xf32, #tpu.memory_space<vmem>>)
      %add3A_83 = arith.constant 1 : i32
      %add3A_84 = arith.addi %mul3A_23, %add3A_83 : i32
      %dma_start3A_85 = arith.constant 1 : i32
      %dma_start3A_86 = arith.constant 0 : i32
      %dma_start3A_87 = arith.constant 0 : i32
      %dma_start3A_88 = tpu.memref_slice %arg9[%dma_start3A_85, %dma_start3A_86, %dma_start3A_87] : memref<2x128x128xf32, #tpu.memory_space<vmem>> -> memref<1x128x128xf32, #tpu.memory_space<vmem>>
      %dma_start3A_89 = tpu.memref_squeeze %dma_start3A_88 : memref<1x128x128xf32, #tpu.memory_space<vmem>> -> memref<128x128xf32, #tpu.memory_space<vmem>>
      %dma_start3A_90 = arith.constant 0 : i32
      %dma_start3A_91 = tpu.memref_slice %arg8[%add3A_84, %dma_start3A_90] : memref<40x128xi32, #tpu.memory_space<vmem>> -> memref<1x128xi32, #tpu.memory_space<vmem>>
      %dma_start3A_92 = tpu.memref_squeeze %dma_start3A_91 : memref<1x128xi32, #tpu.memory_space<vmem>> -> memref<128xi32, #tpu.memory_space<vmem>>
      %dma_start3A_93 = arith.constant 0 : i32
      %dma_start3A_94 = arith.constant 0 : i32
      %dma_start3A_95 = tpu.memref_slice %arg10[%dma_start3A_93, %dma_start3A_94] : memref<10240x128xf32, #tpu.memory_space<vmem_shared>> -> memref<10240x128xf32, #tpu.memory_space<vmem_shared>>
      tpu.enqueue_indirect_dma source(%dma_start3A_89 : memref<128x128xf32, #tpu.memory_space<vmem>>) target(%dma_start3A_95 : memref<10240x128xf32, #tpu.memory_space<vmem_shared>>) offsets(%dma_start3A_92 : memref<128xi32, #tpu.memory_space<vmem>>) semaphore(%arg14 : memref<!tpu.dma_semaphore, #tpu.memory_space<semaphore_mem>>) {add = true}
      %dma_wait3A_96 = arith.constant 0 : i32
      %dma_wait3A_97 = arith.constant 0 : i32
      %dma_wait3A_98 = arith.constant 0 : i32
      %dma_wait3A_99 = tpu.memref_slice %arg9[%dma_wait3A_96, %dma_wait3A_97, %dma_wait3A_98] : memref<2x128x128xf32, #tpu.memory_space<vmem>> -> memref<1x128x128xf32, #tpu.memory_space<vmem>>
      %dma_wait3A_100 = tpu.memref_squeeze %dma_wait3A_99 : memref<1x128x128xf32, #tpu.memory_space<vmem>> -> memref<128x128xf32, #tpu.memory_space<vmem>>
      %dma_wait3A_101 = arith.constant 0 : i32
      %dma_wait3A_102 = tpu.memref_slice %arg8[%add3A_60, %dma_wait3A_101] : memref<40x128xi32, #tpu.memory_space<vmem>> -> memref<1x128xi32, #tpu.memory_space<vmem>>
      %dma_wait3A_103 = tpu.memref_squeeze %dma_wait3A_102 : memref<1x128xi32, #tpu.memory_space<vmem>> -> memref<128xi32, #tpu.memory_space<vmem>>
      %dma_wait3A_104 = arith.constant 0 : i32
      %dma_wait3A_105 = arith.constant 0 : i32
      %dma_wait3A_106 = tpu.memref_slice %arg10[%dma_wait3A_104, %dma_wait3A_105] : memref<10240x128xf32, #tpu.memory_space<vmem_shared>> -> memref<10240x128xf32, #tpu.memory_space<vmem_shared>>
      tpu.wait_indirect_dma semaphore(%arg13 : memref<!tpu.dma_semaphore, #tpu.memory_space<semaphore_mem>>) src(%dma_wait3A_100 : memref<128x128xf32, #tpu.memory_space<vmem>>) dst(%dma_wait3A_106 : memref<10240x128xf32, #tpu.memory_space<vmem_shared>>)
      %dma_wait3A_107 = arith.constant 1 : i32
      %dma_wait3A_108 = arith.constant 0 : i32
      %dma_wait3A_109 = arith.constant 0 : i32
      %dma_wait3A_110 = tpu.memref_slice %arg9[%dma_wait3A_107, %dma_wait3A_108, %dma_wait3A_109] : memref<2x128x128xf32, #tpu.memory_space<vmem>> -> memref<1x128x128xf32, #tpu.memory_space<vmem>>
      %dma_wait3A_111 = tpu.memref_squeeze %dma_wait3A_110 : memref<1x128x128xf32, #tpu.memory_space<vmem>> -> memref<128x128xf32, #tpu.memory_space<vmem>>
      %dma_wait3A_112 = arith.constant 0 : i32
      %dma_wait3A_113 = tpu.memref_slice %arg8[%add3A_84, %dma_wait3A_112] : memref<40x128xi32, #tpu.memory_space<vmem>> -> memref<1x128xi32, #tpu.memory_space<vmem>>
      %dma_wait3A_114 = tpu.memref_squeeze %dma_wait3A_113 : memref<1x128xi32, #tpu.memory_space<vmem>> -> memref<128xi32, #tpu.memory_space<vmem>>
      %dma_wait3A_115 = arith.constant 0 : i32
      %dma_wait3A_116 = arith.constant 0 : i32
      %dma_wait3A_117 = tpu.memref_slice %arg10[%dma_wait3A_115, %dma_wait3A_116] : memref<10240x128xf32, #tpu.memory_space<vmem_shared>> -> memref<10240x128xf32, #tpu.memory_space<vmem_shared>>
      tpu.wait_indirect_dma semaphore(%arg14 : memref<!tpu.dma_semaphore, #tpu.memory_space<semaphore_mem>>) src(%dma_wait3A_111 : memref<128x128xf32, #tpu.memory_space<vmem>>) dst(%dma_wait3A_117 : memref<10240x128xf32, #tpu.memory_space<vmem_shared>>)
    }
    %scan3A_9 = arith.constant 20 : i32
    "tpu.region"() ({
      %run_scoped3A = tpu.sem_alloc : memref<!tpu.dma_semaphore, #tpu.memory_space<semaphore_mem>>
      %dma_start3A = arith.constant 40 : i32
      %dma_start3A_21 = arith.constant 0 : i32
      %dma_start3A_22 = tpu.memref_slice %arg3[%add3A, %dma_start3A, %dma_start3A_21] : memref<32x80x128xi32, #tpu.memory_space<hbm>> -> memref<1x40x128xi32, #tpu.memory_space<hbm>>
      %dma_start3A_23 = tpu.memref_squeeze %dma_start3A_22 : memref<1x40x128xi32, #tpu.memory_space<hbm>> -> memref<40x128xi32, #tpu.memory_space<hbm>>
      %dma_start3A_24 = arith.constant 40 : i32
      %dma_start3A_25 = arith.constant 0 : i32
      %dma_start3A_26 = tpu.memref_slice %arg3[%add3A, %dma_start3A_24, %dma_start3A_25] : memref<32x80x128xi32, #tpu.memory_space<hbm>> -> memref<1x40x128xi32, #tpu.memory_space<hbm>>
      %dma_start3A_27 = tpu.memref_squeeze %dma_start3A_26 : memref<1x40x128xi32, #tpu.memory_space<hbm>> -> memref<40x128xi32, #tpu.memory_space<hbm>>
      tpu.enqueue_dma source(%dma_start3A_27 : memref<40x128xi32, #tpu.memory_space<hbm>>) target(%arg7 : memref<40x128xi32, #tpu.memory_space<vmem>>) target_semaphore(%run_scoped3A : memref<!tpu.dma_semaphore, #tpu.memory_space<semaphore_mem>>)
      %dma_wait3A = arith.constant 40 : i32
      %dma_wait3A_28 = arith.constant 0 : i32
      %dma_wait3A_29 = tpu.memref_slice %arg3[%add3A, %dma_wait3A, %dma_wait3A_28] : memref<32x80x128xi32, #tpu.memory_space<hbm>> -> memref<1x40x128xi32, #tpu.memory_space<hbm>>
      %dma_wait3A_30 = tpu.memref_squeeze %dma_wait3A_29 : memref<1x40x128xi32, #tpu.memory_space<hbm>> -> memref<40x128xi32, #tpu.memory_space<hbm>>
      %dma_wait3A_31 = arith.constant 40 : i32
      %dma_wait3A_32 = arith.constant 0 : i32
      %dma_wait3A_33 = tpu.memref_slice %arg3[%add3A, %dma_wait3A_31, %dma_wait3A_32] : memref<32x80x128xi32, #tpu.memory_space<hbm>> -> memref<1x40x128xi32, #tpu.memory_space<hbm>>
      %dma_wait3A_34 = tpu.memref_squeeze %dma_wait3A_33 : memref<1x40x128xi32, #tpu.memory_space<hbm>> -> memref<40x128xi32, #tpu.memory_space<hbm>>
      tpu.wait_dma2 semaphore(%run_scoped3A : memref<!tpu.dma_semaphore, #tpu.memory_space<semaphore_mem>>) src(%dma_wait3A_34 : memref<40x128xi32, #tpu.memory_space<hbm>>) dst(%arg7 : memref<40x128xi32, #tpu.memory_space<vmem>>)
      tpu.yield
    }) : () -> ()
    "tpu.region"() ({
      %run_scoped3A = tpu.sem_alloc : memref<!tpu.dma_semaphore, #tpu.memory_space<semaphore_mem>>
      %dma_start3A = arith.constant 40 : i32
      %dma_start3A_21 = arith.constant 0 : i32
      %dma_start3A_22 = tpu.memref_slice %arg4[%add3A, %dma_start3A, %dma_start3A_21] : memref<32x80x128xi32, #tpu.memory_space<hbm>> -> memref<1x40x128xi32, #tpu.memory_space<hbm>>
      %dma_start3A_23 = tpu.memref_squeeze %dma_start3A_22 : memref<1x40x128xi32, #tpu.memory_space<hbm>> -> memref<40x128xi32, #tpu.memory_space<hbm>>
      %dma_start3A_24 = arith.constant 40 : i32
      %dma_start3A_25 = arith.constant 0 : i32
      %dma_start3A_26 = tpu.memref_slice %arg4[%add3A, %dma_start3A_24, %dma_start3A_25] : memref<32x80x128xi32, #tpu.memory_space<hbm>> -> memref<1x40x128xi32, #tpu.memory_space<hbm>>
      %dma_start3A_27 = tpu.memref_squeeze %dma_start3A_26 : memref<1x40x128xi32, #tpu.memory_space<hbm>> -> memref<40x128xi32, #tpu.memory_space<hbm>>
      tpu.enqueue_dma source(%dma_start3A_27 : memref<40x128xi32, #tpu.memory_space<hbm>>) target(%arg8 : memref<40x128xi32, #tpu.memory_space<vmem>>) target_semaphore(%run_scoped3A : memref<!tpu.dma_semaphore, #tpu.memory_space<semaphore_mem>>)
      %dma_wait3A = arith.constant 40 : i32
      %dma_wait3A_28 = arith.constant 0 : i32
      %dma_wait3A_29 = tpu.memref_slice %arg4[%add3A, %dma_wait3A, %dma_wait3A_28] : memref<32x80x128xi32, #tpu.memory_space<hbm>> -> memref<1x40x128xi32, #tpu.memory_space<hbm>>
      %dma_wait3A_30 = tpu.memref_squeeze %dma_wait3A_29 : memref<1x40x128xi32, #tpu.memory_space<hbm>> -> memref<40x128xi32, #tpu.memory_space<hbm>>
      %dma_wait3A_31 = arith.constant 40 : i32
      %dma_wait3A_32 = arith.constant 0 : i32
      %dma_wait3A_33 = tpu.memref_slice %arg4[%add3A, %dma_wait3A_31, %dma_wait3A_32] : memref<32x80x128xi32, #tpu.memory_space<hbm>> -> memref<1x40x128xi32, #tpu.memory_space<hbm>>
      %dma_wait3A_34 = tpu.memref_squeeze %dma_wait3A_33 : memref<1x40x128xi32, #tpu.memory_space<hbm>> -> memref<40x128xi32, #tpu.memory_space<hbm>>
      tpu.wait_dma2 semaphore(%run_scoped3A : memref<!tpu.dma_semaphore, #tpu.memory_space<semaphore_mem>>) src(%dma_wait3A_34 : memref<40x128xi32, #tpu.memory_space<hbm>>) dst(%arg8 : memref<40x128xi32, #tpu.memory_space<vmem>>)
      tpu.yield
    }) : () -> ()
    %scan3A_10 = arith.constant 0 : i32
    %scan3A_11 = arith.constant 0 : i32
    %scan3A_12 = arith.constant 20 : i32
    %scan3A_13 = arith.addi %scan3A_11, %scan3A_12 : i32
    %scan3A_14 = arith.constant 1 : i32
    scf.for %scan3A_21 = %scan3A_11 to %scan3A_13 step %scan3A_14  : i32 {
      %mul3A_22 = arith.constant 2 : i32
      %mul3A_23 = arith.muli %scan3A_21, %mul3A_22 : i32
      %add3A_24 = arith.constant 0 : i32
      %add3A_25 = arith.addi %mul3A_23, %add3A_24 : i32
      %dma_start3A = arith.constant 0 : i32
      %dma_start3A_26 = arith.constant 0 : i32
      %dma_start3A_27 = arith.constant 0 : i32
      %dma_start3A_28 = tpu.memref_slice %arg9[%dma_start3A, %dma_start3A_26, %dma_start3A_27] : memref<2x128x128xf32, #tpu.memory_space<vmem>> -> memref<1x128x128xf32, #tpu.memory_space<vmem>>
      %dma_start3A_29 = tpu.memref_squeeze %dma_start3A_28 : memref<1x128x128xf32, #tpu.memory_space<vmem>> -> memref<128x128xf32, #tpu.memory_space<vmem>>
      %dma_start3A_30 = arith.constant 0 : i32
      %dma_start3A_31 = tpu.memref_slice %arg7[%add3A_25, %dma_start3A_30] : memref<40x128xi32, #tpu.memory_space<vmem>> -> memref<1x128xi32, #tpu.memory_space<vmem>>
      %dma_start3A_32 = tpu.memref_squeeze %dma_start3A_31 : memref<1x128xi32, #tpu.memory_space<vmem>> -> memref<128xi32, #tpu.memory_space<vmem>>
      %dma_start3A_33 = arith.constant 0 : i32
      %dma_start3A_34 = arith.constant 0 : i32
      %dma_start3A_35 = tpu.memref_slice %arg2[%dma_start3A_33, %dma_start3A_34] : memref<10240x128xf32, #tpu.memory_space<hbm>> -> memref<10240x128xf32, #tpu.memory_space<hbm>>
      tpu.enqueue_indirect_dma source(%dma_start3A_35 : memref<10240x128xf32, #tpu.memory_space<hbm>>) target(%dma_start3A_29 : memref<128x128xf32, #tpu.memory_space<vmem>>) offsets(%dma_start3A_32 : memref<128xi32, #tpu.memory_space<vmem>>) semaphore(%arg11 : memref<!tpu.dma_semaphore, #tpu.memory_space<semaphore_mem>>)
      %add3A_36 = arith.constant 1 : i32
      %add3A_37 = arith.addi %mul3A_23, %add3A_36 : i32
      %dma_start3A_38 = arith.constant 1 : i32
      %dma_start3A_39 = arith.constant 0 : i32
      %dma_start3A_40 = arith.constant 0 : i32
      %dma_start3A_41 = tpu.memref_slice %arg9[%dma_start3A_38, %dma_start3A_39, %dma_start3A_40] : memref<2x128x128xf32, #tpu.memory_space<vmem>> -> memref<1x128x128xf32, #tpu.memory_space<vmem>>
      %dma_start3A_42 = tpu.memref_squeeze %dma_start3A_41 : memref<1x128x128xf32, #tpu.memory_space<vmem>> -> memref<128x128xf32, #tpu.memory_space<vmem>>
      %dma_start3A_43 = arith.constant 0 : i32
      %dma_start3A_44 = tpu.memref_slice %arg7[%add3A_37, %dma_start3A_43] : memref<40x128xi32, #tpu.memory_space<vmem>> -> memref<1x128xi32, #tpu.memory_space<vmem>>
      %dma_start3A_45 = tpu.memref_squeeze %dma_start3A_44 : memref<1x128xi32, #tpu.memory_space<vmem>> -> memref<128xi32, #tpu.memory_space<vmem>>
      %dma_start3A_46 = arith.constant 0 : i32
      %dma_start3A_47 = arith.constant 0 : i32
      %dma_start3A_48 = tpu.memref_slice %arg2[%dma_start3A_46, %dma_start3A_47] : memref<10240x128xf32, #tpu.memory_space<hbm>> -> memref<10240x128xf32, #tpu.memory_space<hbm>>
      tpu.enqueue_indirect_dma source(%dma_start3A_48 : memref<10240x128xf32, #tpu.memory_space<hbm>>) target(%dma_start3A_42 : memref<128x128xf32, #tpu.memory_space<vmem>>) offsets(%dma_start3A_45 : memref<128xi32, #tpu.memory_space<vmem>>) semaphore(%arg12 : memref<!tpu.dma_semaphore, #tpu.memory_space<semaphore_mem>>)
      %dma_wait3A = arith.constant 0 : i32
      %dma_wait3A_49 = arith.constant 0 : i32
      %dma_wait3A_50 = arith.constant 0 : i32
      %dma_wait3A_51 = tpu.memref_slice %arg9[%dma_wait3A, %dma_wait3A_49, %dma_wait3A_50] : memref<2x128x128xf32, #tpu.memory_space<vmem>> -> memref<1x128x128xf32, #tpu.memory_space<vmem>>
      %dma_wait3A_52 = tpu.memref_squeeze %dma_wait3A_51 : memref<1x128x128xf32, #tpu.memory_space<vmem>> -> memref<128x128xf32, #tpu.memory_space<vmem>>
      %dma_wait3A_53 = arith.constant 0 : i32
      %dma_wait3A_54 = tpu.memref_slice %arg7[%add3A_25, %dma_wait3A_53] : memref<40x128xi32, #tpu.memory_space<vmem>> -> memref<1x128xi32, #tpu.memory_space<vmem>>
      %dma_wait3A_55 = tpu.memref_squeeze %dma_wait3A_54 : memref<1x128xi32, #tpu.memory_space<vmem>> -> memref<128xi32, #tpu.memory_space<vmem>>
      %dma_wait3A_56 = arith.constant 0 : i32
      %dma_wait3A_57 = arith.constant 0 : i32
      %dma_wait3A_58 = tpu.memref_slice %arg2[%dma_wait3A_56, %dma_wait3A_57] : memref<10240x128xf32, #tpu.memory_space<hbm>> -> memref<10240x128xf32, #tpu.memory_space<hbm>>
      tpu.wait_indirect_dma semaphore(%arg11 : memref<!tpu.dma_semaphore, #tpu.memory_space<semaphore_mem>>) src(%dma_wait3A_58 : memref<10240x128xf32, #tpu.memory_space<hbm>>) dst(%dma_wait3A_52 : memref<128x128xf32, #tpu.memory_space<vmem>>)
      %add3A_59 = arith.constant 0 : i32
      %add3A_60 = arith.addi %mul3A_23, %add3A_59 : i32
      %dma_start3A_61 = arith.constant 0 : i32
      %dma_start3A_62 = arith.constant 0 : i32
      %dma_start3A_63 = arith.constant 0 : i32
      %dma_start3A_64 = tpu.memref_slice %arg9[%dma_start3A_61, %dma_start3A_62, %dma_start3A_63] : memref<2x128x128xf32, #tpu.memory_space<vmem>> -> memref<1x128x128xf32, #tpu.memory_space<vmem>>
      %dma_start3A_65 = tpu.memref_squeeze %dma_start3A_64 : memref<1x128x128xf32, #tpu.memory_space<vmem>> -> memref<128x128xf32, #tpu.memory_space<vmem>>
      %dma_start3A_66 = arith.constant 0 : i32
      %dma_start3A_67 = tpu.memref_slice %arg8[%add3A_60, %dma_start3A_66] : memref<40x128xi32, #tpu.memory_space<vmem>> -> memref<1x128xi32, #tpu.memory_space<vmem>>
      %dma_start3A_68 = tpu.memref_squeeze %dma_start3A_67 : memref<1x128xi32, #tpu.memory_space<vmem>> -> memref<128xi32, #tpu.memory_space<vmem>>
      %dma_start3A_69 = arith.constant 0 : i32
      %dma_start3A_70 = arith.constant 0 : i32
      %dma_start3A_71 = tpu.memref_slice %arg10[%dma_start3A_69, %dma_start3A_70] : memref<10240x128xf32, #tpu.memory_space<vmem_shared>> -> memref<10240x128xf32, #tpu.memory_space<vmem_shared>>
      tpu.enqueue_indirect_dma source(%dma_start3A_65 : memref<128x128xf32, #tpu.memory_space<vmem>>) target(%dma_start3A_71 : memref<10240x128xf32, #tpu.memory_space<vmem_shared>>) offsets(%dma_start3A_68 : memref<128xi32, #tpu.memory_space<vmem>>) semaphore(%arg13 : memref<!tpu.dma_semaphore, #tpu.memory_space<semaphore_mem>>) {add = true}
      %dma_wait3A_72 = arith.constant 1 : i32
      %dma_wait3A_73 = arith.constant 0 : i32
      %dma_wait3A_74 = arith.constant 0 : i32
      %dma_wait3A_75 = tpu.memref_slice %arg9[%dma_wait3A_72, %dma_wait3A_73, %dma_wait3A_74] : memref<2x128x128xf32, #tpu.memory_space<vmem>> -> memref<1x128x128xf32, #tpu.memory_space<vmem>>
      %dma_wait3A_76 = tpu.memref_squeeze %dma_wait3A_75 : memref<1x128x128xf32, #tpu.memory_space<vmem>> -> memref<128x128xf32, #tpu.memory_space<vmem>>
      %dma_wait3A_77 = arith.constant 0 : i32
      %dma_wait3A_78 = tpu.memref_slice %arg7[%add3A_37, %dma_wait3A_77] : memref<40x128xi32, #tpu.memory_space<vmem>> -> memref<1x128xi32, #tpu.memory_space<vmem>>
      %dma_wait3A_79 = tpu.memref_squeeze %dma_wait3A_78 : memref<1x128xi32, #tpu.memory_space<vmem>> -> memref<128xi32, #tpu.memory_space<vmem>>
      %dma_wait3A_80 = arith.constant 0 : i32
      %dma_wait3A_81 = arith.constant 0 : i32
      %dma_wait3A_82 = tpu.memref_slice %arg2[%dma_wait3A_80, %dma_wait3A_81] : memref<10240x128xf32, #tpu.memory_space<hbm>> -> memref<10240x128xf32, #tpu.memory_space<hbm>>
      tpu.wait_indirect_dma semaphore(%arg12 : memref<!tpu.dma_semaphore, #tpu.memory_space<semaphore_mem>>) src(%dma_wait3A_82 : memref<10240x128xf32, #tpu.memory_space<hbm>>) dst(%dma_wait3A_76 : memref<128x128xf32, #tpu.memory_space<vmem>>)
      %add3A_83 = arith.constant 1 : i32
      %add3A_84 = arith.addi %mul3A_23, %add3A_83 : i32
      %dma_start3A_85 = arith.constant 1 : i32
      %dma_start3A_86 = arith.constant 0 : i32
      %dma_start3A_87 = arith.constant 0 : i32
      %dma_start3A_88 = tpu.memref_slice %arg9[%dma_start3A_85, %dma_start3A_86, %dma_start3A_87] : memref<2x128x128xf32, #tpu.memory_space<vmem>> -> memref<1x128x128xf32, #tpu.memory_space<vmem>>
      %dma_start3A_89 = tpu.memref_squeeze %dma_start3A_88 : memref<1x128x128xf32, #tpu.memory_space<vmem>> -> memref<128x128xf32, #tpu.memory_space<vmem>>
      %dma_start3A_90 = arith.constant 0 : i32
      %dma_start3A_91 = tpu.memref_slice %arg8[%add3A_84, %dma_start3A_90] : memref<40x128xi32, #tpu.memory_space<vmem>> -> memref<1x128xi32, #tpu.memory_space<vmem>>
      %dma_start3A_92 = tpu.memref_squeeze %dma_start3A_91 : memref<1x128xi32, #tpu.memory_space<vmem>> -> memref<128xi32, #tpu.memory_space<vmem>>
      %dma_start3A_93 = arith.constant 0 : i32
      %dma_start3A_94 = arith.constant 0 : i32
      %dma_start3A_95 = tpu.memref_slice %arg10[%dma_start3A_93, %dma_start3A_94] : memref<10240x128xf32, #tpu.memory_space<vmem_shared>> -> memref<10240x128xf32, #tpu.memory_space<vmem_shared>>
      tpu.enqueue_indirect_dma source(%dma_start3A_89 : memref<128x128xf32, #tpu.memory_space<vmem>>) target(%dma_start3A_95 : memref<10240x128xf32, #tpu.memory_space<vmem_shared>>) offsets(%dma_start3A_92 : memref<128xi32, #tpu.memory_space<vmem>>) semaphore(%arg14 : memref<!tpu.dma_semaphore, #tpu.memory_space<semaphore_mem>>) {add = true}
      %dma_wait3A_96 = arith.constant 0 : i32
      %dma_wait3A_97 = arith.constant 0 : i32
      %dma_wait3A_98 = arith.constant 0 : i32
      %dma_wait3A_99 = tpu.memref_slice %arg9[%dma_wait3A_96, %dma_wait3A_97, %dma_wait3A_98] : memref<2x128x128xf32, #tpu.memory_space<vmem>> -> memref<1x128x128xf32, #tpu.memory_space<vmem>>
      %dma_wait3A_100 = tpu.memref_squeeze %dma_wait3A_99 : memref<1x128x128xf32, #tpu.memory_space<vmem>> -> memref<128x128xf32, #tpu.memory_space<vmem>>
      %dma_wait3A_101 = arith.constant 0 : i32
      %dma_wait3A_102 = tpu.memref_slice %arg8[%add3A_60, %dma_wait3A_101] : memref<40x128xi32, #tpu.memory_space<vmem>> -> memref<1x128xi32, #tpu.memory_space<vmem>>
      %dma_wait3A_103 = tpu.memref_squeeze %dma_wait3A_102 : memref<1x128xi32, #tpu.memory_space<vmem>> -> memref<128xi32, #tpu.memory_space<vmem>>
      %dma_wait3A_104 = arith.constant 0 : i32
      %dma_wait3A_105 = arith.constant 0 : i32
      %dma_wait3A_106 = tpu.memref_slice %arg10[%dma_wait3A_104, %dma_wait3A_105] : memref<10240x128xf32, #tpu.memory_space<vmem_shared>> -> memref<10240x128xf32, #tpu.memory_space<vmem_shared>>
      tpu.wait_indirect_dma semaphore(%arg13 : memref<!tpu.dma_semaphore, #tpu.memory_space<semaphore_mem>>) src(%dma_wait3A_100 : memref<128x128xf32, #tpu.memory_space<vmem>>) dst(%dma_wait3A_106 : memref<10240x128xf32, #tpu.memory_space<vmem_shared>>)
      %dma_wait3A_107 = arith.constant 1 : i32
      %dma_wait3A_108 = arith.constant 0 : i32
      %dma_wait3A_109 = arith.constant 0 : i32
      %dma_wait3A_110 = tpu.memref_slice %arg9[%dma_wait3A_107, %dma_wait3A_108, %dma_wait3A_109] : memref<2x128x128xf32, #tpu.memory_space<vmem>> -> memref<1x128x128xf32, #tpu.memory_space<vmem>>
      %dma_wait3A_111 = tpu.memref_squeeze %dma_wait3A_110 : memref<1x128x128xf32, #tpu.memory_space<vmem>> -> memref<128x128xf32, #tpu.memory_space<vmem>>
      %dma_wait3A_112 = arith.constant 0 : i32
      %dma_wait3A_113 = tpu.memref_slice %arg8[%add3A_84, %dma_wait3A_112] : memref<40x128xi32, #tpu.memory_space<vmem>> -> memref<1x128xi32, #tpu.memory_space<vmem>>
      %dma_wait3A_114 = tpu.memref_squeeze %dma_wait3A_113 : memref<1x128xi32, #tpu.memory_space<vmem>> -> memref<128xi32, #tpu.memory_space<vmem>>
      %dma_wait3A_115 = arith.constant 0 : i32
      %dma_wait3A_116 = arith.constant 0 : i32
      %dma_wait3A_117 = tpu.memref_slice %arg10[%dma_wait3A_115, %dma_wait3A_116] : memref<10240x128xf32, #tpu.memory_space<vmem_shared>> -> memref<10240x128xf32, #tpu.memory_space<vmem_shared>>
      tpu.wait_indirect_dma semaphore(%arg14 : memref<!tpu.dma_semaphore, #tpu.memory_space<semaphore_mem>>) src(%dma_wait3A_111 : memref<128x128xf32, #tpu.memory_space<vmem>>) dst(%dma_wait3A_117 : memref<10240x128xf32, #tpu.memory_space<vmem_shared>>)
    }
    %scan3A_15 = arith.constant 20 : i32
    %barrier3A_16 = arith.constant 0 : index
    tpu.barrier barrier_id(%barrier3A_16)
    %mul3A_17 = arith.constant 640 : i32
    %mul3A_18 = arith.muli %arg1, %mul3A_17 : i32
    %mul3A_19 = arith.constant 640 : i32
    %mul3A_20 = arith.muli %arg1, %mul3A_19 : i32
    "tpu.region"() ({
      %run_scoped3A = tpu.sem_alloc : memref<!tpu.dma_semaphore, #tpu.memory_space<semaphore_mem>>
      %dma_start3A = arith.constant 0 : i32
      %dma_start3A_21 = tpu.memref_slice %arg6[%arg0, %mul3A_20, %dma_start3A] : memref<2x10240x128xf32, #tpu.memory_space<hbm>> -> memref<1x640x128xf32, #tpu.memory_space<hbm>>
      %dma_start3A_22 = tpu.memref_squeeze %dma_start3A_21 : memref<1x640x128xf32, #tpu.memory_space<hbm>> -> memref<640x128xf32, #tpu.memory_space<hbm>>
      %dma_start3A_23 = arith.constant 0 : i32
      %dma_start3A_24 = tpu.memref_slice %arg10[%mul3A_18, %dma_start3A_23] : memref<10240x128xf32, #tpu.memory_space<vmem_shared>> -> memref<640x128xf32, #tpu.memory_space<vmem_shared>>
      tpu.enqueue_dma source(%dma_start3A_24 : memref<640x128xf32, #tpu.memory_space<vmem_shared>>) target(%dma_start3A_22 : memref<640x128xf32, #tpu.memory_space<hbm>>) target_semaphore(%run_scoped3A : memref<!tpu.dma_semaphore, #tpu.memory_space<semaphore_mem>>)
      %dma_wait3A = arith.constant 0 : i32
      %dma_wait3A_25 = tpu.memref_slice %arg6[%arg0, %mul3A_20, %dma_wait3A] : memref<2x10240x128xf32, #tpu.memory_space<hbm>> -> memref<1x640x128xf32, #tpu.memory_space<hbm>>
      %dma_wait3A_26 = tpu.memref_squeeze %dma_wait3A_25 : memref<1x640x128xf32, #tpu.memory_space<hbm>> -> memref<640x128xf32, #tpu.memory_space<hbm>>
      %dma_wait3A_27 = arith.constant 0 : i32
      %dma_wait3A_28 = tpu.memref_slice %arg10[%mul3A_18, %dma_wait3A_27] : memref<10240x128xf32, #tpu.memory_space<vmem_shared>> -> memref<640x128xf32, #tpu.memory_space<vmem_shared>>
      tpu.wait_dma2 semaphore(%run_scoped3A : memref<!tpu.dma_semaphore, #tpu.memory_space<semaphore_mem>>) src(%dma_wait3A_28 : memref<640x128xf32, #tpu.memory_space<vmem_shared>>) dst(%dma_wait3A_26 : memref<640x128xf32, #tpu.memory_space<hbm>>)
      tpu.yield
    }) : () -> ()
    return
  }
}

#map = affine_map<(d0, d1) -> (0, 0)>
#map1 = affine_map<(d0, d1) -> (0, 0, 0)>
module attributes {stable_mosaic.version = 14 : i64} {
  func.func @pass_k(%arg0: i32, %arg1: i32, %arg2: memref<10240x128xf32, #tpu.memory_space<hbm>>, %arg3: memref<32x80x128xi32, #tpu.memory_space<hbm>>, %arg4: memref<32x80x128xi32, #tpu.memory_space<hbm>>, %arg5: memref<10240x128xf32, #tpu.memory_space<hbm>>, %arg6: memref<2x10240x128xf32, #tpu.memory_space<hbm>>, %arg7: memref<40x128xi32, #tpu.memory_space<vmem>>, %arg8: memref<40x128xi32, #tpu.memory_space<vmem>>, %arg9: memref<2x128x128xf32, #tpu.memory_space<vmem>>, %arg10: memref<10240x128xf32, #tpu.memory_space<vmem_shared>>, %arg11: memref<!tpu.dma_semaphore, #tpu.memory_space<semaphore_mem>>, %arg12: memref<!tpu.dma_semaphore, #tpu.memory_space<semaphore_mem>>, %arg13: memref<!tpu.dma_semaphore, #tpu.memory_space<semaphore_mem>>, %arg14: memref<!tpu.dma_semaphore, #tpu.memory_space<semaphore_mem>>) attributes {dimension_semantics = [#tpu.dimension_semantics<core_parallel>, #tpu.dimension_semantics<subcore_parallel>], iteration_bounds = array<i64: 2, 16>, scalar_prefetch = 0 : i64, scratch_operands = 8 : i64, tpu.core_type = #tpu.core_type<sc_vector_subcore>, window_params = [{transform_indices = #map}, {transform_indices = #map1}, {transform_indices = #map1}, {transform_indices = #map}, {transform_indices = #map1}]} {
    %mul3A = arith.constant 2 : i32
    %mul3A_0 = arith.muli %arg1, %mul3A : i32
    %add3A = arith.addi %mul3A_0, %arg0 : i32
    %mul3A_1 = arith.constant 640 : i32
    %mul3A_2 = arith.muli %arg1, %mul3A_1 : i32
    %mul3A_3 = arith.constant 640 : i32
    %mul3A_4 = arith.muli %arg1, %mul3A_3 : i32
    "tpu.region"() ({
      %run_scoped3A = tpu.sem_alloc : memref<!tpu.dma_semaphore, #tpu.memory_space<semaphore_mem>>
      %dma_start3A = arith.constant 0 : i32
      %dma_start3A_21 = tpu.memref_slice %arg10[%mul3A_4, %dma_start3A] : memref<10240x128xf32, #tpu.memory_space<vmem_shared>> -> memref<640x128xf32, #tpu.memory_space<vmem_shared>>
      %dma_start3A_22 = arith.constant 0 : i32
      %dma_start3A_23 = tpu.memref_slice %arg5[%mul3A_2, %dma_start3A_22] : memref<10240x128xf32, #tpu.memory_space<hbm>> -> memref<640x128xf32, #tpu.memory_space<hbm>>
      tpu.enqueue_dma source(%dma_start3A_23 : memref<640x128xf32, #tpu.memory_space<hbm>>) target(%dma_start3A_21 : memref<640x128xf32, #tpu.memory_space<vmem_shared>>) target_semaphore(%run_scoped3A : memref<!tpu.dma_semaphore, #tpu.memory_space<semaphore_mem>>)
      %dma_wait3A = arith.constant 0 : i32
      %dma_wait3A_24 = tpu.memref_slice %arg10[%mul3A_4, %dma_wait3A] : memref<10240x128xf32, #tpu.memory_space<vmem_shared>> -> memref<640x128xf32, #tpu.memory_space<vmem_shared>>
      %dma_wait3A_25 = arith.constant 0 : i32
      %dma_wait3A_26 = tpu.memref_slice %arg5[%mul3A_2, %dma_wait3A_25] : memref<10240x128xf32, #tpu.memory_space<hbm>> -> memref<640x128xf32, #tpu.memory_space<hbm>>
      tpu.wait_dma2 semaphore(%run_scoped3A : memref<!tpu.dma_semaphore, #tpu.memory_space<semaphore_mem>>) src(%dma_wait3A_26 : memref<640x128xf32, #tpu.memory_space<hbm>>) dst(%dma_wait3A_24 : memref<640x128xf32, #tpu.memory_space<vmem_shared>>)
      tpu.yield
    }) : () -> ()
    %barrier3A = arith.constant 0 : index
    tpu.barrier barrier_id(%barrier3A)
    "tpu.region"() ({
      %run_scoped3A = tpu.sem_alloc : memref<!tpu.dma_semaphore, #tpu.memory_space<semaphore_mem>>
      %dma_start3A = arith.constant 0 : i32
      %dma_start3A_21 = arith.constant 0 : i32
      %dma_start3A_22 = tpu.memref_slice %arg3[%add3A, %dma_start3A, %dma_start3A_21] : memref<32x80x128xi32, #tpu.memory_space<hbm>> -> memref<1x40x128xi32, #tpu.memory_space<hbm>>
      %dma_start3A_23 = tpu.memref_squeeze %dma_start3A_22 : memref<1x40x128xi32, #tpu.memory_space<hbm>> -> memref<40x128xi32, #tpu.memory_space<hbm>>
      %dma_start3A_24 = arith.constant 0 : i32
      %dma_start3A_25 = arith.constant 0 : i32
      %dma_start3A_26 = tpu.memref_slice %arg3[%add3A, %dma_start3A_24, %dma_start3A_25] : memref<32x80x128xi32, #tpu.memory_space<hbm>> -> memref<1x40x128xi32, #tpu.memory_space<hbm>>
      %dma_start3A_27 = tpu.memref_squeeze %dma_start3A_26 : memref<1x40x128xi32, #tpu.memory_space<hbm>> -> memref<40x128xi32, #tpu.memory_space<hbm>>
      tpu.enqueue_dma source(%dma_start3A_27 : memref<40x128xi32, #tpu.memory_space<hbm>>) target(%arg7 : memref<40x128xi32, #tpu.memory_space<vmem>>) target_semaphore(%run_scoped3A : memref<!tpu.dma_semaphore, #tpu.memory_space<semaphore_mem>>)
      %dma_wait3A = arith.constant 0 : i32
      %dma_wait3A_28 = arith.constant 0 : i32
      %dma_wait3A_29 = tpu.memref_slice %arg3[%add3A, %dma_wait3A, %dma_wait3A_28] : memref<32x80x128xi32, #tpu.memory_space<hbm>> -> memref<1x40x128xi32, #tpu.memory_space<hbm>>
      %dma_wait3A_30 = tpu.memref_squeeze %dma_wait3A_29 : memref<1x40x128xi32, #tpu.memory_space<hbm>> -> memref<40x128xi32, #tpu.memory_space<hbm>>
      %dma_wait3A_31 = arith.constant 0 : i32
      %dma_wait3A_32 = arith.constant 0 : i32
      %dma_wait3A_33 = tpu.memref_slice %arg3[%add3A, %dma_wait3A_31, %dma_wait3A_32] : memref<32x80x128xi32, #tpu.memory_space<hbm>> -> memref<1x40x128xi32, #tpu.memory_space<hbm>>
      %dma_wait3A_34 = tpu.memref_squeeze %dma_wait3A_33 : memref<1x40x128xi32, #tpu.memory_space<hbm>> -> memref<40x128xi32, #tpu.memory_space<hbm>>
      tpu.wait_dma2 semaphore(%run_scoped3A : memref<!tpu.dma_semaphore, #tpu.memory_space<semaphore_mem>>) src(%dma_wait3A_34 : memref<40x128xi32, #tpu.memory_space<hbm>>) dst(%arg7 : memref<40x128xi32, #tpu.memory_space<vmem>>)
      tpu.yield
    }) : () -> ()
    "tpu.region"() ({
      %run_scoped3A = tpu.sem_alloc : memref<!tpu.dma_semaphore, #tpu.memory_space<semaphore_mem>>
      %dma_start3A = arith.constant 0 : i32
      %dma_start3A_21 = arith.constant 0 : i32
      %dma_start3A_22 = tpu.memref_slice %arg4[%add3A, %dma_start3A, %dma_start3A_21] : memref<32x80x128xi32, #tpu.memory_space<hbm>> -> memref<1x40x128xi32, #tpu.memory_space<hbm>>
      %dma_start3A_23 = tpu.memref_squeeze %dma_start3A_22 : memref<1x40x128xi32, #tpu.memory_space<hbm>> -> memref<40x128xi32, #tpu.memory_space<hbm>>
      %dma_start3A_24 = arith.constant 0 : i32
      %dma_start3A_25 = arith.constant 0 : i32
      %dma_start3A_26 = tpu.memref_slice %arg4[%add3A, %dma_start3A_24, %dma_start3A_25] : memref<32x80x128xi32, #tpu.memory_space<hbm>> -> memref<1x40x128xi32, #tpu.memory_space<hbm>>
      %dma_start3A_27 = tpu.memref_squeeze %dma_start3A_26 : memref<1x40x128xi32, #tpu.memory_space<hbm>> -> memref<40x128xi32, #tpu.memory_space<hbm>>
      tpu.enqueue_dma source(%dma_start3A_27 : memref<40x128xi32, #tpu.memory_space<hbm>>) target(%arg8 : memref<40x128xi32, #tpu.memory_space<vmem>>) target_semaphore(%run_scoped3A : memref<!tpu.dma_semaphore, #tpu.memory_space<semaphore_mem>>)
      %dma_wait3A = arith.constant 0 : i32
      %dma_wait3A_28 = arith.constant 0 : i32
      %dma_wait3A_29 = tpu.memref_slice %arg4[%add3A, %dma_wait3A, %dma_wait3A_28] : memref<32x80x128xi32, #tpu.memory_space<hbm>> -> memref<1x40x128xi32, #tpu.memory_space<hbm>>
      %dma_wait3A_30 = tpu.memref_squeeze %dma_wait3A_29 : memref<1x40x128xi32, #tpu.memory_space<hbm>> -> memref<40x128xi32, #tpu.memory_space<hbm>>
      %dma_wait3A_31 = arith.constant 0 : i32
      %dma_wait3A_32 = arith.constant 0 : i32
      %dma_wait3A_33 = tpu.memref_slice %arg4[%add3A, %dma_wait3A_31, %dma_wait3A_32] : memref<32x80x128xi32, #tpu.memory_space<hbm>> -> memref<1x40x128xi32, #tpu.memory_space<hbm>>
      %dma_wait3A_34 = tpu.memref_squeeze %dma_wait3A_33 : memref<1x40x128xi32, #tpu.memory_space<hbm>> -> memref<40x128xi32, #tpu.memory_space<hbm>>
      tpu.wait_dma2 semaphore(%run_scoped3A : memref<!tpu.dma_semaphore, #tpu.memory_space<semaphore_mem>>) src(%dma_wait3A_34 : memref<40x128xi32, #tpu.memory_space<hbm>>) dst(%arg8 : memref<40x128xi32, #tpu.memory_space<vmem>>)
      tpu.yield
    }) : () -> ()
    %scan3A = arith.constant 0 : i32
    %scan3A_5 = arith.constant 0 : i32
    %scan3A_6 = arith.constant 20 : i32
    %scan3A_7 = arith.addi %scan3A_5, %scan3A_6 : i32
    %scan3A_8 = arith.constant 1 : i32
    scf.for %scan3A_21 = %scan3A_5 to %scan3A_7 step %scan3A_8  : i32 {
      %mul3A_22 = arith.constant 2 : i32
      %mul3A_23 = arith.muli %scan3A_21, %mul3A_22 : i32
      %add3A_24 = arith.constant 0 : i32
      %add3A_25 = arith.addi %mul3A_23, %add3A_24 : i32
      %dma_start3A = arith.constant 0 : i32
      %dma_start3A_26 = arith.constant 0 : i32
      %dma_start3A_27 = arith.constant 0 : i32
      %dma_start3A_28 = tpu.memref_slice %arg9[%dma_start3A, %dma_start3A_26, %dma_start3A_27] : memref<2x128x128xf32, #tpu.memory_space<vmem>> -> memref<1x128x128xf32, #tpu.memory_space<vmem>>
      %dma_start3A_29 = tpu.memref_squeeze %dma_start3A_28 : memref<1x128x128xf32, #tpu.memory_space<vmem>> -> memref<128x128xf32, #tpu.memory_space<vmem>>
      %dma_start3A_30 = arith.constant 0 : i32
      %dma_start3A_31 = tpu.memref_slice %arg7[%add3A_25, %dma_start3A_30] : memref<40x128xi32, #tpu.memory_space<vmem>> -> memref<1x128xi32, #tpu.memory_space<vmem>>
      %dma_start3A_32 = tpu.memref_squeeze %dma_start3A_31 : memref<1x128xi32, #tpu.memory_space<vmem>> -> memref<128xi32, #tpu.memory_space<vmem>>
      %dma_start3A_33 = arith.constant 0 : i32
      %dma_start3A_34 = arith.constant 0 : i32
      %dma_start3A_35 = tpu.memref_slice %arg2[%dma_start3A_33, %dma_start3A_34] : memref<10240x128xf32, #tpu.memory_space<hbm>> -> memref<10240x128xf32, #tpu.memory_space<hbm>>
      tpu.enqueue_indirect_dma source(%dma_start3A_35 : memref<10240x128xf32, #tpu.memory_space<hbm>>) target(%dma_start3A_29 : memref<128x128xf32, #tpu.memory_space<vmem>>) offsets(%dma_start3A_32 : memref<128xi32, #tpu.memory_space<vmem>>) semaphore(%arg11 : memref<!tpu.dma_semaphore, #tpu.memory_space<semaphore_mem>>)
      %add3A_36 = arith.constant 1 : i32
      %add3A_37 = arith.addi %mul3A_23, %add3A_36 : i32
      %dma_start3A_38 = arith.constant 1 : i32
      %dma_start3A_39 = arith.constant 0 : i32
      %dma_start3A_40 = arith.constant 0 : i32
      %dma_start3A_41 = tpu.memref_slice %arg9[%dma_start3A_38, %dma_start3A_39, %dma_start3A_40] : memref<2x128x128xf32, #tpu.memory_space<vmem>> -> memref<1x128x128xf32, #tpu.memory_space<vmem>>
      %dma_start3A_42 = tpu.memref_squeeze %dma_start3A_41 : memref<1x128x128xf32, #tpu.memory_space<vmem>> -> memref<128x128xf32, #tpu.memory_space<vmem>>
      %dma_start3A_43 = arith.constant 0 : i32
      %dma_start3A_44 = tpu.memref_slice %arg7[%add3A_37, %dma_start3A_43] : memref<40x128xi32, #tpu.memory_space<vmem>> -> memref<1x128xi32, #tpu.memory_space<vmem>>
      %dma_start3A_45 = tpu.memref_squeeze %dma_start3A_44 : memref<1x128xi32, #tpu.memory_space<vmem>> -> memref<128xi32, #tpu.memory_space<vmem>>
      %dma_start3A_46 = arith.constant 0 : i32
      %dma_start3A_47 = arith.constant 0 : i32
      %dma_start3A_48 = tpu.memref_slice %arg2[%dma_start3A_46, %dma_start3A_47] : memref<10240x128xf32, #tpu.memory_space<hbm>> -> memref<10240x128xf32, #tpu.memory_space<hbm>>
      tpu.enqueue_indirect_dma source(%dma_start3A_48 : memref<10240x128xf32, #tpu.memory_space<hbm>>) target(%dma_start3A_42 : memref<128x128xf32, #tpu.memory_space<vmem>>) offsets(%dma_start3A_45 : memref<128xi32, #tpu.memory_space<vmem>>) semaphore(%arg12 : memref<!tpu.dma_semaphore, #tpu.memory_space<semaphore_mem>>)
      %dma_wait3A = arith.constant 0 : i32
      %dma_wait3A_49 = arith.constant 0 : i32
      %dma_wait3A_50 = arith.constant 0 : i32
      %dma_wait3A_51 = tpu.memref_slice %arg9[%dma_wait3A, %dma_wait3A_49, %dma_wait3A_50] : memref<2x128x128xf32, #tpu.memory_space<vmem>> -> memref<1x128x128xf32, #tpu.memory_space<vmem>>
      %dma_wait3A_52 = tpu.memref_squeeze %dma_wait3A_51 : memref<1x128x128xf32, #tpu.memory_space<vmem>> -> memref<128x128xf32, #tpu.memory_space<vmem>>
      %dma_wait3A_53 = arith.constant 0 : i32
      %dma_wait3A_54 = tpu.memref_slice %arg7[%add3A_25, %dma_wait3A_53] : memref<40x128xi32, #tpu.memory_space<vmem>> -> memref<1x128xi32, #tpu.memory_space<vmem>>
      %dma_wait3A_55 = tpu.memref_squeeze %dma_wait3A_54 : memref<1x128xi32, #tpu.memory_space<vmem>> -> memref<128xi32, #tpu.memory_space<vmem>>
      %dma_wait3A_56 = arith.constant 0 : i32
      %dma_wait3A_57 = arith.constant 0 : i32
      %dma_wait3A_58 = tpu.memref_slice %arg2[%dma_wait3A_56, %dma_wait3A_57] : memref<10240x128xf32, #tpu.memory_space<hbm>> -> memref<10240x128xf32, #tpu.memory_space<hbm>>
      tpu.wait_indirect_dma semaphore(%arg11 : memref<!tpu.dma_semaphore, #tpu.memory_space<semaphore_mem>>) src(%dma_wait3A_58 : memref<10240x128xf32, #tpu.memory_space<hbm>>) dst(%dma_wait3A_52 : memref<128x128xf32, #tpu.memory_space<vmem>>)
      %add3A_59 = arith.constant 0 : i32
      %add3A_60 = arith.addi %mul3A_23, %add3A_59 : i32
      %dma_start3A_61 = arith.constant 0 : i32
      %dma_start3A_62 = arith.constant 0 : i32
      %dma_start3A_63 = arith.constant 0 : i32
      %dma_start3A_64 = tpu.memref_slice %arg9[%dma_start3A_61, %dma_start3A_62, %dma_start3A_63] : memref<2x128x128xf32, #tpu.memory_space<vmem>> -> memref<1x128x128xf32, #tpu.memory_space<vmem>>
      %dma_start3A_65 = tpu.memref_squeeze %dma_start3A_64 : memref<1x128x128xf32, #tpu.memory_space<vmem>> -> memref<128x128xf32, #tpu.memory_space<vmem>>
      %dma_start3A_66 = arith.constant 0 : i32
      %dma_start3A_67 = tpu.memref_slice %arg8[%add3A_60, %dma_start3A_66] : memref<40x128xi32, #tpu.memory_space<vmem>> -> memref<1x128xi32, #tpu.memory_space<vmem>>
      %dma_start3A_68 = tpu.memref_squeeze %dma_start3A_67 : memref<1x128xi32, #tpu.memory_space<vmem>> -> memref<128xi32, #tpu.memory_space<vmem>>
      %dma_start3A_69 = arith.constant 0 : i32
      %dma_start3A_70 = arith.constant 0 : i32
      %dma_start3A_71 = tpu.memref_slice %arg10[%dma_start3A_69, %dma_start3A_70] : memref<10240x128xf32, #tpu.memory_space<vmem_shared>> -> memref<10240x128xf32, #tpu.memory_space<vmem_shared>>
      tpu.enqueue_indirect_dma source(%dma_start3A_65 : memref<128x128xf32, #tpu.memory_space<vmem>>) target(%dma_start3A_71 : memref<10240x128xf32, #tpu.memory_space<vmem_shared>>) offsets(%dma_start3A_68 : memref<128xi32, #tpu.memory_space<vmem>>) semaphore(%arg13 : memref<!tpu.dma_semaphore, #tpu.memory_space<semaphore_mem>>) {add = true}
      %dma_wait3A_72 = arith.constant 1 : i32
      %dma_wait3A_73 = arith.constant 0 : i32
      %dma_wait3A_74 = arith.constant 0 : i32
      %dma_wait3A_75 = tpu.memref_slice %arg9[%dma_wait3A_72, %dma_wait3A_73, %dma_wait3A_74] : memref<2x128x128xf32, #tpu.memory_space<vmem>> -> memref<1x128x128xf32, #tpu.memory_space<vmem>>
      %dma_wait3A_76 = tpu.memref_squeeze %dma_wait3A_75 : memref<1x128x128xf32, #tpu.memory_space<vmem>> -> memref<128x128xf32, #tpu.memory_space<vmem>>
      %dma_wait3A_77 = arith.constant 0 : i32
      %dma_wait3A_78 = tpu.memref_slice %arg7[%add3A_37, %dma_wait3A_77] : memref<40x128xi32, #tpu.memory_space<vmem>> -> memref<1x128xi32, #tpu.memory_space<vmem>>
      %dma_wait3A_79 = tpu.memref_squeeze %dma_wait3A_78 : memref<1x128xi32, #tpu.memory_space<vmem>> -> memref<128xi32, #tpu.memory_space<vmem>>
      %dma_wait3A_80 = arith.constant 0 : i32
      %dma_wait3A_81 = arith.constant 0 : i32
      %dma_wait3A_82 = tpu.memref_slice %arg2[%dma_wait3A_80, %dma_wait3A_81] : memref<10240x128xf32, #tpu.memory_space<hbm>> -> memref<10240x128xf32, #tpu.memory_space<hbm>>
      tpu.wait_indirect_dma semaphore(%arg12 : memref<!tpu.dma_semaphore, #tpu.memory_space<semaphore_mem>>) src(%dma_wait3A_82 : memref<10240x128xf32, #tpu.memory_space<hbm>>) dst(%dma_wait3A_76 : memref<128x128xf32, #tpu.memory_space<vmem>>)
      %add3A_83 = arith.constant 1 : i32
      %add3A_84 = arith.addi %mul3A_23, %add3A_83 : i32
      %dma_start3A_85 = arith.constant 1 : i32
      %dma_start3A_86 = arith.constant 0 : i32
      %dma_start3A_87 = arith.constant 0 : i32
      %dma_start3A_88 = tpu.memref_slice %arg9[%dma_start3A_85, %dma_start3A_86, %dma_start3A_87] : memref<2x128x128xf32, #tpu.memory_space<vmem>> -> memref<1x128x128xf32, #tpu.memory_space<vmem>>
      %dma_start3A_89 = tpu.memref_squeeze %dma_start3A_88 : memref<1x128x128xf32, #tpu.memory_space<vmem>> -> memref<128x128xf32, #tpu.memory_space<vmem>>
      %dma_start3A_90 = arith.constant 0 : i32
      %dma_start3A_91 = tpu.memref_slice %arg8[%add3A_84, %dma_start3A_90] : memref<40x128xi32, #tpu.memory_space<vmem>> -> memref<1x128xi32, #tpu.memory_space<vmem>>
      %dma_start3A_92 = tpu.memref_squeeze %dma_start3A_91 : memref<1x128xi32, #tpu.memory_space<vmem>> -> memref<128xi32, #tpu.memory_space<vmem>>
      %dma_start3A_93 = arith.constant 0 : i32
      %dma_start3A_94 = arith.constant 0 : i32
      %dma_start3A_95 = tpu.memref_slice %arg10[%dma_start3A_93, %dma_start3A_94] : memref<10240x128xf32, #tpu.memory_space<vmem_shared>> -> memref<10240x128xf32, #tpu.memory_space<vmem_shared>>
      tpu.enqueue_indirect_dma source(%dma_start3A_89 : memref<128x128xf32, #tpu.memory_space<vmem>>) target(%dma_start3A_95 : memref<10240x128xf32, #tpu.memory_space<vmem_shared>>) offsets(%dma_start3A_92 : memref<128xi32, #tpu.memory_space<vmem>>) semaphore(%arg14 : memref<!tpu.dma_semaphore, #tpu.memory_space<semaphore_mem>>) {add = true}
      %dma_wait3A_96 = arith.constant 0 : i32
      %dma_wait3A_97 = arith.constant 0 : i32
      %dma_wait3A_98 = arith.constant 0 : i32
      %dma_wait3A_99 = tpu.memref_slice %arg9[%dma_wait3A_96, %dma_wait3A_97, %dma_wait3A_98] : memref<2x128x128xf32, #tpu.memory_space<vmem>> -> memref<1x128x128xf32, #tpu.memory_space<vmem>>
      %dma_wait3A_100 = tpu.memref_squeeze %dma_wait3A_99 : memref<1x128x128xf32, #tpu.memory_space<vmem>> -> memref<128x128xf32, #tpu.memory_space<vmem>>
      %dma_wait3A_101 = arith.constant 0 : i32
      %dma_wait3A_102 = tpu.memref_slice %arg8[%add3A_60, %dma_wait3A_101] : memref<40x128xi32, #tpu.memory_space<vmem>> -> memref<1x128xi32, #tpu.memory_space<vmem>>
      %dma_wait3A_103 = tpu.memref_squeeze %dma_wait3A_102 : memref<1x128xi32, #tpu.memory_space<vmem>> -> memref<128xi32, #tpu.memory_space<vmem>>
      %dma_wait3A_104 = arith.constant 0 : i32
      %dma_wait3A_105 = arith.constant 0 : i32
      %dma_wait3A_106 = tpu.memref_slice %arg10[%dma_wait3A_104, %dma_wait3A_105] : memref<10240x128xf32, #tpu.memory_space<vmem_shared>> -> memref<10240x128xf32, #tpu.memory_space<vmem_shared>>
      tpu.wait_indirect_dma semaphore(%arg13 : memref<!tpu.dma_semaphore, #tpu.memory_space<semaphore_mem>>) src(%dma_wait3A_100 : memref<128x128xf32, #tpu.memory_space<vmem>>) dst(%dma_wait3A_106 : memref<10240x128xf32, #tpu.memory_space<vmem_shared>>)
      %dma_wait3A_107 = arith.constant 1 : i32
      %dma_wait3A_108 = arith.constant 0 : i32
      %dma_wait3A_109 = arith.constant 0 : i32
      %dma_wait3A_110 = tpu.memref_slice %arg9[%dma_wait3A_107, %dma_wait3A_108, %dma_wait3A_109] : memref<2x128x128xf32, #tpu.memory_space<vmem>> -> memref<1x128x128xf32, #tpu.memory_space<vmem>>
      %dma_wait3A_111 = tpu.memref_squeeze %dma_wait3A_110 : memref<1x128x128xf32, #tpu.memory_space<vmem>> -> memref<128x128xf32, #tpu.memory_space<vmem>>
      %dma_wait3A_112 = arith.constant 0 : i32
      %dma_wait3A_113 = tpu.memref_slice %arg8[%add3A_84, %dma_wait3A_112] : memref<40x128xi32, #tpu.memory_space<vmem>> -> memref<1x128xi32, #tpu.memory_space<vmem>>
      %dma_wait3A_114 = tpu.memref_squeeze %dma_wait3A_113 : memref<1x128xi32, #tpu.memory_space<vmem>> -> memref<128xi32, #tpu.memory_space<vmem>>
      %dma_wait3A_115 = arith.constant 0 : i32
      %dma_wait3A_116 = arith.constant 0 : i32
      %dma_wait3A_117 = tpu.memref_slice %arg10[%dma_wait3A_115, %dma_wait3A_116] : memref<10240x128xf32, #tpu.memory_space<vmem_shared>> -> memref<10240x128xf32, #tpu.memory_space<vmem_shared>>
      tpu.wait_indirect_dma semaphore(%arg14 : memref<!tpu.dma_semaphore, #tpu.memory_space<semaphore_mem>>) src(%dma_wait3A_111 : memref<128x128xf32, #tpu.memory_space<vmem>>) dst(%dma_wait3A_117 : memref<10240x128xf32, #tpu.memory_space<vmem_shared>>)
    }
    %scan3A_9 = arith.constant 20 : i32
    "tpu.region"() ({
      %run_scoped3A = tpu.sem_alloc : memref<!tpu.dma_semaphore, #tpu.memory_space<semaphore_mem>>
      %dma_start3A = arith.constant 40 : i32
      %dma_start3A_21 = arith.constant 0 : i32
      %dma_start3A_22 = tpu.memref_slice %arg3[%add3A, %dma_start3A, %dma_start3A_21] : memref<32x80x128xi32, #tpu.memory_space<hbm>> -> memref<1x40x128xi32, #tpu.memory_space<hbm>>
      %dma_start3A_23 = tpu.memref_squeeze %dma_start3A_22 : memref<1x40x128xi32, #tpu.memory_space<hbm>> -> memref<40x128xi32, #tpu.memory_space<hbm>>
      %dma_start3A_24 = arith.constant 40 : i32
      %dma_start3A_25 = arith.constant 0 : i32
      %dma_start3A_26 = tpu.memref_slice %arg3[%add3A, %dma_start3A_24, %dma_start3A_25] : memref<32x80x128xi32, #tpu.memory_space<hbm>> -> memref<1x40x128xi32, #tpu.memory_space<hbm>>
      %dma_start3A_27 = tpu.memref_squeeze %dma_start3A_26 : memref<1x40x128xi32, #tpu.memory_space<hbm>> -> memref<40x128xi32, #tpu.memory_space<hbm>>
      tpu.enqueue_dma source(%dma_start3A_27 : memref<40x128xi32, #tpu.memory_space<hbm>>) target(%arg7 : memref<40x128xi32, #tpu.memory_space<vmem>>) target_semaphore(%run_scoped3A : memref<!tpu.dma_semaphore, #tpu.memory_space<semaphore_mem>>)
      %dma_wait3A = arith.constant 40 : i32
      %dma_wait3A_28 = arith.constant 0 : i32
      %dma_wait3A_29 = tpu.memref_slice %arg3[%add3A, %dma_wait3A, %dma_wait3A_28] : memref<32x80x128xi32, #tpu.memory_space<hbm>> -> memref<1x40x128xi32, #tpu.memory_space<hbm>>
      %dma_wait3A_30 = tpu.memref_squeeze %dma_wait3A_29 : memref<1x40x128xi32, #tpu.memory_space<hbm>> -> memref<40x128xi32, #tpu.memory_space<hbm>>
      %dma_wait3A_31 = arith.constant 40 : i32
      %dma_wait3A_32 = arith.constant 0 : i32
      %dma_wait3A_33 = tpu.memref_slice %arg3[%add3A, %dma_wait3A_31, %dma_wait3A_32] : memref<32x80x128xi32, #tpu.memory_space<hbm>> -> memref<1x40x128xi32, #tpu.memory_space<hbm>>
      %dma_wait3A_34 = tpu.memref_squeeze %dma_wait3A_33 : memref<1x40x128xi32, #tpu.memory_space<hbm>> -> memref<40x128xi32, #tpu.memory_space<hbm>>
      tpu.wait_dma2 semaphore(%run_scoped3A : memref<!tpu.dma_semaphore, #tpu.memory_space<semaphore_mem>>) src(%dma_wait3A_34 : memref<40x128xi32, #tpu.memory_space<hbm>>) dst(%arg7 : memref<40x128xi32, #tpu.memory_space<vmem>>)
      tpu.yield
    }) : () -> ()
    "tpu.region"() ({
      %run_scoped3A = tpu.sem_alloc : memref<!tpu.dma_semaphore, #tpu.memory_space<semaphore_mem>>
      %dma_start3A = arith.constant 40 : i32
      %dma_start3A_21 = arith.constant 0 : i32
      %dma_start3A_22 = tpu.memref_slice %arg4[%add3A, %dma_start3A, %dma_start3A_21] : memref<32x80x128xi32, #tpu.memory_space<hbm>> -> memref<1x40x128xi32, #tpu.memory_space<hbm>>
      %dma_start3A_23 = tpu.memref_squeeze %dma_start3A_22 : memref<1x40x128xi32, #tpu.memory_space<hbm>> -> memref<40x128xi32, #tpu.memory_space<hbm>>
      %dma_start3A_24 = arith.constant 40 : i32
      %dma_start3A_25 = arith.constant 0 : i32
      %dma_start3A_26 = tpu.memref_slice %arg4[%add3A, %dma_start3A_24, %dma_start3A_25] : memref<32x80x128xi32, #tpu.memory_space<hbm>> -> memref<1x40x128xi32, #tpu.memory_space<hbm>>
      %dma_start3A_27 = tpu.memref_squeeze %dma_start3A_26 : memref<1x40x128xi32, #tpu.memory_space<hbm>> -> memref<40x128xi32, #tpu.memory_space<hbm>>
      tpu.enqueue_dma source(%dma_start3A_27 : memref<40x128xi32, #tpu.memory_space<hbm>>) target(%arg8 : memref<40x128xi32, #tpu.memory_space<vmem>>) target_semaphore(%run_scoped3A : memref<!tpu.dma_semaphore, #tpu.memory_space<semaphore_mem>>)
      %dma_wait3A = arith.constant 40 : i32
      %dma_wait3A_28 = arith.constant 0 : i32
      %dma_wait3A_29 = tpu.memref_slice %arg4[%add3A, %dma_wait3A, %dma_wait3A_28] : memref<32x80x128xi32, #tpu.memory_space<hbm>> -> memref<1x40x128xi32, #tpu.memory_space<hbm>>
      %dma_wait3A_30 = tpu.memref_squeeze %dma_wait3A_29 : memref<1x40x128xi32, #tpu.memory_space<hbm>> -> memref<40x128xi32, #tpu.memory_space<hbm>>
      %dma_wait3A_31 = arith.constant 40 : i32
      %dma_wait3A_32 = arith.constant 0 : i32
      %dma_wait3A_33 = tpu.memref_slice %arg4[%add3A, %dma_wait3A_31, %dma_wait3A_32] : memref<32x80x128xi32, #tpu.memory_space<hbm>> -> memref<1x40x128xi32, #tpu.memory_space<hbm>>
      %dma_wait3A_34 = tpu.memref_squeeze %dma_wait3A_33 : memref<1x40x128xi32, #tpu.memory_space<hbm>> -> memref<40x128xi32, #tpu.memory_space<hbm>>
      tpu.wait_dma2 semaphore(%run_scoped3A : memref<!tpu.dma_semaphore, #tpu.memory_space<semaphore_mem>>) src(%dma_wait3A_34 : memref<40x128xi32, #tpu.memory_space<hbm>>) dst(%arg8 : memref<40x128xi32, #tpu.memory_space<vmem>>)
      tpu.yield
    }) : () -> ()
    %scan3A_10 = arith.constant 0 : i32
    %scan3A_11 = arith.constant 0 : i32
    %scan3A_12 = arith.constant 20 : i32
    %scan3A_13 = arith.addi %scan3A_11, %scan3A_12 : i32
    %scan3A_14 = arith.constant 1 : i32
    scf.for %scan3A_21 = %scan3A_11 to %scan3A_13 step %scan3A_14  : i32 {
      %mul3A_22 = arith.constant 2 : i32
      %mul3A_23 = arith.muli %scan3A_21, %mul3A_22 : i32
      %add3A_24 = arith.constant 0 : i32
      %add3A_25 = arith.addi %mul3A_23, %add3A_24 : i32
      %dma_start3A = arith.constant 0 : i32
      %dma_start3A_26 = arith.constant 0 : i32
      %dma_start3A_27 = arith.constant 0 : i32
      %dma_start3A_28 = tpu.memref_slice %arg9[%dma_start3A, %dma_start3A_26, %dma_start3A_27] : memref<2x128x128xf32, #tpu.memory_space<vmem>> -> memref<1x128x128xf32, #tpu.memory_space<vmem>>
      %dma_start3A_29 = tpu.memref_squeeze %dma_start3A_28 : memref<1x128x128xf32, #tpu.memory_space<vmem>> -> memref<128x128xf32, #tpu.memory_space<vmem>>
      %dma_start3A_30 = arith.constant 0 : i32
      %dma_start3A_31 = tpu.memref_slice %arg7[%add3A_25, %dma_start3A_30] : memref<40x128xi32, #tpu.memory_space<vmem>> -> memref<1x128xi32, #tpu.memory_space<vmem>>
      %dma_start3A_32 = tpu.memref_squeeze %dma_start3A_31 : memref<1x128xi32, #tpu.memory_space<vmem>> -> memref<128xi32, #tpu.memory_space<vmem>>
      %dma_start3A_33 = arith.constant 0 : i32
      %dma_start3A_34 = arith.constant 0 : i32
      %dma_start3A_35 = tpu.memref_slice %arg2[%dma_start3A_33, %dma_start3A_34] : memref<10240x128xf32, #tpu.memory_space<hbm>> -> memref<10240x128xf32, #tpu.memory_space<hbm>>
      tpu.enqueue_indirect_dma source(%dma_start3A_35 : memref<10240x128xf32, #tpu.memory_space<hbm>>) target(%dma_start3A_29 : memref<128x128xf32, #tpu.memory_space<vmem>>) offsets(%dma_start3A_32 : memref<128xi32, #tpu.memory_space<vmem>>) semaphore(%arg11 : memref<!tpu.dma_semaphore, #tpu.memory_space<semaphore_mem>>)
      %add3A_36 = arith.constant 1 : i32
      %add3A_37 = arith.addi %mul3A_23, %add3A_36 : i32
      %dma_start3A_38 = arith.constant 1 : i32
      %dma_start3A_39 = arith.constant 0 : i32
      %dma_start3A_40 = arith.constant 0 : i32
      %dma_start3A_41 = tpu.memref_slice %arg9[%dma_start3A_38, %dma_start3A_39, %dma_start3A_40] : memref<2x128x128xf32, #tpu.memory_space<vmem>> -> memref<1x128x128xf32, #tpu.memory_space<vmem>>
      %dma_start3A_42 = tpu.memref_squeeze %dma_start3A_41 : memref<1x128x128xf32, #tpu.memory_space<vmem>> -> memref<128x128xf32, #tpu.memory_space<vmem>>
      %dma_start3A_43 = arith.constant 0 : i32
      %dma_start3A_44 = tpu.memref_slice %arg7[%add3A_37, %dma_start3A_43] : memref<40x128xi32, #tpu.memory_space<vmem>> -> memref<1x128xi32, #tpu.memory_space<vmem>>
      %dma_start3A_45 = tpu.memref_squeeze %dma_start3A_44 : memref<1x128xi32, #tpu.memory_space<vmem>> -> memref<128xi32, #tpu.memory_space<vmem>>
      %dma_start3A_46 = arith.constant 0 : i32
      %dma_start3A_47 = arith.constant 0 : i32
      %dma_start3A_48 = tpu.memref_slice %arg2[%dma_start3A_46, %dma_start3A_47] : memref<10240x128xf32, #tpu.memory_space<hbm>> -> memref<10240x128xf32, #tpu.memory_space<hbm>>
      tpu.enqueue_indirect_dma source(%dma_start3A_48 : memref<10240x128xf32, #tpu.memory_space<hbm>>) target(%dma_start3A_42 : memref<128x128xf32, #tpu.memory_space<vmem>>) offsets(%dma_start3A_45 : memref<128xi32, #tpu.memory_space<vmem>>) semaphore(%arg12 : memref<!tpu.dma_semaphore, #tpu.memory_space<semaphore_mem>>)
      %dma_wait3A = arith.constant 0 : i32
      %dma_wait3A_49 = arith.constant 0 : i32
      %dma_wait3A_50 = arith.constant 0 : i32
      %dma_wait3A_51 = tpu.memref_slice %arg9[%dma_wait3A, %dma_wait3A_49, %dma_wait3A_50] : memref<2x128x128xf32, #tpu.memory_space<vmem>> -> memref<1x128x128xf32, #tpu.memory_space<vmem>>
      %dma_wait3A_52 = tpu.memref_squeeze %dma_wait3A_51 : memref<1x128x128xf32, #tpu.memory_space<vmem>> -> memref<128x128xf32, #tpu.memory_space<vmem>>
      %dma_wait3A_53 = arith.constant 0 : i32
      %dma_wait3A_54 = tpu.memref_slice %arg7[%add3A_25, %dma_wait3A_53] : memref<40x128xi32, #tpu.memory_space<vmem>> -> memref<1x128xi32, #tpu.memory_space<vmem>>
      %dma_wait3A_55 = tpu.memref_squeeze %dma_wait3A_54 : memref<1x128xi32, #tpu.memory_space<vmem>> -> memref<128xi32, #tpu.memory_space<vmem>>
      %dma_wait3A_56 = arith.constant 0 : i32
      %dma_wait3A_57 = arith.constant 0 : i32
      %dma_wait3A_58 = tpu.memref_slice %arg2[%dma_wait3A_56, %dma_wait3A_57] : memref<10240x128xf32, #tpu.memory_space<hbm>> -> memref<10240x128xf32, #tpu.memory_space<hbm>>
      tpu.wait_indirect_dma semaphore(%arg11 : memref<!tpu.dma_semaphore, #tpu.memory_space<semaphore_mem>>) src(%dma_wait3A_58 : memref<10240x128xf32, #tpu.memory_space<hbm>>) dst(%dma_wait3A_52 : memref<128x128xf32, #tpu.memory_space<vmem>>)
      %add3A_59 = arith.constant 0 : i32
      %add3A_60 = arith.addi %mul3A_23, %add3A_59 : i32
      %dma_start3A_61 = arith.constant 0 : i32
      %dma_start3A_62 = arith.constant 0 : i32
      %dma_start3A_63 = arith.constant 0 : i32
      %dma_start3A_64 = tpu.memref_slice %arg9[%dma_start3A_61, %dma_start3A_62, %dma_start3A_63] : memref<2x128x128xf32, #tpu.memory_space<vmem>> -> memref<1x128x128xf32, #tpu.memory_space<vmem>>
      %dma_start3A_65 = tpu.memref_squeeze %dma_start3A_64 : memref<1x128x128xf32, #tpu.memory_space<vmem>> -> memref<128x128xf32, #tpu.memory_space<vmem>>
      %dma_start3A_66 = arith.constant 0 : i32
      %dma_start3A_67 = tpu.memref_slice %arg8[%add3A_60, %dma_start3A_66] : memref<40x128xi32, #tpu.memory_space<vmem>> -> memref<1x128xi32, #tpu.memory_space<vmem>>
      %dma_start3A_68 = tpu.memref_squeeze %dma_start3A_67 : memref<1x128xi32, #tpu.memory_space<vmem>> -> memref<128xi32, #tpu.memory_space<vmem>>
      %dma_start3A_69 = arith.constant 0 : i32
      %dma_start3A_70 = arith.constant 0 : i32
      %dma_start3A_71 = tpu.memref_slice %arg10[%dma_start3A_69, %dma_start3A_70] : memref<10240x128xf32, #tpu.memory_space<vmem_shared>> -> memref<10240x128xf32, #tpu.memory_space<vmem_shared>>
      tpu.enqueue_indirect_dma source(%dma_start3A_65 : memref<128x128xf32, #tpu.memory_space<vmem>>) target(%dma_start3A_71 : memref<10240x128xf32, #tpu.memory_space<vmem_shared>>) offsets(%dma_start3A_68 : memref<128xi32, #tpu.memory_space<vmem>>) semaphore(%arg13 : memref<!tpu.dma_semaphore, #tpu.memory_space<semaphore_mem>>) {add = true}
      %dma_wait3A_72 = arith.constant 1 : i32
      %dma_wait3A_73 = arith.constant 0 : i32
      %dma_wait3A_74 = arith.constant 0 : i32
      %dma_wait3A_75 = tpu.memref_slice %arg9[%dma_wait3A_72, %dma_wait3A_73, %dma_wait3A_74] : memref<2x128x128xf32, #tpu.memory_space<vmem>> -> memref<1x128x128xf32, #tpu.memory_space<vmem>>
      %dma_wait3A_76 = tpu.memref_squeeze %dma_wait3A_75 : memref<1x128x128xf32, #tpu.memory_space<vmem>> -> memref<128x128xf32, #tpu.memory_space<vmem>>
      %dma_wait3A_77 = arith.constant 0 : i32
      %dma_wait3A_78 = tpu.memref_slice %arg7[%add3A_37, %dma_wait3A_77] : memref<40x128xi32, #tpu.memory_space<vmem>> -> memref<1x128xi32, #tpu.memory_space<vmem>>
      %dma_wait3A_79 = tpu.memref_squeeze %dma_wait3A_78 : memref<1x128xi32, #tpu.memory_space<vmem>> -> memref<128xi32, #tpu.memory_space<vmem>>
      %dma_wait3A_80 = arith.constant 0 : i32
      %dma_wait3A_81 = arith.constant 0 : i32
      %dma_wait3A_82 = tpu.memref_slice %arg2[%dma_wait3A_80, %dma_wait3A_81] : memref<10240x128xf32, #tpu.memory_space<hbm>> -> memref<10240x128xf32, #tpu.memory_space<hbm>>
      tpu.wait_indirect_dma semaphore(%arg12 : memref<!tpu.dma_semaphore, #tpu.memory_space<semaphore_mem>>) src(%dma_wait3A_82 : memref<10240x128xf32, #tpu.memory_space<hbm>>) dst(%dma_wait3A_76 : memref<128x128xf32, #tpu.memory_space<vmem>>)
      %add3A_83 = arith.constant 1 : i32
      %add3A_84 = arith.addi %mul3A_23, %add3A_83 : i32
      %dma_start3A_85 = arith.constant 1 : i32
      %dma_start3A_86 = arith.constant 0 : i32
      %dma_start3A_87 = arith.constant 0 : i32
      %dma_start3A_88 = tpu.memref_slice %arg9[%dma_start3A_85, %dma_start3A_86, %dma_start3A_87] : memref<2x128x128xf32, #tpu.memory_space<vmem>> -> memref<1x128x128xf32, #tpu.memory_space<vmem>>
      %dma_start3A_89 = tpu.memref_squeeze %dma_start3A_88 : memref<1x128x128xf32, #tpu.memory_space<vmem>> -> memref<128x128xf32, #tpu.memory_space<vmem>>
      %dma_start3A_90 = arith.constant 0 : i32
      %dma_start3A_91 = tpu.memref_slice %arg8[%add3A_84, %dma_start3A_90] : memref<40x128xi32, #tpu.memory_space<vmem>> -> memref<1x128xi32, #tpu.memory_space<vmem>>
      %dma_start3A_92 = tpu.memref_squeeze %dma_start3A_91 : memref<1x128xi32, #tpu.memory_space<vmem>> -> memref<128xi32, #tpu.memory_space<vmem>>
      %dma_start3A_93 = arith.constant 0 : i32
      %dma_start3A_94 = arith.constant 0 : i32
      %dma_start3A_95 = tpu.memref_slice %arg10[%dma_start3A_93, %dma_start3A_94] : memref<10240x128xf32, #tpu.memory_space<vmem_shared>> -> memref<10240x128xf32, #tpu.memory_space<vmem_shared>>
      tpu.enqueue_indirect_dma source(%dma_start3A_89 : memref<128x128xf32, #tpu.memory_space<vmem>>) target(%dma_start3A_95 : memref<10240x128xf32, #tpu.memory_space<vmem_shared>>) offsets(%dma_start3A_92 : memref<128xi32, #tpu.memory_space<vmem>>) semaphore(%arg14 : memref<!tpu.dma_semaphore, #tpu.memory_space<semaphore_mem>>) {add = true}
      %dma_wait3A_96 = arith.constant 0 : i32
      %dma_wait3A_97 = arith.constant 0 : i32
      %dma_wait3A_98 = arith.constant 0 : i32
      %dma_wait3A_99 = tpu.memref_slice %arg9[%dma_wait3A_96, %dma_wait3A_97, %dma_wait3A_98] : memref<2x128x128xf32, #tpu.memory_space<vmem>> -> memref<1x128x128xf32, #tpu.memory_space<vmem>>
      %dma_wait3A_100 = tpu.memref_squeeze %dma_wait3A_99 : memref<1x128x128xf32, #tpu.memory_space<vmem>> -> memref<128x128xf32, #tpu.memory_space<vmem>>
      %dma_wait3A_101 = arith.constant 0 : i32
      %dma_wait3A_102 = tpu.memref_slice %arg8[%add3A_60, %dma_wait3A_101] : memref<40x128xi32, #tpu.memory_space<vmem>> -> memref<1x128xi32, #tpu.memory_space<vmem>>
      %dma_wait3A_103 = tpu.memref_squeeze %dma_wait3A_102 : memref<1x128xi32, #tpu.memory_space<vmem>> -> memref<128xi32, #tpu.memory_space<vmem>>
      %dma_wait3A_104 = arith.constant 0 : i32
      %dma_wait3A_105 = arith.constant 0 : i32
      %dma_wait3A_106 = tpu.memref_slice %arg10[%dma_wait3A_104, %dma_wait3A_105] : memref<10240x128xf32, #tpu.memory_space<vmem_shared>> -> memref<10240x128xf32, #tpu.memory_space<vmem_shared>>
      tpu.wait_indirect_dma semaphore(%arg13 : memref<!tpu.dma_semaphore, #tpu.memory_space<semaphore_mem>>) src(%dma_wait3A_100 : memref<128x128xf32, #tpu.memory_space<vmem>>) dst(%dma_wait3A_106 : memref<10240x128xf32, #tpu.memory_space<vmem_shared>>)
      %dma_wait3A_107 = arith.constant 1 : i32
      %dma_wait3A_108 = arith.constant 0 : i32
      %dma_wait3A_109 = arith.constant 0 : i32
      %dma_wait3A_110 = tpu.memref_slice %arg9[%dma_wait3A_107, %dma_wait3A_108, %dma_wait3A_109] : memref<2x128x128xf32, #tpu.memory_space<vmem>> -> memref<1x128x128xf32, #tpu.memory_space<vmem>>
      %dma_wait3A_111 = tpu.memref_squeeze %dma_wait3A_110 : memref<1x128x128xf32, #tpu.memory_space<vmem>> -> memref<128x128xf32, #tpu.memory_space<vmem>>
      %dma_wait3A_112 = arith.constant 0 : i32
      %dma_wait3A_113 = tpu.memref_slice %arg8[%add3A_84, %dma_wait3A_112] : memref<40x128xi32, #tpu.memory_space<vmem>> -> memref<1x128xi32, #tpu.memory_space<vmem>>
      %dma_wait3A_114 = tpu.memref_squeeze %dma_wait3A_113 : memref<1x128xi32, #tpu.memory_space<vmem>> -> memref<128xi32, #tpu.memory_space<vmem>>
      %dma_wait3A_115 = arith.constant 0 : i32
      %dma_wait3A_116 = arith.constant 0 : i32
      %dma_wait3A_117 = tpu.memref_slice %arg10[%dma_wait3A_115, %dma_wait3A_116] : memref<10240x128xf32, #tpu.memory_space<vmem_shared>> -> memref<10240x128xf32, #tpu.memory_space<vmem_shared>>
      tpu.wait_indirect_dma semaphore(%arg14 : memref<!tpu.dma_semaphore, #tpu.memory_space<semaphore_mem>>) src(%dma_wait3A_111 : memref<128x128xf32, #tpu.memory_space<vmem>>) dst(%dma_wait3A_117 : memref<10240x128xf32, #tpu.memory_space<vmem_shared>>)
    }
    %scan3A_15 = arith.constant 20 : i32
    %barrier3A_16 = arith.constant 0 : index
    tpu.barrier barrier_id(%barrier3A_16)
    %mul3A_17 = arith.constant 640 : i32
    %mul3A_18 = arith.muli %arg1, %mul3A_17 : i32
    %mul3A_19 = arith.constant 640 : i32
    %mul3A_20 = arith.muli %arg1, %mul3A_19 : i32
    "tpu.region"() ({
      %run_scoped3A = tpu.sem_alloc : memref<!tpu.dma_semaphore, #tpu.memory_space<semaphore_mem>>
      %dma_start3A = arith.constant 0 : i32
      %dma_start3A_21 = tpu.memref_slice %arg6[%arg0, %mul3A_20, %dma_start3A] : memref<2x10240x128xf32, #tpu.memory_space<hbm>> -> memref<1x640x128xf32, #tpu.memory_space<hbm>>
      %dma_start3A_22 = tpu.memref_squeeze %dma_start3A_21 : memref<1x640x128xf32, #tpu.memory_space<hbm>> -> memref<640x128xf32, #tpu.memory_space<hbm>>
      %dma_start3A_23 = arith.constant 0 : i32
      %dma_start3A_24 = tpu.memref_slice %arg10[%mul3A_18, %dma_start3A_23] : memref<10240x128xf32, #tpu.memory_space<vmem_shared>> -> memref<640x128xf32, #tpu.memory_space<vmem_shared>>
      tpu.enqueue_dma source(%dma_start3A_24 : memref<640x128xf32, #tpu.memory_space<vmem_shared>>) target(%dma_start3A_22 : memref<640x128xf32, #tpu.memory_space<hbm>>) target_semaphore(%run_scoped3A : memref<!tpu.dma_semaphore, #tpu.memory_space<semaphore_mem>>)
      %dma_wait3A = arith.constant 0 : i32
      %dma_wait3A_25 = tpu.memref_slice %arg6[%arg0, %mul3A_20, %dma_wait3A] : memref<2x10240x128xf32, #tpu.memory_space<hbm>> -> memref<1x640x128xf32, #tpu.memory_space<hbm>>
      %dma_wait3A_26 = tpu.memref_squeeze %dma_wait3A_25 : memref<1x640x128xf32, #tpu.memory_space<hbm>> -> memref<640x128xf32, #tpu.memory_space<hbm>>
      %dma_wait3A_27 = arith.constant 0 : i32
      %dma_wait3A_28 = tpu.memref_slice %arg10[%mul3A_18, %dma_wait3A_27] : memref<10240x128xf32, #tpu.memory_space<vmem_shared>> -> memref<640x128xf32, #tpu.memory_space<vmem_shared>>
      tpu.wait_dma2 semaphore(%run_scoped3A : memref<!tpu.dma_semaphore, #tpu.memory_space<semaphore_mem>>) src(%dma_wait3A_28 : memref<640x128xf32, #tpu.memory_space<vmem_shared>>) dst(%dma_wait3A_26 : memref<640x128xf32, #tpu.memory_space<hbm>>)
      tpu.yield
    }) : () -> ()
    return
  }
}

#map = affine_map<(d0, d1) -> (0, 0)>
#map1 = affine_map<(d0, d1) -> (0, 0, 0)>
module attributes {stable_mosaic.version = 14 : i64} {
  func.func @pass_k(%arg0: i32, %arg1: i32, %arg2: memref<10240x128xf32, #tpu.memory_space<hbm>>, %arg3: memref<32x80x128xi32, #tpu.memory_space<hbm>>, %arg4: memref<32x80x128xi32, #tpu.memory_space<hbm>>, %arg5: memref<10240x128xf32, #tpu.memory_space<hbm>>, %arg6: memref<2x10240x128xf32, #tpu.memory_space<hbm>>, %arg7: memref<40x128xi32, #tpu.memory_space<vmem>>, %arg8: memref<40x128xi32, #tpu.memory_space<vmem>>, %arg9: memref<2x128x128xf32, #tpu.memory_space<vmem>>, %arg10: memref<10240x128xf32, #tpu.memory_space<vmem_shared>>, %arg11: memref<!tpu.dma_semaphore, #tpu.memory_space<semaphore_mem>>, %arg12: memref<!tpu.dma_semaphore, #tpu.memory_space<semaphore_mem>>, %arg13: memref<!tpu.dma_semaphore, #tpu.memory_space<semaphore_mem>>, %arg14: memref<!tpu.dma_semaphore, #tpu.memory_space<semaphore_mem>>) attributes {dimension_semantics = [#tpu.dimension_semantics<core_parallel>, #tpu.dimension_semantics<subcore_parallel>], iteration_bounds = array<i64: 2, 16>, scalar_prefetch = 0 : i64, scratch_operands = 8 : i64, tpu.core_type = #tpu.core_type<sc_vector_subcore>, window_params = [{transform_indices = #map}, {transform_indices = #map1}, {transform_indices = #map1}, {transform_indices = #map}, {transform_indices = #map1}]} {
    %mul3A = arith.constant 2 : i32
    %mul3A_0 = arith.muli %arg1, %mul3A : i32
    %add3A = arith.addi %mul3A_0, %arg0 : i32
    %mul3A_1 = arith.constant 640 : i32
    %mul3A_2 = arith.muli %arg1, %mul3A_1 : i32
    %mul3A_3 = arith.constant 640 : i32
    %mul3A_4 = arith.muli %arg1, %mul3A_3 : i32
    "tpu.region"() ({
      %run_scoped3A = tpu.sem_alloc : memref<!tpu.dma_semaphore, #tpu.memory_space<semaphore_mem>>
      %dma_start3A = arith.constant 0 : i32
      %dma_start3A_21 = tpu.memref_slice %arg10[%mul3A_4, %dma_start3A] : memref<10240x128xf32, #tpu.memory_space<vmem_shared>> -> memref<640x128xf32, #tpu.memory_space<vmem_shared>>
      %dma_start3A_22 = arith.constant 0 : i32
      %dma_start3A_23 = tpu.memref_slice %arg5[%mul3A_2, %dma_start3A_22] : memref<10240x128xf32, #tpu.memory_space<hbm>> -> memref<640x128xf32, #tpu.memory_space<hbm>>
      tpu.enqueue_dma source(%dma_start3A_23 : memref<640x128xf32, #tpu.memory_space<hbm>>) target(%dma_start3A_21 : memref<640x128xf32, #tpu.memory_space<vmem_shared>>) target_semaphore(%run_scoped3A : memref<!tpu.dma_semaphore, #tpu.memory_space<semaphore_mem>>)
      %dma_wait3A = arith.constant 0 : i32
      %dma_wait3A_24 = tpu.memref_slice %arg10[%mul3A_4, %dma_wait3A] : memref<10240x128xf32, #tpu.memory_space<vmem_shared>> -> memref<640x128xf32, #tpu.memory_space<vmem_shared>>
      %dma_wait3A_25 = arith.constant 0 : i32
      %dma_wait3A_26 = tpu.memref_slice %arg5[%mul3A_2, %dma_wait3A_25] : memref<10240x128xf32, #tpu.memory_space<hbm>> -> memref<640x128xf32, #tpu.memory_space<hbm>>
      tpu.wait_dma2 semaphore(%run_scoped3A : memref<!tpu.dma_semaphore, #tpu.memory_space<semaphore_mem>>) src(%dma_wait3A_26 : memref<640x128xf32, #tpu.memory_space<hbm>>) dst(%dma_wait3A_24 : memref<640x128xf32, #tpu.memory_space<vmem_shared>>)
      tpu.yield
    }) : () -> ()
    %barrier3A = arith.constant 0 : index
    tpu.barrier barrier_id(%barrier3A)
    "tpu.region"() ({
      %run_scoped3A = tpu.sem_alloc : memref<!tpu.dma_semaphore, #tpu.memory_space<semaphore_mem>>
      %dma_start3A = arith.constant 0 : i32
      %dma_start3A_21 = arith.constant 0 : i32
      %dma_start3A_22 = tpu.memref_slice %arg3[%add3A, %dma_start3A, %dma_start3A_21] : memref<32x80x128xi32, #tpu.memory_space<hbm>> -> memref<1x40x128xi32, #tpu.memory_space<hbm>>
      %dma_start3A_23 = tpu.memref_squeeze %dma_start3A_22 : memref<1x40x128xi32, #tpu.memory_space<hbm>> -> memref<40x128xi32, #tpu.memory_space<hbm>>
      %dma_start3A_24 = arith.constant 0 : i32
      %dma_start3A_25 = arith.constant 0 : i32
      %dma_start3A_26 = tpu.memref_slice %arg3[%add3A, %dma_start3A_24, %dma_start3A_25] : memref<32x80x128xi32, #tpu.memory_space<hbm>> -> memref<1x40x128xi32, #tpu.memory_space<hbm>>
      %dma_start3A_27 = tpu.memref_squeeze %dma_start3A_26 : memref<1x40x128xi32, #tpu.memory_space<hbm>> -> memref<40x128xi32, #tpu.memory_space<hbm>>
      tpu.enqueue_dma source(%dma_start3A_27 : memref<40x128xi32, #tpu.memory_space<hbm>>) target(%arg7 : memref<40x128xi32, #tpu.memory_space<vmem>>) target_semaphore(%run_scoped3A : memref<!tpu.dma_semaphore, #tpu.memory_space<semaphore_mem>>)
      %dma_wait3A = arith.constant 0 : i32
      %dma_wait3A_28 = arith.constant 0 : i32
      %dma_wait3A_29 = tpu.memref_slice %arg3[%add3A, %dma_wait3A, %dma_wait3A_28] : memref<32x80x128xi32, #tpu.memory_space<hbm>> -> memref<1x40x128xi32, #tpu.memory_space<hbm>>
      %dma_wait3A_30 = tpu.memref_squeeze %dma_wait3A_29 : memref<1x40x128xi32, #tpu.memory_space<hbm>> -> memref<40x128xi32, #tpu.memory_space<hbm>>
      %dma_wait3A_31 = arith.constant 0 : i32
      %dma_wait3A_32 = arith.constant 0 : i32
      %dma_wait3A_33 = tpu.memref_slice %arg3[%add3A, %dma_wait3A_31, %dma_wait3A_32] : memref<32x80x128xi32, #tpu.memory_space<hbm>> -> memref<1x40x128xi32, #tpu.memory_space<hbm>>
      %dma_wait3A_34 = tpu.memref_squeeze %dma_wait3A_33 : memref<1x40x128xi32, #tpu.memory_space<hbm>> -> memref<40x128xi32, #tpu.memory_space<hbm>>
      tpu.wait_dma2 semaphore(%run_scoped3A : memref<!tpu.dma_semaphore, #tpu.memory_space<semaphore_mem>>) src(%dma_wait3A_34 : memref<40x128xi32, #tpu.memory_space<hbm>>) dst(%arg7 : memref<40x128xi32, #tpu.memory_space<vmem>>)
      tpu.yield
    }) : () -> ()
    "tpu.region"() ({
      %run_scoped3A = tpu.sem_alloc : memref<!tpu.dma_semaphore, #tpu.memory_space<semaphore_mem>>
      %dma_start3A = arith.constant 0 : i32
      %dma_start3A_21 = arith.constant 0 : i32
      %dma_start3A_22 = tpu.memref_slice %arg4[%add3A, %dma_start3A, %dma_start3A_21] : memref<32x80x128xi32, #tpu.memory_space<hbm>> -> memref<1x40x128xi32, #tpu.memory_space<hbm>>
      %dma_start3A_23 = tpu.memref_squeeze %dma_start3A_22 : memref<1x40x128xi32, #tpu.memory_space<hbm>> -> memref<40x128xi32, #tpu.memory_space<hbm>>
      %dma_start3A_24 = arith.constant 0 : i32
      %dma_start3A_25 = arith.constant 0 : i32
      %dma_start3A_26 = tpu.memref_slice %arg4[%add3A, %dma_start3A_24, %dma_start3A_25] : memref<32x80x128xi32, #tpu.memory_space<hbm>> -> memref<1x40x128xi32, #tpu.memory_space<hbm>>
      %dma_start3A_27 = tpu.memref_squeeze %dma_start3A_26 : memref<1x40x128xi32, #tpu.memory_space<hbm>> -> memref<40x128xi32, #tpu.memory_space<hbm>>
      tpu.enqueue_dma source(%dma_start3A_27 : memref<40x128xi32, #tpu.memory_space<hbm>>) target(%arg8 : memref<40x128xi32, #tpu.memory_space<vmem>>) target_semaphore(%run_scoped3A : memref<!tpu.dma_semaphore, #tpu.memory_space<semaphore_mem>>)
      %dma_wait3A = arith.constant 0 : i32
      %dma_wait3A_28 = arith.constant 0 : i32
      %dma_wait3A_29 = tpu.memref_slice %arg4[%add3A, %dma_wait3A, %dma_wait3A_28] : memref<32x80x128xi32, #tpu.memory_space<hbm>> -> memref<1x40x128xi32, #tpu.memory_space<hbm>>
      %dma_wait3A_30 = tpu.memref_squeeze %dma_wait3A_29 : memref<1x40x128xi32, #tpu.memory_space<hbm>> -> memref<40x128xi32, #tpu.memory_space<hbm>>
      %dma_wait3A_31 = arith.constant 0 : i32
      %dma_wait3A_32 = arith.constant 0 : i32
      %dma_wait3A_33 = tpu.memref_slice %arg4[%add3A, %dma_wait3A_31, %dma_wait3A_32] : memref<32x80x128xi32, #tpu.memory_space<hbm>> -> memref<1x40x128xi32, #tpu.memory_space<hbm>>
      %dma_wait3A_34 = tpu.memref_squeeze %dma_wait3A_33 : memref<1x40x128xi32, #tpu.memory_space<hbm>> -> memref<40x128xi32, #tpu.memory_space<hbm>>
      tpu.wait_dma2 semaphore(%run_scoped3A : memref<!tpu.dma_semaphore, #tpu.memory_space<semaphore_mem>>) src(%dma_wait3A_34 : memref<40x128xi32, #tpu.memory_space<hbm>>) dst(%arg8 : memref<40x128xi32, #tpu.memory_space<vmem>>)
      tpu.yield
    }) : () -> ()
    %scan3A = arith.constant 0 : i32
    %scan3A_5 = arith.constant 0 : i32
    %scan3A_6 = arith.constant 20 : i32
    %scan3A_7 = arith.addi %scan3A_5, %scan3A_6 : i32
    %scan3A_8 = arith.constant 1 : i32
    scf.for %scan3A_21 = %scan3A_5 to %scan3A_7 step %scan3A_8  : i32 {
      %mul3A_22 = arith.constant 2 : i32
      %mul3A_23 = arith.muli %scan3A_21, %mul3A_22 : i32
      %add3A_24 = arith.constant 0 : i32
      %add3A_25 = arith.addi %mul3A_23, %add3A_24 : i32
      %dma_start3A = arith.constant 0 : i32
      %dma_start3A_26 = arith.constant 0 : i32
      %dma_start3A_27 = arith.constant 0 : i32
      %dma_start3A_28 = tpu.memref_slice %arg9[%dma_start3A, %dma_start3A_26, %dma_start3A_27] : memref<2x128x128xf32, #tpu.memory_space<vmem>> -> memref<1x128x128xf32, #tpu.memory_space<vmem>>
      %dma_start3A_29 = tpu.memref_squeeze %dma_start3A_28 : memref<1x128x128xf32, #tpu.memory_space<vmem>> -> memref<128x128xf32, #tpu.memory_space<vmem>>
      %dma_start3A_30 = arith.constant 0 : i32
      %dma_start3A_31 = tpu.memref_slice %arg7[%add3A_25, %dma_start3A_30] : memref<40x128xi32, #tpu.memory_space<vmem>> -> memref<1x128xi32, #tpu.memory_space<vmem>>
      %dma_start3A_32 = tpu.memref_squeeze %dma_start3A_31 : memref<1x128xi32, #tpu.memory_space<vmem>> -> memref<128xi32, #tpu.memory_space<vmem>>
      %dma_start3A_33 = arith.constant 0 : i32
      %dma_start3A_34 = arith.constant 0 : i32
      %dma_start3A_35 = tpu.memref_slice %arg2[%dma_start3A_33, %dma_start3A_34] : memref<10240x128xf32, #tpu.memory_space<hbm>> -> memref<10240x128xf32, #tpu.memory_space<hbm>>
      tpu.enqueue_indirect_dma source(%dma_start3A_35 : memref<10240x128xf32, #tpu.memory_space<hbm>>) target(%dma_start3A_29 : memref<128x128xf32, #tpu.memory_space<vmem>>) offsets(%dma_start3A_32 : memref<128xi32, #tpu.memory_space<vmem>>) semaphore(%arg11 : memref<!tpu.dma_semaphore, #tpu.memory_space<semaphore_mem>>)
      %add3A_36 = arith.constant 1 : i32
      %add3A_37 = arith.addi %mul3A_23, %add3A_36 : i32
      %dma_start3A_38 = arith.constant 1 : i32
      %dma_start3A_39 = arith.constant 0 : i32
      %dma_start3A_40 = arith.constant 0 : i32
      %dma_start3A_41 = tpu.memref_slice %arg9[%dma_start3A_38, %dma_start3A_39, %dma_start3A_40] : memref<2x128x128xf32, #tpu.memory_space<vmem>> -> memref<1x128x128xf32, #tpu.memory_space<vmem>>
      %dma_start3A_42 = tpu.memref_squeeze %dma_start3A_41 : memref<1x128x128xf32, #tpu.memory_space<vmem>> -> memref<128x128xf32, #tpu.memory_space<vmem>>
      %dma_start3A_43 = arith.constant 0 : i32
      %dma_start3A_44 = tpu.memref_slice %arg7[%add3A_37, %dma_start3A_43] : memref<40x128xi32, #tpu.memory_space<vmem>> -> memref<1x128xi32, #tpu.memory_space<vmem>>
      %dma_start3A_45 = tpu.memref_squeeze %dma_start3A_44 : memref<1x128xi32, #tpu.memory_space<vmem>> -> memref<128xi32, #tpu.memory_space<vmem>>
      %dma_start3A_46 = arith.constant 0 : i32
      %dma_start3A_47 = arith.constant 0 : i32
      %dma_start3A_48 = tpu.memref_slice %arg2[%dma_start3A_46, %dma_start3A_47] : memref<10240x128xf32, #tpu.memory_space<hbm>> -> memref<10240x128xf32, #tpu.memory_space<hbm>>
      tpu.enqueue_indirect_dma source(%dma_start3A_48 : memref<10240x128xf32, #tpu.memory_space<hbm>>) target(%dma_start3A_42 : memref<128x128xf32, #tpu.memory_space<vmem>>) offsets(%dma_start3A_45 : memref<128xi32, #tpu.memory_space<vmem>>) semaphore(%arg12 : memref<!tpu.dma_semaphore, #tpu.memory_space<semaphore_mem>>)
      %dma_wait3A = arith.constant 0 : i32
      %dma_wait3A_49 = arith.constant 0 : i32
      %dma_wait3A_50 = arith.constant 0 : i32
      %dma_wait3A_51 = tpu.memref_slice %arg9[%dma_wait3A, %dma_wait3A_49, %dma_wait3A_50] : memref<2x128x128xf32, #tpu.memory_space<vmem>> -> memref<1x128x128xf32, #tpu.memory_space<vmem>>
      %dma_wait3A_52 = tpu.memref_squeeze %dma_wait3A_51 : memref<1x128x128xf32, #tpu.memory_space<vmem>> -> memref<128x128xf32, #tpu.memory_space<vmem>>
      %dma_wait3A_53 = arith.constant 0 : i32
      %dma_wait3A_54 = tpu.memref_slice %arg7[%add3A_25, %dma_wait3A_53] : memref<40x128xi32, #tpu.memory_space<vmem>> -> memref<1x128xi32, #tpu.memory_space<vmem>>
      %dma_wait3A_55 = tpu.memref_squeeze %dma_wait3A_54 : memref<1x128xi32, #tpu.memory_space<vmem>> -> memref<128xi32, #tpu.memory_space<vmem>>
      %dma_wait3A_56 = arith.constant 0 : i32
      %dma_wait3A_57 = arith.constant 0 : i32
      %dma_wait3A_58 = tpu.memref_slice %arg2[%dma_wait3A_56, %dma_wait3A_57] : memref<10240x128xf32, #tpu.memory_space<hbm>> -> memref<10240x128xf32, #tpu.memory_space<hbm>>
      tpu.wait_indirect_dma semaphore(%arg11 : memref<!tpu.dma_semaphore, #tpu.memory_space<semaphore_mem>>) src(%dma_wait3A_58 : memref<10240x128xf32, #tpu.memory_space<hbm>>) dst(%dma_wait3A_52 : memref<128x128xf32, #tpu.memory_space<vmem>>)
      %add3A_59 = arith.constant 0 : i32
      %add3A_60 = arith.addi %mul3A_23, %add3A_59 : i32
      %dma_start3A_61 = arith.constant 0 : i32
      %dma_start3A_62 = arith.constant 0 : i32
      %dma_start3A_63 = arith.constant 0 : i32
      %dma_start3A_64 = tpu.memref_slice %arg9[%dma_start3A_61, %dma_start3A_62, %dma_start3A_63] : memref<2x128x128xf32, #tpu.memory_space<vmem>> -> memref<1x128x128xf32, #tpu.memory_space<vmem>>
      %dma_start3A_65 = tpu.memref_squeeze %dma_start3A_64 : memref<1x128x128xf32, #tpu.memory_space<vmem>> -> memref<128x128xf32, #tpu.memory_space<vmem>>
      %dma_start3A_66 = arith.constant 0 : i32
      %dma_start3A_67 = tpu.memref_slice %arg8[%add3A_60, %dma_start3A_66] : memref<40x128xi32, #tpu.memory_space<vmem>> -> memref<1x128xi32, #tpu.memory_space<vmem>>
      %dma_start3A_68 = tpu.memref_squeeze %dma_start3A_67 : memref<1x128xi32, #tpu.memory_space<vmem>> -> memref<128xi32, #tpu.memory_space<vmem>>
      %dma_start3A_69 = arith.constant 0 : i32
      %dma_start3A_70 = arith.constant 0 : i32
      %dma_start3A_71 = tpu.memref_slice %arg10[%dma_start3A_69, %dma_start3A_70] : memref<10240x128xf32, #tpu.memory_space<vmem_shared>> -> memref<10240x128xf32, #tpu.memory_space<vmem_shared>>
      tpu.enqueue_indirect_dma source(%dma_start3A_65 : memref<128x128xf32, #tpu.memory_space<vmem>>) target(%dma_start3A_71 : memref<10240x128xf32, #tpu.memory_space<vmem_shared>>) offsets(%dma_start3A_68 : memref<128xi32, #tpu.memory_space<vmem>>) semaphore(%arg13 : memref<!tpu.dma_semaphore, #tpu.memory_space<semaphore_mem>>) {add = true}
      %dma_wait3A_72 = arith.constant 1 : i32
      %dma_wait3A_73 = arith.constant 0 : i32
      %dma_wait3A_74 = arith.constant 0 : i32
      %dma_wait3A_75 = tpu.memref_slice %arg9[%dma_wait3A_72, %dma_wait3A_73, %dma_wait3A_74] : memref<2x128x128xf32, #tpu.memory_space<vmem>> -> memref<1x128x128xf32, #tpu.memory_space<vmem>>
      %dma_wait3A_76 = tpu.memref_squeeze %dma_wait3A_75 : memref<1x128x128xf32, #tpu.memory_space<vmem>> -> memref<128x128xf32, #tpu.memory_space<vmem>>
      %dma_wait3A_77 = arith.constant 0 : i32
      %dma_wait3A_78 = tpu.memref_slice %arg7[%add3A_37, %dma_wait3A_77] : memref<40x128xi32, #tpu.memory_space<vmem>> -> memref<1x128xi32, #tpu.memory_space<vmem>>
      %dma_wait3A_79 = tpu.memref_squeeze %dma_wait3A_78 : memref<1x128xi32, #tpu.memory_space<vmem>> -> memref<128xi32, #tpu.memory_space<vmem>>
      %dma_wait3A_80 = arith.constant 0 : i32
      %dma_wait3A_81 = arith.constant 0 : i32
      %dma_wait3A_82 = tpu.memref_slice %arg2[%dma_wait3A_80, %dma_wait3A_81] : memref<10240x128xf32, #tpu.memory_space<hbm>> -> memref<10240x128xf32, #tpu.memory_space<hbm>>
      tpu.wait_indirect_dma semaphore(%arg12 : memref<!tpu.dma_semaphore, #tpu.memory_space<semaphore_mem>>) src(%dma_wait3A_82 : memref<10240x128xf32, #tpu.memory_space<hbm>>) dst(%dma_wait3A_76 : memref<128x128xf32, #tpu.memory_space<vmem>>)
      %add3A_83 = arith.constant 1 : i32
      %add3A_84 = arith.addi %mul3A_23, %add3A_83 : i32
      %dma_start3A_85 = arith.constant 1 : i32
      %dma_start3A_86 = arith.constant 0 : i32
      %dma_start3A_87 = arith.constant 0 : i32
      %dma_start3A_88 = tpu.memref_slice %arg9[%dma_start3A_85, %dma_start3A_86, %dma_start3A_87] : memref<2x128x128xf32, #tpu.memory_space<vmem>> -> memref<1x128x128xf32, #tpu.memory_space<vmem>>
      %dma_start3A_89 = tpu.memref_squeeze %dma_start3A_88 : memref<1x128x128xf32, #tpu.memory_space<vmem>> -> memref<128x128xf32, #tpu.memory_space<vmem>>
      %dma_start3A_90 = arith.constant 0 : i32
      %dma_start3A_91 = tpu.memref_slice %arg8[%add3A_84, %dma_start3A_90] : memref<40x128xi32, #tpu.memory_space<vmem>> -> memref<1x128xi32, #tpu.memory_space<vmem>>
      %dma_start3A_92 = tpu.memref_squeeze %dma_start3A_91 : memref<1x128xi32, #tpu.memory_space<vmem>> -> memref<128xi32, #tpu.memory_space<vmem>>
      %dma_start3A_93 = arith.constant 0 : i32
      %dma_start3A_94 = arith.constant 0 : i32
      %dma_start3A_95 = tpu.memref_slice %arg10[%dma_start3A_93, %dma_start3A_94] : memref<10240x128xf32, #tpu.memory_space<vmem_shared>> -> memref<10240x128xf32, #tpu.memory_space<vmem_shared>>
      tpu.enqueue_indirect_dma source(%dma_start3A_89 : memref<128x128xf32, #tpu.memory_space<vmem>>) target(%dma_start3A_95 : memref<10240x128xf32, #tpu.memory_space<vmem_shared>>) offsets(%dma_start3A_92 : memref<128xi32, #tpu.memory_space<vmem>>) semaphore(%arg14 : memref<!tpu.dma_semaphore, #tpu.memory_space<semaphore_mem>>) {add = true}
      %dma_wait3A_96 = arith.constant 0 : i32
      %dma_wait3A_97 = arith.constant 0 : i32
      %dma_wait3A_98 = arith.constant 0 : i32
      %dma_wait3A_99 = tpu.memref_slice %arg9[%dma_wait3A_96, %dma_wait3A_97, %dma_wait3A_98] : memref<2x128x128xf32, #tpu.memory_space<vmem>> -> memref<1x128x128xf32, #tpu.memory_space<vmem>>
      %dma_wait3A_100 = tpu.memref_squeeze %dma_wait3A_99 : memref<1x128x128xf32, #tpu.memory_space<vmem>> -> memref<128x128xf32, #tpu.memory_space<vmem>>
      %dma_wait3A_101 = arith.constant 0 : i32
      %dma_wait3A_102 = tpu.memref_slice %arg8[%add3A_60, %dma_wait3A_101] : memref<40x128xi32, #tpu.memory_space<vmem>> -> memref<1x128xi32, #tpu.memory_space<vmem>>
      %dma_wait3A_103 = tpu.memref_squeeze %dma_wait3A_102 : memref<1x128xi32, #tpu.memory_space<vmem>> -> memref<128xi32, #tpu.memory_space<vmem>>
      %dma_wait3A_104 = arith.constant 0 : i32
      %dma_wait3A_105 = arith.constant 0 : i32
      %dma_wait3A_106 = tpu.memref_slice %arg10[%dma_wait3A_104, %dma_wait3A_105] : memref<10240x128xf32, #tpu.memory_space<vmem_shared>> -> memref<10240x128xf32, #tpu.memory_space<vmem_shared>>
      tpu.wait_indirect_dma semaphore(%arg13 : memref<!tpu.dma_semaphore, #tpu.memory_space<semaphore_mem>>) src(%dma_wait3A_100 : memref<128x128xf32, #tpu.memory_space<vmem>>) dst(%dma_wait3A_106 : memref<10240x128xf32, #tpu.memory_space<vmem_shared>>)
      %dma_wait3A_107 = arith.constant 1 : i32
      %dma_wait3A_108 = arith.constant 0 : i32
      %dma_wait3A_109 = arith.constant 0 : i32
      %dma_wait3A_110 = tpu.memref_slice %arg9[%dma_wait3A_107, %dma_wait3A_108, %dma_wait3A_109] : memref<2x128x128xf32, #tpu.memory_space<vmem>> -> memref<1x128x128xf32, #tpu.memory_space<vmem>>
      %dma_wait3A_111 = tpu.memref_squeeze %dma_wait3A_110 : memref<1x128x128xf32, #tpu.memory_space<vmem>> -> memref<128x128xf32, #tpu.memory_space<vmem>>
      %dma_wait3A_112 = arith.constant 0 : i32
      %dma_wait3A_113 = tpu.memref_slice %arg8[%add3A_84, %dma_wait3A_112] : memref<40x128xi32, #tpu.memory_space<vmem>> -> memref<1x128xi32, #tpu.memory_space<vmem>>
      %dma_wait3A_114 = tpu.memref_squeeze %dma_wait3A_113 : memref<1x128xi32, #tpu.memory_space<vmem>> -> memref<128xi32, #tpu.memory_space<vmem>>
      %dma_wait3A_115 = arith.constant 0 : i32
      %dma_wait3A_116 = arith.constant 0 : i32
      %dma_wait3A_117 = tpu.memref_slice %arg10[%dma_wait3A_115, %dma_wait3A_116] : memref<10240x128xf32, #tpu.memory_space<vmem_shared>> -> memref<10240x128xf32, #tpu.memory_space<vmem_shared>>
      tpu.wait_indirect_dma semaphore(%arg14 : memref<!tpu.dma_semaphore, #tpu.memory_space<semaphore_mem>>) src(%dma_wait3A_111 : memref<128x128xf32, #tpu.memory_space<vmem>>) dst(%dma_wait3A_117 : memref<10240x128xf32, #tpu.memory_space<vmem_shared>>)
    }
    %scan3A_9 = arith.constant 20 : i32
    "tpu.region"() ({
      %run_scoped3A = tpu.sem_alloc : memref<!tpu.dma_semaphore, #tpu.memory_space<semaphore_mem>>
      %dma_start3A = arith.constant 40 : i32
      %dma_start3A_21 = arith.constant 0 : i32
      %dma_start3A_22 = tpu.memref_slice %arg3[%add3A, %dma_start3A, %dma_start3A_21] : memref<32x80x128xi32, #tpu.memory_space<hbm>> -> memref<1x40x128xi32, #tpu.memory_space<hbm>>
      %dma_start3A_23 = tpu.memref_squeeze %dma_start3A_22 : memref<1x40x128xi32, #tpu.memory_space<hbm>> -> memref<40x128xi32, #tpu.memory_space<hbm>>
      %dma_start3A_24 = arith.constant 40 : i32
      %dma_start3A_25 = arith.constant 0 : i32
      %dma_start3A_26 = tpu.memref_slice %arg3[%add3A, %dma_start3A_24, %dma_start3A_25] : memref<32x80x128xi32, #tpu.memory_space<hbm>> -> memref<1x40x128xi32, #tpu.memory_space<hbm>>
      %dma_start3A_27 = tpu.memref_squeeze %dma_start3A_26 : memref<1x40x128xi32, #tpu.memory_space<hbm>> -> memref<40x128xi32, #tpu.memory_space<hbm>>
      tpu.enqueue_dma source(%dma_start3A_27 : memref<40x128xi32, #tpu.memory_space<hbm>>) target(%arg7 : memref<40x128xi32, #tpu.memory_space<vmem>>) target_semaphore(%run_scoped3A : memref<!tpu.dma_semaphore, #tpu.memory_space<semaphore_mem>>)
      %dma_wait3A = arith.constant 40 : i32
      %dma_wait3A_28 = arith.constant 0 : i32
      %dma_wait3A_29 = tpu.memref_slice %arg3[%add3A, %dma_wait3A, %dma_wait3A_28] : memref<32x80x128xi32, #tpu.memory_space<hbm>> -> memref<1x40x128xi32, #tpu.memory_space<hbm>>
      %dma_wait3A_30 = tpu.memref_squeeze %dma_wait3A_29 : memref<1x40x128xi32, #tpu.memory_space<hbm>> -> memref<40x128xi32, #tpu.memory_space<hbm>>
      %dma_wait3A_31 = arith.constant 40 : i32
      %dma_wait3A_32 = arith.constant 0 : i32
      %dma_wait3A_33 = tpu.memref_slice %arg3[%add3A, %dma_wait3A_31, %dma_wait3A_32] : memref<32x80x128xi32, #tpu.memory_space<hbm>> -> memref<1x40x128xi32, #tpu.memory_space<hbm>>
      %dma_wait3A_34 = tpu.memref_squeeze %dma_wait3A_33 : memref<1x40x128xi32, #tpu.memory_space<hbm>> -> memref<40x128xi32, #tpu.memory_space<hbm>>
      tpu.wait_dma2 semaphore(%run_scoped3A : memref<!tpu.dma_semaphore, #tpu.memory_space<semaphore_mem>>) src(%dma_wait3A_34 : memref<40x128xi32, #tpu.memory_space<hbm>>) dst(%arg7 : memref<40x128xi32, #tpu.memory_space<vmem>>)
      tpu.yield
    }) : () -> ()
    "tpu.region"() ({
      %run_scoped3A = tpu.sem_alloc : memref<!tpu.dma_semaphore, #tpu.memory_space<semaphore_mem>>
      %dma_start3A = arith.constant 40 : i32
      %dma_start3A_21 = arith.constant 0 : i32
      %dma_start3A_22 = tpu.memref_slice %arg4[%add3A, %dma_start3A, %dma_start3A_21] : memref<32x80x128xi32, #tpu.memory_space<hbm>> -> memref<1x40x128xi32, #tpu.memory_space<hbm>>
      %dma_start3A_23 = tpu.memref_squeeze %dma_start3A_22 : memref<1x40x128xi32, #tpu.memory_space<hbm>> -> memref<40x128xi32, #tpu.memory_space<hbm>>
      %dma_start3A_24 = arith.constant 40 : i32
      %dma_start3A_25 = arith.constant 0 : i32
      %dma_start3A_26 = tpu.memref_slice %arg4[%add3A, %dma_start3A_24, %dma_start3A_25] : memref<32x80x128xi32, #tpu.memory_space<hbm>> -> memref<1x40x128xi32, #tpu.memory_space<hbm>>
      %dma_start3A_27 = tpu.memref_squeeze %dma_start3A_26 : memref<1x40x128xi32, #tpu.memory_space<hbm>> -> memref<40x128xi32, #tpu.memory_space<hbm>>
      tpu.enqueue_dma source(%dma_start3A_27 : memref<40x128xi32, #tpu.memory_space<hbm>>) target(%arg8 : memref<40x128xi32, #tpu.memory_space<vmem>>) target_semaphore(%run_scoped3A : memref<!tpu.dma_semaphore, #tpu.memory_space<semaphore_mem>>)
      %dma_wait3A = arith.constant 40 : i32
      %dma_wait3A_28 = arith.constant 0 : i32
      %dma_wait3A_29 = tpu.memref_slice %arg4[%add3A, %dma_wait3A, %dma_wait3A_28] : memref<32x80x128xi32, #tpu.memory_space<hbm>> -> memref<1x40x128xi32, #tpu.memory_space<hbm>>
      %dma_wait3A_30 = tpu.memref_squeeze %dma_wait3A_29 : memref<1x40x128xi32, #tpu.memory_space<hbm>> -> memref<40x128xi32, #tpu.memory_space<hbm>>
      %dma_wait3A_31 = arith.constant 40 : i32
      %dma_wait3A_32 = arith.constant 0 : i32
      %dma_wait3A_33 = tpu.memref_slice %arg4[%add3A, %dma_wait3A_31, %dma_wait3A_32] : memref<32x80x128xi32, #tpu.memory_space<hbm>> -> memref<1x40x128xi32, #tpu.memory_space<hbm>>
      %dma_wait3A_34 = tpu.memref_squeeze %dma_wait3A_33 : memref<1x40x128xi32, #tpu.memory_space<hbm>> -> memref<40x128xi32, #tpu.memory_space<hbm>>
      tpu.wait_dma2 semaphore(%run_scoped3A : memref<!tpu.dma_semaphore, #tpu.memory_space<semaphore_mem>>) src(%dma_wait3A_34 : memref<40x128xi32, #tpu.memory_space<hbm>>) dst(%arg8 : memref<40x128xi32, #tpu.memory_space<vmem>>)
      tpu.yield
    }) : () -> ()
    %scan3A_10 = arith.constant 0 : i32
    %scan3A_11 = arith.constant 0 : i32
    %scan3A_12 = arith.constant 20 : i32
    %scan3A_13 = arith.addi %scan3A_11, %scan3A_12 : i32
    %scan3A_14 = arith.constant 1 : i32
    scf.for %scan3A_21 = %scan3A_11 to %scan3A_13 step %scan3A_14  : i32 {
      %mul3A_22 = arith.constant 2 : i32
      %mul3A_23 = arith.muli %scan3A_21, %mul3A_22 : i32
      %add3A_24 = arith.constant 0 : i32
      %add3A_25 = arith.addi %mul3A_23, %add3A_24 : i32
      %dma_start3A = arith.constant 0 : i32
      %dma_start3A_26 = arith.constant 0 : i32
      %dma_start3A_27 = arith.constant 0 : i32
      %dma_start3A_28 = tpu.memref_slice %arg9[%dma_start3A, %dma_start3A_26, %dma_start3A_27] : memref<2x128x128xf32, #tpu.memory_space<vmem>> -> memref<1x128x128xf32, #tpu.memory_space<vmem>>
      %dma_start3A_29 = tpu.memref_squeeze %dma_start3A_28 : memref<1x128x128xf32, #tpu.memory_space<vmem>> -> memref<128x128xf32, #tpu.memory_space<vmem>>
      %dma_start3A_30 = arith.constant 0 : i32
      %dma_start3A_31 = tpu.memref_slice %arg7[%add3A_25, %dma_start3A_30] : memref<40x128xi32, #tpu.memory_space<vmem>> -> memref<1x128xi32, #tpu.memory_space<vmem>>
      %dma_start3A_32 = tpu.memref_squeeze %dma_start3A_31 : memref<1x128xi32, #tpu.memory_space<vmem>> -> memref<128xi32, #tpu.memory_space<vmem>>
      %dma_start3A_33 = arith.constant 0 : i32
      %dma_start3A_34 = arith.constant 0 : i32
      %dma_start3A_35 = tpu.memref_slice %arg2[%dma_start3A_33, %dma_start3A_34] : memref<10240x128xf32, #tpu.memory_space<hbm>> -> memref<10240x128xf32, #tpu.memory_space<hbm>>
      tpu.enqueue_indirect_dma source(%dma_start3A_35 : memref<10240x128xf32, #tpu.memory_space<hbm>>) target(%dma_start3A_29 : memref<128x128xf32, #tpu.memory_space<vmem>>) offsets(%dma_start3A_32 : memref<128xi32, #tpu.memory_space<vmem>>) semaphore(%arg11 : memref<!tpu.dma_semaphore, #tpu.memory_space<semaphore_mem>>)
      %add3A_36 = arith.constant 1 : i32
      %add3A_37 = arith.addi %mul3A_23, %add3A_36 : i32
      %dma_start3A_38 = arith.constant 1 : i32
      %dma_start3A_39 = arith.constant 0 : i32
      %dma_start3A_40 = arith.constant 0 : i32
      %dma_start3A_41 = tpu.memref_slice %arg9[%dma_start3A_38, %dma_start3A_39, %dma_start3A_40] : memref<2x128x128xf32, #tpu.memory_space<vmem>> -> memref<1x128x128xf32, #tpu.memory_space<vmem>>
      %dma_start3A_42 = tpu.memref_squeeze %dma_start3A_41 : memref<1x128x128xf32, #tpu.memory_space<vmem>> -> memref<128x128xf32, #tpu.memory_space<vmem>>
      %dma_start3A_43 = arith.constant 0 : i32
      %dma_start3A_44 = tpu.memref_slice %arg7[%add3A_37, %dma_start3A_43] : memref<40x128xi32, #tpu.memory_space<vmem>> -> memref<1x128xi32, #tpu.memory_space<vmem>>
      %dma_start3A_45 = tpu.memref_squeeze %dma_start3A_44 : memref<1x128xi32, #tpu.memory_space<vmem>> -> memref<128xi32, #tpu.memory_space<vmem>>
      %dma_start3A_46 = arith.constant 0 : i32
      %dma_start3A_47 = arith.constant 0 : i32
      %dma_start3A_48 = tpu.memref_slice %arg2[%dma_start3A_46, %dma_start3A_47] : memref<10240x128xf32, #tpu.memory_space<hbm>> -> memref<10240x128xf32, #tpu.memory_space<hbm>>
      tpu.enqueue_indirect_dma source(%dma_start3A_48 : memref<10240x128xf32, #tpu.memory_space<hbm>>) target(%dma_start3A_42 : memref<128x128xf32, #tpu.memory_space<vmem>>) offsets(%dma_start3A_45 : memref<128xi32, #tpu.memory_space<vmem>>) semaphore(%arg12 : memref<!tpu.dma_semaphore, #tpu.memory_space<semaphore_mem>>)
      %dma_wait3A = arith.constant 0 : i32
      %dma_wait3A_49 = arith.constant 0 : i32
      %dma_wait3A_50 = arith.constant 0 : i32
      %dma_wait3A_51 = tpu.memref_slice %arg9[%dma_wait3A, %dma_wait3A_49, %dma_wait3A_50] : memref<2x128x128xf32, #tpu.memory_space<vmem>> -> memref<1x128x128xf32, #tpu.memory_space<vmem>>
      %dma_wait3A_52 = tpu.memref_squeeze %dma_wait3A_51 : memref<1x128x128xf32, #tpu.memory_space<vmem>> -> memref<128x128xf32, #tpu.memory_space<vmem>>
      %dma_wait3A_53 = arith.constant 0 : i32
      %dma_wait3A_54 = tpu.memref_slice %arg7[%add3A_25, %dma_wait3A_53] : memref<40x128xi32, #tpu.memory_space<vmem>> -> memref<1x128xi32, #tpu.memory_space<vmem>>
      %dma_wait3A_55 = tpu.memref_squeeze %dma_wait3A_54 : memref<1x128xi32, #tpu.memory_space<vmem>> -> memref<128xi32, #tpu.memory_space<vmem>>
      %dma_wait3A_56 = arith.constant 0 : i32
      %dma_wait3A_57 = arith.constant 0 : i32
      %dma_wait3A_58 = tpu.memref_slice %arg2[%dma_wait3A_56, %dma_wait3A_57] : memref<10240x128xf32, #tpu.memory_space<hbm>> -> memref<10240x128xf32, #tpu.memory_space<hbm>>
      tpu.wait_indirect_dma semaphore(%arg11 : memref<!tpu.dma_semaphore, #tpu.memory_space<semaphore_mem>>) src(%dma_wait3A_58 : memref<10240x128xf32, #tpu.memory_space<hbm>>) dst(%dma_wait3A_52 : memref<128x128xf32, #tpu.memory_space<vmem>>)
      %add3A_59 = arith.constant 0 : i32
      %add3A_60 = arith.addi %mul3A_23, %add3A_59 : i32
      %dma_start3A_61 = arith.constant 0 : i32
      %dma_start3A_62 = arith.constant 0 : i32
      %dma_start3A_63 = arith.constant 0 : i32
      %dma_start3A_64 = tpu.memref_slice %arg9[%dma_start3A_61, %dma_start3A_62, %dma_start3A_63] : memref<2x128x128xf32, #tpu.memory_space<vmem>> -> memref<1x128x128xf32, #tpu.memory_space<vmem>>
      %dma_start3A_65 = tpu.memref_squeeze %dma_start3A_64 : memref<1x128x128xf32, #tpu.memory_space<vmem>> -> memref<128x128xf32, #tpu.memory_space<vmem>>
      %dma_start3A_66 = arith.constant 0 : i32
      %dma_start3A_67 = tpu.memref_slice %arg8[%add3A_60, %dma_start3A_66] : memref<40x128xi32, #tpu.memory_space<vmem>> -> memref<1x128xi32, #tpu.memory_space<vmem>>
      %dma_start3A_68 = tpu.memref_squeeze %dma_start3A_67 : memref<1x128xi32, #tpu.memory_space<vmem>> -> memref<128xi32, #tpu.memory_space<vmem>>
      %dma_start3A_69 = arith.constant 0 : i32
      %dma_start3A_70 = arith.constant 0 : i32
      %dma_start3A_71 = tpu.memref_slice %arg10[%dma_start3A_69, %dma_start3A_70] : memref<10240x128xf32, #tpu.memory_space<vmem_shared>> -> memref<10240x128xf32, #tpu.memory_space<vmem_shared>>
      tpu.enqueue_indirect_dma source(%dma_start3A_65 : memref<128x128xf32, #tpu.memory_space<vmem>>) target(%dma_start3A_71 : memref<10240x128xf32, #tpu.memory_space<vmem_shared>>) offsets(%dma_start3A_68 : memref<128xi32, #tpu.memory_space<vmem>>) semaphore(%arg13 : memref<!tpu.dma_semaphore, #tpu.memory_space<semaphore_mem>>) {add = true}
      %dma_wait3A_72 = arith.constant 1 : i32
      %dma_wait3A_73 = arith.constant 0 : i32
      %dma_wait3A_74 = arith.constant 0 : i32
      %dma_wait3A_75 = tpu.memref_slice %arg9[%dma_wait3A_72, %dma_wait3A_73, %dma_wait3A_74] : memref<2x128x128xf32, #tpu.memory_space<vmem>> -> memref<1x128x128xf32, #tpu.memory_space<vmem>>
      %dma_wait3A_76 = tpu.memref_squeeze %dma_wait3A_75 : memref<1x128x128xf32, #tpu.memory_space<vmem>> -> memref<128x128xf32, #tpu.memory_space<vmem>>
      %dma_wait3A_77 = arith.constant 0 : i32
      %dma_wait3A_78 = tpu.memref_slice %arg7[%add3A_37, %dma_wait3A_77] : memref<40x128xi32, #tpu.memory_space<vmem>> -> memref<1x128xi32, #tpu.memory_space<vmem>>
      %dma_wait3A_79 = tpu.memref_squeeze %dma_wait3A_78 : memref<1x128xi32, #tpu.memory_space<vmem>> -> memref<128xi32, #tpu.memory_space<vmem>>
      %dma_wait3A_80 = arith.constant 0 : i32
      %dma_wait3A_81 = arith.constant 0 : i32
      %dma_wait3A_82 = tpu.memref_slice %arg2[%dma_wait3A_80, %dma_wait3A_81] : memref<10240x128xf32, #tpu.memory_space<hbm>> -> memref<10240x128xf32, #tpu.memory_space<hbm>>
      tpu.wait_indirect_dma semaphore(%arg12 : memref<!tpu.dma_semaphore, #tpu.memory_space<semaphore_mem>>) src(%dma_wait3A_82 : memref<10240x128xf32, #tpu.memory_space<hbm>>) dst(%dma_wait3A_76 : memref<128x128xf32, #tpu.memory_space<vmem>>)
      %add3A_83 = arith.constant 1 : i32
      %add3A_84 = arith.addi %mul3A_23, %add3A_83 : i32
      %dma_start3A_85 = arith.constant 1 : i32
      %dma_start3A_86 = arith.constant 0 : i32
      %dma_start3A_87 = arith.constant 0 : i32
      %dma_start3A_88 = tpu.memref_slice %arg9[%dma_start3A_85, %dma_start3A_86, %dma_start3A_87] : memref<2x128x128xf32, #tpu.memory_space<vmem>> -> memref<1x128x128xf32, #tpu.memory_space<vmem>>
      %dma_start3A_89 = tpu.memref_squeeze %dma_start3A_88 : memref<1x128x128xf32, #tpu.memory_space<vmem>> -> memref<128x128xf32, #tpu.memory_space<vmem>>
      %dma_start3A_90 = arith.constant 0 : i32
      %dma_start3A_91 = tpu.memref_slice %arg8[%add3A_84, %dma_start3A_90] : memref<40x128xi32, #tpu.memory_space<vmem>> -> memref<1x128xi32, #tpu.memory_space<vmem>>
      %dma_start3A_92 = tpu.memref_squeeze %dma_start3A_91 : memref<1x128xi32, #tpu.memory_space<vmem>> -> memref<128xi32, #tpu.memory_space<vmem>>
      %dma_start3A_93 = arith.constant 0 : i32
      %dma_start3A_94 = arith.constant 0 : i32
      %dma_start3A_95 = tpu.memref_slice %arg10[%dma_start3A_93, %dma_start3A_94] : memref<10240x128xf32, #tpu.memory_space<vmem_shared>> -> memref<10240x128xf32, #tpu.memory_space<vmem_shared>>
      tpu.enqueue_indirect_dma source(%dma_start3A_89 : memref<128x128xf32, #tpu.memory_space<vmem>>) target(%dma_start3A_95 : memref<10240x128xf32, #tpu.memory_space<vmem_shared>>) offsets(%dma_start3A_92 : memref<128xi32, #tpu.memory_space<vmem>>) semaphore(%arg14 : memref<!tpu.dma_semaphore, #tpu.memory_space<semaphore_mem>>) {add = true}
      %dma_wait3A_96 = arith.constant 0 : i32
      %dma_wait3A_97 = arith.constant 0 : i32
      %dma_wait3A_98 = arith.constant 0 : i32
      %dma_wait3A_99 = tpu.memref_slice %arg9[%dma_wait3A_96, %dma_wait3A_97, %dma_wait3A_98] : memref<2x128x128xf32, #tpu.memory_space<vmem>> -> memref<1x128x128xf32, #tpu.memory_space<vmem>>
      %dma_wait3A_100 = tpu.memref_squeeze %dma_wait3A_99 : memref<1x128x128xf32, #tpu.memory_space<vmem>> -> memref<128x128xf32, #tpu.memory_space<vmem>>
      %dma_wait3A_101 = arith.constant 0 : i32
      %dma_wait3A_102 = tpu.memref_slice %arg8[%add3A_60, %dma_wait3A_101] : memref<40x128xi32, #tpu.memory_space<vmem>> -> memref<1x128xi32, #tpu.memory_space<vmem>>
      %dma_wait3A_103 = tpu.memref_squeeze %dma_wait3A_102 : memref<1x128xi32, #tpu.memory_space<vmem>> -> memref<128xi32, #tpu.memory_space<vmem>>
      %dma_wait3A_104 = arith.constant 0 : i32
      %dma_wait3A_105 = arith.constant 0 : i32
      %dma_wait3A_106 = tpu.memref_slice %arg10[%dma_wait3A_104, %dma_wait3A_105] : memref<10240x128xf32, #tpu.memory_space<vmem_shared>> -> memref<10240x128xf32, #tpu.memory_space<vmem_shared>>
      tpu.wait_indirect_dma semaphore(%arg13 : memref<!tpu.dma_semaphore, #tpu.memory_space<semaphore_mem>>) src(%dma_wait3A_100 : memref<128x128xf32, #tpu.memory_space<vmem>>) dst(%dma_wait3A_106 : memref<10240x128xf32, #tpu.memory_space<vmem_shared>>)
      %dma_wait3A_107 = arith.constant 1 : i32
      %dma_wait3A_108 = arith.constant 0 : i32
      %dma_wait3A_109 = arith.constant 0 : i32
      %dma_wait3A_110 = tpu.memref_slice %arg9[%dma_wait3A_107, %dma_wait3A_108, %dma_wait3A_109] : memref<2x128x128xf32, #tpu.memory_space<vmem>> -> memref<1x128x128xf32, #tpu.memory_space<vmem>>
      %dma_wait3A_111 = tpu.memref_squeeze %dma_wait3A_110 : memref<1x128x128xf32, #tpu.memory_space<vmem>> -> memref<128x128xf32, #tpu.memory_space<vmem>>
      %dma_wait3A_112 = arith.constant 0 : i32
      %dma_wait3A_113 = tpu.memref_slice %arg8[%add3A_84, %dma_wait3A_112] : memref<40x128xi32, #tpu.memory_space<vmem>> -> memref<1x128xi32, #tpu.memory_space<vmem>>
      %dma_wait3A_114 = tpu.memref_squeeze %dma_wait3A_113 : memref<1x128xi32, #tpu.memory_space<vmem>> -> memref<128xi32, #tpu.memory_space<vmem>>
      %dma_wait3A_115 = arith.constant 0 : i32
      %dma_wait3A_116 = arith.constant 0 : i32
      %dma_wait3A_117 = tpu.memref_slice %arg10[%dma_wait3A_115, %dma_wait3A_116] : memref<10240x128xf32, #tpu.memory_space<vmem_shared>> -> memref<10240x128xf32, #tpu.memory_space<vmem_shared>>
      tpu.wait_indirect_dma semaphore(%arg14 : memref<!tpu.dma_semaphore, #tpu.memory_space<semaphore_mem>>) src(%dma_wait3A_111 : memref<128x128xf32, #tpu.memory_space<vmem>>) dst(%dma_wait3A_117 : memref<10240x128xf32, #tpu.memory_space<vmem_shared>>)
    }
    %scan3A_15 = arith.constant 20 : i32
    %barrier3A_16 = arith.constant 0 : index
    tpu.barrier barrier_id(%barrier3A_16)
    %mul3A_17 = arith.constant 640 : i32
    %mul3A_18 = arith.muli %arg1, %mul3A_17 : i32
    %mul3A_19 = arith.constant 640 : i32
    %mul3A_20 = arith.muli %arg1, %mul3A_19 : i32
    "tpu.region"() ({
      %run_scoped3A = tpu.sem_alloc : memref<!tpu.dma_semaphore, #tpu.memory_space<semaphore_mem>>
      %dma_start3A = arith.constant 0 : i32
      %dma_start3A_21 = tpu.memref_slice %arg6[%arg0, %mul3A_20, %dma_start3A] : memref<2x10240x128xf32, #tpu.memory_space<hbm>> -> memref<1x640x128xf32, #tpu.memory_space<hbm>>
      %dma_start3A_22 = tpu.memref_squeeze %dma_start3A_21 : memref<1x640x128xf32, #tpu.memory_space<hbm>> -> memref<640x128xf32, #tpu.memory_space<hbm>>
      %dma_start3A_23 = arith.constant 0 : i32
      %dma_start3A_24 = tpu.memref_slice %arg10[%mul3A_18, %dma_start3A_23] : memref<10240x128xf32, #tpu.memory_space<vmem_shared>> -> memref<640x128xf32, #tpu.memory_space<vmem_shared>>
      tpu.enqueue_dma source(%dma_start3A_24 : memref<640x128xf32, #tpu.memory_space<vmem_shared>>) target(%dma_start3A_22 : memref<640x128xf32, #tpu.memory_space<hbm>>) target_semaphore(%run_scoped3A : memref<!tpu.dma_semaphore, #tpu.memory_space<semaphore_mem>>)
      %dma_wait3A = arith.constant 0 : i32
      %dma_wait3A_25 = tpu.memref_slice %arg6[%arg0, %mul3A_20, %dma_wait3A] : memref<2x10240x128xf32, #tpu.memory_space<hbm>> -> memref<1x640x128xf32, #tpu.memory_space<hbm>>
      %dma_wait3A_26 = tpu.memref_squeeze %dma_wait3A_25 : memref<1x640x128xf32, #tpu.memory_space<hbm>> -> memref<640x128xf32, #tpu.memory_space<hbm>>
      %dma_wait3A_27 = arith.constant 0 : i32
      %dma_wait3A_28 = tpu.memref_slice %arg10[%mul3A_18, %dma_wait3A_27] : memref<10240x128xf32, #tpu.memory_space<vmem_shared>> -> memref<640x128xf32, #tpu.memory_space<vmem_shared>>
      tpu.wait_dma2 semaphore(%run_scoped3A : memref<!tpu.dma_semaphore, #tpu.memory_space<semaphore_mem>>) src(%dma_wait3A_28 : memref<640x128xf32, #tpu.memory_space<vmem_shared>>) dst(%dma_wait3A_26 : memref<640x128xf32, #tpu.memory_space<hbm>>)
      tpu.yield
    }) : () -> ()
    return
  }
}

#map = affine_map<(d0, d1) -> (0, 0)>
#map1 = affine_map<(d0, d1) -> (0, 0, 0)>
module attributes {stable_mosaic.version = 14 : i64} {
  func.func @pass_k(%arg0: i32, %arg1: i32, %arg2: memref<10240x128xf32, #tpu.memory_space<hbm>>, %arg3: memref<32x80x128xi32, #tpu.memory_space<hbm>>, %arg4: memref<32x80x128xi32, #tpu.memory_space<hbm>>, %arg5: memref<10240x128xf32, #tpu.memory_space<hbm>>, %arg6: memref<2x10240x128xf32, #tpu.memory_space<hbm>>, %arg7: memref<40x128xi32, #tpu.memory_space<vmem>>, %arg8: memref<40x128xi32, #tpu.memory_space<vmem>>, %arg9: memref<2x128x128xf32, #tpu.memory_space<vmem>>, %arg10: memref<10240x128xf32, #tpu.memory_space<vmem_shared>>, %arg11: memref<!tpu.dma_semaphore, #tpu.memory_space<semaphore_mem>>, %arg12: memref<!tpu.dma_semaphore, #tpu.memory_space<semaphore_mem>>, %arg13: memref<!tpu.dma_semaphore, #tpu.memory_space<semaphore_mem>>, %arg14: memref<!tpu.dma_semaphore, #tpu.memory_space<semaphore_mem>>) attributes {dimension_semantics = [#tpu.dimension_semantics<core_parallel>, #tpu.dimension_semantics<subcore_parallel>], iteration_bounds = array<i64: 2, 16>, scalar_prefetch = 0 : i64, scratch_operands = 8 : i64, tpu.core_type = #tpu.core_type<sc_vector_subcore>, window_params = [{transform_indices = #map}, {transform_indices = #map1}, {transform_indices = #map1}, {transform_indices = #map}, {transform_indices = #map1}]} {
    %mul3A = arith.constant 2 : i32
    %mul3A_0 = arith.muli %arg1, %mul3A : i32
    %add3A = arith.addi %mul3A_0, %arg0 : i32
    %mul3A_1 = arith.constant 640 : i32
    %mul3A_2 = arith.muli %arg1, %mul3A_1 : i32
    %mul3A_3 = arith.constant 640 : i32
    %mul3A_4 = arith.muli %arg1, %mul3A_3 : i32
    "tpu.region"() ({
      %run_scoped3A = tpu.sem_alloc : memref<!tpu.dma_semaphore, #tpu.memory_space<semaphore_mem>>
      %dma_start3A = arith.constant 0 : i32
      %dma_start3A_21 = tpu.memref_slice %arg10[%mul3A_4, %dma_start3A] : memref<10240x128xf32, #tpu.memory_space<vmem_shared>> -> memref<640x128xf32, #tpu.memory_space<vmem_shared>>
      %dma_start3A_22 = arith.constant 0 : i32
      %dma_start3A_23 = tpu.memref_slice %arg5[%mul3A_2, %dma_start3A_22] : memref<10240x128xf32, #tpu.memory_space<hbm>> -> memref<640x128xf32, #tpu.memory_space<hbm>>
      tpu.enqueue_dma source(%dma_start3A_23 : memref<640x128xf32, #tpu.memory_space<hbm>>) target(%dma_start3A_21 : memref<640x128xf32, #tpu.memory_space<vmem_shared>>) target_semaphore(%run_scoped3A : memref<!tpu.dma_semaphore, #tpu.memory_space<semaphore_mem>>)
      %dma_wait3A = arith.constant 0 : i32
      %dma_wait3A_24 = tpu.memref_slice %arg10[%mul3A_4, %dma_wait3A] : memref<10240x128xf32, #tpu.memory_space<vmem_shared>> -> memref<640x128xf32, #tpu.memory_space<vmem_shared>>
      %dma_wait3A_25 = arith.constant 0 : i32
      %dma_wait3A_26 = tpu.memref_slice %arg5[%mul3A_2, %dma_wait3A_25] : memref<10240x128xf32, #tpu.memory_space<hbm>> -> memref<640x128xf32, #tpu.memory_space<hbm>>
      tpu.wait_dma2 semaphore(%run_scoped3A : memref<!tpu.dma_semaphore, #tpu.memory_space<semaphore_mem>>) src(%dma_wait3A_26 : memref<640x128xf32, #tpu.memory_space<hbm>>) dst(%dma_wait3A_24 : memref<640x128xf32, #tpu.memory_space<vmem_shared>>)
      tpu.yield
    }) : () -> ()
    %barrier3A = arith.constant 0 : index
    tpu.barrier barrier_id(%barrier3A)
    "tpu.region"() ({
      %run_scoped3A = tpu.sem_alloc : memref<!tpu.dma_semaphore, #tpu.memory_space<semaphore_mem>>
      %dma_start3A = arith.constant 0 : i32
      %dma_start3A_21 = arith.constant 0 : i32
      %dma_start3A_22 = tpu.memref_slice %arg3[%add3A, %dma_start3A, %dma_start3A_21] : memref<32x80x128xi32, #tpu.memory_space<hbm>> -> memref<1x40x128xi32, #tpu.memory_space<hbm>>
      %dma_start3A_23 = tpu.memref_squeeze %dma_start3A_22 : memref<1x40x128xi32, #tpu.memory_space<hbm>> -> memref<40x128xi32, #tpu.memory_space<hbm>>
      %dma_start3A_24 = arith.constant 0 : i32
      %dma_start3A_25 = arith.constant 0 : i32
      %dma_start3A_26 = tpu.memref_slice %arg3[%add3A, %dma_start3A_24, %dma_start3A_25] : memref<32x80x128xi32, #tpu.memory_space<hbm>> -> memref<1x40x128xi32, #tpu.memory_space<hbm>>
      %dma_start3A_27 = tpu.memref_squeeze %dma_start3A_26 : memref<1x40x128xi32, #tpu.memory_space<hbm>> -> memref<40x128xi32, #tpu.memory_space<hbm>>
      tpu.enqueue_dma source(%dma_start3A_27 : memref<40x128xi32, #tpu.memory_space<hbm>>) target(%arg7 : memref<40x128xi32, #tpu.memory_space<vmem>>) target_semaphore(%run_scoped3A : memref<!tpu.dma_semaphore, #tpu.memory_space<semaphore_mem>>)
      %dma_wait3A = arith.constant 0 : i32
      %dma_wait3A_28 = arith.constant 0 : i32
      %dma_wait3A_29 = tpu.memref_slice %arg3[%add3A, %dma_wait3A, %dma_wait3A_28] : memref<32x80x128xi32, #tpu.memory_space<hbm>> -> memref<1x40x128xi32, #tpu.memory_space<hbm>>
      %dma_wait3A_30 = tpu.memref_squeeze %dma_wait3A_29 : memref<1x40x128xi32, #tpu.memory_space<hbm>> -> memref<40x128xi32, #tpu.memory_space<hbm>>
      %dma_wait3A_31 = arith.constant 0 : i32
      %dma_wait3A_32 = arith.constant 0 : i32
      %dma_wait3A_33 = tpu.memref_slice %arg3[%add3A, %dma_wait3A_31, %dma_wait3A_32] : memref<32x80x128xi32, #tpu.memory_space<hbm>> -> memref<1x40x128xi32, #tpu.memory_space<hbm>>
      %dma_wait3A_34 = tpu.memref_squeeze %dma_wait3A_33 : memref<1x40x128xi32, #tpu.memory_space<hbm>> -> memref<40x128xi32, #tpu.memory_space<hbm>>
      tpu.wait_dma2 semaphore(%run_scoped3A : memref<!tpu.dma_semaphore, #tpu.memory_space<semaphore_mem>>) src(%dma_wait3A_34 : memref<40x128xi32, #tpu.memory_space<hbm>>) dst(%arg7 : memref<40x128xi32, #tpu.memory_space<vmem>>)
      tpu.yield
    }) : () -> ()
    "tpu.region"() ({
      %run_scoped3A = tpu.sem_alloc : memref<!tpu.dma_semaphore, #tpu.memory_space<semaphore_mem>>
      %dma_start3A = arith.constant 0 : i32
      %dma_start3A_21 = arith.constant 0 : i32
      %dma_start3A_22 = tpu.memref_slice %arg4[%add3A, %dma_start3A, %dma_start3A_21] : memref<32x80x128xi32, #tpu.memory_space<hbm>> -> memref<1x40x128xi32, #tpu.memory_space<hbm>>
      %dma_start3A_23 = tpu.memref_squeeze %dma_start3A_22 : memref<1x40x128xi32, #tpu.memory_space<hbm>> -> memref<40x128xi32, #tpu.memory_space<hbm>>
      %dma_start3A_24 = arith.constant 0 : i32
      %dma_start3A_25 = arith.constant 0 : i32
      %dma_start3A_26 = tpu.memref_slice %arg4[%add3A, %dma_start3A_24, %dma_start3A_25] : memref<32x80x128xi32, #tpu.memory_space<hbm>> -> memref<1x40x128xi32, #tpu.memory_space<hbm>>
      %dma_start3A_27 = tpu.memref_squeeze %dma_start3A_26 : memref<1x40x128xi32, #tpu.memory_space<hbm>> -> memref<40x128xi32, #tpu.memory_space<hbm>>
      tpu.enqueue_dma source(%dma_start3A_27 : memref<40x128xi32, #tpu.memory_space<hbm>>) target(%arg8 : memref<40x128xi32, #tpu.memory_space<vmem>>) target_semaphore(%run_scoped3A : memref<!tpu.dma_semaphore, #tpu.memory_space<semaphore_mem>>)
      %dma_wait3A = arith.constant 0 : i32
      %dma_wait3A_28 = arith.constant 0 : i32
      %dma_wait3A_29 = tpu.memref_slice %arg4[%add3A, %dma_wait3A, %dma_wait3A_28] : memref<32x80x128xi32, #tpu.memory_space<hbm>> -> memref<1x40x128xi32, #tpu.memory_space<hbm>>
      %dma_wait3A_30 = tpu.memref_squeeze %dma_wait3A_29 : memref<1x40x128xi32, #tpu.memory_space<hbm>> -> memref<40x128xi32, #tpu.memory_space<hbm>>
      %dma_wait3A_31 = arith.constant 0 : i32
      %dma_wait3A_32 = arith.constant 0 : i32
      %dma_wait3A_33 = tpu.memref_slice %arg4[%add3A, %dma_wait3A_31, %dma_wait3A_32] : memref<32x80x128xi32, #tpu.memory_space<hbm>> -> memref<1x40x128xi32, #tpu.memory_space<hbm>>
      %dma_wait3A_34 = tpu.memref_squeeze %dma_wait3A_33 : memref<1x40x128xi32, #tpu.memory_space<hbm>> -> memref<40x128xi32, #tpu.memory_space<hbm>>
      tpu.wait_dma2 semaphore(%run_scoped3A : memref<!tpu.dma_semaphore, #tpu.memory_space<semaphore_mem>>) src(%dma_wait3A_34 : memref<40x128xi32, #tpu.memory_space<hbm>>) dst(%arg8 : memref<40x128xi32, #tpu.memory_space<vmem>>)
      tpu.yield
    }) : () -> ()
    %scan3A = arith.constant 0 : i32
    %scan3A_5 = arith.constant 0 : i32
    %scan3A_6 = arith.constant 20 : i32
    %scan3A_7 = arith.addi %scan3A_5, %scan3A_6 : i32
    %scan3A_8 = arith.constant 1 : i32
    scf.for %scan3A_21 = %scan3A_5 to %scan3A_7 step %scan3A_8  : i32 {
      %mul3A_22 = arith.constant 2 : i32
      %mul3A_23 = arith.muli %scan3A_21, %mul3A_22 : i32
      %add3A_24 = arith.constant 0 : i32
      %add3A_25 = arith.addi %mul3A_23, %add3A_24 : i32
      %dma_start3A = arith.constant 0 : i32
      %dma_start3A_26 = arith.constant 0 : i32
      %dma_start3A_27 = arith.constant 0 : i32
      %dma_start3A_28 = tpu.memref_slice %arg9[%dma_start3A, %dma_start3A_26, %dma_start3A_27] : memref<2x128x128xf32, #tpu.memory_space<vmem>> -> memref<1x128x128xf32, #tpu.memory_space<vmem>>
      %dma_start3A_29 = tpu.memref_squeeze %dma_start3A_28 : memref<1x128x128xf32, #tpu.memory_space<vmem>> -> memref<128x128xf32, #tpu.memory_space<vmem>>
      %dma_start3A_30 = arith.constant 0 : i32
      %dma_start3A_31 = tpu.memref_slice %arg7[%add3A_25, %dma_start3A_30] : memref<40x128xi32, #tpu.memory_space<vmem>> -> memref<1x128xi32, #tpu.memory_space<vmem>>
      %dma_start3A_32 = tpu.memref_squeeze %dma_start3A_31 : memref<1x128xi32, #tpu.memory_space<vmem>> -> memref<128xi32, #tpu.memory_space<vmem>>
      %dma_start3A_33 = arith.constant 0 : i32
      %dma_start3A_34 = arith.constant 0 : i32
      %dma_start3A_35 = tpu.memref_slice %arg2[%dma_start3A_33, %dma_start3A_34] : memref<10240x128xf32, #tpu.memory_space<hbm>> -> memref<10240x128xf32, #tpu.memory_space<hbm>>
      tpu.enqueue_indirect_dma source(%dma_start3A_35 : memref<10240x128xf32, #tpu.memory_space<hbm>>) target(%dma_start3A_29 : memref<128x128xf32, #tpu.memory_space<vmem>>) offsets(%dma_start3A_32 : memref<128xi32, #tpu.memory_space<vmem>>) semaphore(%arg11 : memref<!tpu.dma_semaphore, #tpu.memory_space<semaphore_mem>>)
      %add3A_36 = arith.constant 1 : i32
      %add3A_37 = arith.addi %mul3A_23, %add3A_36 : i32
      %dma_start3A_38 = arith.constant 1 : i32
      %dma_start3A_39 = arith.constant 0 : i32
      %dma_start3A_40 = arith.constant 0 : i32
      %dma_start3A_41 = tpu.memref_slice %arg9[%dma_start3A_38, %dma_start3A_39, %dma_start3A_40] : memref<2x128x128xf32, #tpu.memory_space<vmem>> -> memref<1x128x128xf32, #tpu.memory_space<vmem>>
      %dma_start3A_42 = tpu.memref_squeeze %dma_start3A_41 : memref<1x128x128xf32, #tpu.memory_space<vmem>> -> memref<128x128xf32, #tpu.memory_space<vmem>>
      %dma_start3A_43 = arith.constant 0 : i32
      %dma_start3A_44 = tpu.memref_slice %arg7[%add3A_37, %dma_start3A_43] : memref<40x128xi32, #tpu.memory_space<vmem>> -> memref<1x128xi32, #tpu.memory_space<vmem>>
      %dma_start3A_45 = tpu.memref_squeeze %dma_start3A_44 : memref<1x128xi32, #tpu.memory_space<vmem>> -> memref<128xi32, #tpu.memory_space<vmem>>
      %dma_start3A_46 = arith.constant 0 : i32
      %dma_start3A_47 = arith.constant 0 : i32
      %dma_start3A_48 = tpu.memref_slice %arg2[%dma_start3A_46, %dma_start3A_47] : memref<10240x128xf32, #tpu.memory_space<hbm>> -> memref<10240x128xf32, #tpu.memory_space<hbm>>
      tpu.enqueue_indirect_dma source(%dma_start3A_48 : memref<10240x128xf32, #tpu.memory_space<hbm>>) target(%dma_start3A_42 : memref<128x128xf32, #tpu.memory_space<vmem>>) offsets(%dma_start3A_45 : memref<128xi32, #tpu.memory_space<vmem>>) semaphore(%arg12 : memref<!tpu.dma_semaphore, #tpu.memory_space<semaphore_mem>>)
      %dma_wait3A = arith.constant 0 : i32
      %dma_wait3A_49 = arith.constant 0 : i32
      %dma_wait3A_50 = arith.constant 0 : i32
      %dma_wait3A_51 = tpu.memref_slice %arg9[%dma_wait3A, %dma_wait3A_49, %dma_wait3A_50] : memref<2x128x128xf32, #tpu.memory_space<vmem>> -> memref<1x128x128xf32, #tpu.memory_space<vmem>>
      %dma_wait3A_52 = tpu.memref_squeeze %dma_wait3A_51 : memref<1x128x128xf32, #tpu.memory_space<vmem>> -> memref<128x128xf32, #tpu.memory_space<vmem>>
      %dma_wait3A_53 = arith.constant 0 : i32
      %dma_wait3A_54 = tpu.memref_slice %arg7[%add3A_25, %dma_wait3A_53] : memref<40x128xi32, #tpu.memory_space<vmem>> -> memref<1x128xi32, #tpu.memory_space<vmem>>
      %dma_wait3A_55 = tpu.memref_squeeze %dma_wait3A_54 : memref<1x128xi32, #tpu.memory_space<vmem>> -> memref<128xi32, #tpu.memory_space<vmem>>
      %dma_wait3A_56 = arith.constant 0 : i32
      %dma_wait3A_57 = arith.constant 0 : i32
      %dma_wait3A_58 = tpu.memref_slice %arg2[%dma_wait3A_56, %dma_wait3A_57] : memref<10240x128xf32, #tpu.memory_space<hbm>> -> memref<10240x128xf32, #tpu.memory_space<hbm>>
      tpu.wait_indirect_dma semaphore(%arg11 : memref<!tpu.dma_semaphore, #tpu.memory_space<semaphore_mem>>) src(%dma_wait3A_58 : memref<10240x128xf32, #tpu.memory_space<hbm>>) dst(%dma_wait3A_52 : memref<128x128xf32, #tpu.memory_space<vmem>>)
      %add3A_59 = arith.constant 0 : i32
      %add3A_60 = arith.addi %mul3A_23, %add3A_59 : i32
      %dma_start3A_61 = arith.constant 0 : i32
      %dma_start3A_62 = arith.constant 0 : i32
      %dma_start3A_63 = arith.constant 0 : i32
      %dma_start3A_64 = tpu.memref_slice %arg9[%dma_start3A_61, %dma_start3A_62, %dma_start3A_63] : memref<2x128x128xf32, #tpu.memory_space<vmem>> -> memref<1x128x128xf32, #tpu.memory_space<vmem>>
      %dma_start3A_65 = tpu.memref_squeeze %dma_start3A_64 : memref<1x128x128xf32, #tpu.memory_space<vmem>> -> memref<128x128xf32, #tpu.memory_space<vmem>>
      %dma_start3A_66 = arith.constant 0 : i32
      %dma_start3A_67 = tpu.memref_slice %arg8[%add3A_60, %dma_start3A_66] : memref<40x128xi32, #tpu.memory_space<vmem>> -> memref<1x128xi32, #tpu.memory_space<vmem>>
      %dma_start3A_68 = tpu.memref_squeeze %dma_start3A_67 : memref<1x128xi32, #tpu.memory_space<vmem>> -> memref<128xi32, #tpu.memory_space<vmem>>
      %dma_start3A_69 = arith.constant 0 : i32
      %dma_start3A_70 = arith.constant 0 : i32
      %dma_start3A_71 = tpu.memref_slice %arg10[%dma_start3A_69, %dma_start3A_70] : memref<10240x128xf32, #tpu.memory_space<vmem_shared>> -> memref<10240x128xf32, #tpu.memory_space<vmem_shared>>
      tpu.enqueue_indirect_dma source(%dma_start3A_65 : memref<128x128xf32, #tpu.memory_space<vmem>>) target(%dma_start3A_71 : memref<10240x128xf32, #tpu.memory_space<vmem_shared>>) offsets(%dma_start3A_68 : memref<128xi32, #tpu.memory_space<vmem>>) semaphore(%arg13 : memref<!tpu.dma_semaphore, #tpu.memory_space<semaphore_mem>>) {add = true}
      %dma_wait3A_72 = arith.constant 1 : i32
      %dma_wait3A_73 = arith.constant 0 : i32
      %dma_wait3A_74 = arith.constant 0 : i32
      %dma_wait3A_75 = tpu.memref_slice %arg9[%dma_wait3A_72, %dma_wait3A_73, %dma_wait3A_74] : memref<2x128x128xf32, #tpu.memory_space<vmem>> -> memref<1x128x128xf32, #tpu.memory_space<vmem>>
      %dma_wait3A_76 = tpu.memref_squeeze %dma_wait3A_75 : memref<1x128x128xf32, #tpu.memory_space<vmem>> -> memref<128x128xf32, #tpu.memory_space<vmem>>
      %dma_wait3A_77 = arith.constant 0 : i32
      %dma_wait3A_78 = tpu.memref_slice %arg7[%add3A_37, %dma_wait3A_77] : memref<40x128xi32, #tpu.memory_space<vmem>> -> memref<1x128xi32, #tpu.memory_space<vmem>>
      %dma_wait3A_79 = tpu.memref_squeeze %dma_wait3A_78 : memref<1x128xi32, #tpu.memory_space<vmem>> -> memref<128xi32, #tpu.memory_space<vmem>>
      %dma_wait3A_80 = arith.constant 0 : i32
      %dma_wait3A_81 = arith.constant 0 : i32
      %dma_wait3A_82 = tpu.memref_slice %arg2[%dma_wait3A_80, %dma_wait3A_81] : memref<10240x128xf32, #tpu.memory_space<hbm>> -> memref<10240x128xf32, #tpu.memory_space<hbm>>
      tpu.wait_indirect_dma semaphore(%arg12 : memref<!tpu.dma_semaphore, #tpu.memory_space<semaphore_mem>>) src(%dma_wait3A_82 : memref<10240x128xf32, #tpu.memory_space<hbm>>) dst(%dma_wait3A_76 : memref<128x128xf32, #tpu.memory_space<vmem>>)
      %add3A_83 = arith.constant 1 : i32
      %add3A_84 = arith.addi %mul3A_23, %add3A_83 : i32
      %dma_start3A_85 = arith.constant 1 : i32
      %dma_start3A_86 = arith.constant 0 : i32
      %dma_start3A_87 = arith.constant 0 : i32
      %dma_start3A_88 = tpu.memref_slice %arg9[%dma_start3A_85, %dma_start3A_86, %dma_start3A_87] : memref<2x128x128xf32, #tpu.memory_space<vmem>> -> memref<1x128x128xf32, #tpu.memory_space<vmem>>
      %dma_start3A_89 = tpu.memref_squeeze %dma_start3A_88 : memref<1x128x128xf32, #tpu.memory_space<vmem>> -> memref<128x128xf32, #tpu.memory_space<vmem>>
      %dma_start3A_90 = arith.constant 0 : i32
      %dma_start3A_91 = tpu.memref_slice %arg8[%add3A_84, %dma_start3A_90] : memref<40x128xi32, #tpu.memory_space<vmem>> -> memref<1x128xi32, #tpu.memory_space<vmem>>
      %dma_start3A_92 = tpu.memref_squeeze %dma_start3A_91 : memref<1x128xi32, #tpu.memory_space<vmem>> -> memref<128xi32, #tpu.memory_space<vmem>>
      %dma_start3A_93 = arith.constant 0 : i32
      %dma_start3A_94 = arith.constant 0 : i32
      %dma_start3A_95 = tpu.memref_slice %arg10[%dma_start3A_93, %dma_start3A_94] : memref<10240x128xf32, #tpu.memory_space<vmem_shared>> -> memref<10240x128xf32, #tpu.memory_space<vmem_shared>>
      tpu.enqueue_indirect_dma source(%dma_start3A_89 : memref<128x128xf32, #tpu.memory_space<vmem>>) target(%dma_start3A_95 : memref<10240x128xf32, #tpu.memory_space<vmem_shared>>) offsets(%dma_start3A_92 : memref<128xi32, #tpu.memory_space<vmem>>) semaphore(%arg14 : memref<!tpu.dma_semaphore, #tpu.memory_space<semaphore_mem>>) {add = true}
      %dma_wait3A_96 = arith.constant 0 : i32
      %dma_wait3A_97 = arith.constant 0 : i32
      %dma_wait3A_98 = arith.constant 0 : i32
      %dma_wait3A_99 = tpu.memref_slice %arg9[%dma_wait3A_96, %dma_wait3A_97, %dma_wait3A_98] : memref<2x128x128xf32, #tpu.memory_space<vmem>> -> memref<1x128x128xf32, #tpu.memory_space<vmem>>
      %dma_wait3A_100 = tpu.memref_squeeze %dma_wait3A_99 : memref<1x128x128xf32, #tpu.memory_space<vmem>> -> memref<128x128xf32, #tpu.memory_space<vmem>>
      %dma_wait3A_101 = arith.constant 0 : i32
      %dma_wait3A_102 = tpu.memref_slice %arg8[%add3A_60, %dma_wait3A_101] : memref<40x128xi32, #tpu.memory_space<vmem>> -> memref<1x128xi32, #tpu.memory_space<vmem>>
      %dma_wait3A_103 = tpu.memref_squeeze %dma_wait3A_102 : memref<1x128xi32, #tpu.memory_space<vmem>> -> memref<128xi32, #tpu.memory_space<vmem>>
      %dma_wait3A_104 = arith.constant 0 : i32
      %dma_wait3A_105 = arith.constant 0 : i32
      %dma_wait3A_106 = tpu.memref_slice %arg10[%dma_wait3A_104, %dma_wait3A_105] : memref<10240x128xf32, #tpu.memory_space<vmem_shared>> -> memref<10240x128xf32, #tpu.memory_space<vmem_shared>>
      tpu.wait_indirect_dma semaphore(%arg13 : memref<!tpu.dma_semaphore, #tpu.memory_space<semaphore_mem>>) src(%dma_wait3A_100 : memref<128x128xf32, #tpu.memory_space<vmem>>) dst(%dma_wait3A_106 : memref<10240x128xf32, #tpu.memory_space<vmem_shared>>)
      %dma_wait3A_107 = arith.constant 1 : i32
      %dma_wait3A_108 = arith.constant 0 : i32
      %dma_wait3A_109 = arith.constant 0 : i32
      %dma_wait3A_110 = tpu.memref_slice %arg9[%dma_wait3A_107, %dma_wait3A_108, %dma_wait3A_109] : memref<2x128x128xf32, #tpu.memory_space<vmem>> -> memref<1x128x128xf32, #tpu.memory_space<vmem>>
      %dma_wait3A_111 = tpu.memref_squeeze %dma_wait3A_110 : memref<1x128x128xf32, #tpu.memory_space<vmem>> -> memref<128x128xf32, #tpu.memory_space<vmem>>
      %dma_wait3A_112 = arith.constant 0 : i32
      %dma_wait3A_113 = tpu.memref_slice %arg8[%add3A_84, %dma_wait3A_112] : memref<40x128xi32, #tpu.memory_space<vmem>> -> memref<1x128xi32, #tpu.memory_space<vmem>>
      %dma_wait3A_114 = tpu.memref_squeeze %dma_wait3A_113 : memref<1x128xi32, #tpu.memory_space<vmem>> -> memref<128xi32, #tpu.memory_space<vmem>>
      %dma_wait3A_115 = arith.constant 0 : i32
      %dma_wait3A_116 = arith.constant 0 : i32
      %dma_wait3A_117 = tpu.memref_slice %arg10[%dma_wait3A_115, %dma_wait3A_116] : memref<10240x128xf32, #tpu.memory_space<vmem_shared>> -> memref<10240x128xf32, #tpu.memory_space<vmem_shared>>
      tpu.wait_indirect_dma semaphore(%arg14 : memref<!tpu.dma_semaphore, #tpu.memory_space<semaphore_mem>>) src(%dma_wait3A_111 : memref<128x128xf32, #tpu.memory_space<vmem>>) dst(%dma_wait3A_117 : memref<10240x128xf32, #tpu.memory_space<vmem_shared>>)
    }
    %scan3A_9 = arith.constant 20 : i32
    "tpu.region"() ({
      %run_scoped3A = tpu.sem_alloc : memref<!tpu.dma_semaphore, #tpu.memory_space<semaphore_mem>>
      %dma_start3A = arith.constant 40 : i32
      %dma_start3A_21 = arith.constant 0 : i32
      %dma_start3A_22 = tpu.memref_slice %arg3[%add3A, %dma_start3A, %dma_start3A_21] : memref<32x80x128xi32, #tpu.memory_space<hbm>> -> memref<1x40x128xi32, #tpu.memory_space<hbm>>
      %dma_start3A_23 = tpu.memref_squeeze %dma_start3A_22 : memref<1x40x128xi32, #tpu.memory_space<hbm>> -> memref<40x128xi32, #tpu.memory_space<hbm>>
      %dma_start3A_24 = arith.constant 40 : i32
      %dma_start3A_25 = arith.constant 0 : i32
      %dma_start3A_26 = tpu.memref_slice %arg3[%add3A, %dma_start3A_24, %dma_start3A_25] : memref<32x80x128xi32, #tpu.memory_space<hbm>> -> memref<1x40x128xi32, #tpu.memory_space<hbm>>
      %dma_start3A_27 = tpu.memref_squeeze %dma_start3A_26 : memref<1x40x128xi32, #tpu.memory_space<hbm>> -> memref<40x128xi32, #tpu.memory_space<hbm>>
      tpu.enqueue_dma source(%dma_start3A_27 : memref<40x128xi32, #tpu.memory_space<hbm>>) target(%arg7 : memref<40x128xi32, #tpu.memory_space<vmem>>) target_semaphore(%run_scoped3A : memref<!tpu.dma_semaphore, #tpu.memory_space<semaphore_mem>>)
      %dma_wait3A = arith.constant 40 : i32
      %dma_wait3A_28 = arith.constant 0 : i32
      %dma_wait3A_29 = tpu.memref_slice %arg3[%add3A, %dma_wait3A, %dma_wait3A_28] : memref<32x80x128xi32, #tpu.memory_space<hbm>> -> memref<1x40x128xi32, #tpu.memory_space<hbm>>
      %dma_wait3A_30 = tpu.memref_squeeze %dma_wait3A_29 : memref<1x40x128xi32, #tpu.memory_space<hbm>> -> memref<40x128xi32, #tpu.memory_space<hbm>>
      %dma_wait3A_31 = arith.constant 40 : i32
      %dma_wait3A_32 = arith.constant 0 : i32
      %dma_wait3A_33 = tpu.memref_slice %arg3[%add3A, %dma_wait3A_31, %dma_wait3A_32] : memref<32x80x128xi32, #tpu.memory_space<hbm>> -> memref<1x40x128xi32, #tpu.memory_space<hbm>>
      %dma_wait3A_34 = tpu.memref_squeeze %dma_wait3A_33 : memref<1x40x128xi32, #tpu.memory_space<hbm>> -> memref<40x128xi32, #tpu.memory_space<hbm>>
      tpu.wait_dma2 semaphore(%run_scoped3A : memref<!tpu.dma_semaphore, #tpu.memory_space<semaphore_mem>>) src(%dma_wait3A_34 : memref<40x128xi32, #tpu.memory_space<hbm>>) dst(%arg7 : memref<40x128xi32, #tpu.memory_space<vmem>>)
      tpu.yield
    }) : () -> ()
    "tpu.region"() ({
      %run_scoped3A = tpu.sem_alloc : memref<!tpu.dma_semaphore, #tpu.memory_space<semaphore_mem>>
      %dma_start3A = arith.constant 40 : i32
      %dma_start3A_21 = arith.constant 0 : i32
      %dma_start3A_22 = tpu.memref_slice %arg4[%add3A, %dma_start3A, %dma_start3A_21] : memref<32x80x128xi32, #tpu.memory_space<hbm>> -> memref<1x40x128xi32, #tpu.memory_space<hbm>>
      %dma_start3A_23 = tpu.memref_squeeze %dma_start3A_22 : memref<1x40x128xi32, #tpu.memory_space<hbm>> -> memref<40x128xi32, #tpu.memory_space<hbm>>
      %dma_start3A_24 = arith.constant 40 : i32
      %dma_start3A_25 = arith.constant 0 : i32
      %dma_start3A_26 = tpu.memref_slice %arg4[%add3A, %dma_start3A_24, %dma_start3A_25] : memref<32x80x128xi32, #tpu.memory_space<hbm>> -> memref<1x40x128xi32, #tpu.memory_space<hbm>>
      %dma_start3A_27 = tpu.memref_squeeze %dma_start3A_26 : memref<1x40x128xi32, #tpu.memory_space<hbm>> -> memref<40x128xi32, #tpu.memory_space<hbm>>
      tpu.enqueue_dma source(%dma_start3A_27 : memref<40x128xi32, #tpu.memory_space<hbm>>) target(%arg8 : memref<40x128xi32, #tpu.memory_space<vmem>>) target_semaphore(%run_scoped3A : memref<!tpu.dma_semaphore, #tpu.memory_space<semaphore_mem>>)
      %dma_wait3A = arith.constant 40 : i32
      %dma_wait3A_28 = arith.constant 0 : i32
      %dma_wait3A_29 = tpu.memref_slice %arg4[%add3A, %dma_wait3A, %dma_wait3A_28] : memref<32x80x128xi32, #tpu.memory_space<hbm>> -> memref<1x40x128xi32, #tpu.memory_space<hbm>>
      %dma_wait3A_30 = tpu.memref_squeeze %dma_wait3A_29 : memref<1x40x128xi32, #tpu.memory_space<hbm>> -> memref<40x128xi32, #tpu.memory_space<hbm>>
      %dma_wait3A_31 = arith.constant 40 : i32
      %dma_wait3A_32 = arith.constant 0 : i32
      %dma_wait3A_33 = tpu.memref_slice %arg4[%add3A, %dma_wait3A_31, %dma_wait3A_32] : memref<32x80x128xi32, #tpu.memory_space<hbm>> -> memref<1x40x128xi32, #tpu.memory_space<hbm>>
      %dma_wait3A_34 = tpu.memref_squeeze %dma_wait3A_33 : memref<1x40x128xi32, #tpu.memory_space<hbm>> -> memref<40x128xi32, #tpu.memory_space<hbm>>
      tpu.wait_dma2 semaphore(%run_scoped3A : memref<!tpu.dma_semaphore, #tpu.memory_space<semaphore_mem>>) src(%dma_wait3A_34 : memref<40x128xi32, #tpu.memory_space<hbm>>) dst(%arg8 : memref<40x128xi32, #tpu.memory_space<vmem>>)
      tpu.yield
    }) : () -> ()
    %scan3A_10 = arith.constant 0 : i32
    %scan3A_11 = arith.constant 0 : i32
    %scan3A_12 = arith.constant 20 : i32
    %scan3A_13 = arith.addi %scan3A_11, %scan3A_12 : i32
    %scan3A_14 = arith.constant 1 : i32
    scf.for %scan3A_21 = %scan3A_11 to %scan3A_13 step %scan3A_14  : i32 {
      %mul3A_22 = arith.constant 2 : i32
      %mul3A_23 = arith.muli %scan3A_21, %mul3A_22 : i32
      %add3A_24 = arith.constant 0 : i32
      %add3A_25 = arith.addi %mul3A_23, %add3A_24 : i32
      %dma_start3A = arith.constant 0 : i32
      %dma_start3A_26 = arith.constant 0 : i32
      %dma_start3A_27 = arith.constant 0 : i32
      %dma_start3A_28 = tpu.memref_slice %arg9[%dma_start3A, %dma_start3A_26, %dma_start3A_27] : memref<2x128x128xf32, #tpu.memory_space<vmem>> -> memref<1x128x128xf32, #tpu.memory_space<vmem>>
      %dma_start3A_29 = tpu.memref_squeeze %dma_start3A_28 : memref<1x128x128xf32, #tpu.memory_space<vmem>> -> memref<128x128xf32, #tpu.memory_space<vmem>>
      %dma_start3A_30 = arith.constant 0 : i32
      %dma_start3A_31 = tpu.memref_slice %arg7[%add3A_25, %dma_start3A_30] : memref<40x128xi32, #tpu.memory_space<vmem>> -> memref<1x128xi32, #tpu.memory_space<vmem>>
      %dma_start3A_32 = tpu.memref_squeeze %dma_start3A_31 : memref<1x128xi32, #tpu.memory_space<vmem>> -> memref<128xi32, #tpu.memory_space<vmem>>
      %dma_start3A_33 = arith.constant 0 : i32
      %dma_start3A_34 = arith.constant 0 : i32
      %dma_start3A_35 = tpu.memref_slice %arg2[%dma_start3A_33, %dma_start3A_34] : memref<10240x128xf32, #tpu.memory_space<hbm>> -> memref<10240x128xf32, #tpu.memory_space<hbm>>
      tpu.enqueue_indirect_dma source(%dma_start3A_35 : memref<10240x128xf32, #tpu.memory_space<hbm>>) target(%dma_start3A_29 : memref<128x128xf32, #tpu.memory_space<vmem>>) offsets(%dma_start3A_32 : memref<128xi32, #tpu.memory_space<vmem>>) semaphore(%arg11 : memref<!tpu.dma_semaphore, #tpu.memory_space<semaphore_mem>>)
      %add3A_36 = arith.constant 1 : i32
      %add3A_37 = arith.addi %mul3A_23, %add3A_36 : i32
      %dma_start3A_38 = arith.constant 1 : i32
      %dma_start3A_39 = arith.constant 0 : i32
      %dma_start3A_40 = arith.constant 0 : i32
      %dma_start3A_41 = tpu.memref_slice %arg9[%dma_start3A_38, %dma_start3A_39, %dma_start3A_40] : memref<2x128x128xf32, #tpu.memory_space<vmem>> -> memref<1x128x128xf32, #tpu.memory_space<vmem>>
      %dma_start3A_42 = tpu.memref_squeeze %dma_start3A_41 : memref<1x128x128xf32, #tpu.memory_space<vmem>> -> memref<128x128xf32, #tpu.memory_space<vmem>>
      %dma_start3A_43 = arith.constant 0 : i32
      %dma_start3A_44 = tpu.memref_slice %arg7[%add3A_37, %dma_start3A_43] : memref<40x128xi32, #tpu.memory_space<vmem>> -> memref<1x128xi32, #tpu.memory_space<vmem>>
      %dma_start3A_45 = tpu.memref_squeeze %dma_start3A_44 : memref<1x128xi32, #tpu.memory_space<vmem>> -> memref<128xi32, #tpu.memory_space<vmem>>
      %dma_start3A_46 = arith.constant 0 : i32
      %dma_start3A_47 = arith.constant 0 : i32
      %dma_start3A_48 = tpu.memref_slice %arg2[%dma_start3A_46, %dma_start3A_47] : memref<10240x128xf32, #tpu.memory_space<hbm>> -> memref<10240x128xf32, #tpu.memory_space<hbm>>
      tpu.enqueue_indirect_dma source(%dma_start3A_48 : memref<10240x128xf32, #tpu.memory_space<hbm>>) target(%dma_start3A_42 : memref<128x128xf32, #tpu.memory_space<vmem>>) offsets(%dma_start3A_45 : memref<128xi32, #tpu.memory_space<vmem>>) semaphore(%arg12 : memref<!tpu.dma_semaphore, #tpu.memory_space<semaphore_mem>>)
      %dma_wait3A = arith.constant 0 : i32
      %dma_wait3A_49 = arith.constant 0 : i32
      %dma_wait3A_50 = arith.constant 0 : i32
      %dma_wait3A_51 = tpu.memref_slice %arg9[%dma_wait3A, %dma_wait3A_49, %dma_wait3A_50] : memref<2x128x128xf32, #tpu.memory_space<vmem>> -> memref<1x128x128xf32, #tpu.memory_space<vmem>>
      %dma_wait3A_52 = tpu.memref_squeeze %dma_wait3A_51 : memref<1x128x128xf32, #tpu.memory_space<vmem>> -> memref<128x128xf32, #tpu.memory_space<vmem>>
      %dma_wait3A_53 = arith.constant 0 : i32
      %dma_wait3A_54 = tpu.memref_slice %arg7[%add3A_25, %dma_wait3A_53] : memref<40x128xi32, #tpu.memory_space<vmem>> -> memref<1x128xi32, #tpu.memory_space<vmem>>
      %dma_wait3A_55 = tpu.memref_squeeze %dma_wait3A_54 : memref<1x128xi32, #tpu.memory_space<vmem>> -> memref<128xi32, #tpu.memory_space<vmem>>
      %dma_wait3A_56 = arith.constant 0 : i32
      %dma_wait3A_57 = arith.constant 0 : i32
      %dma_wait3A_58 = tpu.memref_slice %arg2[%dma_wait3A_56, %dma_wait3A_57] : memref<10240x128xf32, #tpu.memory_space<hbm>> -> memref<10240x128xf32, #tpu.memory_space<hbm>>
      tpu.wait_indirect_dma semaphore(%arg11 : memref<!tpu.dma_semaphore, #tpu.memory_space<semaphore_mem>>) src(%dma_wait3A_58 : memref<10240x128xf32, #tpu.memory_space<hbm>>) dst(%dma_wait3A_52 : memref<128x128xf32, #tpu.memory_space<vmem>>)
      %add3A_59 = arith.constant 0 : i32
      %add3A_60 = arith.addi %mul3A_23, %add3A_59 : i32
      %dma_start3A_61 = arith.constant 0 : i32
      %dma_start3A_62 = arith.constant 0 : i32
      %dma_start3A_63 = arith.constant 0 : i32
      %dma_start3A_64 = tpu.memref_slice %arg9[%dma_start3A_61, %dma_start3A_62, %dma_start3A_63] : memref<2x128x128xf32, #tpu.memory_space<vmem>> -> memref<1x128x128xf32, #tpu.memory_space<vmem>>
      %dma_start3A_65 = tpu.memref_squeeze %dma_start3A_64 : memref<1x128x128xf32, #tpu.memory_space<vmem>> -> memref<128x128xf32, #tpu.memory_space<vmem>>
      %dma_start3A_66 = arith.constant 0 : i32
      %dma_start3A_67 = tpu.memref_slice %arg8[%add3A_60, %dma_start3A_66] : memref<40x128xi32, #tpu.memory_space<vmem>> -> memref<1x128xi32, #tpu.memory_space<vmem>>
      %dma_start3A_68 = tpu.memref_squeeze %dma_start3A_67 : memref<1x128xi32, #tpu.memory_space<vmem>> -> memref<128xi32, #tpu.memory_space<vmem>>
      %dma_start3A_69 = arith.constant 0 : i32
      %dma_start3A_70 = arith.constant 0 : i32
      %dma_start3A_71 = tpu.memref_slice %arg10[%dma_start3A_69, %dma_start3A_70] : memref<10240x128xf32, #tpu.memory_space<vmem_shared>> -> memref<10240x128xf32, #tpu.memory_space<vmem_shared>>
      tpu.enqueue_indirect_dma source(%dma_start3A_65 : memref<128x128xf32, #tpu.memory_space<vmem>>) target(%dma_start3A_71 : memref<10240x128xf32, #tpu.memory_space<vmem_shared>>) offsets(%dma_start3A_68 : memref<128xi32, #tpu.memory_space<vmem>>) semaphore(%arg13 : memref<!tpu.dma_semaphore, #tpu.memory_space<semaphore_mem>>) {add = true}
      %dma_wait3A_72 = arith.constant 1 : i32
      %dma_wait3A_73 = arith.constant 0 : i32
      %dma_wait3A_74 = arith.constant 0 : i32
      %dma_wait3A_75 = tpu.memref_slice %arg9[%dma_wait3A_72, %dma_wait3A_73, %dma_wait3A_74] : memref<2x128x128xf32, #tpu.memory_space<vmem>> -> memref<1x128x128xf32, #tpu.memory_space<vmem>>
      %dma_wait3A_76 = tpu.memref_squeeze %dma_wait3A_75 : memref<1x128x128xf32, #tpu.memory_space<vmem>> -> memref<128x128xf32, #tpu.memory_space<vmem>>
      %dma_wait3A_77 = arith.constant 0 : i32
      %dma_wait3A_78 = tpu.memref_slice %arg7[%add3A_37, %dma_wait3A_77] : memref<40x128xi32, #tpu.memory_space<vmem>> -> memref<1x128xi32, #tpu.memory_space<vmem>>
      %dma_wait3A_79 = tpu.memref_squeeze %dma_wait3A_78 : memref<1x128xi32, #tpu.memory_space<vmem>> -> memref<128xi32, #tpu.memory_space<vmem>>
      %dma_wait3A_80 = arith.constant 0 : i32
      %dma_wait3A_81 = arith.constant 0 : i32
      %dma_wait3A_82 = tpu.memref_slice %arg2[%dma_wait3A_80, %dma_wait3A_81] : memref<10240x128xf32, #tpu.memory_space<hbm>> -> memref<10240x128xf32, #tpu.memory_space<hbm>>
      tpu.wait_indirect_dma semaphore(%arg12 : memref<!tpu.dma_semaphore, #tpu.memory_space<semaphore_mem>>) src(%dma_wait3A_82 : memref<10240x128xf32, #tpu.memory_space<hbm>>) dst(%dma_wait3A_76 : memref<128x128xf32, #tpu.memory_space<vmem>>)
      %add3A_83 = arith.constant 1 : i32
      %add3A_84 = arith.addi %mul3A_23, %add3A_83 : i32
      %dma_start3A_85 = arith.constant 1 : i32
      %dma_start3A_86 = arith.constant 0 : i32
      %dma_start3A_87 = arith.constant 0 : i32
      %dma_start3A_88 = tpu.memref_slice %arg9[%dma_start3A_85, %dma_start3A_86, %dma_start3A_87] : memref<2x128x128xf32, #tpu.memory_space<vmem>> -> memref<1x128x128xf32, #tpu.memory_space<vmem>>
      %dma_start3A_89 = tpu.memref_squeeze %dma_start3A_88 : memref<1x128x128xf32, #tpu.memory_space<vmem>> -> memref<128x128xf32, #tpu.memory_space<vmem>>
      %dma_start3A_90 = arith.constant 0 : i32
      %dma_start3A_91 = tpu.memref_slice %arg8[%add3A_84, %dma_start3A_90] : memref<40x128xi32, #tpu.memory_space<vmem>> -> memref<1x128xi32, #tpu.memory_space<vmem>>
      %dma_start3A_92 = tpu.memref_squeeze %dma_start3A_91 : memref<1x128xi32, #tpu.memory_space<vmem>> -> memref<128xi32, #tpu.memory_space<vmem>>
      %dma_start3A_93 = arith.constant 0 : i32
      %dma_start3A_94 = arith.constant 0 : i32
      %dma_start3A_95 = tpu.memref_slice %arg10[%dma_start3A_93, %dma_start3A_94] : memref<10240x128xf32, #tpu.memory_space<vmem_shared>> -> memref<10240x128xf32, #tpu.memory_space<vmem_shared>>
      tpu.enqueue_indirect_dma source(%dma_start3A_89 : memref<128x128xf32, #tpu.memory_space<vmem>>) target(%dma_start3A_95 : memref<10240x128xf32, #tpu.memory_space<vmem_shared>>) offsets(%dma_start3A_92 : memref<128xi32, #tpu.memory_space<vmem>>) semaphore(%arg14 : memref<!tpu.dma_semaphore, #tpu.memory_space<semaphore_mem>>) {add = true}
      %dma_wait3A_96 = arith.constant 0 : i32
      %dma_wait3A_97 = arith.constant 0 : i32
      %dma_wait3A_98 = arith.constant 0 : i32
      %dma_wait3A_99 = tpu.memref_slice %arg9[%dma_wait3A_96, %dma_wait3A_97, %dma_wait3A_98] : memref<2x128x128xf32, #tpu.memory_space<vmem>> -> memref<1x128x128xf32, #tpu.memory_space<vmem>>
      %dma_wait3A_100 = tpu.memref_squeeze %dma_wait3A_99 : memref<1x128x128xf32, #tpu.memory_space<vmem>> -> memref<128x128xf32, #tpu.memory_space<vmem>>
      %dma_wait3A_101 = arith.constant 0 : i32
      %dma_wait3A_102 = tpu.memref_slice %arg8[%add3A_60, %dma_wait3A_101] : memref<40x128xi32, #tpu.memory_space<vmem>> -> memref<1x128xi32, #tpu.memory_space<vmem>>
      %dma_wait3A_103 = tpu.memref_squeeze %dma_wait3A_102 : memref<1x128xi32, #tpu.memory_space<vmem>> -> memref<128xi32, #tpu.memory_space<vmem>>
      %dma_wait3A_104 = arith.constant 0 : i32
      %dma_wait3A_105 = arith.constant 0 : i32
      %dma_wait3A_106 = tpu.memref_slice %arg10[%dma_wait3A_104, %dma_wait3A_105] : memref<10240x128xf32, #tpu.memory_space<vmem_shared>> -> memref<10240x128xf32, #tpu.memory_space<vmem_shared>>
      tpu.wait_indirect_dma semaphore(%arg13 : memref<!tpu.dma_semaphore, #tpu.memory_space<semaphore_mem>>) src(%dma_wait3A_100 : memref<128x128xf32, #tpu.memory_space<vmem>>) dst(%dma_wait3A_106 : memref<10240x128xf32, #tpu.memory_space<vmem_shared>>)
      %dma_wait3A_107 = arith.constant 1 : i32
      %dma_wait3A_108 = arith.constant 0 : i32
      %dma_wait3A_109 = arith.constant 0 : i32
      %dma_wait3A_110 = tpu.memref_slice %arg9[%dma_wait3A_107, %dma_wait3A_108, %dma_wait3A_109] : memref<2x128x128xf32, #tpu.memory_space<vmem>> -> memref<1x128x128xf32, #tpu.memory_space<vmem>>
      %dma_wait3A_111 = tpu.memref_squeeze %dma_wait3A_110 : memref<1x128x128xf32, #tpu.memory_space<vmem>> -> memref<128x128xf32, #tpu.memory_space<vmem>>
      %dma_wait3A_112 = arith.constant 0 : i32
      %dma_wait3A_113 = tpu.memref_slice %arg8[%add3A_84, %dma_wait3A_112] : memref<40x128xi32, #tpu.memory_space<vmem>> -> memref<1x128xi32, #tpu.memory_space<vmem>>
      %dma_wait3A_114 = tpu.memref_squeeze %dma_wait3A_113 : memref<1x128xi32, #tpu.memory_space<vmem>> -> memref<128xi32, #tpu.memory_space<vmem>>
      %dma_wait3A_115 = arith.constant 0 : i32
      %dma_wait3A_116 = arith.constant 0 : i32
      %dma_wait3A_117 = tpu.memref_slice %arg10[%dma_wait3A_115, %dma_wait3A_116] : memref<10240x128xf32, #tpu.memory_space<vmem_shared>> -> memref<10240x128xf32, #tpu.memory_space<vmem_shared>>
      tpu.wait_indirect_dma semaphore(%arg14 : memref<!tpu.dma_semaphore, #tpu.memory_space<semaphore_mem>>) src(%dma_wait3A_111 : memref<128x128xf32, #tpu.memory_space<vmem>>) dst(%dma_wait3A_117 : memref<10240x128xf32, #tpu.memory_space<vmem_shared>>)
    }
    %scan3A_15 = arith.constant 20 : i32
    %barrier3A_16 = arith.constant 0 : index
    tpu.barrier barrier_id(%barrier3A_16)
    %mul3A_17 = arith.constant 640 : i32
    %mul3A_18 = arith.muli %arg1, %mul3A_17 : i32
    %mul3A_19 = arith.constant 640 : i32
    %mul3A_20 = arith.muli %arg1, %mul3A_19 : i32
    "tpu.region"() ({
      %run_scoped3A = tpu.sem_alloc : memref<!tpu.dma_semaphore, #tpu.memory_space<semaphore_mem>>
      %dma_start3A = arith.constant 0 : i32
      %dma_start3A_21 = tpu.memref_slice %arg6[%arg0, %mul3A_20, %dma_start3A] : memref<2x10240x128xf32, #tpu.memory_space<hbm>> -> memref<1x640x128xf32, #tpu.memory_space<hbm>>
      %dma_start3A_22 = tpu.memref_squeeze %dma_start3A_21 : memref<1x640x128xf32, #tpu.memory_space<hbm>> -> memref<640x128xf32, #tpu.memory_space<hbm>>
      %dma_start3A_23 = arith.constant 0 : i32
      %dma_start3A_24 = tpu.memref_slice %arg10[%mul3A_18, %dma_start3A_23] : memref<10240x128xf32, #tpu.memory_space<vmem_shared>> -> memref<640x128xf32, #tpu.memory_space<vmem_shared>>
      tpu.enqueue_dma source(%dma_start3A_24 : memref<640x128xf32, #tpu.memory_space<vmem_shared>>) target(%dma_start3A_22 : memref<640x128xf32, #tpu.memory_space<hbm>>) target_semaphore(%run_scoped3A : memref<!tpu.dma_semaphore, #tpu.memory_space<semaphore_mem>>)
      %dma_wait3A = arith.constant 0 : i32
      %dma_wait3A_25 = tpu.memref_slice %arg6[%arg0, %mul3A_20, %dma_wait3A] : memref<2x10240x128xf32, #tpu.memory_space<hbm>> -> memref<1x640x128xf32, #tpu.memory_space<hbm>>
      %dma_wait3A_26 = tpu.memref_squeeze %dma_wait3A_25 : memref<1x640x128xf32, #tpu.memory_space<hbm>> -> memref<640x128xf32, #tpu.memory_space<hbm>>
      %dma_wait3A_27 = arith.constant 0 : i32
      %dma_wait3A_28 = tpu.memref_slice %arg10[%mul3A_18, %dma_wait3A_27] : memref<10240x128xf32, #tpu.memory_space<vmem_shared>> -> memref<640x128xf32, #tpu.memory_space<vmem_shared>>
      tpu.wait_dma2 semaphore(%run_scoped3A : memref<!tpu.dma_semaphore, #tpu.memory_space<semaphore_mem>>) src(%dma_wait3A_28 : memref<640x128xf32, #tpu.memory_space<vmem_shared>>) dst(%dma_wait3A_26 : memref<640x128xf32, #tpu.memory_space<hbm>>)
      tpu.yield
    }) : () -> ()
    return
  }
}

#map = affine_map<(d0, d1) -> (0, 0)>
#map1 = affine_map<(d0, d1) -> (0, 0, 0)>
module attributes {stable_mosaic.version = 14 : i64} {
  func.func @pass_k(%arg0: i32, %arg1: i32, %arg2: memref<10240x128xf32, #tpu.memory_space<hbm>>, %arg3: memref<32x80x128xi32, #tpu.memory_space<hbm>>, %arg4: memref<32x80x128xi32, #tpu.memory_space<hbm>>, %arg5: memref<10240x128xf32, #tpu.memory_space<hbm>>, %arg6: memref<2x10240x128xf32, #tpu.memory_space<hbm>>, %arg7: memref<40x128xi32, #tpu.memory_space<vmem>>, %arg8: memref<40x128xi32, #tpu.memory_space<vmem>>, %arg9: memref<2x128x128xf32, #tpu.memory_space<vmem>>, %arg10: memref<10240x128xf32, #tpu.memory_space<vmem_shared>>, %arg11: memref<!tpu.dma_semaphore, #tpu.memory_space<semaphore_mem>>, %arg12: memref<!tpu.dma_semaphore, #tpu.memory_space<semaphore_mem>>, %arg13: memref<!tpu.dma_semaphore, #tpu.memory_space<semaphore_mem>>, %arg14: memref<!tpu.dma_semaphore, #tpu.memory_space<semaphore_mem>>) attributes {dimension_semantics = [#tpu.dimension_semantics<core_parallel>, #tpu.dimension_semantics<subcore_parallel>], iteration_bounds = array<i64: 2, 16>, scalar_prefetch = 0 : i64, scratch_operands = 8 : i64, tpu.core_type = #tpu.core_type<sc_vector_subcore>, window_params = [{transform_indices = #map}, {transform_indices = #map1}, {transform_indices = #map1}, {transform_indices = #map}, {transform_indices = #map1}]} {
    %mul3A = arith.constant 2 : i32
    %mul3A_0 = arith.muli %arg1, %mul3A : i32
    %add3A = arith.addi %mul3A_0, %arg0 : i32
    %mul3A_1 = arith.constant 640 : i32
    %mul3A_2 = arith.muli %arg1, %mul3A_1 : i32
    %mul3A_3 = arith.constant 640 : i32
    %mul3A_4 = arith.muli %arg1, %mul3A_3 : i32
    "tpu.region"() ({
      %run_scoped3A = tpu.sem_alloc : memref<!tpu.dma_semaphore, #tpu.memory_space<semaphore_mem>>
      %dma_start3A = arith.constant 0 : i32
      %dma_start3A_21 = tpu.memref_slice %arg10[%mul3A_4, %dma_start3A] : memref<10240x128xf32, #tpu.memory_space<vmem_shared>> -> memref<640x128xf32, #tpu.memory_space<vmem_shared>>
      %dma_start3A_22 = arith.constant 0 : i32
      %dma_start3A_23 = tpu.memref_slice %arg5[%mul3A_2, %dma_start3A_22] : memref<10240x128xf32, #tpu.memory_space<hbm>> -> memref<640x128xf32, #tpu.memory_space<hbm>>
      tpu.enqueue_dma source(%dma_start3A_23 : memref<640x128xf32, #tpu.memory_space<hbm>>) target(%dma_start3A_21 : memref<640x128xf32, #tpu.memory_space<vmem_shared>>) target_semaphore(%run_scoped3A : memref<!tpu.dma_semaphore, #tpu.memory_space<semaphore_mem>>)
      %dma_wait3A = arith.constant 0 : i32
      %dma_wait3A_24 = tpu.memref_slice %arg10[%mul3A_4, %dma_wait3A] : memref<10240x128xf32, #tpu.memory_space<vmem_shared>> -> memref<640x128xf32, #tpu.memory_space<vmem_shared>>
      %dma_wait3A_25 = arith.constant 0 : i32
      %dma_wait3A_26 = tpu.memref_slice %arg5[%mul3A_2, %dma_wait3A_25] : memref<10240x128xf32, #tpu.memory_space<hbm>> -> memref<640x128xf32, #tpu.memory_space<hbm>>
      tpu.wait_dma2 semaphore(%run_scoped3A : memref<!tpu.dma_semaphore, #tpu.memory_space<semaphore_mem>>) src(%dma_wait3A_26 : memref<640x128xf32, #tpu.memory_space<hbm>>) dst(%dma_wait3A_24 : memref<640x128xf32, #tpu.memory_space<vmem_shared>>)
      tpu.yield
    }) : () -> ()
    %barrier3A = arith.constant 0 : index
    tpu.barrier barrier_id(%barrier3A)
    "tpu.region"() ({
      %run_scoped3A = tpu.sem_alloc : memref<!tpu.dma_semaphore, #tpu.memory_space<semaphore_mem>>
      %dma_start3A = arith.constant 0 : i32
      %dma_start3A_21 = arith.constant 0 : i32
      %dma_start3A_22 = tpu.memref_slice %arg3[%add3A, %dma_start3A, %dma_start3A_21] : memref<32x80x128xi32, #tpu.memory_space<hbm>> -> memref<1x40x128xi32, #tpu.memory_space<hbm>>
      %dma_start3A_23 = tpu.memref_squeeze %dma_start3A_22 : memref<1x40x128xi32, #tpu.memory_space<hbm>> -> memref<40x128xi32, #tpu.memory_space<hbm>>
      %dma_start3A_24 = arith.constant 0 : i32
      %dma_start3A_25 = arith.constant 0 : i32
      %dma_start3A_26 = tpu.memref_slice %arg3[%add3A, %dma_start3A_24, %dma_start3A_25] : memref<32x80x128xi32, #tpu.memory_space<hbm>> -> memref<1x40x128xi32, #tpu.memory_space<hbm>>
      %dma_start3A_27 = tpu.memref_squeeze %dma_start3A_26 : memref<1x40x128xi32, #tpu.memory_space<hbm>> -> memref<40x128xi32, #tpu.memory_space<hbm>>
      tpu.enqueue_dma source(%dma_start3A_27 : memref<40x128xi32, #tpu.memory_space<hbm>>) target(%arg7 : memref<40x128xi32, #tpu.memory_space<vmem>>) target_semaphore(%run_scoped3A : memref<!tpu.dma_semaphore, #tpu.memory_space<semaphore_mem>>)
      %dma_wait3A = arith.constant 0 : i32
      %dma_wait3A_28 = arith.constant 0 : i32
      %dma_wait3A_29 = tpu.memref_slice %arg3[%add3A, %dma_wait3A, %dma_wait3A_28] : memref<32x80x128xi32, #tpu.memory_space<hbm>> -> memref<1x40x128xi32, #tpu.memory_space<hbm>>
      %dma_wait3A_30 = tpu.memref_squeeze %dma_wait3A_29 : memref<1x40x128xi32, #tpu.memory_space<hbm>> -> memref<40x128xi32, #tpu.memory_space<hbm>>
      %dma_wait3A_31 = arith.constant 0 : i32
      %dma_wait3A_32 = arith.constant 0 : i32
      %dma_wait3A_33 = tpu.memref_slice %arg3[%add3A, %dma_wait3A_31, %dma_wait3A_32] : memref<32x80x128xi32, #tpu.memory_space<hbm>> -> memref<1x40x128xi32, #tpu.memory_space<hbm>>
      %dma_wait3A_34 = tpu.memref_squeeze %dma_wait3A_33 : memref<1x40x128xi32, #tpu.memory_space<hbm>> -> memref<40x128xi32, #tpu.memory_space<hbm>>
      tpu.wait_dma2 semaphore(%run_scoped3A : memref<!tpu.dma_semaphore, #tpu.memory_space<semaphore_mem>>) src(%dma_wait3A_34 : memref<40x128xi32, #tpu.memory_space<hbm>>) dst(%arg7 : memref<40x128xi32, #tpu.memory_space<vmem>>)
      tpu.yield
    }) : () -> ()
    "tpu.region"() ({
      %run_scoped3A = tpu.sem_alloc : memref<!tpu.dma_semaphore, #tpu.memory_space<semaphore_mem>>
      %dma_start3A = arith.constant 0 : i32
      %dma_start3A_21 = arith.constant 0 : i32
      %dma_start3A_22 = tpu.memref_slice %arg4[%add3A, %dma_start3A, %dma_start3A_21] : memref<32x80x128xi32, #tpu.memory_space<hbm>> -> memref<1x40x128xi32, #tpu.memory_space<hbm>>
      %dma_start3A_23 = tpu.memref_squeeze %dma_start3A_22 : memref<1x40x128xi32, #tpu.memory_space<hbm>> -> memref<40x128xi32, #tpu.memory_space<hbm>>
      %dma_start3A_24 = arith.constant 0 : i32
      %dma_start3A_25 = arith.constant 0 : i32
      %dma_start3A_26 = tpu.memref_slice %arg4[%add3A, %dma_start3A_24, %dma_start3A_25] : memref<32x80x128xi32, #tpu.memory_space<hbm>> -> memref<1x40x128xi32, #tpu.memory_space<hbm>>
      %dma_start3A_27 = tpu.memref_squeeze %dma_start3A_26 : memref<1x40x128xi32, #tpu.memory_space<hbm>> -> memref<40x128xi32, #tpu.memory_space<hbm>>
      tpu.enqueue_dma source(%dma_start3A_27 : memref<40x128xi32, #tpu.memory_space<hbm>>) target(%arg8 : memref<40x128xi32, #tpu.memory_space<vmem>>) target_semaphore(%run_scoped3A : memref<!tpu.dma_semaphore, #tpu.memory_space<semaphore_mem>>)
      %dma_wait3A = arith.constant 0 : i32
      %dma_wait3A_28 = arith.constant 0 : i32
      %dma_wait3A_29 = tpu.memref_slice %arg4[%add3A, %dma_wait3A, %dma_wait3A_28] : memref<32x80x128xi32, #tpu.memory_space<hbm>> -> memref<1x40x128xi32, #tpu.memory_space<hbm>>
      %dma_wait3A_30 = tpu.memref_squeeze %dma_wait3A_29 : memref<1x40x128xi32, #tpu.memory_space<hbm>> -> memref<40x128xi32, #tpu.memory_space<hbm>>
      %dma_wait3A_31 = arith.constant 0 : i32
      %dma_wait3A_32 = arith.constant 0 : i32
      %dma_wait3A_33 = tpu.memref_slice %arg4[%add3A, %dma_wait3A_31, %dma_wait3A_32] : memref<32x80x128xi32, #tpu.memory_space<hbm>> -> memref<1x40x128xi32, #tpu.memory_space<hbm>>
      %dma_wait3A_34 = tpu.memref_squeeze %dma_wait3A_33 : memref<1x40x128xi32, #tpu.memory_space<hbm>> -> memref<40x128xi32, #tpu.memory_space<hbm>>
      tpu.wait_dma2 semaphore(%run_scoped3A : memref<!tpu.dma_semaphore, #tpu.memory_space<semaphore_mem>>) src(%dma_wait3A_34 : memref<40x128xi32, #tpu.memory_space<hbm>>) dst(%arg8 : memref<40x128xi32, #tpu.memory_space<vmem>>)
      tpu.yield
    }) : () -> ()
    %scan3A = arith.constant 0 : i32
    %scan3A_5 = arith.constant 0 : i32
    %scan3A_6 = arith.constant 20 : i32
    %scan3A_7 = arith.addi %scan3A_5, %scan3A_6 : i32
    %scan3A_8 = arith.constant 1 : i32
    scf.for %scan3A_21 = %scan3A_5 to %scan3A_7 step %scan3A_8  : i32 {
      %mul3A_22 = arith.constant 2 : i32
      %mul3A_23 = arith.muli %scan3A_21, %mul3A_22 : i32
      %add3A_24 = arith.constant 0 : i32
      %add3A_25 = arith.addi %mul3A_23, %add3A_24 : i32
      %dma_start3A = arith.constant 0 : i32
      %dma_start3A_26 = arith.constant 0 : i32
      %dma_start3A_27 = arith.constant 0 : i32
      %dma_start3A_28 = tpu.memref_slice %arg9[%dma_start3A, %dma_start3A_26, %dma_start3A_27] : memref<2x128x128xf32, #tpu.memory_space<vmem>> -> memref<1x128x128xf32, #tpu.memory_space<vmem>>
      %dma_start3A_29 = tpu.memref_squeeze %dma_start3A_28 : memref<1x128x128xf32, #tpu.memory_space<vmem>> -> memref<128x128xf32, #tpu.memory_space<vmem>>
      %dma_start3A_30 = arith.constant 0 : i32
      %dma_start3A_31 = tpu.memref_slice %arg7[%add3A_25, %dma_start3A_30] : memref<40x128xi32, #tpu.memory_space<vmem>> -> memref<1x128xi32, #tpu.memory_space<vmem>>
      %dma_start3A_32 = tpu.memref_squeeze %dma_start3A_31 : memref<1x128xi32, #tpu.memory_space<vmem>> -> memref<128xi32, #tpu.memory_space<vmem>>
      %dma_start3A_33 = arith.constant 0 : i32
      %dma_start3A_34 = arith.constant 0 : i32
      %dma_start3A_35 = tpu.memref_slice %arg2[%dma_start3A_33, %dma_start3A_34] : memref<10240x128xf32, #tpu.memory_space<hbm>> -> memref<10240x128xf32, #tpu.memory_space<hbm>>
      tpu.enqueue_indirect_dma source(%dma_start3A_35 : memref<10240x128xf32, #tpu.memory_space<hbm>>) target(%dma_start3A_29 : memref<128x128xf32, #tpu.memory_space<vmem>>) offsets(%dma_start3A_32 : memref<128xi32, #tpu.memory_space<vmem>>) semaphore(%arg11 : memref<!tpu.dma_semaphore, #tpu.memory_space<semaphore_mem>>)
      %add3A_36 = arith.constant 1 : i32
      %add3A_37 = arith.addi %mul3A_23, %add3A_36 : i32
      %dma_start3A_38 = arith.constant 1 : i32
      %dma_start3A_39 = arith.constant 0 : i32
      %dma_start3A_40 = arith.constant 0 : i32
      %dma_start3A_41 = tpu.memref_slice %arg9[%dma_start3A_38, %dma_start3A_39, %dma_start3A_40] : memref<2x128x128xf32, #tpu.memory_space<vmem>> -> memref<1x128x128xf32, #tpu.memory_space<vmem>>
      %dma_start3A_42 = tpu.memref_squeeze %dma_start3A_41 : memref<1x128x128xf32, #tpu.memory_space<vmem>> -> memref<128x128xf32, #tpu.memory_space<vmem>>
      %dma_start3A_43 = arith.constant 0 : i32
      %dma_start3A_44 = tpu.memref_slice %arg7[%add3A_37, %dma_start3A_43] : memref<40x128xi32, #tpu.memory_space<vmem>> -> memref<1x128xi32, #tpu.memory_space<vmem>>
      %dma_start3A_45 = tpu.memref_squeeze %dma_start3A_44 : memref<1x128xi32, #tpu.memory_space<vmem>> -> memref<128xi32, #tpu.memory_space<vmem>>
      %dma_start3A_46 = arith.constant 0 : i32
      %dma_start3A_47 = arith.constant 0 : i32
      %dma_start3A_48 = tpu.memref_slice %arg2[%dma_start3A_46, %dma_start3A_47] : memref<10240x128xf32, #tpu.memory_space<hbm>> -> memref<10240x128xf32, #tpu.memory_space<hbm>>
      tpu.enqueue_indirect_dma source(%dma_start3A_48 : memref<10240x128xf32, #tpu.memory_space<hbm>>) target(%dma_start3A_42 : memref<128x128xf32, #tpu.memory_space<vmem>>) offsets(%dma_start3A_45 : memref<128xi32, #tpu.memory_space<vmem>>) semaphore(%arg12 : memref<!tpu.dma_semaphore, #tpu.memory_space<semaphore_mem>>)
      %dma_wait3A = arith.constant 0 : i32
      %dma_wait3A_49 = arith.constant 0 : i32
      %dma_wait3A_50 = arith.constant 0 : i32
      %dma_wait3A_51 = tpu.memref_slice %arg9[%dma_wait3A, %dma_wait3A_49, %dma_wait3A_50] : memref<2x128x128xf32, #tpu.memory_space<vmem>> -> memref<1x128x128xf32, #tpu.memory_space<vmem>>
      %dma_wait3A_52 = tpu.memref_squeeze %dma_wait3A_51 : memref<1x128x128xf32, #tpu.memory_space<vmem>> -> memref<128x128xf32, #tpu.memory_space<vmem>>
      %dma_wait3A_53 = arith.constant 0 : i32
      %dma_wait3A_54 = tpu.memref_slice %arg7[%add3A_25, %dma_wait3A_53] : memref<40x128xi32, #tpu.memory_space<vmem>> -> memref<1x128xi32, #tpu.memory_space<vmem>>
      %dma_wait3A_55 = tpu.memref_squeeze %dma_wait3A_54 : memref<1x128xi32, #tpu.memory_space<vmem>> -> memref<128xi32, #tpu.memory_space<vmem>>
      %dma_wait3A_56 = arith.constant 0 : i32
      %dma_wait3A_57 = arith.constant 0 : i32
      %dma_wait3A_58 = tpu.memref_slice %arg2[%dma_wait3A_56, %dma_wait3A_57] : memref<10240x128xf32, #tpu.memory_space<hbm>> -> memref<10240x128xf32, #tpu.memory_space<hbm>>
      tpu.wait_indirect_dma semaphore(%arg11 : memref<!tpu.dma_semaphore, #tpu.memory_space<semaphore_mem>>) src(%dma_wait3A_58 : memref<10240x128xf32, #tpu.memory_space<hbm>>) dst(%dma_wait3A_52 : memref<128x128xf32, #tpu.memory_space<vmem>>)
      %add3A_59 = arith.constant 0 : i32
      %add3A_60 = arith.addi %mul3A_23, %add3A_59 : i32
      %dma_start3A_61 = arith.constant 0 : i32
      %dma_start3A_62 = arith.constant 0 : i32
      %dma_start3A_63 = arith.constant 0 : i32
      %dma_start3A_64 = tpu.memref_slice %arg9[%dma_start3A_61, %dma_start3A_62, %dma_start3A_63] : memref<2x128x128xf32, #tpu.memory_space<vmem>> -> memref<1x128x128xf32, #tpu.memory_space<vmem>>
      %dma_start3A_65 = tpu.memref_squeeze %dma_start3A_64 : memref<1x128x128xf32, #tpu.memory_space<vmem>> -> memref<128x128xf32, #tpu.memory_space<vmem>>
      %dma_start3A_66 = arith.constant 0 : i32
      %dma_start3A_67 = tpu.memref_slice %arg8[%add3A_60, %dma_start3A_66] : memref<40x128xi32, #tpu.memory_space<vmem>> -> memref<1x128xi32, #tpu.memory_space<vmem>>
      %dma_start3A_68 = tpu.memref_squeeze %dma_start3A_67 : memref<1x128xi32, #tpu.memory_space<vmem>> -> memref<128xi32, #tpu.memory_space<vmem>>
      %dma_start3A_69 = arith.constant 0 : i32
      %dma_start3A_70 = arith.constant 0 : i32
      %dma_start3A_71 = tpu.memref_slice %arg10[%dma_start3A_69, %dma_start3A_70] : memref<10240x128xf32, #tpu.memory_space<vmem_shared>> -> memref<10240x128xf32, #tpu.memory_space<vmem_shared>>
      tpu.enqueue_indirect_dma source(%dma_start3A_65 : memref<128x128xf32, #tpu.memory_space<vmem>>) target(%dma_start3A_71 : memref<10240x128xf32, #tpu.memory_space<vmem_shared>>) offsets(%dma_start3A_68 : memref<128xi32, #tpu.memory_space<vmem>>) semaphore(%arg13 : memref<!tpu.dma_semaphore, #tpu.memory_space<semaphore_mem>>) {add = true}
      %dma_wait3A_72 = arith.constant 1 : i32
      %dma_wait3A_73 = arith.constant 0 : i32
      %dma_wait3A_74 = arith.constant 0 : i32
      %dma_wait3A_75 = tpu.memref_slice %arg9[%dma_wait3A_72, %dma_wait3A_73, %dma_wait3A_74] : memref<2x128x128xf32, #tpu.memory_space<vmem>> -> memref<1x128x128xf32, #tpu.memory_space<vmem>>
      %dma_wait3A_76 = tpu.memref_squeeze %dma_wait3A_75 : memref<1x128x128xf32, #tpu.memory_space<vmem>> -> memref<128x128xf32, #tpu.memory_space<vmem>>
      %dma_wait3A_77 = arith.constant 0 : i32
      %dma_wait3A_78 = tpu.memref_slice %arg7[%add3A_37, %dma_wait3A_77] : memref<40x128xi32, #tpu.memory_space<vmem>> -> memref<1x128xi32, #tpu.memory_space<vmem>>
      %dma_wait3A_79 = tpu.memref_squeeze %dma_wait3A_78 : memref<1x128xi32, #tpu.memory_space<vmem>> -> memref<128xi32, #tpu.memory_space<vmem>>
      %dma_wait3A_80 = arith.constant 0 : i32
      %dma_wait3A_81 = arith.constant 0 : i32
      %dma_wait3A_82 = tpu.memref_slice %arg2[%dma_wait3A_80, %dma_wait3A_81] : memref<10240x128xf32, #tpu.memory_space<hbm>> -> memref<10240x128xf32, #tpu.memory_space<hbm>>
      tpu.wait_indirect_dma semaphore(%arg12 : memref<!tpu.dma_semaphore, #tpu.memory_space<semaphore_mem>>) src(%dma_wait3A_82 : memref<10240x128xf32, #tpu.memory_space<hbm>>) dst(%dma_wait3A_76 : memref<128x128xf32, #tpu.memory_space<vmem>>)
      %add3A_83 = arith.constant 1 : i32
      %add3A_84 = arith.addi %mul3A_23, %add3A_83 : i32
      %dma_start3A_85 = arith.constant 1 : i32
      %dma_start3A_86 = arith.constant 0 : i32
      %dma_start3A_87 = arith.constant 0 : i32
      %dma_start3A_88 = tpu.memref_slice %arg9[%dma_start3A_85, %dma_start3A_86, %dma_start3A_87] : memref<2x128x128xf32, #tpu.memory_space<vmem>> -> memref<1x128x128xf32, #tpu.memory_space<vmem>>
      %dma_start3A_89 = tpu.memref_squeeze %dma_start3A_88 : memref<1x128x128xf32, #tpu.memory_space<vmem>> -> memref<128x128xf32, #tpu.memory_space<vmem>>
      %dma_start3A_90 = arith.constant 0 : i32
      %dma_start3A_91 = tpu.memref_slice %arg8[%add3A_84, %dma_start3A_90] : memref<40x128xi32, #tpu.memory_space<vmem>> -> memref<1x128xi32, #tpu.memory_space<vmem>>
      %dma_start3A_92 = tpu.memref_squeeze %dma_start3A_91 : memref<1x128xi32, #tpu.memory_space<vmem>> -> memref<128xi32, #tpu.memory_space<vmem>>
      %dma_start3A_93 = arith.constant 0 : i32
      %dma_start3A_94 = arith.constant 0 : i32
      %dma_start3A_95 = tpu.memref_slice %arg10[%dma_start3A_93, %dma_start3A_94] : memref<10240x128xf32, #tpu.memory_space<vmem_shared>> -> memref<10240x128xf32, #tpu.memory_space<vmem_shared>>
      tpu.enqueue_indirect_dma source(%dma_start3A_89 : memref<128x128xf32, #tpu.memory_space<vmem>>) target(%dma_start3A_95 : memref<10240x128xf32, #tpu.memory_space<vmem_shared>>) offsets(%dma_start3A_92 : memref<128xi32, #tpu.memory_space<vmem>>) semaphore(%arg14 : memref<!tpu.dma_semaphore, #tpu.memory_space<semaphore_mem>>) {add = true}
      %dma_wait3A_96 = arith.constant 0 : i32
      %dma_wait3A_97 = arith.constant 0 : i32
      %dma_wait3A_98 = arith.constant 0 : i32
      %dma_wait3A_99 = tpu.memref_slice %arg9[%dma_wait3A_96, %dma_wait3A_97, %dma_wait3A_98] : memref<2x128x128xf32, #tpu.memory_space<vmem>> -> memref<1x128x128xf32, #tpu.memory_space<vmem>>
      %dma_wait3A_100 = tpu.memref_squeeze %dma_wait3A_99 : memref<1x128x128xf32, #tpu.memory_space<vmem>> -> memref<128x128xf32, #tpu.memory_space<vmem>>
      %dma_wait3A_101 = arith.constant 0 : i32
      %dma_wait3A_102 = tpu.memref_slice %arg8[%add3A_60, %dma_wait3A_101] : memref<40x128xi32, #tpu.memory_space<vmem>> -> memref<1x128xi32, #tpu.memory_space<vmem>>
      %dma_wait3A_103 = tpu.memref_squeeze %dma_wait3A_102 : memref<1x128xi32, #tpu.memory_space<vmem>> -> memref<128xi32, #tpu.memory_space<vmem>>
      %dma_wait3A_104 = arith.constant 0 : i32
      %dma_wait3A_105 = arith.constant 0 : i32
      %dma_wait3A_106 = tpu.memref_slice %arg10[%dma_wait3A_104, %dma_wait3A_105] : memref<10240x128xf32, #tpu.memory_space<vmem_shared>> -> memref<10240x128xf32, #tpu.memory_space<vmem_shared>>
      tpu.wait_indirect_dma semaphore(%arg13 : memref<!tpu.dma_semaphore, #tpu.memory_space<semaphore_mem>>) src(%dma_wait3A_100 : memref<128x128xf32, #tpu.memory_space<vmem>>) dst(%dma_wait3A_106 : memref<10240x128xf32, #tpu.memory_space<vmem_shared>>)
      %dma_wait3A_107 = arith.constant 1 : i32
      %dma_wait3A_108 = arith.constant 0 : i32
      %dma_wait3A_109 = arith.constant 0 : i32
      %dma_wait3A_110 = tpu.memref_slice %arg9[%dma_wait3A_107, %dma_wait3A_108, %dma_wait3A_109] : memref<2x128x128xf32, #tpu.memory_space<vmem>> -> memref<1x128x128xf32, #tpu.memory_space<vmem>>
      %dma_wait3A_111 = tpu.memref_squeeze %dma_wait3A_110 : memref<1x128x128xf32, #tpu.memory_space<vmem>> -> memref<128x128xf32, #tpu.memory_space<vmem>>
      %dma_wait3A_112 = arith.constant 0 : i32
      %dma_wait3A_113 = tpu.memref_slice %arg8[%add3A_84, %dma_wait3A_112] : memref<40x128xi32, #tpu.memory_space<vmem>> -> memref<1x128xi32, #tpu.memory_space<vmem>>
      %dma_wait3A_114 = tpu.memref_squeeze %dma_wait3A_113 : memref<1x128xi32, #tpu.memory_space<vmem>> -> memref<128xi32, #tpu.memory_space<vmem>>
      %dma_wait3A_115 = arith.constant 0 : i32
      %dma_wait3A_116 = arith.constant 0 : i32
      %dma_wait3A_117 = tpu.memref_slice %arg10[%dma_wait3A_115, %dma_wait3A_116] : memref<10240x128xf32, #tpu.memory_space<vmem_shared>> -> memref<10240x128xf32, #tpu.memory_space<vmem_shared>>
      tpu.wait_indirect_dma semaphore(%arg14 : memref<!tpu.dma_semaphore, #tpu.memory_space<semaphore_mem>>) src(%dma_wait3A_111 : memref<128x128xf32, #tpu.memory_space<vmem>>) dst(%dma_wait3A_117 : memref<10240x128xf32, #tpu.memory_space<vmem_shared>>)
    }
    %scan3A_9 = arith.constant 20 : i32
    "tpu.region"() ({
      %run_scoped3A = tpu.sem_alloc : memref<!tpu.dma_semaphore, #tpu.memory_space<semaphore_mem>>
      %dma_start3A = arith.constant 40 : i32
      %dma_start3A_21 = arith.constant 0 : i32
      %dma_start3A_22 = tpu.memref_slice %arg3[%add3A, %dma_start3A, %dma_start3A_21] : memref<32x80x128xi32, #tpu.memory_space<hbm>> -> memref<1x40x128xi32, #tpu.memory_space<hbm>>
      %dma_start3A_23 = tpu.memref_squeeze %dma_start3A_22 : memref<1x40x128xi32, #tpu.memory_space<hbm>> -> memref<40x128xi32, #tpu.memory_space<hbm>>
      %dma_start3A_24 = arith.constant 40 : i32
      %dma_start3A_25 = arith.constant 0 : i32
      %dma_start3A_26 = tpu.memref_slice %arg3[%add3A, %dma_start3A_24, %dma_start3A_25] : memref<32x80x128xi32, #tpu.memory_space<hbm>> -> memref<1x40x128xi32, #tpu.memory_space<hbm>>
      %dma_start3A_27 = tpu.memref_squeeze %dma_start3A_26 : memref<1x40x128xi32, #tpu.memory_space<hbm>> -> memref<40x128xi32, #tpu.memory_space<hbm>>
      tpu.enqueue_dma source(%dma_start3A_27 : memref<40x128xi32, #tpu.memory_space<hbm>>) target(%arg7 : memref<40x128xi32, #tpu.memory_space<vmem>>) target_semaphore(%run_scoped3A : memref<!tpu.dma_semaphore, #tpu.memory_space<semaphore_mem>>)
      %dma_wait3A = arith.constant 40 : i32
      %dma_wait3A_28 = arith.constant 0 : i32
      %dma_wait3A_29 = tpu.memref_slice %arg3[%add3A, %dma_wait3A, %dma_wait3A_28] : memref<32x80x128xi32, #tpu.memory_space<hbm>> -> memref<1x40x128xi32, #tpu.memory_space<hbm>>
      %dma_wait3A_30 = tpu.memref_squeeze %dma_wait3A_29 : memref<1x40x128xi32, #tpu.memory_space<hbm>> -> memref<40x128xi32, #tpu.memory_space<hbm>>
      %dma_wait3A_31 = arith.constant 40 : i32
      %dma_wait3A_32 = arith.constant 0 : i32
      %dma_wait3A_33 = tpu.memref_slice %arg3[%add3A, %dma_wait3A_31, %dma_wait3A_32] : memref<32x80x128xi32, #tpu.memory_space<hbm>> -> memref<1x40x128xi32, #tpu.memory_space<hbm>>
      %dma_wait3A_34 = tpu.memref_squeeze %dma_wait3A_33 : memref<1x40x128xi32, #tpu.memory_space<hbm>> -> memref<40x128xi32, #tpu.memory_space<hbm>>
      tpu.wait_dma2 semaphore(%run_scoped3A : memref<!tpu.dma_semaphore, #tpu.memory_space<semaphore_mem>>) src(%dma_wait3A_34 : memref<40x128xi32, #tpu.memory_space<hbm>>) dst(%arg7 : memref<40x128xi32, #tpu.memory_space<vmem>>)
      tpu.yield
    }) : () -> ()
    "tpu.region"() ({
      %run_scoped3A = tpu.sem_alloc : memref<!tpu.dma_semaphore, #tpu.memory_space<semaphore_mem>>
      %dma_start3A = arith.constant 40 : i32
      %dma_start3A_21 = arith.constant 0 : i32
      %dma_start3A_22 = tpu.memref_slice %arg4[%add3A, %dma_start3A, %dma_start3A_21] : memref<32x80x128xi32, #tpu.memory_space<hbm>> -> memref<1x40x128xi32, #tpu.memory_space<hbm>>
      %dma_start3A_23 = tpu.memref_squeeze %dma_start3A_22 : memref<1x40x128xi32, #tpu.memory_space<hbm>> -> memref<40x128xi32, #tpu.memory_space<hbm>>
      %dma_start3A_24 = arith.constant 40 : i32
      %dma_start3A_25 = arith.constant 0 : i32
      %dma_start3A_26 = tpu.memref_slice %arg4[%add3A, %dma_start3A_24, %dma_start3A_25] : memref<32x80x128xi32, #tpu.memory_space<hbm>> -> memref<1x40x128xi32, #tpu.memory_space<hbm>>
      %dma_start3A_27 = tpu.memref_squeeze %dma_start3A_26 : memref<1x40x128xi32, #tpu.memory_space<hbm>> -> memref<40x128xi32, #tpu.memory_space<hbm>>
      tpu.enqueue_dma source(%dma_start3A_27 : memref<40x128xi32, #tpu.memory_space<hbm>>) target(%arg8 : memref<40x128xi32, #tpu.memory_space<vmem>>) target_semaphore(%run_scoped3A : memref<!tpu.dma_semaphore, #tpu.memory_space<semaphore_mem>>)
      %dma_wait3A = arith.constant 40 : i32
      %dma_wait3A_28 = arith.constant 0 : i32
      %dma_wait3A_29 = tpu.memref_slice %arg4[%add3A, %dma_wait3A, %dma_wait3A_28] : memref<32x80x128xi32, #tpu.memory_space<hbm>> -> memref<1x40x128xi32, #tpu.memory_space<hbm>>
      %dma_wait3A_30 = tpu.memref_squeeze %dma_wait3A_29 : memref<1x40x128xi32, #tpu.memory_space<hbm>> -> memref<40x128xi32, #tpu.memory_space<hbm>>
      %dma_wait3A_31 = arith.constant 40 : i32
      %dma_wait3A_32 = arith.constant 0 : i32
      %dma_wait3A_33 = tpu.memref_slice %arg4[%add3A, %dma_wait3A_31, %dma_wait3A_32] : memref<32x80x128xi32, #tpu.memory_space<hbm>> -> memref<1x40x128xi32, #tpu.memory_space<hbm>>
      %dma_wait3A_34 = tpu.memref_squeeze %dma_wait3A_33 : memref<1x40x128xi32, #tpu.memory_space<hbm>> -> memref<40x128xi32, #tpu.memory_space<hbm>>
      tpu.wait_dma2 semaphore(%run_scoped3A : memref<!tpu.dma_semaphore, #tpu.memory_space<semaphore_mem>>) src(%dma_wait3A_34 : memref<40x128xi32, #tpu.memory_space<hbm>>) dst(%arg8 : memref<40x128xi32, #tpu.memory_space<vmem>>)
      tpu.yield
    }) : () -> ()
    %scan3A_10 = arith.constant 0 : i32
    %scan3A_11 = arith.constant 0 : i32
    %scan3A_12 = arith.constant 20 : i32
    %scan3A_13 = arith.addi %scan3A_11, %scan3A_12 : i32
    %scan3A_14 = arith.constant 1 : i32
    scf.for %scan3A_21 = %scan3A_11 to %scan3A_13 step %scan3A_14  : i32 {
      %mul3A_22 = arith.constant 2 : i32
      %mul3A_23 = arith.muli %scan3A_21, %mul3A_22 : i32
      %add3A_24 = arith.constant 0 : i32
      %add3A_25 = arith.addi %mul3A_23, %add3A_24 : i32
      %dma_start3A = arith.constant 0 : i32
      %dma_start3A_26 = arith.constant 0 : i32
      %dma_start3A_27 = arith.constant 0 : i32
      %dma_start3A_28 = tpu.memref_slice %arg9[%dma_start3A, %dma_start3A_26, %dma_start3A_27] : memref<2x128x128xf32, #tpu.memory_space<vmem>> -> memref<1x128x128xf32, #tpu.memory_space<vmem>>
      %dma_start3A_29 = tpu.memref_squeeze %dma_start3A_28 : memref<1x128x128xf32, #tpu.memory_space<vmem>> -> memref<128x128xf32, #tpu.memory_space<vmem>>
      %dma_start3A_30 = arith.constant 0 : i32
      %dma_start3A_31 = tpu.memref_slice %arg7[%add3A_25, %dma_start3A_30] : memref<40x128xi32, #tpu.memory_space<vmem>> -> memref<1x128xi32, #tpu.memory_space<vmem>>
      %dma_start3A_32 = tpu.memref_squeeze %dma_start3A_31 : memref<1x128xi32, #tpu.memory_space<vmem>> -> memref<128xi32, #tpu.memory_space<vmem>>
      %dma_start3A_33 = arith.constant 0 : i32
      %dma_start3A_34 = arith.constant 0 : i32
      %dma_start3A_35 = tpu.memref_slice %arg2[%dma_start3A_33, %dma_start3A_34] : memref<10240x128xf32, #tpu.memory_space<hbm>> -> memref<10240x128xf32, #tpu.memory_space<hbm>>
      tpu.enqueue_indirect_dma source(%dma_start3A_35 : memref<10240x128xf32, #tpu.memory_space<hbm>>) target(%dma_start3A_29 : memref<128x128xf32, #tpu.memory_space<vmem>>) offsets(%dma_start3A_32 : memref<128xi32, #tpu.memory_space<vmem>>) semaphore(%arg11 : memref<!tpu.dma_semaphore, #tpu.memory_space<semaphore_mem>>)
      %add3A_36 = arith.constant 1 : i32
      %add3A_37 = arith.addi %mul3A_23, %add3A_36 : i32
      %dma_start3A_38 = arith.constant 1 : i32
      %dma_start3A_39 = arith.constant 0 : i32
      %dma_start3A_40 = arith.constant 0 : i32
      %dma_start3A_41 = tpu.memref_slice %arg9[%dma_start3A_38, %dma_start3A_39, %dma_start3A_40] : memref<2x128x128xf32, #tpu.memory_space<vmem>> -> memref<1x128x128xf32, #tpu.memory_space<vmem>>
      %dma_start3A_42 = tpu.memref_squeeze %dma_start3A_41 : memref<1x128x128xf32, #tpu.memory_space<vmem>> -> memref<128x128xf32, #tpu.memory_space<vmem>>
      %dma_start3A_43 = arith.constant 0 : i32
      %dma_start3A_44 = tpu.memref_slice %arg7[%add3A_37, %dma_start3A_43] : memref<40x128xi32, #tpu.memory_space<vmem>> -> memref<1x128xi32, #tpu.memory_space<vmem>>
      %dma_start3A_45 = tpu.memref_squeeze %dma_start3A_44 : memref<1x128xi32, #tpu.memory_space<vmem>> -> memref<128xi32, #tpu.memory_space<vmem>>
      %dma_start3A_46 = arith.constant 0 : i32
      %dma_start3A_47 = arith.constant 0 : i32
      %dma_start3A_48 = tpu.memref_slice %arg2[%dma_start3A_46, %dma_start3A_47] : memref<10240x128xf32, #tpu.memory_space<hbm>> -> memref<10240x128xf32, #tpu.memory_space<hbm>>
      tpu.enqueue_indirect_dma source(%dma_start3A_48 : memref<10240x128xf32, #tpu.memory_space<hbm>>) target(%dma_start3A_42 : memref<128x128xf32, #tpu.memory_space<vmem>>) offsets(%dma_start3A_45 : memref<128xi32, #tpu.memory_space<vmem>>) semaphore(%arg12 : memref<!tpu.dma_semaphore, #tpu.memory_space<semaphore_mem>>)
      %dma_wait3A = arith.constant 0 : i32
      %dma_wait3A_49 = arith.constant 0 : i32
      %dma_wait3A_50 = arith.constant 0 : i32
      %dma_wait3A_51 = tpu.memref_slice %arg9[%dma_wait3A, %dma_wait3A_49, %dma_wait3A_50] : memref<2x128x128xf32, #tpu.memory_space<vmem>> -> memref<1x128x128xf32, #tpu.memory_space<vmem>>
      %dma_wait3A_52 = tpu.memref_squeeze %dma_wait3A_51 : memref<1x128x128xf32, #tpu.memory_space<vmem>> -> memref<128x128xf32, #tpu.memory_space<vmem>>
      %dma_wait3A_53 = arith.constant 0 : i32
      %dma_wait3A_54 = tpu.memref_slice %arg7[%add3A_25, %dma_wait3A_53] : memref<40x128xi32, #tpu.memory_space<vmem>> -> memref<1x128xi32, #tpu.memory_space<vmem>>
      %dma_wait3A_55 = tpu.memref_squeeze %dma_wait3A_54 : memref<1x128xi32, #tpu.memory_space<vmem>> -> memref<128xi32, #tpu.memory_space<vmem>>
      %dma_wait3A_56 = arith.constant 0 : i32
      %dma_wait3A_57 = arith.constant 0 : i32
      %dma_wait3A_58 = tpu.memref_slice %arg2[%dma_wait3A_56, %dma_wait3A_57] : memref<10240x128xf32, #tpu.memory_space<hbm>> -> memref<10240x128xf32, #tpu.memory_space<hbm>>
      tpu.wait_indirect_dma semaphore(%arg11 : memref<!tpu.dma_semaphore, #tpu.memory_space<semaphore_mem>>) src(%dma_wait3A_58 : memref<10240x128xf32, #tpu.memory_space<hbm>>) dst(%dma_wait3A_52 : memref<128x128xf32, #tpu.memory_space<vmem>>)
      %add3A_59 = arith.constant 0 : i32
      %add3A_60 = arith.addi %mul3A_23, %add3A_59 : i32
      %dma_start3A_61 = arith.constant 0 : i32
      %dma_start3A_62 = arith.constant 0 : i32
      %dma_start3A_63 = arith.constant 0 : i32
      %dma_start3A_64 = tpu.memref_slice %arg9[%dma_start3A_61, %dma_start3A_62, %dma_start3A_63] : memref<2x128x128xf32, #tpu.memory_space<vmem>> -> memref<1x128x128xf32, #tpu.memory_space<vmem>>
      %dma_start3A_65 = tpu.memref_squeeze %dma_start3A_64 : memref<1x128x128xf32, #tpu.memory_space<vmem>> -> memref<128x128xf32, #tpu.memory_space<vmem>>
      %dma_start3A_66 = arith.constant 0 : i32
      %dma_start3A_67 = tpu.memref_slice %arg8[%add3A_60, %dma_start3A_66] : memref<40x128xi32, #tpu.memory_space<vmem>> -> memref<1x128xi32, #tpu.memory_space<vmem>>
      %dma_start3A_68 = tpu.memref_squeeze %dma_start3A_67 : memref<1x128xi32, #tpu.memory_space<vmem>> -> memref<128xi32, #tpu.memory_space<vmem>>
      %dma_start3A_69 = arith.constant 0 : i32
      %dma_start3A_70 = arith.constant 0 : i32
      %dma_start3A_71 = tpu.memref_slice %arg10[%dma_start3A_69, %dma_start3A_70] : memref<10240x128xf32, #tpu.memory_space<vmem_shared>> -> memref<10240x128xf32, #tpu.memory_space<vmem_shared>>
      tpu.enqueue_indirect_dma source(%dma_start3A_65 : memref<128x128xf32, #tpu.memory_space<vmem>>) target(%dma_start3A_71 : memref<10240x128xf32, #tpu.memory_space<vmem_shared>>) offsets(%dma_start3A_68 : memref<128xi32, #tpu.memory_space<vmem>>) semaphore(%arg13 : memref<!tpu.dma_semaphore, #tpu.memory_space<semaphore_mem>>) {add = true}
      %dma_wait3A_72 = arith.constant 1 : i32
      %dma_wait3A_73 = arith.constant 0 : i32
      %dma_wait3A_74 = arith.constant 0 : i32
      %dma_wait3A_75 = tpu.memref_slice %arg9[%dma_wait3A_72, %dma_wait3A_73, %dma_wait3A_74] : memref<2x128x128xf32, #tpu.memory_space<vmem>> -> memref<1x128x128xf32, #tpu.memory_space<vmem>>
      %dma_wait3A_76 = tpu.memref_squeeze %dma_wait3A_75 : memref<1x128x128xf32, #tpu.memory_space<vmem>> -> memref<128x128xf32, #tpu.memory_space<vmem>>
      %dma_wait3A_77 = arith.constant 0 : i32
      %dma_wait3A_78 = tpu.memref_slice %arg7[%add3A_37, %dma_wait3A_77] : memref<40x128xi32, #tpu.memory_space<vmem>> -> memref<1x128xi32, #tpu.memory_space<vmem>>
      %dma_wait3A_79 = tpu.memref_squeeze %dma_wait3A_78 : memref<1x128xi32, #tpu.memory_space<vmem>> -> memref<128xi32, #tpu.memory_space<vmem>>
      %dma_wait3A_80 = arith.constant 0 : i32
      %dma_wait3A_81 = arith.constant 0 : i32
      %dma_wait3A_82 = tpu.memref_slice %arg2[%dma_wait3A_80, %dma_wait3A_81] : memref<10240x128xf32, #tpu.memory_space<hbm>> -> memref<10240x128xf32, #tpu.memory_space<hbm>>
      tpu.wait_indirect_dma semaphore(%arg12 : memref<!tpu.dma_semaphore, #tpu.memory_space<semaphore_mem>>) src(%dma_wait3A_82 : memref<10240x128xf32, #tpu.memory_space<hbm>>) dst(%dma_wait3A_76 : memref<128x128xf32, #tpu.memory_space<vmem>>)
      %add3A_83 = arith.constant 1 : i32
      %add3A_84 = arith.addi %mul3A_23, %add3A_83 : i32
      %dma_start3A_85 = arith.constant 1 : i32
      %dma_start3A_86 = arith.constant 0 : i32
      %dma_start3A_87 = arith.constant 0 : i32
      %dma_start3A_88 = tpu.memref_slice %arg9[%dma_start3A_85, %dma_start3A_86, %dma_start3A_87] : memref<2x128x128xf32, #tpu.memory_space<vmem>> -> memref<1x128x128xf32, #tpu.memory_space<vmem>>
      %dma_start3A_89 = tpu.memref_squeeze %dma_start3A_88 : memref<1x128x128xf32, #tpu.memory_space<vmem>> -> memref<128x128xf32, #tpu.memory_space<vmem>>
      %dma_start3A_90 = arith.constant 0 : i32
      %dma_start3A_91 = tpu.memref_slice %arg8[%add3A_84, %dma_start3A_90] : memref<40x128xi32, #tpu.memory_space<vmem>> -> memref<1x128xi32, #tpu.memory_space<vmem>>
      %dma_start3A_92 = tpu.memref_squeeze %dma_start3A_91 : memref<1x128xi32, #tpu.memory_space<vmem>> -> memref<128xi32, #tpu.memory_space<vmem>>
      %dma_start3A_93 = arith.constant 0 : i32
      %dma_start3A_94 = arith.constant 0 : i32
      %dma_start3A_95 = tpu.memref_slice %arg10[%dma_start3A_93, %dma_start3A_94] : memref<10240x128xf32, #tpu.memory_space<vmem_shared>> -> memref<10240x128xf32, #tpu.memory_space<vmem_shared>>
      tpu.enqueue_indirect_dma source(%dma_start3A_89 : memref<128x128xf32, #tpu.memory_space<vmem>>) target(%dma_start3A_95 : memref<10240x128xf32, #tpu.memory_space<vmem_shared>>) offsets(%dma_start3A_92 : memref<128xi32, #tpu.memory_space<vmem>>) semaphore(%arg14 : memref<!tpu.dma_semaphore, #tpu.memory_space<semaphore_mem>>) {add = true}
      %dma_wait3A_96 = arith.constant 0 : i32
      %dma_wait3A_97 = arith.constant 0 : i32
      %dma_wait3A_98 = arith.constant 0 : i32
      %dma_wait3A_99 = tpu.memref_slice %arg9[%dma_wait3A_96, %dma_wait3A_97, %dma_wait3A_98] : memref<2x128x128xf32, #tpu.memory_space<vmem>> -> memref<1x128x128xf32, #tpu.memory_space<vmem>>
      %dma_wait3A_100 = tpu.memref_squeeze %dma_wait3A_99 : memref<1x128x128xf32, #tpu.memory_space<vmem>> -> memref<128x128xf32, #tpu.memory_space<vmem>>
      %dma_wait3A_101 = arith.constant 0 : i32
      %dma_wait3A_102 = tpu.memref_slice %arg8[%add3A_60, %dma_wait3A_101] : memref<40x128xi32, #tpu.memory_space<vmem>> -> memref<1x128xi32, #tpu.memory_space<vmem>>
      %dma_wait3A_103 = tpu.memref_squeeze %dma_wait3A_102 : memref<1x128xi32, #tpu.memory_space<vmem>> -> memref<128xi32, #tpu.memory_space<vmem>>
      %dma_wait3A_104 = arith.constant 0 : i32
      %dma_wait3A_105 = arith.constant 0 : i32
      %dma_wait3A_106 = tpu.memref_slice %arg10[%dma_wait3A_104, %dma_wait3A_105] : memref<10240x128xf32, #tpu.memory_space<vmem_shared>> -> memref<10240x128xf32, #tpu.memory_space<vmem_shared>>
      tpu.wait_indirect_dma semaphore(%arg13 : memref<!tpu.dma_semaphore, #tpu.memory_space<semaphore_mem>>) src(%dma_wait3A_100 : memref<128x128xf32, #tpu.memory_space<vmem>>) dst(%dma_wait3A_106 : memref<10240x128xf32, #tpu.memory_space<vmem_shared>>)
      %dma_wait3A_107 = arith.constant 1 : i32
      %dma_wait3A_108 = arith.constant 0 : i32
      %dma_wait3A_109 = arith.constant 0 : i32
      %dma_wait3A_110 = tpu.memref_slice %arg9[%dma_wait3A_107, %dma_wait3A_108, %dma_wait3A_109] : memref<2x128x128xf32, #tpu.memory_space<vmem>> -> memref<1x128x128xf32, #tpu.memory_space<vmem>>
      %dma_wait3A_111 = tpu.memref_squeeze %dma_wait3A_110 : memref<1x128x128xf32, #tpu.memory_space<vmem>> -> memref<128x128xf32, #tpu.memory_space<vmem>>
      %dma_wait3A_112 = arith.constant 0 : i32
      %dma_wait3A_113 = tpu.memref_slice %arg8[%add3A_84, %dma_wait3A_112] : memref<40x128xi32, #tpu.memory_space<vmem>> -> memref<1x128xi32, #tpu.memory_space<vmem>>
      %dma_wait3A_114 = tpu.memref_squeeze %dma_wait3A_113 : memref<1x128xi32, #tpu.memory_space<vmem>> -> memref<128xi32, #tpu.memory_space<vmem>>
      %dma_wait3A_115 = arith.constant 0 : i32
      %dma_wait3A_116 = arith.constant 0 : i32
      %dma_wait3A_117 = tpu.memref_slice %arg10[%dma_wait3A_115, %dma_wait3A_116] : memref<10240x128xf32, #tpu.memory_space<vmem_shared>> -> memref<10240x128xf32, #tpu.memory_space<vmem_shared>>
      tpu.wait_indirect_dma semaphore(%arg14 : memref<!tpu.dma_semaphore, #tpu.memory_space<semaphore_mem>>) src(%dma_wait3A_111 : memref<128x128xf32, #tpu.memory_space<vmem>>) dst(%dma_wait3A_117 : memref<10240x128xf32, #tpu.memory_space<vmem_shared>>)
    }
    %scan3A_15 = arith.constant 20 : i32
    %barrier3A_16 = arith.constant 0 : index
    tpu.barrier barrier_id(%barrier3A_16)
    %mul3A_17 = arith.constant 640 : i32
    %mul3A_18 = arith.muli %arg1, %mul3A_17 : i32
    %mul3A_19 = arith.constant 640 : i32
    %mul3A_20 = arith.muli %arg1, %mul3A_19 : i32
    "tpu.region"() ({
      %run_scoped3A = tpu.sem_alloc : memref<!tpu.dma_semaphore, #tpu.memory_space<semaphore_mem>>
      %dma_start3A = arith.constant 0 : i32
      %dma_start3A_21 = tpu.memref_slice %arg6[%arg0, %mul3A_20, %dma_start3A] : memref<2x10240x128xf32, #tpu.memory_space<hbm>> -> memref<1x640x128xf32, #tpu.memory_space<hbm>>
      %dma_start3A_22 = tpu.memref_squeeze %dma_start3A_21 : memref<1x640x128xf32, #tpu.memory_space<hbm>> -> memref<640x128xf32, #tpu.memory_space<hbm>>
      %dma_start3A_23 = arith.constant 0 : i32
      %dma_start3A_24 = tpu.memref_slice %arg10[%mul3A_18, %dma_start3A_23] : memref<10240x128xf32, #tpu.memory_space<vmem_shared>> -> memref<640x128xf32, #tpu.memory_space<vmem_shared>>
      tpu.enqueue_dma source(%dma_start3A_24 : memref<640x128xf32, #tpu.memory_space<vmem_shared>>) target(%dma_start3A_22 : memref<640x128xf32, #tpu.memory_space<hbm>>) target_semaphore(%run_scoped3A : memref<!tpu.dma_semaphore, #tpu.memory_space<semaphore_mem>>)
      %dma_wait3A = arith.constant 0 : i32
      %dma_wait3A_25 = tpu.memref_slice %arg6[%arg0, %mul3A_20, %dma_wait3A] : memref<2x10240x128xf32, #tpu.memory_space<hbm>> -> memref<1x640x128xf32, #tpu.memory_space<hbm>>
      %dma_wait3A_26 = tpu.memref_squeeze %dma_wait3A_25 : memref<1x640x128xf32, #tpu.memory_space<hbm>> -> memref<640x128xf32, #tpu.memory_space<hbm>>
      %dma_wait3A_27 = arith.constant 0 : i32
      %dma_wait3A_28 = tpu.memref_slice %arg10[%mul3A_18, %dma_wait3A_27] : memref<10240x128xf32, #tpu.memory_space<vmem_shared>> -> memref<640x128xf32, #tpu.memory_space<vmem_shared>>
      tpu.wait_dma2 semaphore(%run_scoped3A : memref<!tpu.dma_semaphore, #tpu.memory_space<semaphore_mem>>) src(%dma_wait3A_28 : memref<640x128xf32, #tpu.memory_space<vmem_shared>>) dst(%dma_wait3A_26 : memref<640x128xf32, #tpu.memory_space<hbm>>)
      tpu.yield
    }) : () -> ()
    return
  }
}

#map = affine_map<(d0, d1) -> (0, 0)>
#map1 = affine_map<(d0, d1) -> (0, 0, 0)>
module attributes {stable_mosaic.version = 14 : i64} {
  func.func @pass_k(%arg0: i32, %arg1: i32, %arg2: memref<10240x128xf32, #tpu.memory_space<hbm>>, %arg3: memref<32x80x128xi32, #tpu.memory_space<hbm>>, %arg4: memref<32x80x128xi32, #tpu.memory_space<hbm>>, %arg5: memref<10240x128xf32, #tpu.memory_space<hbm>>, %arg6: memref<2x10240x128xf32, #tpu.memory_space<hbm>>, %arg7: memref<40x128xi32, #tpu.memory_space<vmem>>, %arg8: memref<40x128xi32, #tpu.memory_space<vmem>>, %arg9: memref<2x128x128xf32, #tpu.memory_space<vmem>>, %arg10: memref<10240x128xf32, #tpu.memory_space<vmem_shared>>, %arg11: memref<!tpu.dma_semaphore, #tpu.memory_space<semaphore_mem>>, %arg12: memref<!tpu.dma_semaphore, #tpu.memory_space<semaphore_mem>>, %arg13: memref<!tpu.dma_semaphore, #tpu.memory_space<semaphore_mem>>, %arg14: memref<!tpu.dma_semaphore, #tpu.memory_space<semaphore_mem>>) attributes {dimension_semantics = [#tpu.dimension_semantics<core_parallel>, #tpu.dimension_semantics<subcore_parallel>], iteration_bounds = array<i64: 2, 16>, scalar_prefetch = 0 : i64, scratch_operands = 8 : i64, tpu.core_type = #tpu.core_type<sc_vector_subcore>, window_params = [{transform_indices = #map}, {transform_indices = #map1}, {transform_indices = #map1}, {transform_indices = #map}, {transform_indices = #map1}]} {
    %mul3A = arith.constant 2 : i32
    %mul3A_0 = arith.muli %arg1, %mul3A : i32
    %add3A = arith.addi %mul3A_0, %arg0 : i32
    %mul3A_1 = arith.constant 640 : i32
    %mul3A_2 = arith.muli %arg1, %mul3A_1 : i32
    %mul3A_3 = arith.constant 640 : i32
    %mul3A_4 = arith.muli %arg1, %mul3A_3 : i32
    "tpu.region"() ({
      %run_scoped3A = tpu.sem_alloc : memref<!tpu.dma_semaphore, #tpu.memory_space<semaphore_mem>>
      %dma_start3A = arith.constant 0 : i32
      %dma_start3A_21 = tpu.memref_slice %arg10[%mul3A_4, %dma_start3A] : memref<10240x128xf32, #tpu.memory_space<vmem_shared>> -> memref<640x128xf32, #tpu.memory_space<vmem_shared>>
      %dma_start3A_22 = arith.constant 0 : i32
      %dma_start3A_23 = tpu.memref_slice %arg5[%mul3A_2, %dma_start3A_22] : memref<10240x128xf32, #tpu.memory_space<hbm>> -> memref<640x128xf32, #tpu.memory_space<hbm>>
      tpu.enqueue_dma source(%dma_start3A_23 : memref<640x128xf32, #tpu.memory_space<hbm>>) target(%dma_start3A_21 : memref<640x128xf32, #tpu.memory_space<vmem_shared>>) target_semaphore(%run_scoped3A : memref<!tpu.dma_semaphore, #tpu.memory_space<semaphore_mem>>)
      %dma_wait3A = arith.constant 0 : i32
      %dma_wait3A_24 = tpu.memref_slice %arg10[%mul3A_4, %dma_wait3A] : memref<10240x128xf32, #tpu.memory_space<vmem_shared>> -> memref<640x128xf32, #tpu.memory_space<vmem_shared>>
      %dma_wait3A_25 = arith.constant 0 : i32
      %dma_wait3A_26 = tpu.memref_slice %arg5[%mul3A_2, %dma_wait3A_25] : memref<10240x128xf32, #tpu.memory_space<hbm>> -> memref<640x128xf32, #tpu.memory_space<hbm>>
      tpu.wait_dma2 semaphore(%run_scoped3A : memref<!tpu.dma_semaphore, #tpu.memory_space<semaphore_mem>>) src(%dma_wait3A_26 : memref<640x128xf32, #tpu.memory_space<hbm>>) dst(%dma_wait3A_24 : memref<640x128xf32, #tpu.memory_space<vmem_shared>>)
      tpu.yield
    }) : () -> ()
    %barrier3A = arith.constant 0 : index
    tpu.barrier barrier_id(%barrier3A)
    "tpu.region"() ({
      %run_scoped3A = tpu.sem_alloc : memref<!tpu.dma_semaphore, #tpu.memory_space<semaphore_mem>>
      %dma_start3A = arith.constant 0 : i32
      %dma_start3A_21 = arith.constant 0 : i32
      %dma_start3A_22 = tpu.memref_slice %arg3[%add3A, %dma_start3A, %dma_start3A_21] : memref<32x80x128xi32, #tpu.memory_space<hbm>> -> memref<1x40x128xi32, #tpu.memory_space<hbm>>
      %dma_start3A_23 = tpu.memref_squeeze %dma_start3A_22 : memref<1x40x128xi32, #tpu.memory_space<hbm>> -> memref<40x128xi32, #tpu.memory_space<hbm>>
      %dma_start3A_24 = arith.constant 0 : i32
      %dma_start3A_25 = arith.constant 0 : i32
      %dma_start3A_26 = tpu.memref_slice %arg3[%add3A, %dma_start3A_24, %dma_start3A_25] : memref<32x80x128xi32, #tpu.memory_space<hbm>> -> memref<1x40x128xi32, #tpu.memory_space<hbm>>
      %dma_start3A_27 = tpu.memref_squeeze %dma_start3A_26 : memref<1x40x128xi32, #tpu.memory_space<hbm>> -> memref<40x128xi32, #tpu.memory_space<hbm>>
      tpu.enqueue_dma source(%dma_start3A_27 : memref<40x128xi32, #tpu.memory_space<hbm>>) target(%arg7 : memref<40x128xi32, #tpu.memory_space<vmem>>) target_semaphore(%run_scoped3A : memref<!tpu.dma_semaphore, #tpu.memory_space<semaphore_mem>>)
      %dma_wait3A = arith.constant 0 : i32
      %dma_wait3A_28 = arith.constant 0 : i32
      %dma_wait3A_29 = tpu.memref_slice %arg3[%add3A, %dma_wait3A, %dma_wait3A_28] : memref<32x80x128xi32, #tpu.memory_space<hbm>> -> memref<1x40x128xi32, #tpu.memory_space<hbm>>
      %dma_wait3A_30 = tpu.memref_squeeze %dma_wait3A_29 : memref<1x40x128xi32, #tpu.memory_space<hbm>> -> memref<40x128xi32, #tpu.memory_space<hbm>>
      %dma_wait3A_31 = arith.constant 0 : i32
      %dma_wait3A_32 = arith.constant 0 : i32
      %dma_wait3A_33 = tpu.memref_slice %arg3[%add3A, %dma_wait3A_31, %dma_wait3A_32] : memref<32x80x128xi32, #tpu.memory_space<hbm>> -> memref<1x40x128xi32, #tpu.memory_space<hbm>>
      %dma_wait3A_34 = tpu.memref_squeeze %dma_wait3A_33 : memref<1x40x128xi32, #tpu.memory_space<hbm>> -> memref<40x128xi32, #tpu.memory_space<hbm>>
      tpu.wait_dma2 semaphore(%run_scoped3A : memref<!tpu.dma_semaphore, #tpu.memory_space<semaphore_mem>>) src(%dma_wait3A_34 : memref<40x128xi32, #tpu.memory_space<hbm>>) dst(%arg7 : memref<40x128xi32, #tpu.memory_space<vmem>>)
      tpu.yield
    }) : () -> ()
    "tpu.region"() ({
      %run_scoped3A = tpu.sem_alloc : memref<!tpu.dma_semaphore, #tpu.memory_space<semaphore_mem>>
      %dma_start3A = arith.constant 0 : i32
      %dma_start3A_21 = arith.constant 0 : i32
      %dma_start3A_22 = tpu.memref_slice %arg4[%add3A, %dma_start3A, %dma_start3A_21] : memref<32x80x128xi32, #tpu.memory_space<hbm>> -> memref<1x40x128xi32, #tpu.memory_space<hbm>>
      %dma_start3A_23 = tpu.memref_squeeze %dma_start3A_22 : memref<1x40x128xi32, #tpu.memory_space<hbm>> -> memref<40x128xi32, #tpu.memory_space<hbm>>
      %dma_start3A_24 = arith.constant 0 : i32
      %dma_start3A_25 = arith.constant 0 : i32
      %dma_start3A_26 = tpu.memref_slice %arg4[%add3A, %dma_start3A_24, %dma_start3A_25] : memref<32x80x128xi32, #tpu.memory_space<hbm>> -> memref<1x40x128xi32, #tpu.memory_space<hbm>>
      %dma_start3A_27 = tpu.memref_squeeze %dma_start3A_26 : memref<1x40x128xi32, #tpu.memory_space<hbm>> -> memref<40x128xi32, #tpu.memory_space<hbm>>
      tpu.enqueue_dma source(%dma_start3A_27 : memref<40x128xi32, #tpu.memory_space<hbm>>) target(%arg8 : memref<40x128xi32, #tpu.memory_space<vmem>>) target_semaphore(%run_scoped3A : memref<!tpu.dma_semaphore, #tpu.memory_space<semaphore_mem>>)
      %dma_wait3A = arith.constant 0 : i32
      %dma_wait3A_28 = arith.constant 0 : i32
      %dma_wait3A_29 = tpu.memref_slice %arg4[%add3A, %dma_wait3A, %dma_wait3A_28] : memref<32x80x128xi32, #tpu.memory_space<hbm>> -> memref<1x40x128xi32, #tpu.memory_space<hbm>>
      %dma_wait3A_30 = tpu.memref_squeeze %dma_wait3A_29 : memref<1x40x128xi32, #tpu.memory_space<hbm>> -> memref<40x128xi32, #tpu.memory_space<hbm>>
      %dma_wait3A_31 = arith.constant 0 : i32
      %dma_wait3A_32 = arith.constant 0 : i32
      %dma_wait3A_33 = tpu.memref_slice %arg4[%add3A, %dma_wait3A_31, %dma_wait3A_32] : memref<32x80x128xi32, #tpu.memory_space<hbm>> -> memref<1x40x128xi32, #tpu.memory_space<hbm>>
      %dma_wait3A_34 = tpu.memref_squeeze %dma_wait3A_33 : memref<1x40x128xi32, #tpu.memory_space<hbm>> -> memref<40x128xi32, #tpu.memory_space<hbm>>
      tpu.wait_dma2 semaphore(%run_scoped3A : memref<!tpu.dma_semaphore, #tpu.memory_space<semaphore_mem>>) src(%dma_wait3A_34 : memref<40x128xi32, #tpu.memory_space<hbm>>) dst(%arg8 : memref<40x128xi32, #tpu.memory_space<vmem>>)
      tpu.yield
    }) : () -> ()
    %scan3A = arith.constant 0 : i32
    %scan3A_5 = arith.constant 0 : i32
    %scan3A_6 = arith.constant 20 : i32
    %scan3A_7 = arith.addi %scan3A_5, %scan3A_6 : i32
    %scan3A_8 = arith.constant 1 : i32
    scf.for %scan3A_21 = %scan3A_5 to %scan3A_7 step %scan3A_8  : i32 {
      %mul3A_22 = arith.constant 2 : i32
      %mul3A_23 = arith.muli %scan3A_21, %mul3A_22 : i32
      %add3A_24 = arith.constant 0 : i32
      %add3A_25 = arith.addi %mul3A_23, %add3A_24 : i32
      %dma_start3A = arith.constant 0 : i32
      %dma_start3A_26 = arith.constant 0 : i32
      %dma_start3A_27 = arith.constant 0 : i32
      %dma_start3A_28 = tpu.memref_slice %arg9[%dma_start3A, %dma_start3A_26, %dma_start3A_27] : memref<2x128x128xf32, #tpu.memory_space<vmem>> -> memref<1x128x128xf32, #tpu.memory_space<vmem>>
      %dma_start3A_29 = tpu.memref_squeeze %dma_start3A_28 : memref<1x128x128xf32, #tpu.memory_space<vmem>> -> memref<128x128xf32, #tpu.memory_space<vmem>>
      %dma_start3A_30 = arith.constant 0 : i32
      %dma_start3A_31 = tpu.memref_slice %arg7[%add3A_25, %dma_start3A_30] : memref<40x128xi32, #tpu.memory_space<vmem>> -> memref<1x128xi32, #tpu.memory_space<vmem>>
      %dma_start3A_32 = tpu.memref_squeeze %dma_start3A_31 : memref<1x128xi32, #tpu.memory_space<vmem>> -> memref<128xi32, #tpu.memory_space<vmem>>
      %dma_start3A_33 = arith.constant 0 : i32
      %dma_start3A_34 = arith.constant 0 : i32
      %dma_start3A_35 = tpu.memref_slice %arg2[%dma_start3A_33, %dma_start3A_34] : memref<10240x128xf32, #tpu.memory_space<hbm>> -> memref<10240x128xf32, #tpu.memory_space<hbm>>
      tpu.enqueue_indirect_dma source(%dma_start3A_35 : memref<10240x128xf32, #tpu.memory_space<hbm>>) target(%dma_start3A_29 : memref<128x128xf32, #tpu.memory_space<vmem>>) offsets(%dma_start3A_32 : memref<128xi32, #tpu.memory_space<vmem>>) semaphore(%arg11 : memref<!tpu.dma_semaphore, #tpu.memory_space<semaphore_mem>>)
      %add3A_36 = arith.constant 1 : i32
      %add3A_37 = arith.addi %mul3A_23, %add3A_36 : i32
      %dma_start3A_38 = arith.constant 1 : i32
      %dma_start3A_39 = arith.constant 0 : i32
      %dma_start3A_40 = arith.constant 0 : i32
      %dma_start3A_41 = tpu.memref_slice %arg9[%dma_start3A_38, %dma_start3A_39, %dma_start3A_40] : memref<2x128x128xf32, #tpu.memory_space<vmem>> -> memref<1x128x128xf32, #tpu.memory_space<vmem>>
      %dma_start3A_42 = tpu.memref_squeeze %dma_start3A_41 : memref<1x128x128xf32, #tpu.memory_space<vmem>> -> memref<128x128xf32, #tpu.memory_space<vmem>>
      %dma_start3A_43 = arith.constant 0 : i32
      %dma_start3A_44 = tpu.memref_slice %arg7[%add3A_37, %dma_start3A_43] : memref<40x128xi32, #tpu.memory_space<vmem>> -> memref<1x128xi32, #tpu.memory_space<vmem>>
      %dma_start3A_45 = tpu.memref_squeeze %dma_start3A_44 : memref<1x128xi32, #tpu.memory_space<vmem>> -> memref<128xi32, #tpu.memory_space<vmem>>
      %dma_start3A_46 = arith.constant 0 : i32
      %dma_start3A_47 = arith.constant 0 : i32
      %dma_start3A_48 = tpu.memref_slice %arg2[%dma_start3A_46, %dma_start3A_47] : memref<10240x128xf32, #tpu.memory_space<hbm>> -> memref<10240x128xf32, #tpu.memory_space<hbm>>
      tpu.enqueue_indirect_dma source(%dma_start3A_48 : memref<10240x128xf32, #tpu.memory_space<hbm>>) target(%dma_start3A_42 : memref<128x128xf32, #tpu.memory_space<vmem>>) offsets(%dma_start3A_45 : memref<128xi32, #tpu.memory_space<vmem>>) semaphore(%arg12 : memref<!tpu.dma_semaphore, #tpu.memory_space<semaphore_mem>>)
      %dma_wait3A = arith.constant 0 : i32
      %dma_wait3A_49 = arith.constant 0 : i32
      %dma_wait3A_50 = arith.constant 0 : i32
      %dma_wait3A_51 = tpu.memref_slice %arg9[%dma_wait3A, %dma_wait3A_49, %dma_wait3A_50] : memref<2x128x128xf32, #tpu.memory_space<vmem>> -> memref<1x128x128xf32, #tpu.memory_space<vmem>>
      %dma_wait3A_52 = tpu.memref_squeeze %dma_wait3A_51 : memref<1x128x128xf32, #tpu.memory_space<vmem>> -> memref<128x128xf32, #tpu.memory_space<vmem>>
      %dma_wait3A_53 = arith.constant 0 : i32
      %dma_wait3A_54 = tpu.memref_slice %arg7[%add3A_25, %dma_wait3A_53] : memref<40x128xi32, #tpu.memory_space<vmem>> -> memref<1x128xi32, #tpu.memory_space<vmem>>
      %dma_wait3A_55 = tpu.memref_squeeze %dma_wait3A_54 : memref<1x128xi32, #tpu.memory_space<vmem>> -> memref<128xi32, #tpu.memory_space<vmem>>
      %dma_wait3A_56 = arith.constant 0 : i32
      %dma_wait3A_57 = arith.constant 0 : i32
      %dma_wait3A_58 = tpu.memref_slice %arg2[%dma_wait3A_56, %dma_wait3A_57] : memref<10240x128xf32, #tpu.memory_space<hbm>> -> memref<10240x128xf32, #tpu.memory_space<hbm>>
      tpu.wait_indirect_dma semaphore(%arg11 : memref<!tpu.dma_semaphore, #tpu.memory_space<semaphore_mem>>) src(%dma_wait3A_58 : memref<10240x128xf32, #tpu.memory_space<hbm>>) dst(%dma_wait3A_52 : memref<128x128xf32, #tpu.memory_space<vmem>>)
      %add3A_59 = arith.constant 0 : i32
      %add3A_60 = arith.addi %mul3A_23, %add3A_59 : i32
      %dma_start3A_61 = arith.constant 0 : i32
      %dma_start3A_62 = arith.constant 0 : i32
      %dma_start3A_63 = arith.constant 0 : i32
      %dma_start3A_64 = tpu.memref_slice %arg9[%dma_start3A_61, %dma_start3A_62, %dma_start3A_63] : memref<2x128x128xf32, #tpu.memory_space<vmem>> -> memref<1x128x128xf32, #tpu.memory_space<vmem>>
      %dma_start3A_65 = tpu.memref_squeeze %dma_start3A_64 : memref<1x128x128xf32, #tpu.memory_space<vmem>> -> memref<128x128xf32, #tpu.memory_space<vmem>>
      %dma_start3A_66 = arith.constant 0 : i32
      %dma_start3A_67 = tpu.memref_slice %arg8[%add3A_60, %dma_start3A_66] : memref<40x128xi32, #tpu.memory_space<vmem>> -> memref<1x128xi32, #tpu.memory_space<vmem>>
      %dma_start3A_68 = tpu.memref_squeeze %dma_start3A_67 : memref<1x128xi32, #tpu.memory_space<vmem>> -> memref<128xi32, #tpu.memory_space<vmem>>
      %dma_start3A_69 = arith.constant 0 : i32
      %dma_start3A_70 = arith.constant 0 : i32
      %dma_start3A_71 = tpu.memref_slice %arg10[%dma_start3A_69, %dma_start3A_70] : memref<10240x128xf32, #tpu.memory_space<vmem_shared>> -> memref<10240x128xf32, #tpu.memory_space<vmem_shared>>
      tpu.enqueue_indirect_dma source(%dma_start3A_65 : memref<128x128xf32, #tpu.memory_space<vmem>>) target(%dma_start3A_71 : memref<10240x128xf32, #tpu.memory_space<vmem_shared>>) offsets(%dma_start3A_68 : memref<128xi32, #tpu.memory_space<vmem>>) semaphore(%arg13 : memref<!tpu.dma_semaphore, #tpu.memory_space<semaphore_mem>>) {add = true}
      %dma_wait3A_72 = arith.constant 1 : i32
      %dma_wait3A_73 = arith.constant 0 : i32
      %dma_wait3A_74 = arith.constant 0 : i32
      %dma_wait3A_75 = tpu.memref_slice %arg9[%dma_wait3A_72, %dma_wait3A_73, %dma_wait3A_74] : memref<2x128x128xf32, #tpu.memory_space<vmem>> -> memref<1x128x128xf32, #tpu.memory_space<vmem>>
      %dma_wait3A_76 = tpu.memref_squeeze %dma_wait3A_75 : memref<1x128x128xf32, #tpu.memory_space<vmem>> -> memref<128x128xf32, #tpu.memory_space<vmem>>
      %dma_wait3A_77 = arith.constant 0 : i32
      %dma_wait3A_78 = tpu.memref_slice %arg7[%add3A_37, %dma_wait3A_77] : memref<40x128xi32, #tpu.memory_space<vmem>> -> memref<1x128xi32, #tpu.memory_space<vmem>>
      %dma_wait3A_79 = tpu.memref_squeeze %dma_wait3A_78 : memref<1x128xi32, #tpu.memory_space<vmem>> -> memref<128xi32, #tpu.memory_space<vmem>>
      %dma_wait3A_80 = arith.constant 0 : i32
      %dma_wait3A_81 = arith.constant 0 : i32
      %dma_wait3A_82 = tpu.memref_slice %arg2[%dma_wait3A_80, %dma_wait3A_81] : memref<10240x128xf32, #tpu.memory_space<hbm>> -> memref<10240x128xf32, #tpu.memory_space<hbm>>
      tpu.wait_indirect_dma semaphore(%arg12 : memref<!tpu.dma_semaphore, #tpu.memory_space<semaphore_mem>>) src(%dma_wait3A_82 : memref<10240x128xf32, #tpu.memory_space<hbm>>) dst(%dma_wait3A_76 : memref<128x128xf32, #tpu.memory_space<vmem>>)
      %add3A_83 = arith.constant 1 : i32
      %add3A_84 = arith.addi %mul3A_23, %add3A_83 : i32
      %dma_start3A_85 = arith.constant 1 : i32
      %dma_start3A_86 = arith.constant 0 : i32
      %dma_start3A_87 = arith.constant 0 : i32
      %dma_start3A_88 = tpu.memref_slice %arg9[%dma_start3A_85, %dma_start3A_86, %dma_start3A_87] : memref<2x128x128xf32, #tpu.memory_space<vmem>> -> memref<1x128x128xf32, #tpu.memory_space<vmem>>
      %dma_start3A_89 = tpu.memref_squeeze %dma_start3A_88 : memref<1x128x128xf32, #tpu.memory_space<vmem>> -> memref<128x128xf32, #tpu.memory_space<vmem>>
      %dma_start3A_90 = arith.constant 0 : i32
      %dma_start3A_91 = tpu.memref_slice %arg8[%add3A_84, %dma_start3A_90] : memref<40x128xi32, #tpu.memory_space<vmem>> -> memref<1x128xi32, #tpu.memory_space<vmem>>
      %dma_start3A_92 = tpu.memref_squeeze %dma_start3A_91 : memref<1x128xi32, #tpu.memory_space<vmem>> -> memref<128xi32, #tpu.memory_space<vmem>>
      %dma_start3A_93 = arith.constant 0 : i32
      %dma_start3A_94 = arith.constant 0 : i32
      %dma_start3A_95 = tpu.memref_slice %arg10[%dma_start3A_93, %dma_start3A_94] : memref<10240x128xf32, #tpu.memory_space<vmem_shared>> -> memref<10240x128xf32, #tpu.memory_space<vmem_shared>>
      tpu.enqueue_indirect_dma source(%dma_start3A_89 : memref<128x128xf32, #tpu.memory_space<vmem>>) target(%dma_start3A_95 : memref<10240x128xf32, #tpu.memory_space<vmem_shared>>) offsets(%dma_start3A_92 : memref<128xi32, #tpu.memory_space<vmem>>) semaphore(%arg14 : memref<!tpu.dma_semaphore, #tpu.memory_space<semaphore_mem>>) {add = true}
      %dma_wait3A_96 = arith.constant 0 : i32
      %dma_wait3A_97 = arith.constant 0 : i32
      %dma_wait3A_98 = arith.constant 0 : i32
      %dma_wait3A_99 = tpu.memref_slice %arg9[%dma_wait3A_96, %dma_wait3A_97, %dma_wait3A_98] : memref<2x128x128xf32, #tpu.memory_space<vmem>> -> memref<1x128x128xf32, #tpu.memory_space<vmem>>
      %dma_wait3A_100 = tpu.memref_squeeze %dma_wait3A_99 : memref<1x128x128xf32, #tpu.memory_space<vmem>> -> memref<128x128xf32, #tpu.memory_space<vmem>>
      %dma_wait3A_101 = arith.constant 0 : i32
      %dma_wait3A_102 = tpu.memref_slice %arg8[%add3A_60, %dma_wait3A_101] : memref<40x128xi32, #tpu.memory_space<vmem>> -> memref<1x128xi32, #tpu.memory_space<vmem>>
      %dma_wait3A_103 = tpu.memref_squeeze %dma_wait3A_102 : memref<1x128xi32, #tpu.memory_space<vmem>> -> memref<128xi32, #tpu.memory_space<vmem>>
      %dma_wait3A_104 = arith.constant 0 : i32
      %dma_wait3A_105 = arith.constant 0 : i32
      %dma_wait3A_106 = tpu.memref_slice %arg10[%dma_wait3A_104, %dma_wait3A_105] : memref<10240x128xf32, #tpu.memory_space<vmem_shared>> -> memref<10240x128xf32, #tpu.memory_space<vmem_shared>>
      tpu.wait_indirect_dma semaphore(%arg13 : memref<!tpu.dma_semaphore, #tpu.memory_space<semaphore_mem>>) src(%dma_wait3A_100 : memref<128x128xf32, #tpu.memory_space<vmem>>) dst(%dma_wait3A_106 : memref<10240x128xf32, #tpu.memory_space<vmem_shared>>)
      %dma_wait3A_107 = arith.constant 1 : i32
      %dma_wait3A_108 = arith.constant 0 : i32
      %dma_wait3A_109 = arith.constant 0 : i32
      %dma_wait3A_110 = tpu.memref_slice %arg9[%dma_wait3A_107, %dma_wait3A_108, %dma_wait3A_109] : memref<2x128x128xf32, #tpu.memory_space<vmem>> -> memref<1x128x128xf32, #tpu.memory_space<vmem>>
      %dma_wait3A_111 = tpu.memref_squeeze %dma_wait3A_110 : memref<1x128x128xf32, #tpu.memory_space<vmem>> -> memref<128x128xf32, #tpu.memory_space<vmem>>
      %dma_wait3A_112 = arith.constant 0 : i32
      %dma_wait3A_113 = tpu.memref_slice %arg8[%add3A_84, %dma_wait3A_112] : memref<40x128xi32, #tpu.memory_space<vmem>> -> memref<1x128xi32, #tpu.memory_space<vmem>>
      %dma_wait3A_114 = tpu.memref_squeeze %dma_wait3A_113 : memref<1x128xi32, #tpu.memory_space<vmem>> -> memref<128xi32, #tpu.memory_space<vmem>>
      %dma_wait3A_115 = arith.constant 0 : i32
      %dma_wait3A_116 = arith.constant 0 : i32
      %dma_wait3A_117 = tpu.memref_slice %arg10[%dma_wait3A_115, %dma_wait3A_116] : memref<10240x128xf32, #tpu.memory_space<vmem_shared>> -> memref<10240x128xf32, #tpu.memory_space<vmem_shared>>
      tpu.wait_indirect_dma semaphore(%arg14 : memref<!tpu.dma_semaphore, #tpu.memory_space<semaphore_mem>>) src(%dma_wait3A_111 : memref<128x128xf32, #tpu.memory_space<vmem>>) dst(%dma_wait3A_117 : memref<10240x128xf32, #tpu.memory_space<vmem_shared>>)
    }
    %scan3A_9 = arith.constant 20 : i32
    "tpu.region"() ({
      %run_scoped3A = tpu.sem_alloc : memref<!tpu.dma_semaphore, #tpu.memory_space<semaphore_mem>>
      %dma_start3A = arith.constant 40 : i32
      %dma_start3A_21 = arith.constant 0 : i32
      %dma_start3A_22 = tpu.memref_slice %arg3[%add3A, %dma_start3A, %dma_start3A_21] : memref<32x80x128xi32, #tpu.memory_space<hbm>> -> memref<1x40x128xi32, #tpu.memory_space<hbm>>
      %dma_start3A_23 = tpu.memref_squeeze %dma_start3A_22 : memref<1x40x128xi32, #tpu.memory_space<hbm>> -> memref<40x128xi32, #tpu.memory_space<hbm>>
      %dma_start3A_24 = arith.constant 40 : i32
      %dma_start3A_25 = arith.constant 0 : i32
      %dma_start3A_26 = tpu.memref_slice %arg3[%add3A, %dma_start3A_24, %dma_start3A_25] : memref<32x80x128xi32, #tpu.memory_space<hbm>> -> memref<1x40x128xi32, #tpu.memory_space<hbm>>
      %dma_start3A_27 = tpu.memref_squeeze %dma_start3A_26 : memref<1x40x128xi32, #tpu.memory_space<hbm>> -> memref<40x128xi32, #tpu.memory_space<hbm>>
      tpu.enqueue_dma source(%dma_start3A_27 : memref<40x128xi32, #tpu.memory_space<hbm>>) target(%arg7 : memref<40x128xi32, #tpu.memory_space<vmem>>) target_semaphore(%run_scoped3A : memref<!tpu.dma_semaphore, #tpu.memory_space<semaphore_mem>>)
      %dma_wait3A = arith.constant 40 : i32
      %dma_wait3A_28 = arith.constant 0 : i32
      %dma_wait3A_29 = tpu.memref_slice %arg3[%add3A, %dma_wait3A, %dma_wait3A_28] : memref<32x80x128xi32, #tpu.memory_space<hbm>> -> memref<1x40x128xi32, #tpu.memory_space<hbm>>
      %dma_wait3A_30 = tpu.memref_squeeze %dma_wait3A_29 : memref<1x40x128xi32, #tpu.memory_space<hbm>> -> memref<40x128xi32, #tpu.memory_space<hbm>>
      %dma_wait3A_31 = arith.constant 40 : i32
      %dma_wait3A_32 = arith.constant 0 : i32
      %dma_wait3A_33 = tpu.memref_slice %arg3[%add3A, %dma_wait3A_31, %dma_wait3A_32] : memref<32x80x128xi32, #tpu.memory_space<hbm>> -> memref<1x40x128xi32, #tpu.memory_space<hbm>>
      %dma_wait3A_34 = tpu.memref_squeeze %dma_wait3A_33 : memref<1x40x128xi32, #tpu.memory_space<hbm>> -> memref<40x128xi32, #tpu.memory_space<hbm>>
      tpu.wait_dma2 semaphore(%run_scoped3A : memref<!tpu.dma_semaphore, #tpu.memory_space<semaphore_mem>>) src(%dma_wait3A_34 : memref<40x128xi32, #tpu.memory_space<hbm>>) dst(%arg7 : memref<40x128xi32, #tpu.memory_space<vmem>>)
      tpu.yield
    }) : () -> ()
    "tpu.region"() ({
      %run_scoped3A = tpu.sem_alloc : memref<!tpu.dma_semaphore, #tpu.memory_space<semaphore_mem>>
      %dma_start3A = arith.constant 40 : i32
      %dma_start3A_21 = arith.constant 0 : i32
      %dma_start3A_22 = tpu.memref_slice %arg4[%add3A, %dma_start3A, %dma_start3A_21] : memref<32x80x128xi32, #tpu.memory_space<hbm>> -> memref<1x40x128xi32, #tpu.memory_space<hbm>>
      %dma_start3A_23 = tpu.memref_squeeze %dma_start3A_22 : memref<1x40x128xi32, #tpu.memory_space<hbm>> -> memref<40x128xi32, #tpu.memory_space<hbm>>
      %dma_start3A_24 = arith.constant 40 : i32
      %dma_start3A_25 = arith.constant 0 : i32
      %dma_start3A_26 = tpu.memref_slice %arg4[%add3A, %dma_start3A_24, %dma_start3A_25] : memref<32x80x128xi32, #tpu.memory_space<hbm>> -> memref<1x40x128xi32, #tpu.memory_space<hbm>>
      %dma_start3A_27 = tpu.memref_squeeze %dma_start3A_26 : memref<1x40x128xi32, #tpu.memory_space<hbm>> -> memref<40x128xi32, #tpu.memory_space<hbm>>
      tpu.enqueue_dma source(%dma_start3A_27 : memref<40x128xi32, #tpu.memory_space<hbm>>) target(%arg8 : memref<40x128xi32, #tpu.memory_space<vmem>>) target_semaphore(%run_scoped3A : memref<!tpu.dma_semaphore, #tpu.memory_space<semaphore_mem>>)
      %dma_wait3A = arith.constant 40 : i32
      %dma_wait3A_28 = arith.constant 0 : i32
      %dma_wait3A_29 = tpu.memref_slice %arg4[%add3A, %dma_wait3A, %dma_wait3A_28] : memref<32x80x128xi32, #tpu.memory_space<hbm>> -> memref<1x40x128xi32, #tpu.memory_space<hbm>>
      %dma_wait3A_30 = tpu.memref_squeeze %dma_wait3A_29 : memref<1x40x128xi32, #tpu.memory_space<hbm>> -> memref<40x128xi32, #tpu.memory_space<hbm>>
      %dma_wait3A_31 = arith.constant 40 : i32
      %dma_wait3A_32 = arith.constant 0 : i32
      %dma_wait3A_33 = tpu.memref_slice %arg4[%add3A, %dma_wait3A_31, %dma_wait3A_32] : memref<32x80x128xi32, #tpu.memory_space<hbm>> -> memref<1x40x128xi32, #tpu.memory_space<hbm>>
      %dma_wait3A_34 = tpu.memref_squeeze %dma_wait3A_33 : memref<1x40x128xi32, #tpu.memory_space<hbm>> -> memref<40x128xi32, #tpu.memory_space<hbm>>
      tpu.wait_dma2 semaphore(%run_scoped3A : memref<!tpu.dma_semaphore, #tpu.memory_space<semaphore_mem>>) src(%dma_wait3A_34 : memref<40x128xi32, #tpu.memory_space<hbm>>) dst(%arg8 : memref<40x128xi32, #tpu.memory_space<vmem>>)
      tpu.yield
    }) : () -> ()
    %scan3A_10 = arith.constant 0 : i32
    %scan3A_11 = arith.constant 0 : i32
    %scan3A_12 = arith.constant 20 : i32
    %scan3A_13 = arith.addi %scan3A_11, %scan3A_12 : i32
    %scan3A_14 = arith.constant 1 : i32
    scf.for %scan3A_21 = %scan3A_11 to %scan3A_13 step %scan3A_14  : i32 {
      %mul3A_22 = arith.constant 2 : i32
      %mul3A_23 = arith.muli %scan3A_21, %mul3A_22 : i32
      %add3A_24 = arith.constant 0 : i32
      %add3A_25 = arith.addi %mul3A_23, %add3A_24 : i32
      %dma_start3A = arith.constant 0 : i32
      %dma_start3A_26 = arith.constant 0 : i32
      %dma_start3A_27 = arith.constant 0 : i32
      %dma_start3A_28 = tpu.memref_slice %arg9[%dma_start3A, %dma_start3A_26, %dma_start3A_27] : memref<2x128x128xf32, #tpu.memory_space<vmem>> -> memref<1x128x128xf32, #tpu.memory_space<vmem>>
      %dma_start3A_29 = tpu.memref_squeeze %dma_start3A_28 : memref<1x128x128xf32, #tpu.memory_space<vmem>> -> memref<128x128xf32, #tpu.memory_space<vmem>>
      %dma_start3A_30 = arith.constant 0 : i32
      %dma_start3A_31 = tpu.memref_slice %arg7[%add3A_25, %dma_start3A_30] : memref<40x128xi32, #tpu.memory_space<vmem>> -> memref<1x128xi32, #tpu.memory_space<vmem>>
      %dma_start3A_32 = tpu.memref_squeeze %dma_start3A_31 : memref<1x128xi32, #tpu.memory_space<vmem>> -> memref<128xi32, #tpu.memory_space<vmem>>
      %dma_start3A_33 = arith.constant 0 : i32
      %dma_start3A_34 = arith.constant 0 : i32
      %dma_start3A_35 = tpu.memref_slice %arg2[%dma_start3A_33, %dma_start3A_34] : memref<10240x128xf32, #tpu.memory_space<hbm>> -> memref<10240x128xf32, #tpu.memory_space<hbm>>
      tpu.enqueue_indirect_dma source(%dma_start3A_35 : memref<10240x128xf32, #tpu.memory_space<hbm>>) target(%dma_start3A_29 : memref<128x128xf32, #tpu.memory_space<vmem>>) offsets(%dma_start3A_32 : memref<128xi32, #tpu.memory_space<vmem>>) semaphore(%arg11 : memref<!tpu.dma_semaphore, #tpu.memory_space<semaphore_mem>>)
      %add3A_36 = arith.constant 1 : i32
      %add3A_37 = arith.addi %mul3A_23, %add3A_36 : i32
      %dma_start3A_38 = arith.constant 1 : i32
      %dma_start3A_39 = arith.constant 0 : i32
      %dma_start3A_40 = arith.constant 0 : i32
      %dma_start3A_41 = tpu.memref_slice %arg9[%dma_start3A_38, %dma_start3A_39, %dma_start3A_40] : memref<2x128x128xf32, #tpu.memory_space<vmem>> -> memref<1x128x128xf32, #tpu.memory_space<vmem>>
      %dma_start3A_42 = tpu.memref_squeeze %dma_start3A_41 : memref<1x128x128xf32, #tpu.memory_space<vmem>> -> memref<128x128xf32, #tpu.memory_space<vmem>>
      %dma_start3A_43 = arith.constant 0 : i32
      %dma_start3A_44 = tpu.memref_slice %arg7[%add3A_37, %dma_start3A_43] : memref<40x128xi32, #tpu.memory_space<vmem>> -> memref<1x128xi32, #tpu.memory_space<vmem>>
      %dma_start3A_45 = tpu.memref_squeeze %dma_start3A_44 : memref<1x128xi32, #tpu.memory_space<vmem>> -> memref<128xi32, #tpu.memory_space<vmem>>
      %dma_start3A_46 = arith.constant 0 : i32
      %dma_start3A_47 = arith.constant 0 : i32
      %dma_start3A_48 = tpu.memref_slice %arg2[%dma_start3A_46, %dma_start3A_47] : memref<10240x128xf32, #tpu.memory_space<hbm>> -> memref<10240x128xf32, #tpu.memory_space<hbm>>
      tpu.enqueue_indirect_dma source(%dma_start3A_48 : memref<10240x128xf32, #tpu.memory_space<hbm>>) target(%dma_start3A_42 : memref<128x128xf32, #tpu.memory_space<vmem>>) offsets(%dma_start3A_45 : memref<128xi32, #tpu.memory_space<vmem>>) semaphore(%arg12 : memref<!tpu.dma_semaphore, #tpu.memory_space<semaphore_mem>>)
      %dma_wait3A = arith.constant 0 : i32
      %dma_wait3A_49 = arith.constant 0 : i32
      %dma_wait3A_50 = arith.constant 0 : i32
      %dma_wait3A_51 = tpu.memref_slice %arg9[%dma_wait3A, %dma_wait3A_49, %dma_wait3A_50] : memref<2x128x128xf32, #tpu.memory_space<vmem>> -> memref<1x128x128xf32, #tpu.memory_space<vmem>>
      %dma_wait3A_52 = tpu.memref_squeeze %dma_wait3A_51 : memref<1x128x128xf32, #tpu.memory_space<vmem>> -> memref<128x128xf32, #tpu.memory_space<vmem>>
      %dma_wait3A_53 = arith.constant 0 : i32
      %dma_wait3A_54 = tpu.memref_slice %arg7[%add3A_25, %dma_wait3A_53] : memref<40x128xi32, #tpu.memory_space<vmem>> -> memref<1x128xi32, #tpu.memory_space<vmem>>
      %dma_wait3A_55 = tpu.memref_squeeze %dma_wait3A_54 : memref<1x128xi32, #tpu.memory_space<vmem>> -> memref<128xi32, #tpu.memory_space<vmem>>
      %dma_wait3A_56 = arith.constant 0 : i32
      %dma_wait3A_57 = arith.constant 0 : i32
      %dma_wait3A_58 = tpu.memref_slice %arg2[%dma_wait3A_56, %dma_wait3A_57] : memref<10240x128xf32, #tpu.memory_space<hbm>> -> memref<10240x128xf32, #tpu.memory_space<hbm>>
      tpu.wait_indirect_dma semaphore(%arg11 : memref<!tpu.dma_semaphore, #tpu.memory_space<semaphore_mem>>) src(%dma_wait3A_58 : memref<10240x128xf32, #tpu.memory_space<hbm>>) dst(%dma_wait3A_52 : memref<128x128xf32, #tpu.memory_space<vmem>>)
      %add3A_59 = arith.constant 0 : i32
      %add3A_60 = arith.addi %mul3A_23, %add3A_59 : i32
      %dma_start3A_61 = arith.constant 0 : i32
      %dma_start3A_62 = arith.constant 0 : i32
      %dma_start3A_63 = arith.constant 0 : i32
      %dma_start3A_64 = tpu.memref_slice %arg9[%dma_start3A_61, %dma_start3A_62, %dma_start3A_63] : memref<2x128x128xf32, #tpu.memory_space<vmem>> -> memref<1x128x128xf32, #tpu.memory_space<vmem>>
      %dma_start3A_65 = tpu.memref_squeeze %dma_start3A_64 : memref<1x128x128xf32, #tpu.memory_space<vmem>> -> memref<128x128xf32, #tpu.memory_space<vmem>>
      %dma_start3A_66 = arith.constant 0 : i32
      %dma_start3A_67 = tpu.memref_slice %arg8[%add3A_60, %dma_start3A_66] : memref<40x128xi32, #tpu.memory_space<vmem>> -> memref<1x128xi32, #tpu.memory_space<vmem>>
      %dma_start3A_68 = tpu.memref_squeeze %dma_start3A_67 : memref<1x128xi32, #tpu.memory_space<vmem>> -> memref<128xi32, #tpu.memory_space<vmem>>
      %dma_start3A_69 = arith.constant 0 : i32
      %dma_start3A_70 = arith.constant 0 : i32
      %dma_start3A_71 = tpu.memref_slice %arg10[%dma_start3A_69, %dma_start3A_70] : memref<10240x128xf32, #tpu.memory_space<vmem_shared>> -> memref<10240x128xf32, #tpu.memory_space<vmem_shared>>
      tpu.enqueue_indirect_dma source(%dma_start3A_65 : memref<128x128xf32, #tpu.memory_space<vmem>>) target(%dma_start3A_71 : memref<10240x128xf32, #tpu.memory_space<vmem_shared>>) offsets(%dma_start3A_68 : memref<128xi32, #tpu.memory_space<vmem>>) semaphore(%arg13 : memref<!tpu.dma_semaphore, #tpu.memory_space<semaphore_mem>>) {add = true}
      %dma_wait3A_72 = arith.constant 1 : i32
      %dma_wait3A_73 = arith.constant 0 : i32
      %dma_wait3A_74 = arith.constant 0 : i32
      %dma_wait3A_75 = tpu.memref_slice %arg9[%dma_wait3A_72, %dma_wait3A_73, %dma_wait3A_74] : memref<2x128x128xf32, #tpu.memory_space<vmem>> -> memref<1x128x128xf32, #tpu.memory_space<vmem>>
      %dma_wait3A_76 = tpu.memref_squeeze %dma_wait3A_75 : memref<1x128x128xf32, #tpu.memory_space<vmem>> -> memref<128x128xf32, #tpu.memory_space<vmem>>
      %dma_wait3A_77 = arith.constant 0 : i32
      %dma_wait3A_78 = tpu.memref_slice %arg7[%add3A_37, %dma_wait3A_77] : memref<40x128xi32, #tpu.memory_space<vmem>> -> memref<1x128xi32, #tpu.memory_space<vmem>>
      %dma_wait3A_79 = tpu.memref_squeeze %dma_wait3A_78 : memref<1x128xi32, #tpu.memory_space<vmem>> -> memref<128xi32, #tpu.memory_space<vmem>>
      %dma_wait3A_80 = arith.constant 0 : i32
      %dma_wait3A_81 = arith.constant 0 : i32
      %dma_wait3A_82 = tpu.memref_slice %arg2[%dma_wait3A_80, %dma_wait3A_81] : memref<10240x128xf32, #tpu.memory_space<hbm>> -> memref<10240x128xf32, #tpu.memory_space<hbm>>
      tpu.wait_indirect_dma semaphore(%arg12 : memref<!tpu.dma_semaphore, #tpu.memory_space<semaphore_mem>>) src(%dma_wait3A_82 : memref<10240x128xf32, #tpu.memory_space<hbm>>) dst(%dma_wait3A_76 : memref<128x128xf32, #tpu.memory_space<vmem>>)
      %add3A_83 = arith.constant 1 : i32
      %add3A_84 = arith.addi %mul3A_23, %add3A_83 : i32
      %dma_start3A_85 = arith.constant 1 : i32
      %dma_start3A_86 = arith.constant 0 : i32
      %dma_start3A_87 = arith.constant 0 : i32
      %dma_start3A_88 = tpu.memref_slice %arg9[%dma_start3A_85, %dma_start3A_86, %dma_start3A_87] : memref<2x128x128xf32, #tpu.memory_space<vmem>> -> memref<1x128x128xf32, #tpu.memory_space<vmem>>
      %dma_start3A_89 = tpu.memref_squeeze %dma_start3A_88 : memref<1x128x128xf32, #tpu.memory_space<vmem>> -> memref<128x128xf32, #tpu.memory_space<vmem>>
      %dma_start3A_90 = arith.constant 0 : i32
      %dma_start3A_91 = tpu.memref_slice %arg8[%add3A_84, %dma_start3A_90] : memref<40x128xi32, #tpu.memory_space<vmem>> -> memref<1x128xi32, #tpu.memory_space<vmem>>
      %dma_start3A_92 = tpu.memref_squeeze %dma_start3A_91 : memref<1x128xi32, #tpu.memory_space<vmem>> -> memref<128xi32, #tpu.memory_space<vmem>>
      %dma_start3A_93 = arith.constant 0 : i32
      %dma_start3A_94 = arith.constant 0 : i32
      %dma_start3A_95 = tpu.memref_slice %arg10[%dma_start3A_93, %dma_start3A_94] : memref<10240x128xf32, #tpu.memory_space<vmem_shared>> -> memref<10240x128xf32, #tpu.memory_space<vmem_shared>>
      tpu.enqueue_indirect_dma source(%dma_start3A_89 : memref<128x128xf32, #tpu.memory_space<vmem>>) target(%dma_start3A_95 : memref<10240x128xf32, #tpu.memory_space<vmem_shared>>) offsets(%dma_start3A_92 : memref<128xi32, #tpu.memory_space<vmem>>) semaphore(%arg14 : memref<!tpu.dma_semaphore, #tpu.memory_space<semaphore_mem>>) {add = true}
      %dma_wait3A_96 = arith.constant 0 : i32
      %dma_wait3A_97 = arith.constant 0 : i32
      %dma_wait3A_98 = arith.constant 0 : i32
      %dma_wait3A_99 = tpu.memref_slice %arg9[%dma_wait3A_96, %dma_wait3A_97, %dma_wait3A_98] : memref<2x128x128xf32, #tpu.memory_space<vmem>> -> memref<1x128x128xf32, #tpu.memory_space<vmem>>
      %dma_wait3A_100 = tpu.memref_squeeze %dma_wait3A_99 : memref<1x128x128xf32, #tpu.memory_space<vmem>> -> memref<128x128xf32, #tpu.memory_space<vmem>>
      %dma_wait3A_101 = arith.constant 0 : i32
      %dma_wait3A_102 = tpu.memref_slice %arg8[%add3A_60, %dma_wait3A_101] : memref<40x128xi32, #tpu.memory_space<vmem>> -> memref<1x128xi32, #tpu.memory_space<vmem>>
      %dma_wait3A_103 = tpu.memref_squeeze %dma_wait3A_102 : memref<1x128xi32, #tpu.memory_space<vmem>> -> memref<128xi32, #tpu.memory_space<vmem>>
      %dma_wait3A_104 = arith.constant 0 : i32
      %dma_wait3A_105 = arith.constant 0 : i32
      %dma_wait3A_106 = tpu.memref_slice %arg10[%dma_wait3A_104, %dma_wait3A_105] : memref<10240x128xf32, #tpu.memory_space<vmem_shared>> -> memref<10240x128xf32, #tpu.memory_space<vmem_shared>>
      tpu.wait_indirect_dma semaphore(%arg13 : memref<!tpu.dma_semaphore, #tpu.memory_space<semaphore_mem>>) src(%dma_wait3A_100 : memref<128x128xf32, #tpu.memory_space<vmem>>) dst(%dma_wait3A_106 : memref<10240x128xf32, #tpu.memory_space<vmem_shared>>)
      %dma_wait3A_107 = arith.constant 1 : i32
      %dma_wait3A_108 = arith.constant 0 : i32
      %dma_wait3A_109 = arith.constant 0 : i32
      %dma_wait3A_110 = tpu.memref_slice %arg9[%dma_wait3A_107, %dma_wait3A_108, %dma_wait3A_109] : memref<2x128x128xf32, #tpu.memory_space<vmem>> -> memref<1x128x128xf32, #tpu.memory_space<vmem>>
      %dma_wait3A_111 = tpu.memref_squeeze %dma_wait3A_110 : memref<1x128x128xf32, #tpu.memory_space<vmem>> -> memref<128x128xf32, #tpu.memory_space<vmem>>
      %dma_wait3A_112 = arith.constant 0 : i32
      %dma_wait3A_113 = tpu.memref_slice %arg8[%add3A_84, %dma_wait3A_112] : memref<40x128xi32, #tpu.memory_space<vmem>> -> memref<1x128xi32, #tpu.memory_space<vmem>>
      %dma_wait3A_114 = tpu.memref_squeeze %dma_wait3A_113 : memref<1x128xi32, #tpu.memory_space<vmem>> -> memref<128xi32, #tpu.memory_space<vmem>>
      %dma_wait3A_115 = arith.constant 0 : i32
      %dma_wait3A_116 = arith.constant 0 : i32
      %dma_wait3A_117 = tpu.memref_slice %arg10[%dma_wait3A_115, %dma_wait3A_116] : memref<10240x128xf32, #tpu.memory_space<vmem_shared>> -> memref<10240x128xf32, #tpu.memory_space<vmem_shared>>
      tpu.wait_indirect_dma semaphore(%arg14 : memref<!tpu.dma_semaphore, #tpu.memory_space<semaphore_mem>>) src(%dma_wait3A_111 : memref<128x128xf32, #tpu.memory_space<vmem>>) dst(%dma_wait3A_117 : memref<10240x128xf32, #tpu.memory_space<vmem_shared>>)
    }
    %scan3A_15 = arith.constant 20 : i32
    %barrier3A_16 = arith.constant 0 : index
    tpu.barrier barrier_id(%barrier3A_16)
    %mul3A_17 = arith.constant 640 : i32
    %mul3A_18 = arith.muli %arg1, %mul3A_17 : i32
    %mul3A_19 = arith.constant 640 : i32
    %mul3A_20 = arith.muli %arg1, %mul3A_19 : i32
    "tpu.region"() ({
      %run_scoped3A = tpu.sem_alloc : memref<!tpu.dma_semaphore, #tpu.memory_space<semaphore_mem>>
      %dma_start3A = arith.constant 0 : i32
      %dma_start3A_21 = tpu.memref_slice %arg6[%arg0, %mul3A_20, %dma_start3A] : memref<2x10240x128xf32, #tpu.memory_space<hbm>> -> memref<1x640x128xf32, #tpu.memory_space<hbm>>
      %dma_start3A_22 = tpu.memref_squeeze %dma_start3A_21 : memref<1x640x128xf32, #tpu.memory_space<hbm>> -> memref<640x128xf32, #tpu.memory_space<hbm>>
      %dma_start3A_23 = arith.constant 0 : i32
      %dma_start3A_24 = tpu.memref_slice %arg10[%mul3A_18, %dma_start3A_23] : memref<10240x128xf32, #tpu.memory_space<vmem_shared>> -> memref<640x128xf32, #tpu.memory_space<vmem_shared>>
      tpu.enqueue_dma source(%dma_start3A_24 : memref<640x128xf32, #tpu.memory_space<vmem_shared>>) target(%dma_start3A_22 : memref<640x128xf32, #tpu.memory_space<hbm>>) target_semaphore(%run_scoped3A : memref<!tpu.dma_semaphore, #tpu.memory_space<semaphore_mem>>)
      %dma_wait3A = arith.constant 0 : i32
      %dma_wait3A_25 = tpu.memref_slice %arg6[%arg0, %mul3A_20, %dma_wait3A] : memref<2x10240x128xf32, #tpu.memory_space<hbm>> -> memref<1x640x128xf32, #tpu.memory_space<hbm>>
      %dma_wait3A_26 = tpu.memref_squeeze %dma_wait3A_25 : memref<1x640x128xf32, #tpu.memory_space<hbm>> -> memref<640x128xf32, #tpu.memory_space<hbm>>
      %dma_wait3A_27 = arith.constant 0 : i32
      %dma_wait3A_28 = tpu.memref_slice %arg10[%mul3A_18, %dma_wait3A_27] : memref<10240x128xf32, #tpu.memory_space<vmem_shared>> -> memref<640x128xf32, #tpu.memory_space<vmem_shared>>
      tpu.wait_dma2 semaphore(%run_scoped3A : memref<!tpu.dma_semaphore, #tpu.memory_space<semaphore_mem>>) src(%dma_wait3A_28 : memref<640x128xf32, #tpu.memory_space<vmem_shared>>) dst(%dma_wait3A_26 : memref<640x128xf32, #tpu.memory_space<hbm>>)
      tpu.yield
    }) : () -> ()
    return
  }
}

module attributes {stable_mosaic.version = 14 : i64} {
  func.func @_scale_mm_kernel(%arg0: i32, %arg1: memref<1024x128xf32, #tpu.memory_space<vmem>>, %arg2: memref<128x128xf32, #tpu.memory_space<vmem>>, %arg3: memref<1024x1xf32, #tpu.memory_space<vmem>>, %arg4: memref<1024x128xf32, #tpu.memory_space<vmem>>) attributes {dimension_semantics = [#tpu.dimension_semantics<arbitrary>], iteration_bounds = array<i64: 10>, scalar_prefetch = 0 : i64, scratch_operands = 0 : i64, tpu.core_type = #tpu.core_type<tc>, window_params = [{transform_indices = @transform_0, window_bounds = array<i64: 1024, 128>}, {pipeline_mode = #tpu.pipeline_mode<synchronous>, transform_indices = @transform_1, window_bounds = array<i64: 128, 128>}, {transform_indices = @transform_2, window_bounds = array<i64: 1024, 1>}, {transform_indices = @transform_3, window_bounds = array<i64: 1024, 128>}]} {
    %get3A = arith.constant 0 : index
    %get3A_0 = arith.constant 0 : index
    %get3A_1 = vector.load %arg3[%get3A, %get3A_0] : memref<1024x1xf32, #tpu.memory_space<vmem>>, vector<1024x1xf32>
    %get3A_2 = arith.constant 0 : index
    %get3A_3 = arith.constant 0 : index
    %get3A_4 = vector.load %arg1[%get3A_2, %get3A_3] : memref<1024x128xf32, #tpu.memory_space<vmem>>, vector<1024x128xf32>
    %get3A_5 = arith.constant 0 : index
    %get3A_6 = arith.constant 0 : index
    %get3A_7 = vector.load %arg2[%get3A_5, %get3A_6] : memref<128x128xf32, #tpu.memory_space<vmem>>, vector<128x128xf32>
    %dot_general3A = arith.constant dense<0.000000e+00> : vector<1024x128xf32>
    %dot_general3A_8 = tpu.matmul %get3A_4, %get3A_7, %dot_general3A {dimension_numbers = #tpu.dot_dimension_numbers<[1], [0], [0], [1], [0, 0, 1, 1], [], []>, transpose_lhs_hint = false} : vector<1024x128xf32>, vector<128x128xf32>, vector<1024x128xf32> -> vector<1024x128xf32>
    %mul3A = vector.broadcast %get3A_1 : vector<1024x1xf32> to vector<1024x128xf32>
    %mul3A_9 = arith.mulf %mul3A, %dot_general3A_8 : vector<1024x128xf32>
    %swap3A = arith.constant 0 : index
    %swap3A_10 = arith.constant 0 : index
    %swap3A_11 = vector.load %arg4[%swap3A, %swap3A_10] : memref<1024x128xf32, #tpu.memory_space<vmem>>, vector<1024x128xf32>
    tpu.vector_store %arg4[%swap3A, %swap3A_10], %mul3A_9 {strides = array<i32>} : memref<1024x128xf32, #tpu.memory_space<vmem>>, vector<1024x128xf32>,
    return
  }
  func.func @transform_0(%arg0: i32) -> (i32, i32) {
    %c0_i32 = arith.constant 0 : i32
    %c0_i32_0 = arith.constant 0 : i32
    return %arg0, %c0_i32 : i32, i32
  }
  func.func @transform_1(%arg0: i32) -> (i32, i32) {
    %c0_i32 = arith.constant 0 : i32
    %c0_i32_0 = arith.constant 0 : i32
    %c0_i32_1 = arith.constant 0 : i32
    return %c0_i32, %c0_i32_0 : i32, i32
  }
  func.func @transform_2(%arg0: i32) -> (i32, i32) {
    %c0_i32 = arith.constant 0 : i32
    %c0_i32_0 = arith.constant 0 : i32
    return %arg0, %c0_i32 : i32, i32
  }
  func.func @transform_3(%arg0: i32) -> (i32, i32) {
    %c0_i32 = arith.constant 0 : i32
    %c0_i32_0 = arith.constant 0 : i32
    return %arg0, %c0_i32 : i32, i32
  }
}

module attributes {stable_mosaic.version = 14 : i64} {
  func.func @_epi_mm_kernel(%arg0: i32, %arg1: memref<2x1024x128xf32, #tpu.memory_space<vmem>>, %arg2: memref<1024x128xf32, #tpu.memory_space<vmem>>, %arg3: memref<1024x1xf32, #tpu.memory_space<vmem>>, %arg4: memref<1x128xf32, #tpu.memory_space<vmem>>, %arg5: memref<128x128xf32, #tpu.memory_space<vmem>>, %arg6: memref<1024x128xf32, #tpu.memory_space<vmem>>) attributes {dimension_semantics = [#tpu.dimension_semantics<arbitrary>], iteration_bounds = array<i64: 10>, scalar_prefetch = 0 : i64, scratch_operands = 0 : i64, tpu.core_type = #tpu.core_type<tc>, window_params = [{transform_indices = @transform_0, window_bounds = array<i64: 2, 1024, 128>}, {transform_indices = @transform_1, window_bounds = array<i64: 1024, 128>}, {transform_indices = @transform_2, window_bounds = array<i64: 1024, 1>}, {pipeline_mode = #tpu.pipeline_mode<synchronous>, transform_indices = @transform_3, window_bounds = array<i64: 1, 128>}, {pipeline_mode = #tpu.pipeline_mode<synchronous>, transform_indices = @transform_4, window_bounds = array<i64: 128, 128>}, {transform_indices = @transform_5, window_bounds = array<i64: 1024, 128>}]} {
    %get3A = arith.constant 0 : index
    %get3A_0 = arith.constant 0 : index
    %get3A_1 = vector.load %arg3[%get3A, %get3A_0] : memref<1024x1xf32, #tpu.memory_space<vmem>>, vector<1024x1xf32>
    %get3A_2 = arith.constant 0 : index
    %get3A_3 = arith.constant 0 : index
    %get3A_4 = arith.constant 0 : index
    %get3A_5 = vector.load %arg1[%get3A_2, %get3A_3, %get3A_4] : memref<2x1024x128xf32, #tpu.memory_space<vmem>>, vector<1x1024x128xf32>
    %get3A_6 = vector.shape_cast %get3A_5 : vector<1x1024x128xf32> to vector<1024x128xf32>
    %get3A_7 = arith.constant 1 : index
    %get3A_8 = arith.constant 0 : index
    %get3A_9 = arith.constant 0 : index
    %get3A_10 = vector.load %arg1[%get3A_7, %get3A_8, %get3A_9] : memref<2x1024x128xf32, #tpu.memory_space<vmem>>, vector<1x1024x128xf32>
    %get3A_11 = vector.shape_cast %get3A_10 : vector<1x1024x128xf32> to vector<1024x128xf32>
    %add3A = arith.addf %get3A_6, %get3A_11 : vector<1024x128xf32>
    %get3A_12 = arith.constant 0 : index
    %get3A_13 = arith.constant 0 : index
    %get3A_14 = vector.load %arg2[%get3A_12, %get3A_13] : memref<1024x128xf32, #tpu.memory_space<vmem>>, vector<1024x128xf32>
    %add3A_15 = arith.addf %add3A, %get3A_14 : vector<1024x128xf32>
    %mul3A = vector.broadcast %get3A_1 : vector<1024x1xf32> to vector<1024x128xf32>
    %mul3A_16 = arith.mulf %mul3A, %add3A_15 : vector<1024x128xf32>
    %get3A_17 = arith.constant 0 : index
    %get3A_18 = arith.constant 0 : index
    %get3A_19 = vector.load %arg4[%get3A_17, %get3A_18] : memref<1x128xf32, #tpu.memory_space<vmem>>, vector<1x128xf32>
    %add3A_20 = vector.broadcast %get3A_19 : vector<1x128xf32> to vector<1024x128xf32>
    %add3A_21 = arith.addf %mul3A_16, %add3A_20 : vector<1024x128xf32>
    %max3A = arith.constant 0.000000e+00 : f32
    %max3A_22 = vector.broadcast %max3A : f32 to vector<1024x128xf32>
    %max3A_23 = arith.maximumf %add3A_21, %max3A_22 : vector<1024x128xf32>
    %get3A_24 = arith.constant 0 : index
    %get3A_25 = arith.constant 0 : index
    %get3A_26 = vector.load %arg5[%get3A_24, %get3A_25] : memref<128x128xf32, #tpu.memory_space<vmem>>, vector<128x128xf32>
    %dot_general3A = arith.constant dense<0.000000e+00> : vector<1024x128xf32>
    %dot_general3A_27 = tpu.matmul %max3A_23, %get3A_26, %dot_general3A {dimension_numbers = #tpu.dot_dimension_numbers<[1], [0], [0], [1], [0, 0, 1, 1], [], []>, transpose_lhs_hint = false} : vector<1024x128xf32>, vector<128x128xf32>, vector<1024x128xf32> -> vector<1024x128xf32>
    %mul3A_28 = vector.broadcast %get3A_1 : vector<1024x1xf32> to vector<1024x128xf32>
    %mul3A_29 = arith.mulf %mul3A_28, %dot_general3A_27 : vector<1024x128xf32>
    %swap3A = arith.constant 0 : index
    %swap3A_30 = arith.constant 0 : index
    %swap3A_31 = vector.load %arg6[%swap3A, %swap3A_30] : memref<1024x128xf32, #tpu.memory_space<vmem>>, vector<1024x128xf32>
    tpu.vector_store %arg6[%swap3A, %swap3A_30], %mul3A_29 {strides = array<i32>} : memref<1024x128xf32, #tpu.memory_space<vmem>>, vector<1024x128xf32>,
    return
  }
  func.func @transform_0(%arg0: i32) -> (i32, i32, i32) {
    %c0_i32 = arith.constant 0 : i32
    %c0_i32_0 = arith.constant 0 : i32
    %c0_i32_1 = arith.constant 0 : i32
    return %c0_i32, %arg0, %c0_i32_0 : i32, i32, i32
  }
  func.func @transform_1(%arg0: i32) -> (i32, i32) {
    %c0_i32 = arith.constant 0 : i32
    %c0_i32_0 = arith.constant 0 : i32
    return %arg0, %c0_i32 : i32, i32
  }
  func.func @transform_2(%arg0: i32) -> (i32, i32) {
    %c0_i32 = arith.constant 0 : i32
    %c0_i32_0 = arith.constant 0 : i32
    return %arg0, %c0_i32 : i32, i32
  }
  func.func @transform_3(%arg0: i32) -> (i32, i32) {
    %c0_i32 = arith.constant 0 : i32
    %c0_i32_0 = arith.constant 0 : i32
    %c0_i32_1 = arith.constant 0 : i32
    return %c0_i32, %c0_i32_0 : i32, i32
  }
  func.func @transform_4(%arg0: i32) -> (i32, i32) {
    %c0_i32 = arith.constant 0 : i32
    %c0_i32_0 = arith.constant 0 : i32
    %c0_i32_1 = arith.constant 0 : i32
    return %c0_i32, %c0_i32_0 : i32, i32
  }
  func.func @transform_5(%arg0: i32) -> (i32, i32) {
    %c0_i32 = arith.constant 0 : i32
    %c0_i32_0 = arith.constant 0 : i32
    return %arg0, %c0_i32 : i32, i32
  }
}

module attributes {stable_mosaic.version = 14 : i64} {
  func.func @_epi_mm_bias_kernel(%arg0: i32, %arg1: memref<2x1024x128xf32, #tpu.memory_space<vmem>>, %arg2: memref<1024x128xf32, #tpu.memory_space<vmem>>, %arg3: memref<1024x1xf32, #tpu.memory_space<vmem>>, %arg4: memref<1x128xf32, #tpu.memory_space<vmem>>, %arg5: memref<128x128xf32, #tpu.memory_space<vmem>>, %arg6: memref<1x128xf32, #tpu.memory_space<vmem>>, %arg7: memref<1024x128xf32, #tpu.memory_space<vmem>>) attributes {dimension_semantics = [#tpu.dimension_semantics<arbitrary>], iteration_bounds = array<i64: 10>, scalar_prefetch = 0 : i64, scratch_operands = 0 : i64, tpu.core_type = #tpu.core_type<tc>, window_params = [{transform_indices = @transform_0, window_bounds = array<i64: 2, 1024, 128>}, {transform_indices = @transform_1, window_bounds = array<i64: 1024, 128>}, {transform_indices = @transform_2, window_bounds = array<i64: 1024, 1>}, {pipeline_mode = #tpu.pipeline_mode<synchronous>, transform_indices = @transform_3, window_bounds = array<i64: 1, 128>}, {pipeline_mode = #tpu.pipeline_mode<synchronous>, transform_indices = @transform_4, window_bounds = array<i64: 128, 128>}, {pipeline_mode = #tpu.pipeline_mode<synchronous>, transform_indices = @transform_5, window_bounds = array<i64: 1, 128>}, {transform_indices = @transform_6, window_bounds = array<i64: 1024, 128>}]} {
    %get3A = arith.constant 0 : index
    %get3A_0 = arith.constant 0 : index
    %get3A_1 = vector.load %arg3[%get3A, %get3A_0] : memref<1024x1xf32, #tpu.memory_space<vmem>>, vector<1024x1xf32>
    %get3A_2 = arith.constant 0 : index
    %get3A_3 = arith.constant 0 : index
    %get3A_4 = arith.constant 0 : index
    %get3A_5 = vector.load %arg1[%get3A_2, %get3A_3, %get3A_4] : memref<2x1024x128xf32, #tpu.memory_space<vmem>>, vector<1x1024x128xf32>
    %get3A_6 = vector.shape_cast %get3A_5 : vector<1x1024x128xf32> to vector<1024x128xf32>
    %get3A_7 = arith.constant 1 : index
    %get3A_8 = arith.constant 0 : index
    %get3A_9 = arith.constant 0 : index
    %get3A_10 = vector.load %arg1[%get3A_7, %get3A_8, %get3A_9] : memref<2x1024x128xf32, #tpu.memory_space<vmem>>, vector<1x1024x128xf32>
    %get3A_11 = vector.shape_cast %get3A_10 : vector<1x1024x128xf32> to vector<1024x128xf32>
    %add3A = arith.addf %get3A_6, %get3A_11 : vector<1024x128xf32>
    %get3A_12 = arith.constant 0 : index
    %get3A_13 = arith.constant 0 : index
    %get3A_14 = vector.load %arg2[%get3A_12, %get3A_13] : memref<1024x128xf32, #tpu.memory_space<vmem>>, vector<1024x128xf32>
    %add3A_15 = arith.addf %add3A, %get3A_14 : vector<1024x128xf32>
    %mul3A = vector.broadcast %get3A_1 : vector<1024x1xf32> to vector<1024x128xf32>
    %mul3A_16 = arith.mulf %mul3A, %add3A_15 : vector<1024x128xf32>
    %get3A_17 = arith.constant 0 : index
    %get3A_18 = arith.constant 0 : index
    %get3A_19 = vector.load %arg4[%get3A_17, %get3A_18] : memref<1x128xf32, #tpu.memory_space<vmem>>, vector<1x128xf32>
    %add3A_20 = vector.broadcast %get3A_19 : vector<1x128xf32> to vector<1024x128xf32>
    %add3A_21 = arith.addf %mul3A_16, %add3A_20 : vector<1024x128xf32>
    %max3A = arith.constant 0.000000e+00 : f32
    %max3A_22 = vector.broadcast %max3A : f32 to vector<1024x128xf32>
    %max3A_23 = arith.maximumf %add3A_21, %max3A_22 : vector<1024x128xf32>
    %get3A_24 = arith.constant 0 : index
    %get3A_25 = arith.constant 0 : index
    %get3A_26 = vector.load %arg5[%get3A_24, %get3A_25] : memref<128x128xf32, #tpu.memory_space<vmem>>, vector<128x128xf32>
    %dot_general3A = arith.constant dense<0.000000e+00> : vector<1024x128xf32>
    %dot_general3A_27 = tpu.matmul %max3A_23, %get3A_26, %dot_general3A {dimension_numbers = #tpu.dot_dimension_numbers<[1], [0], [0], [1], [0, 0, 1, 1], [], []>, transpose_lhs_hint = false} : vector<1024x128xf32>, vector<128x128xf32>, vector<1024x128xf32> -> vector<1024x128xf32>
    %get3A_28 = arith.constant 0 : index
    %get3A_29 = arith.constant 0 : index
    %get3A_30 = vector.load %arg6[%get3A_28, %get3A_29] : memref<1x128xf32, #tpu.memory_space<vmem>>, vector<1x128xf32>
    %add3A_31 = vector.broadcast %get3A_30 : vector<1x128xf32> to vector<1024x128xf32>
    %add3A_32 = arith.addf %dot_general3A_27, %add3A_31 : vector<1024x128xf32>
    %swap3A = arith.constant 0 : index
    %swap3A_33 = arith.constant 0 : index
    %swap3A_34 = vector.load %arg7[%swap3A, %swap3A_33] : memref<1024x128xf32, #tpu.memory_space<vmem>>, vector<1024x128xf32>
    tpu.vector_store %arg7[%swap3A, %swap3A_33], %add3A_32 {strides = array<i32>} : memref<1024x128xf32, #tpu.memory_space<vmem>>, vector<1024x128xf32>,
    return
  }
  func.func @transform_0(%arg0: i32) -> (i32, i32, i32) {
    %c0_i32 = arith.constant 0 : i32
    %c0_i32_0 = arith.constant 0 : i32
    %c0_i32_1 = arith.constant 0 : i32
    return %c0_i32, %arg0, %c0_i32_0 : i32, i32, i32
  }
  func.func @transform_1(%arg0: i32) -> (i32, i32) {
    %c0_i32 = arith.constant 0 : i32
    %c0_i32_0 = arith.constant 0 : i32
    return %arg0, %c0_i32 : i32, i32
  }
  func.func @transform_2(%arg0: i32) -> (i32, i32) {
    %c0_i32 = arith.constant 0 : i32
    %c0_i32_0 = arith.constant 0 : i32
    return %arg0, %c0_i32 : i32, i32
  }
  func.func @transform_3(%arg0: i32) -> (i32, i32) {
    %c0_i32 = arith.constant 0 : i32
    %c0_i32_0 = arith.constant 0 : i32
    %c0_i32_1 = arith.constant 0 : i32
    return %c0_i32, %c0_i32_0 : i32, i32
  }
  func.func @transform_4(%arg0: i32) -> (i32, i32) {
    %c0_i32 = arith.constant 0 : i32
    %c0_i32_0 = arith.constant 0 : i32
    %c0_i32_1 = arith.constant 0 : i32
    return %c0_i32, %c0_i32_0 : i32, i32
  }
  func.func @transform_5(%arg0: i32) -> (i32, i32) {
    %c0_i32 = arith.constant 0 : i32
    %c0_i32_0 = arith.constant 0 : i32
    %c0_i32_1 = arith.constant 0 : i32
    return %c0_i32, %c0_i32_0 : i32, i32
  }
  func.func @transform_6(%arg0: i32) -> (i32, i32) {
    %c0_i32 = arith.constant 0 : i32
    %c0_i32_0 = arith.constant 0 : i32
    return %arg0, %c0_i32 : i32, i32
  }
}

module attributes {stable_mosaic.version = 14 : i64} {
  func.func @_epi_kernel(%arg0: i32, %arg1: memref<2x1024x128xf32, #tpu.memory_space<vmem>>, %arg2: memref<1024x128xf32, #tpu.memory_space<vmem>>, %arg3: memref<1024x1xf32, #tpu.memory_space<vmem>>, %arg4: memref<1x128xf32, #tpu.memory_space<vmem>>, %arg5: memref<1024x128xf32, #tpu.memory_space<vmem>>) attributes {dimension_semantics = [#tpu.dimension_semantics<arbitrary>], iteration_bounds = array<i64: 10>, scalar_prefetch = 0 : i64, scratch_operands = 0 : i64, tpu.core_type = #tpu.core_type<tc>, window_params = [{transform_indices = @transform_0, window_bounds = array<i64: 2, 1024, 128>}, {transform_indices = @transform_1, window_bounds = array<i64: 1024, 128>}, {transform_indices = @transform_2, window_bounds = array<i64: 1024, 1>}, {pipeline_mode = #tpu.pipeline_mode<synchronous>, transform_indices = @transform_3, window_bounds = array<i64: 1, 128>}, {transform_indices = @transform_4, window_bounds = array<i64: 1024, 128>}]} {
    %get3A = arith.constant 0 : index
    %get3A_0 = arith.constant 0 : index
    %get3A_1 = vector.load %arg3[%get3A, %get3A_0] : memref<1024x1xf32, #tpu.memory_space<vmem>>, vector<1024x1xf32>
    %get3A_2 = arith.constant 0 : index
    %get3A_3 = arith.constant 0 : index
    %get3A_4 = arith.constant 0 : index
    %get3A_5 = vector.load %arg1[%get3A_2, %get3A_3, %get3A_4] : memref<2x1024x128xf32, #tpu.memory_space<vmem>>, vector<1x1024x128xf32>
    %get3A_6 = vector.shape_cast %get3A_5 : vector<1x1024x128xf32> to vector<1024x128xf32>
    %get3A_7 = arith.constant 1 : index
    %get3A_8 = arith.constant 0 : index
    %get3A_9 = arith.constant 0 : index
    %get3A_10 = vector.load %arg1[%get3A_7, %get3A_8, %get3A_9] : memref<2x1024x128xf32, #tpu.memory_space<vmem>>, vector<1x1024x128xf32>
    %get3A_11 = vector.shape_cast %get3A_10 : vector<1x1024x128xf32> to vector<1024x128xf32>
    %add3A = arith.addf %get3A_6, %get3A_11 : vector<1024x128xf32>
    %get3A_12 = arith.constant 0 : index
    %get3A_13 = arith.constant 0 : index
    %get3A_14 = vector.load %arg2[%get3A_12, %get3A_13] : memref<1024x128xf32, #tpu.memory_space<vmem>>, vector<1024x128xf32>
    %add3A_15 = arith.addf %add3A, %get3A_14 : vector<1024x128xf32>
    %mul3A = vector.broadcast %get3A_1 : vector<1024x1xf32> to vector<1024x128xf32>
    %mul3A_16 = arith.mulf %mul3A, %add3A_15 : vector<1024x128xf32>
    %get3A_17 = arith.constant 0 : index
    %get3A_18 = arith.constant 0 : index
    %get3A_19 = vector.load %arg4[%get3A_17, %get3A_18] : memref<1x128xf32, #tpu.memory_space<vmem>>, vector<1x128xf32>
    %add3A_20 = vector.broadcast %get3A_19 : vector<1x128xf32> to vector<1024x128xf32>
    %add3A_21 = arith.addf %mul3A_16, %add3A_20 : vector<1024x128xf32>
    %swap3A = arith.constant 0 : index
    %swap3A_22 = arith.constant 0 : index
    %swap3A_23 = vector.load %arg5[%swap3A, %swap3A_22] : memref<1024x128xf32, #tpu.memory_space<vmem>>, vector<1024x128xf32>
    tpu.vector_store %arg5[%swap3A, %swap3A_22], %add3A_21 {strides = array<i32>} : memref<1024x128xf32, #tpu.memory_space<vmem>>, vector<1024x128xf32>,
    return
  }
  func.func @transform_0(%arg0: i32) -> (i32, i32, i32) {
    %c0_i32 = arith.constant 0 : i32
    %c0_i32_0 = arith.constant 0 : i32
    %c0_i32_1 = arith.constant 0 : i32
    return %c0_i32, %arg0, %c0_i32_0 : i32, i32, i32
  }
  func.func @transform_1(%arg0: i32) -> (i32, i32) {
    %c0_i32 = arith.constant 0 : i32
    %c0_i32_0 = arith.constant 0 : i32
    return %arg0, %c0_i32 : i32, i32
  }
  func.func @transform_2(%arg0: i32) -> (i32, i32) {
    %c0_i32 = arith.constant 0 : i32
    %c0_i32_0 = arith.constant 0 : i32
    return %arg0, %c0_i32 : i32, i32
  }
  func.func @transform_3(%arg0: i32) -> (i32, i32) {
    %c0_i32 = arith.constant 0 : i32
    %c0_i32_0 = arith.constant 0 : i32
    %c0_i32_1 = arith.constant 0 : i32
    return %c0_i32, %c0_i32_0 : i32, i32
  }
  func.func @transform_4(%arg0: i32) -> (i32, i32) {
    %c0_i32 = arith.constant 0 : i32
    %c0_i32_0 = arith.constant 0 : i32
    return %arg0, %c0_i32 : i32, i32
  }
}

module attributes {stable_mosaic.version = 14 : i64} {
  func.func @_pma_att_kernel(%arg0: i32, %arg1: memref<257xi32, #tpu.memory_space<smem>>, %arg2: memref<10240x128xf32, #tpu.memory_space<vmem>>, %arg3: memref<10240x128xf32, #tpu.memory_space<vmem>>, %arg4: memref<128x640xf32, #tpu.memory_space<vmem>>, %arg5: memref<1x80x128xf32, #tpu.memory_space<vmem>>) attributes {dimension_semantics = [#tpu.dimension_semantics<arbitrary>], iteration_bounds = array<i64: 256>, scalar_prefetch = 0 : i64, scratch_operands = 0 : i64, tpu.core_type = #tpu.core_type<tc>, window_params = [{transform_indices = @transform_0, window_bounds = array<i64: 257>}, {pipeline_mode = #tpu.pipeline_mode<synchronous>, transform_indices = @transform_1, window_bounds = array<i64: 10240, 128>}, {pipeline_mode = #tpu.pipeline_mode<synchronous>, transform_indices = @transform_2, window_bounds = array<i64: 10240, 128>}, {pipeline_mode = #tpu.pipeline_mode<synchronous>, transform_indices = @transform_3, window_bounds = array<i64: 128, 640>}, {transform_indices = @transform_4, window_bounds = array<i64: 1, 80, 128>}]} {
    %get3A = arith.index_cast %arg0 : i32 to index
    %get3A_0 = memref.load %arg1[%get3A] : memref<257xi32, #tpu.memory_space<smem>>
    %add3A = arith.constant 1 : i32
    %add3A_1 = arith.addi %arg0, %add3A : i32
    %get3A_2 = arith.index_cast %add3A_1 : i32 to index
    %get3A_3 = memref.load %arg1[%get3A_2] : memref<257xi32, #tpu.memory_space<smem>>
    %jit3A = arith.constant 128 : i32
    %div3A = arith.divsi %get3A_0, %jit3A : i32
    %sign3A = arith.constant 0 : i32
    %sign3A_4 = arith.cmpi sgt, %get3A_0, %sign3A : i32
    %sign3A_5 = arith.extui %sign3A_4 : i1 to i32
    %sign3A_6 = arith.constant 0 : i32
    %sign3A_7 = arith.cmpi slt, %get3A_0, %sign3A_6 : i32
    %sign3A_8 = arith.extui %sign3A_7 : i1 to i32
    %sign3A_9 = arith.subi %sign3A_5, %sign3A_8 : i32
    %sign3A_10 = arith.constant 0 : i32
    %sign3A_11 = arith.cmpi sgt, %jit3A, %sign3A_10 : i32
    %sign3A_12 = arith.extui %sign3A_11 : i1 to i32
    %sign3A_13 = arith.constant 0 : i32
    %sign3A_14 = arith.cmpi slt, %jit3A, %sign3A_13 : i32
    %sign3A_15 = arith.extui %sign3A_14 : i1 to i32
    %sign3A_16 = arith.subi %sign3A_12, %sign3A_15 : i32
    %ne3A = arith.cmpi ne, %sign3A_9, %sign3A_16 : i32
    %rem3A = arith.remsi %get3A_0, %jit3A : i32
    %ne3A_17 = arith.constant 0 : i32
    %ne3A_18 = arith.cmpi ne, %rem3A, %ne3A_17 : i32
    %and3A = arith.andi %ne3A, %ne3A_18 : i1
    %sub3A = arith.constant 1 : i32
    %sub3A_19 = arith.subi %div3A, %sub3A : i32
    %select_n3A = arith.select %and3A, %sub3A_19, %div3A : i32
    %add3A_20 = arith.constant 127 : i32
    %add3A_21 = arith.addi %get3A_3, %add3A_20 : i32
    %div3A_22 = arith.constant 128 : i32
    %div3A_23 = arith.divsi %add3A_21, %div3A_22 : i32
    %broadcast_in_dim3A = arith.constant -1.000000e+30 : f32
    %broadcast_in_dim3A_24 = vector.broadcast %broadcast_in_dim3A : f32 to vector<1x640xf32>
    %broadcast_in_dim3A_25 = arith.constant 0.000000e+00 : f32
    %broadcast_in_dim3A_26 = vector.broadcast %broadcast_in_dim3A_25 : f32 to vector<1x640xf32>
    %broadcast_in_dim3A_27 = arith.constant 0.000000e+00 : f32
    %broadcast_in_dim3A_28 = vector.broadcast %broadcast_in_dim3A_27 : f32 to vector<16x640xf32>
    %while3A = arith.subi %div3A_23, %select_n3A : i32
    %while3A_29 = arith.addi %select_n3A, %while3A : i32
    %while3A_30 = arith.constant 1 : i32
    %while3A_31 = arith.divsi %while3A, %while3A_30 : i32
    %while3A_32 = arith.muli %while3A_31, %while3A_30 : i32
    %while3A_33 = arith.addi %select_n3A, %while3A_32 : i32
    %while3A_34 = arith.constant 1 : i32
    %while3A_35:3 = scf.for %while3A_61 = %select_n3A to %while3A_33 step %while3A_34 iter_args(%while3A_62 = %broadcast_in_dim3A_24, %while3A_63 = %broadcast_in_dim3A_26, %while3A_64 = %broadcast_in_dim3A_28) -> (vector<1x640xf32>, vector<1x640xf32>, vector<16x640xf32>)  : i32 {
      %mul3A = arith.constant 128 : i32
      %mul3A_65 = arith.muli %while3A_61, %mul3A : i32
      %mul3A_66 = arith.constant 1 : i32
      %mul3A_67 = arith.muli %mul3A_65, %mul3A_66 : i32
      %get3A_68 = arith.index_cast %mul3A_67 : i32 to index
      %get3A_69 = arith.constant 0 : index
      %get3A_70 = vector.load %arg2[%get3A_68, %get3A_69] : memref<10240x128xf32, #tpu.memory_space<vmem>>, vector<128x128xf32>
      %mul3A_71 = arith.constant 1 : i32
      %mul3A_72 = arith.muli %mul3A_65, %mul3A_71 : i32
      %get3A_73 = arith.index_cast %mul3A_72 : i32 to index
      %get3A_74 = arith.constant 0 : index
      %get3A_75 = vector.load %arg3[%get3A_73, %get3A_74] : memref<10240x128xf32, #tpu.memory_space<vmem>>, vector<128x128xf32>
      %iota3A = tpu.iota {dimensions = array<i32: 0>} : vector<128x1xi32>
      %add3A_76 = vector.broadcast %mul3A_65 : i32 to vector<128x1xi32>
      %add3A_77 = arith.addi %add3A_76, %iota3A : vector<128x1xi32>
      %ge3A = vector.broadcast %get3A_0 : i32 to vector<128x1xi32>
      %ge3A_78 = arith.cmpi sge, %add3A_77, %ge3A : vector<128x1xi32>
      %lt3A = vector.broadcast %get3A_3 : i32 to vector<128x1xi32>
      %lt3A_79 = arith.cmpi slt, %add3A_77, %lt3A : vector<128x1xi32>
      %and3A_80 = arith.andi %ge3A_78, %lt3A_79 : vector<128x1xi1>
      %get3A_81 = arith.constant 0 : index
      %get3A_82 = arith.constant 0 : index
      %get3A_83 = vector.load %arg4[%get3A_81, %get3A_82] : memref<128x640xf32, #tpu.memory_space<vmem>>, vector<128x640xf32>
      %dot_general3A = arith.constant dense<0.000000e+00> : vector<128x640xf32>
      %dot_general3A_84 = tpu.matmul %get3A_70, %get3A_83, %dot_general3A {dimension_numbers = #tpu.dot_dimension_numbers<[1], [0], [0], [1], [0, 0, 1, 1], [], []>, transpose_lhs_hint = false} : vector<128x128xf32>, vector<128x640xf32>, vector<128x640xf32> -> vector<128x640xf32>
      %jit3A_85 = arith.constant -1.000000e+30 : f32
      %broadcast_in_dim3A_86 = vector.shape_cast %and3A_80 : vector<128x1xi1> to vector<128x1xi1>
      %broadcast_in_dim3A_87 = vector.broadcast %broadcast_in_dim3A_86 : vector<128x1xi1> to vector<128x640xi1>
      %broadcast_in_dim3A_88 = vector.broadcast %jit3A_85 : f32 to vector<128x640xf32>
      %select_n3A_89 = arith.select %broadcast_in_dim3A_87, %dot_general3A_84, %broadcast_in_dim3A_88 : vector<128x640xi1>, vector<128x640xf32>
      %reduce_max3A = arith.constant dense<0xFF800000> : vector<640xf32>
      %reduce_max3A_90 = vector.multi_reduction <maximumf>, %select_n3A_89, %reduce_max3A [0] : vector<128x640xf32> to vector<640xf32>
      %broadcast_in_dim3A_91 = vector.shape_cast %reduce_max3A_90 : vector<640xf32> to vector<1x640xf32>
      %max3A_92 = arith.maximumf %while3A_62, %broadcast_in_dim3A_91 : vector<1x640xf32>
      %sub3A_93 = arith.subf %while3A_62, %max3A_92 : vector<1x640xf32>
      %exp3A = math.exp %sub3A_93 : vector<1x640xf32>
      %sub3A_94 = vector.broadcast %max3A_92 : vector<1x640xf32> to vector<128x640xf32>
      %sub3A_95 = arith.subf %select_n3A_89, %sub3A_94 : vector<128x640xf32>
      %exp3A_96 = math.exp %sub3A_95 : vector<128x640xf32>
      %jit3A_97 = arith.constant 0.000000e+00 : f32
      %broadcast_in_dim3A_98 = vector.shape_cast %and3A_80 : vector<128x1xi1> to vector<128x1xi1>
      %broadcast_in_dim3A_99 = vector.broadcast %broadcast_in_dim3A_98 : vector<128x1xi1> to vector<128x640xi1>
      %broadcast_in_dim3A_100 = vector.broadcast %jit3A_97 : f32 to vector<128x640xf32>
      %select_n3A_101 = arith.select %broadcast_in_dim3A_99, %exp3A_96, %broadcast_in_dim3A_100 : vector<128x640xi1>, vector<128x640xf32>
      %mul3A_102 = arith.mulf %while3A_63, %exp3A : vector<1x640xf32>
      %reduce_sum3A = arith.constant dense<0.000000e+00> : vector<640xf32>
      %reduce_sum3A_103 = vector.multi_reduction <add>, %select_n3A_101, %reduce_sum3A [0] : vector<128x640xf32> to vector<640xf32>
      %broadcast_in_dim3A_104 = vector.shape_cast %reduce_sum3A_103 : vector<640xf32> to vector<1x640xf32>
      %add3A_105 = arith.addf %mul3A_102, %broadcast_in_dim3A_104 : vector<1x640xf32>
      %dot_general3A_106 = arith.constant dense<0.000000e+00> : vector<128x640xf32>
      %dot_general3A_107 = tpu.matmul %get3A_75, %select_n3A_101, %dot_general3A_106 {dimension_numbers = #tpu.dot_dimension_numbers<[0], [0], [1], [1], [0, 1, 1, 1], [], []>, transpose_lhs_hint = false} : vector<128x128xf32>, vector<128x640xf32>, vector<128x640xf32> -> vector<128x640xf32>
      %slice3A_108 = vector.extract_strided_slice %dot_general3A_107 {offsets = [0, 0], sizes = [16, 80], strides = [1, 1]} : vector<128x640xf32> to vector<16x80xf32>
      %slice3A_109 = vector.extract_strided_slice %dot_general3A_107 {offsets = [16, 80], sizes = [16, 80], strides = [1, 1]} : vector<128x640xf32> to vector<16x80xf32>
      %slice3A_110 = vector.extract_strided_slice %dot_general3A_107 {offsets = [32, 160], sizes = [16, 80], strides = [1, 1]} : vector<128x640xf32> to vector<16x80xf32>
      %slice3A_111 = vector.extract_strided_slice %dot_general3A_107 {offsets = [48, 240], sizes = [16, 80], strides = [1, 1]} : vector<128x640xf32> to vector<16x80xf32>
      %slice3A_112 = vector.extract_strided_slice %dot_general3A_107 {offsets = [64, 320], sizes = [16, 80], strides = [1, 1]} : vector<128x640xf32> to vector<16x80xf32>
      %slice3A_113 = vector.extract_strided_slice %dot_general3A_107 {offsets = [80, 400], sizes = [16, 80], strides = [1, 1]} : vector<128x640xf32> to vector<16x80xf32>
      %slice3A_114 = vector.extract_strided_slice %dot_general3A_107 {offsets = [96, 480], sizes = [16, 80], strides = [1, 1]} : vector<128x640xf32> to vector<16x80xf32>
      %slice3A_115 = vector.extract_strided_slice %dot_general3A_107 {offsets = [112, 560], sizes = [16, 80], strides = [1, 1]} : vector<128x640xf32> to vector<16x80xf32>
      %concatenate3A_116 = tpu.concatenate %slice3A_108, %slice3A_109, %slice3A_110, %slice3A_111, %slice3A_112, %slice3A_113, %slice3A_114, %slice3A_115 in 1 : vector<16x80xf32>, vector<16x80xf32>, vector<16x80xf32>, vector<16x80xf32>, vector<16x80xf32>, vector<16x80xf32>, vector<16x80xf32>, vector<16x80xf32> -> vector<16x640xf32>
      %mul3A_117 = vector.broadcast %exp3A : vector<1x640xf32> to vector<16x640xf32>
      %mul3A_118 = arith.mulf %while3A_64, %mul3A_117 : vector<16x640xf32>
      %add3A_119 = arith.addf %mul3A_118, %concatenate3A_116 : vector<16x640xf32>
      scf.yield %max3A_92, %add3A_105, %add3A_119 : vector<1x640xf32>, vector<1x640xf32>, vector<16x640xf32>
    }
    %while3A_36 = arith.constant 1 : i32
    %while3A_37:3 = scf.for %while3A_61 = %while3A_33 to %while3A_29 step %while3A_36 iter_args(%while3A_62 = %while3A_35#0, %while3A_63 = %while3A_35#1, %while3A_64 = %while3A_35#2) -> (vector<1x640xf32>, vector<1x640xf32>, vector<16x640xf32>)  : i32 {
      %mul3A = arith.constant 128 : i32
      %mul3A_65 = arith.muli %while3A_61, %mul3A : i32
      %mul3A_66 = arith.constant 1 : i32
      %mul3A_67 = arith.muli %mul3A_65, %mul3A_66 : i32
      %get3A_68 = arith.index_cast %mul3A_67 : i32 to index
      %get3A_69 = arith.constant 0 : index
      %get3A_70 = vector.load %arg2[%get3A_68, %get3A_69] : memref<10240x128xf32, #tpu.memory_space<vmem>>, vector<128x128xf32>
      %mul3A_71 = arith.constant 1 : i32
      %mul3A_72 = arith.muli %mul3A_65, %mul3A_71 : i32
      %get3A_73 = arith.index_cast %mul3A_72 : i32 to index
      %get3A_74 = arith.constant 0 : index
      %get3A_75 = vector.load %arg3[%get3A_73, %get3A_74] : memref<10240x128xf32, #tpu.memory_space<vmem>>, vector<128x128xf32>
      %iota3A = tpu.iota {dimensions = array<i32: 0>} : vector<128x1xi32>
      %add3A_76 = vector.broadcast %mul3A_65 : i32 to vector<128x1xi32>
      %add3A_77 = arith.addi %add3A_76, %iota3A : vector<128x1xi32>
      %ge3A = vector.broadcast %get3A_0 : i32 to vector<128x1xi32>
      %ge3A_78 = arith.cmpi sge, %add3A_77, %ge3A : vector<128x1xi32>
      %lt3A = vector.broadcast %get3A_3 : i32 to vector<128x1xi32>
      %lt3A_79 = arith.cmpi slt, %add3A_77, %lt3A : vector<128x1xi32>
      %and3A_80 = arith.andi %ge3A_78, %lt3A_79 : vector<128x1xi1>
      %get3A_81 = arith.constant 0 : index
      %get3A_82 = arith.constant 0 : index
      %get3A_83 = vector.load %arg4[%get3A_81, %get3A_82] : memref<128x640xf32, #tpu.memory_space<vmem>>, vector<128x640xf32>
      %dot_general3A = arith.constant dense<0.000000e+00> : vector<128x640xf32>
      %dot_general3A_84 = tpu.matmul %get3A_70, %get3A_83, %dot_general3A {dimension_numbers = #tpu.dot_dimension_numbers<[1], [0], [0], [1], [0, 0, 1, 1], [], []>, transpose_lhs_hint = false} : vector<128x128xf32>, vector<128x640xf32>, vector<128x640xf32> -> vector<128x640xf32>
      %jit3A_85 = arith.constant -1.000000e+30 : f32
      %broadcast_in_dim3A_86 = vector.shape_cast %and3A_80 : vector<128x1xi1> to vector<128x1xi1>
      %broadcast_in_dim3A_87 = vector.broadcast %broadcast_in_dim3A_86 : vector<128x1xi1> to vector<128x640xi1>
      %broadcast_in_dim3A_88 = vector.broadcast %jit3A_85 : f32 to vector<128x640xf32>
      %select_n3A_89 = arith.select %broadcast_in_dim3A_87, %dot_general3A_84, %broadcast_in_dim3A_88 : vector<128x640xi1>, vector<128x640xf32>
      %reduce_max3A = arith.constant dense<0xFF800000> : vector<640xf32>
      %reduce_max3A_90 = vector.multi_reduction <maximumf>, %select_n3A_89, %reduce_max3A [0] : vector<128x640xf32> to vector<640xf32>
      %broadcast_in_dim3A_91 = vector.shape_cast %reduce_max3A_90 : vector<640xf32> to vector<1x640xf32>
      %max3A_92 = arith.maximumf %while3A_62, %broadcast_in_dim3A_91 : vector<1x640xf32>
      %sub3A_93 = arith.subf %while3A_62, %max3A_92 : vector<1x640xf32>
      %exp3A = math.exp %sub3A_93 : vector<1x640xf32>
      %sub3A_94 = vector.broadcast %max3A_92 : vector<1x640xf32> to vector<128x640xf32>
      %sub3A_95 = arith.subf %select_n3A_89, %sub3A_94 : vector<128x640xf32>
      %exp3A_96 = math.exp %sub3A_95 : vector<128x640xf32>
      %jit3A_97 = arith.constant 0.000000e+00 : f32
      %broadcast_in_dim3A_98 = vector.shape_cast %and3A_80 : vector<128x1xi1> to vector<128x1xi1>
      %broadcast_in_dim3A_99 = vector.broadcast %broadcast_in_dim3A_98 : vector<128x1xi1> to vector<128x640xi1>
      %broadcast_in_dim3A_100 = vector.broadcast %jit3A_97 : f32 to vector<128x640xf32>
      %select_n3A_101 = arith.select %broadcast_in_dim3A_99, %exp3A_96, %broadcast_in_dim3A_100 : vector<128x640xi1>, vector<128x640xf32>
      %mul3A_102 = arith.mulf %while3A_63, %exp3A : vector<1x640xf32>
      %reduce_sum3A = arith.constant dense<0.000000e+00> : vector<640xf32>
      %reduce_sum3A_103 = vector.multi_reduction <add>, %select_n3A_101, %reduce_sum3A [0] : vector<128x640xf32> to vector<640xf32>
      %broadcast_in_dim3A_104 = vector.shape_cast %reduce_sum3A_103 : vector<640xf32> to vector<1x640xf32>
      %add3A_105 = arith.addf %mul3A_102, %broadcast_in_dim3A_104 : vector<1x640xf32>
      %dot_general3A_106 = arith.constant dense<0.000000e+00> : vector<128x640xf32>
      %dot_general3A_107 = tpu.matmul %get3A_75, %select_n3A_101, %dot_general3A_106 {dimension_numbers = #tpu.dot_dimension_numbers<[0], [0], [1], [1], [0, 1, 1, 1], [], []>, transpose_lhs_hint = false} : vector<128x128xf32>, vector<128x640xf32>, vector<128x640xf32> -> vector<128x640xf32>
      %slice3A_108 = vector.extract_strided_slice %dot_general3A_107 {offsets = [0, 0], sizes = [16, 80], strides = [1, 1]} : vector<128x640xf32> to vector<16x80xf32>
      %slice3A_109 = vector.extract_strided_slice %dot_general3A_107 {offsets = [16, 80], sizes = [16, 80], strides = [1, 1]} : vector<128x640xf32> to vector<16x80xf32>
      %slice3A_110 = vector.extract_strided_slice %dot_general3A_107 {offsets = [32, 160], sizes = [16, 80], strides = [1, 1]} : vector<128x640xf32> to vector<16x80xf32>
      %slice3A_111 = vector.extract_strided_slice %dot_general3A_107 {offsets = [48, 240], sizes = [16, 80], strides = [1, 1]} : vector<128x640xf32> to vector<16x80xf32>
      %slice3A_112 = vector.extract_strided_slice %dot_general3A_107 {offsets = [64, 320], sizes = [16, 80], strides = [1, 1]} : vector<128x640xf32> to vector<16x80xf32>
      %slice3A_113 = vector.extract_strided_slice %dot_general3A_107 {offsets = [80, 400], sizes = [16, 80], strides = [1, 1]} : vector<128x640xf32> to vector<16x80xf32>
      %slice3A_114 = vector.extract_strided_slice %dot_general3A_107 {offsets = [96, 480], sizes = [16, 80], strides = [1, 1]} : vector<128x640xf32> to vector<16x80xf32>
      %slice3A_115 = vector.extract_strided_slice %dot_general3A_107 {offsets = [112, 560], sizes = [16, 80], strides = [1, 1]} : vector<128x640xf32> to vector<16x80xf32>
      %concatenate3A_116 = tpu.concatenate %slice3A_108, %slice3A_109, %slice3A_110, %slice3A_111, %slice3A_112, %slice3A_113, %slice3A_114, %slice3A_115 in 1 : vector<16x80xf32>, vector<16x80xf32>, vector<16x80xf32>, vector<16x80xf32>, vector<16x80xf32>, vector<16x80xf32>, vector<16x80xf32>, vector<16x80xf32> -> vector<16x640xf32>
      %mul3A_117 = vector.broadcast %exp3A : vector<1x640xf32> to vector<16x640xf32>
      %mul3A_118 = arith.mulf %while3A_64, %mul3A_117 : vector<16x640xf32>
      %add3A_119 = arith.addf %mul3A_118, %concatenate3A_116 : vector<16x640xf32>
      scf.yield %max3A_92, %add3A_105, %add3A_119 : vector<1x640xf32>, vector<1x640xf32>, vector<16x640xf32>
    }
    %max3A = arith.constant 9.99999996E-13 : f32
    %max3A_38 = vector.broadcast %max3A : f32 to vector<1x640xf32>
    %max3A_39 = arith.maximumf %while3A_37#1, %max3A_38 : vector<1x640xf32>
    %div3A_40 = vector.broadcast %max3A_39 : vector<1x640xf32> to vector<16x640xf32>
    %div3A_41 = arith.divf %while3A_37#2, %div3A_40 : vector<16x640xf32>
    %slice3A = vector.extract_strided_slice %div3A_41 {offsets = [0, 0], sizes = [16, 80], strides = [1, 1]} : vector<16x640xf32> to vector<16x80xf32>
    %transpose3A = tpu.transpose %slice3A, [1, 0] : vector<16x80xf32> -> vector<80x16xf32>
    %slice3A_42 = vector.extract_strided_slice %div3A_41 {offsets = [0, 80], sizes = [16, 80], strides = [1, 1]} : vector<16x640xf32> to vector<16x80xf32>
    %transpose3A_43 = tpu.transpose %slice3A_42, [1, 0] : vector<16x80xf32> -> vector<80x16xf32>
    %slice3A_44 = vector.extract_strided_slice %div3A_41 {offsets = [0, 160], sizes = [16, 80], strides = [1, 1]} : vector<16x640xf32> to vector<16x80xf32>
    %transpose3A_45 = tpu.transpose %slice3A_44, [1, 0] : vector<16x80xf32> -> vector<80x16xf32>
    %slice3A_46 = vector.extract_strided_slice %div3A_41 {offsets = [0, 240], sizes = [16, 80], strides = [1, 1]} : vector<16x640xf32> to vector<16x80xf32>
    %transpose3A_47 = tpu.transpose %slice3A_46, [1, 0] : vector<16x80xf32> -> vector<80x16xf32>
    %slice3A_48 = vector.extract_strided_slice %div3A_41 {offsets = [0, 320], sizes = [16, 80], strides = [1, 1]} : vector<16x640xf32> to vector<16x80xf32>
    %transpose3A_49 = tpu.transpose %slice3A_48, [1, 0] : vector<16x80xf32> -> vector<80x16xf32>
    %slice3A_50 = vector.extract_strided_slice %div3A_41 {offsets = [0, 400], sizes = [16, 80], strides = [1, 1]} : vector<16x640xf32> to vector<16x80xf32>
    %transpose3A_51 = tpu.transpose %slice3A_50, [1, 0] : vector<16x80xf32> -> vector<80x16xf32>
    %slice3A_52 = vector.extract_strided_slice %div3A_41 {offsets = [0, 480], sizes = [16, 80], strides = [1, 1]} : vector<16x640xf32> to vector<16x80xf32>
    %transpose3A_53 = tpu.transpose %slice3A_52, [1, 0] : vector<16x80xf32> -> vector<80x16xf32>
    %slice3A_54 = vector.extract_strided_slice %div3A_41 {offsets = [0, 560], sizes = [16, 80], strides = [1, 1]} : vector<16x640xf32> to vector<16x80xf32>
    %transpose3A_55 = tpu.transpose %slice3A_54, [1, 0] : vector<16x80xf32> -> vector<80x16xf32>
    %concatenate3A = tpu.concatenate %transpose3A, %transpose3A_43, %transpose3A_45, %transpose3A_47, %transpose3A_49, %transpose3A_51, %transpose3A_53, %transpose3A_55 in 1 : vector<80x16xf32>, vector<80x16xf32>, vector<80x16xf32>, vector<80x16xf32>, vector<80x16xf32>, vector<80x16xf32>, vector<80x16xf32>, vector<80x16xf32> -> vector<80x128xf32>
    %swap3A = arith.constant 0 : index
    %swap3A_56 = arith.constant 0 : index
    %swap3A_57 = arith.constant 0 : index
    %swap3A_58 = vector.load %arg5[%swap3A, %swap3A_56, %swap3A_57] : memref<1x80x128xf32, #tpu.memory_space<vmem>>, vector<1x80x128xf32>
    %swap3A_59 = vector.shape_cast %swap3A_58 : vector<1x80x128xf32> to vector<80x128xf32>
    %swap3A_60 = vector.shape_cast %concatenate3A : vector<80x128xf32> to vector<1x80x128xf32>
    tpu.vector_store %arg5[%swap3A, %swap3A_56, %swap3A_57], %swap3A_60 {strides = array<i32>} : memref<1x80x128xf32, #tpu.memory_space<vmem>>, vector<1x80x128xf32>,
    return
  }
  func.func @transform_0(%arg0: i32) -> i32 {
    %c0_i32 = arith.constant 0 : i32
    %c0_i32_0 = arith.constant 0 : i32
    return %c0_i32 : i32
  }
  func.func @transform_1(%arg0: i32) -> (i32, i32) {
    %c0_i32 = arith.constant 0 : i32
    %c0_i32_0 = arith.constant 0 : i32
    %c0_i32_1 = arith.constant 0 : i32
    return %c0_i32, %c0_i32_0 : i32, i32
  }
  func.func @transform_2(%arg0: i32) -> (i32, i32) {
    %c0_i32 = arith.constant 0 : i32
    %c0_i32_0 = arith.constant 0 : i32
    %c0_i32_1 = arith.constant 0 : i32
    return %c0_i32, %c0_i32_0 : i32, i32
  }
  func.func @transform_3(%arg0: i32) -> (i32, i32) {
    %c0_i32 = arith.constant 0 : i32
    %c0_i32_0 = arith.constant 0 : i32
    %c0_i32_1 = arith.constant 0 : i32
    return %c0_i32, %c0_i32_0 : i32, i32
  }
  func.func @transform_4(%arg0: i32) -> (i32, i32, i32) {
    %c0_i32 = arith.constant 0 : i32
    %c0_i32_0 = arith.constant 0 : i32
    %c0_i32_1 = arith.constant 0 : i32
    return %arg0, %c0_i32, %c0_i32_0 : i32, i32, i32
  }
}

module attributes {stable_mosaic.version = 14 : i64} {
  func.func @_tail_kernel(%arg0: memref<256x128xf32, #tpu.memory_space<vmem>>, %arg1: memref<128x128xf32, #tpu.memory_space<vmem>>, %arg2: memref<128xf32, #tpu.memory_space<vmem>>, %arg3: memref<128x1xf32, #tpu.memory_space<vmem>>, %arg4: memref<1xf32, #tpu.memory_space<vmem>>, %arg5: memref<256x1xf32, #tpu.memory_space<vmem>>) attributes {dimension_semantics = [], scalar_prefetch = 0 : i64, scratch_operands = 0 : i64, tpu.core_type = #tpu.core_type<tc>} {
    %get3A = arith.constant 0 : index
    %get3A_0 = arith.constant 0 : index
    %get3A_1 = vector.load %arg0[%get3A, %get3A_0] : memref<256x128xf32, #tpu.memory_space<vmem>>, vector<256x128xf32>
    %get3A_2 = arith.constant 0 : index
    %get3A_3 = arith.constant 0 : index
    %get3A_4 = vector.load %arg1[%get3A_2, %get3A_3] : memref<128x128xf32, #tpu.memory_space<vmem>>, vector<128x128xf32>
    %dot_general3A = arith.constant dense<0.000000e+00> : vector<256x128xf32>
    %dot_general3A_5 = tpu.matmul %get3A_1, %get3A_4, %dot_general3A {dimension_numbers = #tpu.dot_dimension_numbers<[1], [0], [0], [1], [0, 0, 1, 1], [], []>, transpose_lhs_hint = false} : vector<256x128xf32>, vector<128x128xf32>, vector<256x128xf32> -> vector<256x128xf32>
    %get3A_6 = arith.constant 0 : index
    %get3A_7 = vector.load %arg2[%get3A_6] : memref<128xf32, #tpu.memory_space<vmem>>, vector<128xf32>
    %broadcast_in_dim3A = vector.shape_cast %get3A_7 : vector<128xf32> to vector<1x128xf32>
    %add3A = vector.broadcast %broadcast_in_dim3A : vector<1x128xf32> to vector<256x128xf32>
    %add3A_8 = arith.addf %dot_general3A_5, %add3A : vector<256x128xf32>
    %get3A_9 = arith.constant 0 : index
    %get3A_10 = arith.constant 0 : index
    %get3A_11 = vector.load %arg3[%get3A_9, %get3A_10] : memref<128x1xf32, #tpu.memory_space<vmem>>, vector<128x1xf32>
    %dot_general3A_12 = arith.constant dense<0.000000e+00> : vector<256x1xf32>
    %dot_general3A_13 = tpu.matmul %add3A_8, %get3A_11, %dot_general3A_12 {dimension_numbers = #tpu.dot_dimension_numbers<[1], [0], [0], [1], [0, 0, 1, 1], [], []>, transpose_lhs_hint = false} : vector<256x128xf32>, vector<128x1xf32>, vector<256x1xf32> -> vector<256x1xf32>
    %get3A_14 = arith.constant 0 : index
    %get3A_15 = vector.load %arg4[%get3A_14] : memref<1xf32, #tpu.memory_space<vmem>>, vector<1xf32>
    %broadcast_in_dim3A_16 = vector.shape_cast %get3A_15 : vector<1xf32> to vector<1x1xf32>
    %add3A_17 = vector.broadcast %broadcast_in_dim3A_16 : vector<1x1xf32> to vector<256x1xf32>
    %add3A_18 = arith.addf %dot_general3A_13, %add3A_17 : vector<256x1xf32>
    %logistic3A = arith.negf %add3A_18 : vector<256x1xf32>
    %logistic3A_19 = math.exp %logistic3A : vector<256x1xf32>
    %logistic3A_20 = arith.constant 1.000000e+00 : f32
    %logistic3A_21 = vector.broadcast %logistic3A_20 : f32 to vector<256x1xf32>
    %logistic3A_22 = arith.addf %logistic3A_21, %logistic3A_19 : vector<256x1xf32>
    %logistic3A_23 = arith.divf %logistic3A_21, %logistic3A_22 : vector<256x1xf32>
    %swap3A = arith.constant 0 : index
    %swap3A_24 = arith.constant 0 : index
    %swap3A_25 = vector.load %arg5[%swap3A, %swap3A_24] : memref<256x1xf32, #tpu.memory_space<vmem>>, vector<256x1xf32>
    tpu.vector_store %arg5[%swap3A, %swap3A_24], %logistic3A_23 {strides = array<i32>} : memref<256x1xf32, #tpu.memory_space<vmem>>, vector<256x1xf32>,
    return
  }
}

</mosaic_0001>

<sc_bundles>
// kernel: kernel.20.cloned.1.call-start
scs
__scs_entry_jumppad:
0x0: {  	(pc) =	sbr.rel $0x88, $3  }
0x1: {  	(tag) =	ssettag $0x0;
	lr =	simm.s32 $0x1  }
0x2: {  	[smem:$0x3F76] =	sst lr;
	_ =	strace $0xD0000000  }
0x3: {  	_ = 	snop  }
0x4: {  	_ = 	snop  }
0x5: {  	_ = 	snop  }
0x6: {  	_ = 	snop  }
0x7: {  	_ = 	snop  }
__scs_overlays_trampoline_lowered:
0x8: {  	[smem:$0x3F85] =	sst s0  }
0x9: {  	[smem:$0x3F86] =	sst s1  }
0xa: {  	[smem:$0x3F87] =	sst s2  }
0xb: {  	[smem:$0x3F88] =	sst s3  }
0xc: {  	[smem:$0x3F89] =	sst s4  }
0xd: {  	[smem:$0x3F8A] =	sst s5  }
0xe: {  	[smem:$0x3F8B] =	sst s6  }
0xf: {  	[smem:$0x3F8C] =	sst s7  }
0x10: {  	[smem:$0x3F8D] =	sst s8  }
0x11: {  	[smem:$0x3F8E] =	sst s9;
	s0 =	simm.s32 @!p0 $0x0  }
0x12: {  	s1 =	sld [smem:$0x3F74];
	s0 =	simm.s32 @p0 $0x1  }
0x13: {  	[smem:$0x3F8F] =	sst s0;
	s0 =	simm.s32 @!p1 $0x0  }
0x14: {  	s2 =	sld [smem:$0x3F73];
	s0 =	simm.s32 @p1 $0x1  }
0x15: {  	[smem:$0x3F90] =	sst s0;
	s0 =	simm.s32 @!p2 $0x0  }
0x16: {  	s3 =	sld [smem:$0x3FDB];
	s0 =	simm.s32 @p2 $0x1  }
0x17: {  	s4 =	simm.s32 $0x1BF5;
	[smem:$0x3F92] =	sst s0  }
0x18: {  	s0 =	sld [smem:$0x3F75];
	_ =	swait.ge [sflag:s4], $0x0  }
0x19: {  	s7 =	sld [smem:$0x3F76]  }
0x1a: {  	s8 =	sadd.s32 $0xFFFFE003, lr  }
0x1b: {  	s9 =	sadd.s32 $0xFFFFFEF7, lr;
	s5 =	simm.s32 $0xFFFFFFFF;
	p2 =	slt.u32 s8, $0xFFFFF086  }
0x1c: {  	p1 =	slt.u32 s9, $0xF7A;
	s5 =	simm.s32 @!p2 $0x0  }
0x1d: {  	s5 =	simm.s32 @p1 $0x1;
	p0 =	seq.s32 s7, s2  }
0x1e: {  	s7 =	smul.u32 @!p0 $0xF7A, s2;
	p2 =	seq.s32 @!p0 s5, $0x0  }
0x1f: {  	s9 =	smul.u32 $0xF7A, s1;
	s8 =	simm.s32 @!p0 $0x1BF5;
	p2 =	por !p2, p0  }
0x20: {  	[sflag:s8] =	ssyncset.s32 @!p0 $0xFFFFF086;
	s6 =	sadd.s32 @!p0 s3, s7;
	s7 =	simm.s32 @!p0 $0x108  }
0x21: {  	s3 =	sadd.s32 s3, s9;
	s6 =	sadd.s32 @!p0 $0x88, s6;
	s7 =	simm.s32 @p2 $0x1082  }
0x22: {  	[simem:s7], [sflag:s8] =	dma.local @!p0 [hbm:s6], $0xF7A  }
0x23: {  	s9 =	sor.u32 $0xD0000000, s2;
	s6 =	simm.s32 $0x108;
	_ =	swait.ge @!p0 [sflag:s8], $0x0  }
0x24: {  	s3 =	sadd.s32 $0x88, s3;
	s6 =	simm.s32 @!p1 $0x1082;
	[sflag:s4] =	ssyncset.s32 $0xFFFFF086  }
0x25: {  	[simem:s6], [sflag:s4] =	dma.local [hbm:s3], $0xF7A  }
0x26: {  	[smem:$0x3F76] =	sst s1;
	(tag) =	ssettag s2;
	_ =	strace s9  }
0x27: {  	s1 =	sld [smem:$0x3F86]  }
0x28: {  	s2 =	sld [smem:$0x3F87]  }
0x29: {  	s4 =	sld [smem:$0x3F89]  }
0x2a: {  	p0 =	seq.s32 s5, $0x0;
	s5 =	sld [smem:$0x3F8A]  }
0x2b: {  	s6 =	sld [smem:$0x3F8B]  }
0x2c: {  	s7 =	sld [smem:$0x3F8C]  }
0x2d: {  	s3 =	simm.s32 $0x108;
	s8 =	sld [smem:$0x3F8D]  }
0x2e: {  	s3 =	simm.s32 @!p0 $0x1082;
	s9 =	sld [smem:$0x3F8E]  }
0x2f: {  	lr =	sadd.s32 s0, s3;
	s0 =	sld [smem:$0x3F85]  }
0x30: {  	s3 =	sld [smem:$0x3F88]  }
0x31: {  	[smem:$0x3F91] =	sst s10  }
0x32: {  	s10 =	sld [smem:$0x3F8F];
	_ =	sdelay $0x3  }
0x33: {  	p0 =	seq.s32 s10, $0x1;
	s10 =	sld [smem:$0x3F91];
	_ =	sdelay $0x3  }
0x34: {  	[smem:$0x3F91] =	sst s10  }
0x35: {  	s10 =	sld [smem:$0x3F90];
	_ =	sdelay $0x3  }
0x36: {  	p1 =	seq.s32 s10, $0x1;
	s10 =	sld [smem:$0x3F91];
	_ =	sdelay $0x3  }
0x37: {  	[smem:$0x3F91] =	sst s10  }
0x38: {  	s10 =	sld [smem:$0x3F92]  }
0x39: {  	_ = 	snop;
	(pc) =	sbr.ind lr, $3  }
0x3a: {  	_ = 	snop  }
0x3b: {  	_ = 	snop  }
0x3c: {  	p2 =	seq.s32 s10, $0x1;
	s10 =	sld [smem:$0x3F91]  }
0x3d: {  	_ =	shalt  }
0x3e: {  	_ =	shalt  }
0x3f: {  	_ =	shalt  }
0x40: {  	_ =	shalt  }
0x41: {  	_ =	shalt  }
0x42: {  	_ =	shalt  }
0x43: {  	_ =	shalt  }
0x44: {  	_ =	shalt  }
0x45: {  	_ =	shalt  }
0x46: {  	_ =	shalt  }
0x47: {  	_ =	shalt  }
0x48: {  	_ =	shalt  }
0x49: {  	_ =	shalt  }
0x4a: {  	_ =	shalt  }
0x4b: {  	_ =	shalt  }
0x4c: {  	_ =	shalt  }
0x4d: {  	_ =	shalt  }
0x4e: {  	_ =	shalt  }
0x4f: {  	_ =	shalt  }
0x50: {  	_ =	shalt  }
0x51: {  	_ =	shalt  }
0x52: {  	_ =	shalt  }
0x53: {  	_ =	shalt  }
0x54: {  	_ =	shalt  }
0x55: {  	_ =	shalt  }
0x56: {  	_ =	shalt  }
0x57: {  	_ =	shalt  }
0x58: {  	_ =	shalt  }
0x59: {  	_ =	shalt  }
0x5a: {  	_ =	shalt  }
0x5b: {  	_ =	shalt  }
0x5c: {  	_ =	shalt  }
0x5d: {  	_ =	shalt  }
0x5e: {  	_ =	shalt  }
0x5f: {  	_ =	shalt  }
0x60: {  	_ =	shalt  }
0x61: {  	_ =	shalt  }
0x62: {  	_ =	shalt  }
0x63: {  	_ =	shalt  }
0x64: {  	_ =	shalt  }
0x65: {  	_ =	shalt  }
0x66: {  	_ =	shalt  }
0x67: {  	_ =	shalt  }
0x68: {  	_ =	shalt  }
0x69: {  	_ =	shalt  }
0x6a: {  	_ =	shalt  }
0x6b: {  	_ =	shalt  }
0x6c: {  	_ =	shalt  }
0x6d: {  	_ =	shalt  }
0x6e: {  	_ =	shalt  }
0x6f: {  	_ =	shalt  }
0x70: {  	_ =	shalt  }
0x71: {  	_ =	shalt  }
0x72: {  	_ =	shalt  }
0x73: {  	_ =	shalt  }
0x74: {  	_ =	shalt  }
0x75: {  	_ =	shalt  }
0x76: {  	_ =	shalt  }
0x77: {  	_ =	shalt  }
0x78: {  	_ =	shalt  }
0x79: {  	_ =	shalt  }
0x7a: {  	_ =	shalt  }
0x7b: {  	_ =	shalt  }
0x7c: {  	_ =	shalt  }
0x7d: {  	_ =	shalt  }
0x7e: {  	_ =	shalt  }
0x7f: {  	_ =	shalt  }
0x80: {  	_ =	shalt  }
0x81: {  	_ =	shalt  }
0x82: {  	_ =	shalt  }
0x83: {  	_ =	shalt  }
0x84: {  	_ =	shalt  }
0x85: {  	_ =	shalt  }
0x86: {  	_ =	shalt  }
0x87: {  	_ =	shalt  }
.Lfunc_end0:
.L_simem_size_0:
called_computation_lowered:
.L_overlay_start_0:
0x88: {  	s2 =	sld [smem:$0x3FD9]  }
0x89: {  	s3 =	sld [smem:$0x3FFE];
	_ =	sdelay $0x1  }
0x8a: {  	s1 =	srdreg.scid  }
0x8b: {  	s0 =	sand.u32 $0x1, s1  }
0x8c: {  	s16 =	sshll.u32 s0, $0xA;
	s2 =	sadd.s32 s3, s2  }
0x8d: {  	s2 =	sadd.s32 s2, s16  }
0x8e: {  	[smem:$0x3F9D] =	sst s2  }
0x8f: {  	_ = 	snop  }
0x90: {  	(tm) =	ssettm $0x1  }
0x91: {  	s17 =	sld [smem:$0x3FFB];
	_ =	sdelay $0x3  }
0x92: {  	_ =	strace s17  }
0x93: {  	s2 =	sld [smem:$0x3FFC];
	_ =	sdelay $0x3  }
0x94: {  	_ =	strace s2  }
0x95: {  	s2 =	sld [smem:$0x3FFD];
	_ =	sdelay $0x3  }
0x96: {  	_ =	strace s2  }
0x97: {  	_ =	strace $0x8FFFFFFF  }
0x98: {  	s18 =	sld [smem:$0x3FDB];
	_ =	sdelay $0x1  }
0x99: {  	s19 =	simm.s32 $_scs_section_size  }
0x9a: {  	s4 =	simm.s32 $_size__tile_overlayer_lowered;
	s5 =	simm.s32 $_tile_overlayer_lowered  }
0x9b: {  	s22 =	simm.s32 $0x1BFF;
	s21 =	sshll.u32 s5, $0x1;
	s2 =	sadd.s32 s19, s18  }
0x9c: {  	s6 =	simm.s32 $0x0;
	s20 =	sshll.u32 s4, $0x1;
	s4 =	sadd.s32 s21, s2  }
0x9d: {  	[timem:s6], [sflag:s22] =	dma.local [hbm:s4], s20  }
0x9e: {  	_ =	swait.ge [sflag:s22], s20  }
0x9f: {  	s3 =	ssub.s32 $0x0, s20;
	[sflag:s22] =	ssyncset.done $0x0  }
0xa0: {  	[sflag:s22] =	ssyncadd.s32 s3;
	_ =	sdelay $0x1  }
0xa1: {  	s23 =	simm.s32 $0x1B8B  }
0xa2: {  	_ =	swait.ge [sflag:s23], $0x1  }
0xa3: {  	[sflag:s23] =	ssyncset.done $0x0  }
0xa4: {  	s25 =	simm.s32 $0x1B8E;
	s24 =	sld [smem:$0x3FFE];
	[sflag:s23] =	ssyncadd.s32 $0xFFFFFFFF  }
0xa5: {  	s26 =	simm.s32 $execute0_lowered;
	[smem:$0x3FD2] =	sst s25  }
0xa6: {  	s4 =	sshll.u32 s26, $0x1;
	_ =	strace $0x80000046;
	[dreg:$0x1] =	wrdreg $0xFFFFFFFF  }
0xa7: {  	s28 =	simm.s32 $_size_execute0_lowered;
	s2 =	sadd.s32 s2, s4;
	[dreg:$0x0] =	wrdreg $0x0  }
0xa8: {  	s4 =	sshll.u32 s28, $0x1;
	[dreg:$0x2] =	wrdreg s2  }
0xa9: {  	[dreg:$0x3] =	wrdreg s4  }
0xaa: {  	[dreg:$0x4] =	wrdreg $0xC0  }
0xab: {  	_ =	task [dreg:s6], $0x5FFFF  }
0xac: {  	[dreg:$0x1] =	wrdreg $0xFFFFFFFF  }
0xad: {  	[dreg:$0x0] =	wrdreg $0x60  }
0xae: {  	[dreg:$0x2] =	wrdreg s24  }
0xaf: {  	[dreg:$0x3] =	wrdreg $0xA8000  }
0xb0: {  	[dreg:$0x4] =	wrdreg $0x9  }
0xb1: {  	_ =	task.clear_ibuf [dreg:s6], $0x5FFFF;
	_ =	strace $0x90000046  }
0xb2: {  	s29 =	simm.s32 $0x9;
	_ =	strace $0x80000048  }
0xb3: {  	_ =	swait.ge [sflag:s29], $0x1  }
0xb4: {  	[sflag:s29] =	ssyncadd.s32 $0xFFFFFFFF  }
0xb5: {  	_ =	strace $0x90000048  }
0xb6: {  	_ =	sfence  }
0xb7: {  	s30 =	sld [smem:$0x0];
	_ =	sdelay $0x2  }
0xb8: {  	s31 =	sshll.u32 s1, $0xD;
	s1 =	sshrl.u32 s1, $0x2  }
0xb9: {  	s3 =	sand.u32 $0x4000, s31;
	s1 =	sadd.s32 s1, s30  }
0xba: {  	s0 =	sor.u32 s3, s0;
	s1 =	sshll.u32 s1, $0x11  }
0xbb: {  	s0 =	sor.u32 s1, s0  }
0xbc: {  	s0 =	sadd.s32 $0x8F2B, s0  }
0xbd: {  	[sflag:s0] =	ssyncadd.remote.s32 $0x1  }
0xbe: {  	_ =	sfence.sel $0xFFFF  }
0xbf: {  	[dreg:$0x0] =	wrdreg $0xFFFFFFFF;
	(pc) =	sbr.abs _section_cstart, $3  }
0xc0: {  	[dreg:$0x1] =	wrdreg $0xFFFFFFFF  }
0xc1: {  	_ =	task.clear_ibuf [dreg:s6], $0x2FFFF;
	_ =	strace $0x9FFFFFFF  }
0xc2: {  	(tm) =	ssettm $0x7FFFFFFF  }
0xc3: {  	_ =	shalt  }
tec
execute0_lowered:
.L_overlay_start_1:
0x0: {  	(tag) =	ssettag $0x1  }
0x1: {  	s5 =	rddreg [dreg:$0x0]  }
0x2: {  	s2 =	rddreg [dreg:$0x1]  }
0x3: {  	s0 =	rddreg [dreg:$0x2];
	s3 =	simm.s32 $0x0;
	s1 =	stileid.u32  }
0x4: {  	s4 =	srdreg.scid;
	s16 =	simm.s32 $0x80;
	s17 =	simm.s32 $0x2800  }
0x5: {  	s18 =	simm.s32 $0x6800;
	s19 =	simm.s32 $0x1;
	s20 =	simm.s32 $0x2  }
0x6: {  	s21 =	simm.s32 $0x3;
	s22 =	simm.s32 $0x4;
	s23 =	simm.s32 $0x0  }
0x7: {  	[smem:$0x7FF] =	sst s3;
	s6 =	smul.u32 $0x14000, s1;
	s7 =	sand.u32 $0x1, s4  }
0x8: {  	s4 =	sadd.s32 $0x1D400, s5;
	s9 =	sadd.s32 $0x13400, s5;
	s11 =	sadd.s32 $0x9400, s5  }
0x9: {  	s25 =	smul.u32 $0x50000, s1;
	s12 =	sshll.u32 s1, $0x1;
	s30 =	sshll.u32 s1, $0x6  }
0xa: {  	_ =	strace $0x80000047;
	s8 =	smul.u32 $0x140000, s7;
	s26 =	ssub.s32 $0x2, s7  }
0xb: {  	s28 =	sor.u32 s7, s12;
	s10 =	sshrl.u32 s6, $0x3;
	s29 =	sshrl.u32 s26, $0x1  }
0xc: {  	s12 =	smul.u32 $0x2800, s28;
	s10 =	sadd.s32 s10, s5;
	s6 =	sadd.s32 s6, s8  }
0xd: {  	s8 =	sshrl.u32 s25, $0x2;
	s14 =	ssub.s32 s26, s29;
	s6 =	sshrl.u32 s6, $0x3  }
0xe: {  	s15 =	sadd.s32 s8, s2;
	s31 =	sshrl.u32 s12, $0x3;
	s12 =	smax.u32 s14, $0x1  }
0xf: {  	s14 =	simm.s32 $0x5;
	s13 =	sadd.s32 s6, s5;
	s5 =	sadd.s32 $0x45400, s10  }
0x10: {  	s6 =	sor.u32 $0x1C05, s30;
	s7 =	sadd.s32 s9, s31;
	s10 =	sadd.s32 $0x280, s31  }
0x11: {  	s8 =	sadd.s32 s11, s31;
	s9 =	sadd.s32 s9, s10;
	s10 =	sadd.s32 s11, s10  }
0x12: {  	s11 =	sadd.s32 $0x6D400, s13;
	s13 =	sshrl.u32 s15, $0x3;
	s15 =	simm.s32 $0x1400  }
.LBB2_1:
0x13: {  	[spmem:s13], [sflag:s6] =	dma.local [hbm:s5], $0x2800  }
0x14: {  	_ =	swait.ge [sflag:s14], $0x2800  }
0x15: {  	[sflag:s14] =	ssyncset.done $0x0  }
0x16: {  	[sflag:s14] =	ssyncadd.s32 $0xFFFFD800  }
0x17: {  	[bflag:$0x0] =	sbarrier.arrive $0xFFFF  }
0x18: {  	[tilespmem:s3], [sflag:$0x5] =	stream.linear.gather [hbm4b:s7+s3], $0x1400, $0x38;
	[tilespmem:$0x1E800] =	vst v63  }
0x19: {  	_ =	swait.ge [sflag:s14], $0x1400  }
0x1a: {  	[sflag:s14] =	ssyncset.done $0x0  }
0x1b: {  	[sflag:s14] =	ssyncadd.s32 $0xFFFFEC00  }
0x1c: {  	[tilespmem:s15], [sflag:$0x5] =	stream.linear.gather [hbm4b:s8+s3], $0x1400, $0x38;
	[tilespmem:$0x1E800] =	vst v63  }
0x1d: {  	_ =	swait.ge [sflag:s14], $0x1400  }
0x1e: {  	[sflag:s14] =	ssyncset.done $0x0  }
0x1f: {  	s24 =	simm.s32 $0x0;
	[sflag:s14] =	ssyncadd.s32 $0xFFFFEC00  }
0x20: {  	[tilespmem:s17], [sflag:$0x1] =	stream.indirect.gather [hbm4b:s4+s16], $0x80, s24, s16, $0xb8;
	[tilespmem:$0x1E800] =	vst v63  }
0x21: {  	s29 =	simm.s32 $0x80  }
0x22: {  	[tilespmem:s18], [sflag:$0x2] =	stream.indirect.gather [hbm4b:s4+s16], $0x80, s29, s16, $0xb8;
	[tilespmem:$0x1E800] =	vst v63  }
0x23: {  	_ =	swait.ge [sflag:s19], $0x4000  }
0x24: {  	[sflag:s19] =	ssyncset.done $0x0  }
0x25: {  	s30 =	simm.s32 $0x1400;
	[sflag:s19] =	ssyncadd.s32 $0xFFFFC000  }
0x26: {  	[spmem:s2] =	stream.indirect.scatter.add.f32 [tilespmem:s17], [sflag:$0x3], $0x80, s30, s16, $0xb8;
	[tilespmem:$0x1E800] =	vst v63  }
0x27: {  	_ =	swait.ge [sflag:s20], $0x4000  }
0x28: {  	[sflag:s20] =	ssyncset.done $0x0  }
0x29: {  	s31 =	simm.s32 $0x1480;
	[sflag:s20] =	ssyncadd.s32 $0xFFFFC000  }
0x2a: {  	[spmem:s2] =	stream.indirect.scatter.add.f32 [tilespmem:s18], [sflag:$0x4], $0x80, s31, s16, $0xb8;
	[tilespmem:$0x1E800] =	vst v63  }
0x2b: {  	_ =	swait.ge [sflag:s21], $0x4000  }
0x2c: {  	[sflag:s21] =	ssyncset.done $0x0  }
0x2d: {  	[sflag:s21] =	ssyncadd.s32 $0xFFFFC000  }
0x2e: {  	_ =	swait.ge [sflag:s22], $0x4000  }
0x2f: {  	s25 =	simm.s32 $0x800;
	s24 =	simm.s32 $0x400;
	[sflag:s22] =	ssyncset.done $0x0  }
.LBB2_2:
0x30: {  	s26 =	sshra.s32 s24, $0x2  }
0x31: {  	[sflag:s22] =	ssyncadd.s32 $0xFFFFC000;
	s24 =	smov.u32 s25;
	s28 =	sadd.s32 $0x400, s25  }
0x32: {  	[tilespmem:s17], [sflag:$0x1] =	stream.indirect.gather [hbm4b:s4+s16], $0x80, s26, s16, $0xb8;
	[tilespmem:$0x1E800] =	vst v63  }
0x33: {  	p0 =	sne.s32 s25, $0x4C00;
	s25 =	sadd.s32 $0x80, s26  }
0x34: {  	[tilespmem:s18], [sflag:$0x2] =	stream.indirect.gather [hbm4b:s4+s16], $0x80, s25, s16, $0xb8;
	[tilespmem:$0x1E800] =	vst v63  }
0x35: {  	_ =	swait.ge [sflag:s19], $0x4000  }
0x36: {  	[sflag:s19] =	ssyncset.done $0x0  }
0x37: {  	s25 =	sadd.s32 $0x1400, s26;
	[sflag:s19] =	ssyncadd.s32 $0xFFFFC000  }
0x38: {  	[spmem:s2] =	stream.indirect.scatter.add.f32 [tilespmem:s17], [sflag:$0x3], $0x80, s25, s16, $0xb8;
	[tilespmem:$0x1E800] =	vst v63  }
0x39: {  	_ =	swait.ge [sflag:s20], $0x4000  }
0x3a: {  	[sflag:s20] =	ssyncset.done $0x0  }
0x3b: {  	s25 =	sadd.s32 $0x1480, s26;
	[sflag:s20] =	ssyncadd.s32 $0xFFFFC000  }
0x3c: {  	[spmem:s2] =	stream.indirect.scatter.add.f32 [tilespmem:s18], [sflag:$0x4], $0x80, s25, s16, $0xb8;
	[tilespmem:$0x1E800] =	vst v63  }
.Ltmp0:
0x3d: {  	_ =	swait.ge [sflag:s21], $0x4000;
	(pc) =	sbr.rel @p0 .LBB2_2-.Ltmp0, $4  }
0x3e: {  	[sflag:s21] =	ssyncset.done $0x0  }
0x3f: {  	[sflag:s21] =	ssyncadd.s32 $0xFFFFC000  }
0x40: {  	_ =	swait.ge [sflag:s22], $0x4000  }
0x41: {  	s25 =	smov.u32 s28;
	[sflag:s22] =	ssyncset.done $0x0  }
0x42: {  	s24 =	sshra.s32 s24, $0x2;
	[sflag:s22] =	ssyncadd.s32 $0xFFFFC000  }
0x43: {  	[tilespmem:s17], [sflag:$0x1] =	stream.indirect.gather [hbm4b:s4+s16], $0x80, s24, s16, $0xb8;
	[tilespmem:$0x1E800] =	vst v63  }
0x44: {  	s25 =	sadd.s32 $0x80, s24  }
0x45: {  	[tilespmem:s18], [sflag:$0x2] =	stream.indirect.gather [hbm4b:s4+s16], $0x80, s25, s16, $0xb8;
	[tilespmem:$0x1E800] =	vst v63  }
0x46: {  	_ =	swait.ge [sflag:s19], $0x4000  }
0x47: {  	[sflag:s19] =	ssyncset.done $0x0  }
0x48: {  	s31 =	sadd.s32 $0x1400, s24;
	[sflag:s19] =	ssyncadd.s32 $0xFFFFC000  }
0x49: {  	[spmem:s2] =	stream.indirect.scatter.add.f32 [tilespmem:s17], [sflag:$0x3], $0x80, s31, s16, $0xb8;
	[tilespmem:$0x1E800] =	vst v63  }
0x4a: {  	_ =	swait.ge [sflag:s20], $0x4000  }
0x4b: {  	[sflag:s20] =	ssyncset.done $0x0  }
0x4c: {  	s24 =	sadd.s32 $0x1480, s24;
	[sflag:s20] =	ssyncadd.s32 $0xFFFFC000  }
0x4d: {  	[spmem:s2] =	stream.indirect.scatter.add.f32 [tilespmem:s18], [sflag:$0x4], $0x80, s24, s16, $0xb8;
	[tilespmem:$0x1E800] =	vst v63  }
0x4e: {  	_ =	swait.ge [sflag:s21], $0x4000  }
0x4f: {  	[sflag:s21] =	ssyncset.done $0x0  }
0x50: {  	[sflag:s21] =	ssyncadd.s32 $0xFFFFC000  }
0x51: {  	_ =	swait.ge [sflag:s22], $0x4000  }
0x52: {  	[sflag:s22] =	ssyncset.done $0x0  }
0x53: {  	s26 =	simm.s32 $0x0;
	[sflag:s22] =	ssyncadd.s32 $0xFFFFC000  }
0x54: {  	[tilespmem:s26], [sflag:$0x5] =	stream.linear.gather [hbm4b:s9+s26], $0x1400, $0x38;
	[tilespmem:$0x1E800] =	vst v63  }
0x55: {  	_ =	swait.ge [sflag:s14], $0x1400  }
0x56: {  	[sflag:s14] =	ssyncset.done $0x0  }
0x57: {  	[sflag:s14] =	ssyncadd.s32 $0xFFFFEC00  }
0x58: {  	[tilespmem:s15], [sflag:$0x5] =	stream.linear.gather [hbm4b:s10+s26], $0x1400, $0x38;
	[tilespmem:$0x1E800] =	vst v63  }
0x59: {  	_ =	swait.ge [sflag:s14], $0x1400  }
0x5a: {  	[sflag:s14] =	ssyncset.done $0x0  }
0x5b: {  	s28 =	simm.s32 $0x0;
	[sflag:s14] =	ssyncadd.s32 $0xFFFFEC00  }
0x5c: {  	[tilespmem:s17], [sflag:$0x1] =	stream.indirect.gather [hbm4b:s4+s16], $0x80, s28, s16, $0xb8;
	[tilespmem:$0x1E800] =	vst v63  }
0x5d: {  	s29 =	simm.s32 $0x80  }
0x5e: {  	[tilespmem:s18], [sflag:$0x2] =	stream.indirect.gather [hbm4b:s4+s16], $0x80, s29, s16, $0xb8;
	[tilespmem:$0x1E800] =	vst v63  }
0x5f: {  	_ =	swait.ge [sflag:s19], $0x4000  }
0x60: {  	[sflag:s19] =	ssyncset.done $0x0  }
0x61: {  	s30 =	simm.s32 $0x1400;
	[sflag:s19] =	ssyncadd.s32 $0xFFFFC000  }
0x62: {  	[spmem:s2] =	stream.indirect.scatter.add.f32 [tilespmem:s17], [sflag:$0x3], $0x80, s30, s16, $0xb8;
	[tilespmem:$0x1E800] =	vst v63  }
0x63: {  	_ =	swait.ge [sflag:s20], $0x4000  }
0x64: {  	[sflag:s20] =	ssyncset.done $0x0  }
0x65: {  	s31 =	simm.s32 $0x1480;
	[sflag:s20] =	ssyncadd.s32 $0xFFFFC000  }
0x66: {  	[spmem:s2] =	stream.indirect.scatter.add.f32 [tilespmem:s18], [sflag:$0x4], $0x80, s31, s16, $0xb8;
	[tilespmem:$0x1E800] =	vst v63  }
0x67: {  	_ =	swait.ge [sflag:s21], $0x4000  }
0x68: {  	[sflag:s21] =	ssyncset.done $0x0  }
0x69: {  	[sflag:s21] =	ssyncadd.s32 $0xFFFFC000  }
0x6a: {  	_ =	swait.ge [sflag:s22], $0x4000  }
0x6b: {  	s25 =	simm.s32 $0x800;
	s24 =	simm.s32 $0x400;
	[sflag:s22] =	ssyncset.done $0x0  }
.LBB2_4:
0x6c: {  	s26 =	sshra.s32 s24, $0x2  }
0x6d: {  	[sflag:s22] =	ssyncadd.s32 $0xFFFFC000;
	s24 =	smov.u32 s25;
	s28 =	sadd.s32 $0x400, s25  }
0x6e: {  	[tilespmem:s17], [sflag:$0x1] =	stream.indirect.gather [hbm4b:s4+s16], $0x80, s26, s16, $0xb8;
	[tilespmem:$0x1E800] =	vst v63  }
0x6f: {  	p0 =	sne.s32 s25, $0x4C00;
	s25 =	sadd.s32 $0x80, s26  }
0x70: {  	[tilespmem:s18], [sflag:$0x2] =	stream.indirect.gather [hbm4b:s4+s16], $0x80, s25, s16, $0xb8;
	[tilespmem:$0x1E800] =	vst v63  }
0x71: {  	_ =	swait.ge [sflag:s19], $0x4000  }
0x72: {  	[sflag:s19] =	ssyncset.done $0x0  }
0x73: {  	s25 =	sadd.s32 $0x1400, s26;
	[sflag:s19] =	ssyncadd.s32 $0xFFFFC000  }
0x74: {  	[spmem:s2] =	stream.indirect.scatter.add.f32 [tilespmem:s17], [sflag:$0x3], $0x80, s25, s16, $0xb8;
	[tilespmem:$0x1E800] =	vst v63  }
0x75: {  	_ =	swait.ge [sflag:s20], $0x4000  }
0x76: {  	[sflag:s20] =	ssyncset.done $0x0  }
0x77: {  	s25 =	sadd.s32 $0x1480, s26;
	[sflag:s20] =	ssyncadd.s32 $0xFFFFC000  }
0x78: {  	[spmem:s2] =	stream.indirect.scatter.add.f32 [tilespmem:s18], [sflag:$0x4], $0x80, s25, s16, $0xb8;
	[tilespmem:$0x1E800] =	vst v63  }
.Ltmp1:
0x79: {  	_ =	swait.ge [sflag:s21], $0x4000;
	(pc) =	sbr.rel @p0 .LBB2_4-.Ltmp1, $4  }
0x7a: {  	[sflag:s21] =	ssyncset.done $0x0  }
0x7b: {  	[sflag:s21] =	ssyncadd.s32 $0xFFFFC000  }
0x7c: {  	_ =	swait.ge [sflag:s22], $0x4000  }
0x7d: {  	s25 =	smov.u32 s28;
	[sflag:s22] =	ssyncset.done $0x0  }
0x7e: {  	s24 =	sshra.s32 s24, $0x2;
	[sflag:s22] =	ssyncadd.s32 $0xFFFFC000  }
0x7f: {  	[tilespmem:s17], [sflag:$0x1] =	stream.indirect.gather [hbm4b:s4+s16], $0x80, s24, s16, $0xb8;
	[tilespmem:$0x1E800] =	vst v63  }
0x80: {  	s25 =	sadd.s32 $0x80, s24  }
0x81: {  	[tilespmem:s18], [sflag:$0x2] =	stream.indirect.gather [hbm4b:s4+s16], $0x80, s25, s16, $0xb8;
	[tilespmem:$0x1E800] =	vst v63  }
0x82: {  	_ =	swait.ge [sflag:s19], $0x4000  }
0x83: {  	[sflag:s19] =	ssyncset.done $0x0  }
0x84: {  	s31 =	sadd.s32 $0x1400, s24;
	[sflag:s19] =	ssyncadd.s32 $0xFFFFC000  }
0x85: {  	[spmem:s2] =	stream.indirect.scatter.add.f32 [tilespmem:s17], [sflag:$0x3], $0x80, s31, s16, $0xb8;
	[tilespmem:$0x1E800] =	vst v63  }
0x86: {  	_ =	swait.ge [sflag:s20], $0x4000  }
0x87: {  	[sflag:s20] =	ssyncset.done $0x0  }
0x88: {  	s24 =	sadd.s32 $0x1480, s24;
	[sflag:s20] =	ssyncadd.s32 $0xFFFFC000  }
0x89: {  	[spmem:s2] =	stream.indirect.scatter.add.f32 [tilespmem:s18], [sflag:$0x4], $0x80, s24, s16, $0xb8;
	[tilespmem:$0x1E800] =	vst v63  }
0x8a: {  	_ =	swait.ge [sflag:s21], $0x4000  }
0x8b: {  	[sflag:s21] =	ssyncset.done $0x0  }
0x8c: {  	[sflag:s21] =	ssyncadd.s32 $0xFFFFC000  }
0x8d: {  	_ =	swait.ge [sflag:s22], $0x4000  }
0x8e: {  	s23 =	sadd.s32 $0x1, s23;
	[sflag:s22] =	ssyncset.done $0x0  }
0x8f: {  	p0 =	sne.s32 s23, s12;
	[sflag:s22] =	ssyncadd.s32 $0xFFFFC000  }
.Ltmp2:
0x90: {  	[bflag:$0x0] =	sbarrier.arrive $0xFFFF;
	(pc) =	sbr.rel @p0 .LBB2_1-.Ltmp2, $4  }
0x91: {  	[hbm:s11], [sflag:s6] =	dma.local [spmem:s13], $0x2800  }
0x92: {  	_ =	swait.ge [sflag:s14], $0x2800  }
0x93: {  	[sflag:s14] =	ssyncset.done $0x0  }
0x94: {  	[sflag:s14] =	ssyncadd.s32 $0xFFFFD800  }
0x95: {  	_ =	sfence.sel $0x180000  }
0x96: {  	[bflag:$0x0] =	sbarrier.arrive $0xFFFF  }
0x97: {  	p0 =	sne.s32 s1, $0x0;
	_ =	strace $0x90000047  }
0x98: {  	s0 =	sadd.s32 @!p0 $0x100000, s0;
	[bflag:$0x2] =	sbarrier.arrive $0xFFFF  }
0x99: {  	[sflag:s0] =	ssyncadd.tile.s32 @!p0 $0x1;
	_ =	shalt  }
.Lfunc_end2:
_tile_overlayer_lowered:
.L_overlay_start_2:
0x9a: {  	(tag) =	ssettag $0x2  }
0x9b: {  	s0 =	rddreg [dreg:$0x0];
	s2 =	stileid.u32  }
0x9c: {  	s1 =	rddreg [dreg:$0x1];
	p0 =	sne.s32 s2, $0x0  }
0x9d: {  	s3 =	rddreg [dreg:$0x2];
	[bflag:$0x3] =	sbarrier.arrive $0xFFFF;
	s2 =	simm.s32 @!p0 $0x1C05  }
0x9e: {  	[timem:s3], [sflag:s2] =	dma.local @!p0 [hbm:s0], s1  }
0x9f: {  	s0 =	simm.s32 @!p0 $0x5  }
0xa0: {  	_ =	swait.ge @!p0 [sflag:s0], s1  }
0xa1: {  	s1 =	ssub.s32 @!p0 $0x0, s1;
	[sflag:s0] =	ssyncset.done @!p0 $0x0  }
0xa2: {  	[sflag:s0] =	ssyncadd.s32 @!p0 s1  }
0xa3: {  	[bflag:$0x3] =	sbarrier.arrive $0xFFFF  }
0xa4: {  	_ =	shalt  }

// kernel: kernel.23.cloned.1.call-start
scs
__scs_entry_jumppad:
0x0: {  	(pc) =	sbr.rel $0x88, $3  }
0x1: {  	(tag) =	ssettag $0x0;
	lr =	simm.s32 $0x1  }
0x2: {  	[smem:$0x3F76] =	sst lr;
	_ =	strace $0xD0000000  }
0x3: {  	_ = 	snop  }
0x4: {  	_ = 	snop  }
0x5: {  	_ = 	snop  }
0x6: {  	_ = 	snop  }
0x7: {  	_ = 	snop  }
__scs_overlays_trampoline_lowered:
0x8: {  	[smem:$0x3F85] =	sst s0  }
0x9: {  	[smem:$0x3F86] =	sst s1  }
0xa: {  	[smem:$0x3F87] =	sst s2  }
0xb: {  	[smem:$0x3F88] =	sst s3  }
0xc: {  	[smem:$0x3F89] =	sst s4  }
0xd: {  	[smem:$0x3F8A] =	sst s5  }
0xe: {  	[smem:$0x3F8B] =	sst s6  }
0xf: {  	[smem:$0x3F8C] =	sst s7  }
0x10: {  	[smem:$0x3F8D] =	sst s8  }
0x11: {  	[smem:$0x3F8E] =	sst s9;
	s0 =	simm.s32 @!p0 $0x0  }
0x12: {  	s1 =	sld [smem:$0x3F74];
	s0 =	simm.s32 @p0 $0x1  }
0x13: {  	[smem:$0x3F8F] =	sst s0;
	s0 =	simm.s32 @!p1 $0x0  }
0x14: {  	s2 =	sld [smem:$0x3F73];
	s0 =	simm.s32 @p1 $0x1  }
0x15: {  	[smem:$0x3F90] =	sst s0;
	s0 =	simm.s32 @!p2 $0x0  }
0x16: {  	s3 =	sld [smem:$0x3FDB];
	s0 =	simm.s32 @p2 $0x1  }
0x17: {  	s4 =	simm.s32 $0x1BF5;
	[smem:$0x3F92] =	sst s0  }
0x18: {  	s0 =	sld [smem:$0x3F75];
	_ =	swait.ge [sflag:s4], $0x0  }
0x19: {  	s7 =	sld [smem:$0x3F76]  }
0x1a: {  	s8 =	sadd.s32 $0xFFFFE003, lr  }
0x1b: {  	s9 =	sadd.s32 $0xFFFFFEF7, lr;
	s5 =	simm.s32 $0xFFFFFFFF;
	p2 =	slt.u32 s8, $0xFFFFF086  }
0x1c: {  	p1 =	slt.u32 s9, $0xF7A;
	s5 =	simm.s32 @!p2 $0x0  }
0x1d: {  	s5 =	simm.s32 @p1 $0x1;
	p0 =	seq.s32 s7, s2  }
0x1e: {  	s7 =	smul.u32 @!p0 $0xF7A, s2;
	p2 =	seq.s32 @!p0 s5, $0x0  }
0x1f: {  	s9 =	smul.u32 $0xF7A, s1;
	s8 =	simm.s32 @!p0 $0x1BF5;
	p2 =	por !p2, p0  }
0x20: {  	[sflag:s8] =	ssyncset.s32 @!p0 $0xFFFFF086;
	s6 =	sadd.s32 @!p0 s3, s7;
	s7 =	simm.s32 @!p0 $0x108  }
0x21: {  	s3 =	sadd.s32 s3, s9;
	s6 =	sadd.s32 @!p0 $0x88, s6;
	s7 =	simm.s32 @p2 $0x1082  }
0x22: {  	[simem:s7], [sflag:s8] =	dma.local @!p0 [hbm:s6], $0xF7A  }
0x23: {  	s9 =	sor.u32 $0xD0000000, s2;
	s6 =	simm.s32 $0x108;
	_ =	swait.ge @!p0 [sflag:s8], $0x0  }
0x24: {  	s3 =	sadd.s32 $0x88, s3;
	s6 =	simm.s32 @!p1 $0x1082;
	[sflag:s4] =	ssyncset.s32 $0xFFFFF086  }
0x25: {  	[simem:s6], [sflag:s4] =	dma.local [hbm:s3], $0xF7A  }
0x26: {  	[smem:$0x3F76] =	sst s1;
	(tag) =	ssettag s2;
	_ =	strace s9  }
0x27: {  	s1 =	sld [smem:$0x3F86]  }
0x28: {  	s2 =	sld [smem:$0x3F87]  }
0x29: {  	s4 =	sld [smem:$0x3F89]  }
0x2a: {  	p0 =	seq.s32 s5, $0x0;
	s5 =	sld [smem:$0x3F8A]  }
0x2b: {  	s6 =	sld [smem:$0x3F8B]  }
0x2c: {  	s7 =	sld [smem:$0x3F8C]  }
0x2d: {  	s3 =	simm.s32 $0x108;
	s8 =	sld [smem:$0x3F8D]  }
0x2e: {  	s3 =	simm.s32 @!p0 $0x1082;
	s9 =	sld [smem:$0x3F8E]  }
0x2f: {  	lr =	sadd.s32 s0, s3;
	s0 =	sld [smem:$0x3F85]  }
0x30: {  	s3 =	sld [smem:$0x3F88]  }
0x31: {  	[smem:$0x3F91] =	sst s10  }
0x32: {  	s10 =	sld [smem:$0x3F8F];
	_ =	sdelay $0x3  }
0x33: {  	p0 =	seq.s32 s10, $0x1;
	s10 =	sld [smem:$0x3F91];
	_ =	sdelay $0x3  }
0x34: {  	[smem:$0x3F91] =	sst s10  }
0x35: {  	s10 =	sld [smem:$0x3F90];
	_ =	sdelay $0x3  }
0x36: {  	p1 =	seq.s32 s10, $0x1;
	s10 =	sld [smem:$0x3F91];
	_ =	sdelay $0x3  }
0x37: {  	[smem:$0x3F91] =	sst s10  }
0x38: {  	s10 =	sld [smem:$0x3F92]  }
0x39: {  	_ = 	snop;
	(pc) =	sbr.ind lr, $3  }
0x3a: {  	_ = 	snop  }
0x3b: {  	_ = 	snop  }
0x3c: {  	p2 =	seq.s32 s10, $0x1;
	s10 =	sld [smem:$0x3F91]  }
0x3d: {  	_ =	shalt  }
0x3e: {  	_ =	shalt  }
0x3f: {  	_ =	shalt  }
0x40: {  	_ =	shalt  }
0x41: {  	_ =	shalt  }
0x42: {  	_ =	shalt  }
0x43: {  	_ =	shalt  }
0x44: {  	_ =	shalt  }
0x45: {  	_ =	shalt  }
0x46: {  	_ =	shalt  }
0x47: {  	_ =	shalt  }
0x48: {  	_ =	shalt  }
0x49: {  	_ =	shalt  }
0x4a: {  	_ =	shalt  }
0x4b: {  	_ =	shalt  }
0x4c: {  	_ =	shalt  }
0x4d: {  	_ =	shalt  }
0x4e: {  	_ =	shalt  }
0x4f: {  	_ =	shalt  }
0x50: {  	_ =	shalt  }
0x51: {  	_ =	shalt  }
0x52: {  	_ =	shalt  }
0x53: {  	_ =	shalt  }
0x54: {  	_ =	shalt  }
0x55: {  	_ =	shalt  }
0x56: {  	_ =	shalt  }
0x57: {  	_ =	shalt  }
0x58: {  	_ =	shalt  }
0x59: {  	_ =	shalt  }
0x5a: {  	_ =	shalt  }
0x5b: {  	_ =	shalt  }
0x5c: {  	_ =	shalt  }
0x5d: {  	_ =	shalt  }
0x5e: {  	_ =	shalt  }
0x5f: {  	_ =	shalt  }
0x60: {  	_ =	shalt  }
0x61: {  	_ =	shalt  }
0x62: {  	_ =	shalt  }
0x63: {  	_ =	shalt  }
0x64: {  	_ =	shalt  }
0x65: {  	_ =	shalt  }
0x66: {  	_ =	shalt  }
0x67: {  	_ =	shalt  }
0x68: {  	_ =	shalt  }
0x69: {  	_ =	shalt  }
0x6a: {  	_ =	shalt  }
0x6b: {  	_ =	shalt  }
0x6c: {  	_ =	shalt  }
0x6d: {  	_ =	shalt  }
0x6e: {  	_ =	shalt  }
0x6f: {  	_ =	shalt  }
0x70: {  	_ =	shalt  }
0x71: {  	_ =	shalt  }
0x72: {  	_ =	shalt  }
0x73: {  	_ =	shalt  }
0x74: {  	_ =	shalt  }
0x75: {  	_ =	shalt  }
0x76: {  	_ =	shalt  }
0x77: {  	_ =	shalt  }
0x78: {  	_ =	shalt  }
0x79: {  	_ =	shalt  }
0x7a: {  	_ =	shalt  }
0x7b: {  	_ =	shalt  }
0x7c: {  	_ =	shalt  }
0x7d: {  	_ =	shalt  }
0x7e: {  	_ =	shalt  }
0x7f: {  	_ =	shalt  }
0x80: {  	_ =	shalt  }
0x81: {  	_ =	shalt  }
0x82: {  	_ =	shalt  }
0x83: {  	_ =	shalt  }
0x84: {  	_ =	shalt  }
0x85: {  	_ =	shalt  }
0x86: {  	_ =	shalt  }
0x87: {  	_ =	shalt  }
.Lfunc_end0:
.L_simem_size_0:
called_computation.1_lowered:
.L_overlay_start_0:
0x88: {  	s2 =	sld [smem:$0x3FD9]  }
0x89: {  	s3 =	sld [smem:$0x3FFE];
	_ =	sdelay $0x1  }
0x8a: {  	s1 =	srdreg.scid  }
0x8b: {  	s0 =	sand.u32 $0x1, s1  }
0x8c: {  	s16 =	sshll.u32 s0, $0xA;
	s2 =	sadd.s32 s3, s2  }
0x8d: {  	s2 =	sadd.s32 s2, s16  }
0x8e: {  	[smem:$0x3F9D] =	sst s2  }
0x8f: {  	_ = 	snop  }
0x90: {  	(tm) =	ssettm $0x1  }
0x91: {  	s17 =	sld [smem:$0x3FFB];
	_ =	sdelay $0x3  }
0x92: {  	_ =	strace s17  }
0x93: {  	s2 =	sld [smem:$0x3FFC];
	_ =	sdelay $0x3  }
0x94: {  	_ =	strace s2  }
0x95: {  	s2 =	sld [smem:$0x3FFD];
	_ =	sdelay $0x3  }
0x96: {  	_ =	strace s2  }
0x97: {  	_ =	strace $0x8FFFFFFF  }
0x98: {  	s18 =	sld [smem:$0x3FDB];
	_ =	sdelay $0x1  }
0x99: {  	s19 =	simm.s32 $_scs_section_size  }
0x9a: {  	s4 =	simm.s32 $_size__tile_overlayer_lowered;
	s5 =	simm.s32 $_tile_overlayer_lowered  }
0x9b: {  	s22 =	simm.s32 $0x1BFF;
	s21 =	sshll.u32 s5, $0x1;
	s2 =	sadd.s32 s19, s18  }
0x9c: {  	s6 =	simm.s32 $0x0;
	s20 =	sshll.u32 s4, $0x1;
	s4 =	sadd.s32 s21, s2  }
0x9d: {  	[timem:s6], [sflag:s22] =	dma.local [hbm:s4], s20  }
0x9e: {  	_ =	swait.ge [sflag:s22], s20  }
0x9f: {  	s3 =	ssub.s32 $0x0, s20;
	[sflag:s22] =	ssyncset.done $0x0  }
0xa0: {  	[sflag:s22] =	ssyncadd.s32 s3;
	_ =	sdelay $0x1  }
0xa1: {  	s23 =	simm.s32 $0x1B8B  }
0xa2: {  	_ =	swait.ge [sflag:s23], $0x1  }
0xa3: {  	[sflag:s23] =	ssyncset.done $0x0  }
0xa4: {  	s25 =	simm.s32 $0x1B8E;
	s24 =	sld [smem:$0x3FFE];
	[sflag:s23] =	ssyncadd.s32 $0xFFFFFFFF  }
0xa5: {  	s26 =	simm.s32 $execute0_lowered;
	[smem:$0x3FD2] =	sst s25  }
0xa6: {  	s4 =	sshll.u32 s26, $0x1;
	_ =	strace $0x80000049;
	[dreg:$0x1] =	wrdreg $0xFFFFFFFF  }
0xa7: {  	s28 =	simm.s32 $_size_execute0_lowered;
	s2 =	sadd.s32 s2, s4;
	[dreg:$0x0] =	wrdreg $0x0  }
0xa8: {  	s4 =	sshll.u32 s28, $0x1;
	[dreg:$0x2] =	wrdreg s2  }
0xa9: {  	[dreg:$0x3] =	wrdreg s4  }
0xaa: {  	[dreg:$0x4] =	wrdreg $0xC0  }
0xab: {  	_ =	task [dreg:s6], $0x5FFFF  }
0xac: {  	[dreg:$0x1] =	wrdreg $0xFFFFFFFF  }
0xad: {  	[dreg:$0x0] =	wrdreg $0x60  }
0xae: {  	[dreg:$0x2] =	wrdreg s24  }
0xaf: {  	[dreg:$0x3] =	wrdreg $0xA8000  }
0xb0: {  	[dreg:$0x4] =	wrdreg $0x9  }
0xb1: {  	_ =	task.clear_ibuf [dreg:s6], $0x5FFFF;
	_ =	strace $0x90000049  }
0xb2: {  	s29 =	simm.s32 $0x9;
	_ =	strace $0x8000004B  }
0xb3: {  	_ =	swait.ge [sflag:s29], $0x1  }
0xb4: {  	[sflag:s29] =	ssyncadd.s32 $0xFFFFFFFF  }
0xb5: {  	_ =	strace $0x9000004B  }
0xb6: {  	_ =	sfence  }
0xb7: {  	s30 =	sld [smem:$0x0];
	_ =	sdelay $0x2  }
0xb8: {  	s31 =	sshll.u32 s1, $0xD;
	s1 =	sshrl.u32 s1, $0x2  }
0xb9: {  	s3 =	sand.u32 $0x4000, s31;
	s1 =	sadd.s32 s1, s30  }
0xba: {  	s0 =	sor.u32 s3, s0;
	s1 =	sshll.u32 s1, $0x11  }
0xbb: {  	s0 =	sor.u32 s1, s0  }
0xbc: {  	s0 =	sadd.s32 $0x8F2B, s0  }
0xbd: {  	[sflag:s0] =	ssyncadd.remote.s32 $0x1  }
0xbe: {  	_ =	sfence.sel $0xFFFF  }
0xbf: {  	[dreg:$0x0] =	wrdreg $0xFFFFFFFF;
	(pc) =	sbr.abs _section_cstart, $3  }
0xc0: {  	[dreg:$0x1] =	wrdreg $0xFFFFFFFF  }
0xc1: {  	_ =	task.clear_ibuf [dreg:s6], $0x2FFFF;
	_ =	strace $0x9FFFFFFF  }
0xc2: {  	(tm) =	ssettm $0x7FFFFFFF  }
0xc3: {  	_ =	shalt  }
tec
execute0_lowered:
.L_overlay_start_1:
0x0: {  	(tag) =	ssettag $0x1  }
0x1: {  	s5 =	rddreg [dreg:$0x0]  }
0x2: {  	s2 =	rddreg [dreg:$0x1]  }
0x3: {  	s0 =	rddreg [dreg:$0x2];
	s3 =	simm.s32 $0x0;
	s1 =	stileid.u32  }
0x4: {  	s4 =	srdreg.scid;
	s16 =	simm.s32 $0x80;
	s17 =	simm.s32 $0x2800  }
0x5: {  	s18 =	simm.s32 $0x6800;
	s19 =	simm.s32 $0x1;
	s20 =	simm.s32 $0x2  }
0x6: {  	s21 =	simm.s32 $0x3;
	s22 =	simm.s32 $0x4;
	s23 =	simm.s32 $0x0  }
0x7: {  	[smem:$0x7FF] =	sst s3;
	s6 =	smul.u32 $0x14000, s1;
	s7 =	sand.u32 $0x1, s4  }
0x8: {  	s4 =	sadd.s32 $0x1D400, s5;
	s9 =	sadd.s32 $0x13400, s5;
	s11 =	sadd.s32 $0x9400, s5  }
0x9: {  	s25 =	smul.u32 $0x50000, s1;
	s12 =	sshll.u32 s1, $0x1;
	s30 =	sshll.u32 s1, $0x6  }
0xa: {  	_ =	strace $0x8000004A;
	s8 =	smul.u32 $0x140000, s7;
	s26 =	ssub.s32 $0x2, s7  }
0xb: {  	s28 =	sor.u32 s7, s12;
	s10 =	sshrl.u32 s6, $0x3;
	s29 =	sshrl.u32 s26, $0x1  }
0xc: {  	s12 =	smul.u32 $0x2800, s28;
	s10 =	sadd.s32 s10, s5;
	s6 =	sadd.s32 s6, s8  }
0xd: {  	s8 =	sshrl.u32 s25, $0x2;
	s14 =	ssub.s32 s26, s29;
	s6 =	sshrl.u32 s6, $0x3  }
0xe: {  	s15 =	sadd.s32 s8, s2;
	s31 =	sshrl.u32 s12, $0x3;
	s12 =	smax.u32 s14, $0x1  }
0xf: {  	s14 =	simm.s32 $0x5;
	s13 =	sadd.s32 s6, s5;
	s5 =	sadd.s32 $0x45400, s10  }
0x10: {  	s6 =	sor.u32 $0x1C05, s30;
	s7 =	sadd.s32 s9, s31;
	s10 =	sadd.s32 $0x280, s31  }
0x11: {  	s8 =	sadd.s32 s11, s31;
	s9 =	sadd.s32 s9, s10;
	s10 =	sadd.s32 s11, s10  }
0x12: {  	s11 =	sadd.s32 $0x6D400, s13;
	s13 =	sshrl.u32 s15, $0x3;
	s15 =	simm.s32 $0x1400  }
.LBB2_1:
0x13: {  	[spmem:s13], [sflag:s6] =	dma.local [hbm:s5], $0x2800  }
0x14: {  	_ =	swait.ge [sflag:s14], $0x2800  }
0x15: {  	[sflag:s14] =	ssyncset.done $0x0  }
0x16: {  	[sflag:s14] =	ssyncadd.s32 $0xFFFFD800  }
0x17: {  	[bflag:$0x0] =	sbarrier.arrive $0xFFFF  }
0x18: {  	[tilespmem:s3], [sflag:$0x5] =	stream.linear.gather [hbm4b:s7+s3], $0x1400, $0x38;
	[tilespmem:$0x1E800] =	vst v63  }
0x19: {  	_ =	swait.ge [sflag:s14], $0x1400  }
0x1a: {  	[sflag:s14] =	ssyncset.done $0x0  }
0x1b: {  	[sflag:s14] =	ssyncadd.s32 $0xFFFFEC00  }
0x1c: {  	[tilespmem:s15], [sflag:$0x5] =	stream.linear.gather [hbm4b:s8+s3], $0x1400, $0x38;
	[tilespmem:$0x1E800] =	vst v63  }
0x1d: {  	_ =	swait.ge [sflag:s14], $0x1400  }
0x1e: {  	[sflag:s14] =	ssyncset.done $0x0  }
0x1f: {  	s24 =	simm.s32 $0x0;
	[sflag:s14] =	ssyncadd.s32 $0xFFFFEC00  }
0x20: {  	[tilespmem:s17], [sflag:$0x1] =	stream.indirect.gather [hbm4b:s4+s16], $0x80, s24, s16, $0xb8;
	[tilespmem:$0x1E800] =	vst v63  }
0x21: {  	s29 =	simm.s32 $0x80  }
0x22: {  	[tilespmem:s18], [sflag:$0x2] =	stream.indirect.gather [hbm4b:s4+s16], $0x80, s29, s16, $0xb8;
	[tilespmem:$0x1E800] =	vst v63  }
0x23: {  	_ =	swait.ge [sflag:s19], $0x4000  }
0x24: {  	[sflag:s19] =	ssyncset.done $0x0  }
0x25: {  	s30 =	simm.s32 $0x1400;
	[sflag:s19] =	ssyncadd.s32 $0xFFFFC000  }
0x26: {  	[spmem:s2] =	stream.indirect.scatter.add.f32 [tilespmem:s17], [sflag:$0x3], $0x80, s30, s16, $0xb8;
	[tilespmem:$0x1E800] =	vst v63  }
0x27: {  	_ =	swait.ge [sflag:s20], $0x4000  }
0x28: {  	[sflag:s20] =	ssyncset.done $0x0  }
0x29: {  	s31 =	simm.s32 $0x1480;
	[sflag:s20] =	ssyncadd.s32 $0xFFFFC000  }
0x2a: {  	[spmem:s2] =	stream.indirect.scatter.add.f32 [tilespmem:s18], [sflag:$0x4], $0x80, s31, s16, $0xb8;
	[tilespmem:$0x1E800] =	vst v63  }
0x2b: {  	_ =	swait.ge [sflag:s21], $0x4000  }
0x2c: {  	[sflag:s21] =	ssyncset.done $0x0  }
0x2d: {  	[sflag:s21] =	ssyncadd.s32 $0xFFFFC000  }
0x2e: {  	_ =	swait.ge [sflag:s22], $0x4000  }
0x2f: {  	s25 =	simm.s32 $0x800;
	s24 =	simm.s32 $0x400;
	[sflag:s22] =	ssyncset.done $0x0  }
.LBB2_2:
0x30: {  	s26 =	sshra.s32 s24, $0x2  }
0x31: {  	[sflag:s22] =	ssyncadd.s32 $0xFFFFC000;
	s24 =	smov.u32 s25;
	s28 =	sadd.s32 $0x400, s25  }
0x32: {  	[tilespmem:s17], [sflag:$0x1] =	stream.indirect.gather [hbm4b:s4+s16], $0x80, s26, s16, $0xb8;
	[tilespmem:$0x1E800] =	vst v63  }
0x33: {  	p0 =	sne.s32 s25, $0x4C00;
	s25 =	sadd.s32 $0x80, s26  }
0x34: {  	[tilespmem:s18], [sflag:$0x2] =	stream.indirect.gather [hbm4b:s4+s16], $0x80, s25, s16, $0xb8;
	[tilespmem:$0x1E800] =	vst v63  }
0x35: {  	_ =	swait.ge [sflag:s19], $0x4000  }
0x36: {  	[sflag:s19] =	ssyncset.done $0x0  }
0x37: {  	s25 =	sadd.s32 $0x1400, s26;
	[sflag:s19] =	ssyncadd.s32 $0xFFFFC000  }
0x38: {  	[spmem:s2] =	stream.indirect.scatter.add.f32 [tilespmem:s17], [sflag:$0x3], $0x80, s25, s16, $0xb8;
	[tilespmem:$0x1E800] =	vst v63  }
0x39: {  	_ =	swait.ge [sflag:s20], $0x4000  }
0x3a: {  	[sflag:s20] =	ssyncset.done $0x0  }
0x3b: {  	s25 =	sadd.s32 $0x1480, s26;
	[sflag:s20] =	ssyncadd.s32 $0xFFFFC000  }
0x3c: {  	[spmem:s2] =	stream.indirect.scatter.add.f32 [tilespmem:s18], [sflag:$0x4], $0x80, s25, s16, $0xb8;
	[tilespmem:$0x1E800] =	vst v63  }
.Ltmp0:
0x3d: {  	_ =	swait.ge [sflag:s21], $0x4000;
	(pc) =	sbr.rel @p0 .LBB2_2-.Ltmp0, $4  }
0x3e: {  	[sflag:s21] =	ssyncset.done $0x0  }
0x3f: {  	[sflag:s21] =	ssyncadd.s32 $0xFFFFC000  }
0x40: {  	_ =	swait.ge [sflag:s22], $0x4000  }
0x41: {  	s25 =	smov.u32 s28;
	[sflag:s22] =	ssyncset.done $0x0  }
0x42: {  	s24 =	sshra.s32 s24, $0x2;
	[sflag:s22] =	ssyncadd.s32 $0xFFFFC000  }
0x43: {  	[tilespmem:s17], [sflag:$0x1] =	stream.indirect.gather [hbm4b:s4+s16], $0x80, s24, s16, $0xb8;
	[tilespmem:$0x1E800] =	vst v63  }
0x44: {  	s25 =	sadd.s32 $0x80, s24  }
0x45: {  	[tilespmem:s18], [sflag:$0x2] =	stream.indirect.gather [hbm4b:s4+s16], $0x80, s25, s16, $0xb8;
	[tilespmem:$0x1E800] =	vst v63  }
0x46: {  	_ =	swait.ge [sflag:s19], $0x4000  }
0x47: {  	[sflag:s19] =	ssyncset.done $0x0  }
0x48: {  	s31 =	sadd.s32 $0x1400, s24;
	[sflag:s19] =	ssyncadd.s32 $0xFFFFC000  }
0x49: {  	[spmem:s2] =	stream.indirect.scatter.add.f32 [tilespmem:s17], [sflag:$0x3], $0x80, s31, s16, $0xb8;
	[tilespmem:$0x1E800] =	vst v63  }
0x4a: {  	_ =	swait.ge [sflag:s20], $0x4000  }
0x4b: {  	[sflag:s20] =	ssyncset.done $0x0  }
0x4c: {  	s24 =	sadd.s32 $0x1480, s24;
	[sflag:s20] =	ssyncadd.s32 $0xFFFFC000  }
0x4d: {  	[spmem:s2] =	stream.indirect.scatter.add.f32 [tilespmem:s18], [sflag:$0x4], $0x80, s24, s16, $0xb8;
	[tilespmem:$0x1E800] =	vst v63  }
0x4e: {  	_ =	swait.ge [sflag:s21], $0x4000  }
0x4f: {  	[sflag:s21] =	ssyncset.done $0x0  }
0x50: {  	[sflag:s21] =	ssyncadd.s32 $0xFFFFC000  }
0x51: {  	_ =	swait.ge [sflag:s22], $0x4000  }
0x52: {  	[sflag:s22] =	ssyncset.done $0x0  }
0x53: {  	s26 =	simm.s32 $0x0;
	[sflag:s22] =	ssyncadd.s32 $0xFFFFC000  }
0x54: {  	[tilespmem:s26], [sflag:$0x5] =	stream.linear.gather [hbm4b:s9+s26], $0x1400, $0x38;
	[tilespmem:$0x1E800] =	vst v63  }
0x55: {  	_ =	swait.ge [sflag:s14], $0x1400  }
0x56: {  	[sflag:s14] =	ssyncset.done $0x0  }
0x57: {  	[sflag:s14] =	ssyncadd.s32 $0xFFFFEC00  }
0x58: {  	[tilespmem:s15], [sflag:$0x5] =	stream.linear.gather [hbm4b:s10+s26], $0x1400, $0x38;
	[tilespmem:$0x1E800] =	vst v63  }
0x59: {  	_ =	swait.ge [sflag:s14], $0x1400  }
0x5a: {  	[sflag:s14] =	ssyncset.done $0x0  }
0x5b: {  	s28 =	simm.s32 $0x0;
	[sflag:s14] =	ssyncadd.s32 $0xFFFFEC00  }
0x5c: {  	[tilespmem:s17], [sflag:$0x1] =	stream.indirect.gather [hbm4b:s4+s16], $0x80, s28, s16, $0xb8;
	[tilespmem:$0x1E800] =	vst v63  }
0x5d: {  	s29 =	simm.s32 $0x80  }
0x5e: {  	[tilespmem:s18], [sflag:$0x2] =	stream.indirect.gather [hbm4b:s4+s16], $0x80, s29, s16, $0xb8;
	[tilespmem:$0x1E800] =	vst v63  }
0x5f: {  	_ =	swait.ge [sflag:s19], $0x4000  }
0x60: {  	[sflag:s19] =	ssyncset.done $0x0  }
0x61: {  	s30 =	simm.s32 $0x1400;
	[sflag:s19] =	ssyncadd.s32 $0xFFFFC000  }
0x62: {  	[spmem:s2] =	stream.indirect.scatter.add.f32 [tilespmem:s17], [sflag:$0x3], $0x80, s30, s16, $0xb8;
	[tilespmem:$0x1E800] =	vst v63  }
0x63: {  	_ =	swait.ge [sflag:s20], $0x4000  }
0x64: {  	[sflag:s20] =	ssyncset.done $0x0  }
0x65: {  	s31 =	simm.s32 $0x1480;
	[sflag:s20] =	ssyncadd.s32 $0xFFFFC000  }
0x66: {  	[spmem:s2] =	stream.indirect.scatter.add.f32 [tilespmem:s18], [sflag:$0x4], $0x80, s31, s16, $0xb8;
	[tilespmem:$0x1E800] =	vst v63  }
0x67: {  	_ =	swait.ge [sflag:s21], $0x4000  }
0x68: {  	[sflag:s21] =	ssyncset.done $0x0  }
0x69: {  	[sflag:s21] =	ssyncadd.s32 $0xFFFFC000  }
0x6a: {  	_ =	swait.ge [sflag:s22], $0x4000  }
0x6b: {  	s25 =	simm.s32 $0x800;
	s24 =	simm.s32 $0x400;
	[sflag:s22] =	ssyncset.done $0x0  }
.LBB2_4:
0x6c: {  	s26 =	sshra.s32 s24, $0x2  }
0x6d: {  	[sflag:s22] =	ssyncadd.s32 $0xFFFFC000;
	s24 =	smov.u32 s25;
	s28 =	sadd.s32 $0x400, s25  }
0x6e: {  	[tilespmem:s17], [sflag:$0x1] =	stream.indirect.gather [hbm4b:s4+s16], $0x80, s26, s16, $0xb8;
	[tilespmem:$0x1E800] =	vst v63  }
0x6f: {  	p0 =	sne.s32 s25, $0x4C00;
	s25 =	sadd.s32 $0x80, s26  }
0x70: {  	[tilespmem:s18], [sflag:$0x2] =	stream.indirect.gather [hbm4b:s4+s16], $0x80, s25, s16, $0xb8;
	[tilespmem:$0x1E800] =	vst v63  }
0x71: {  	_ =	swait.ge [sflag:s19], $0x4000  }
0x72: {  	[sflag:s19] =	ssyncset.done $0x0  }
0x73: {  	s25 =	sadd.s32 $0x1400, s26;
	[sflag:s19] =	ssyncadd.s32 $0xFFFFC000  }
0x74: {  	[spmem:s2] =	stream.indirect.scatter.add.f32 [tilespmem:s17], [sflag:$0x3], $0x80, s25, s16, $0xb8;
	[tilespmem:$0x1E800] =	vst v63  }
0x75: {  	_ =	swait.ge [sflag:s20], $0x4000  }
0x76: {  	[sflag:s20] =	ssyncset.done $0x0  }
0x77: {  	s25 =	sadd.s32 $0x1480, s26;
	[sflag:s20] =	ssyncadd.s32 $0xFFFFC000  }
0x78: {  	[spmem:s2] =	stream.indirect.scatter.add.f32 [tilespmem:s18], [sflag:$0x4], $0x80, s25, s16, $0xb8;
	[tilespmem:$0x1E800] =	vst v63  }
.Ltmp1:
0x79: {  	_ =	swait.ge [sflag:s21], $0x4000;
	(pc) =	sbr.rel @p0 .LBB2_4-.Ltmp1, $4  }
0x7a: {  	[sflag:s21] =	ssyncset.done $0x0  }
0x7b: {  	[sflag:s21] =	ssyncadd.s32 $0xFFFFC000  }
0x7c: {  	_ =	swait.ge [sflag:s22], $0x4000  }
0x7d: {  	s25 =	smov.u32 s28;
	[sflag:s22] =	ssyncset.done $0x0  }
0x7e: {  	s24 =	sshra.s32 s24, $0x2;
	[sflag:s22] =	ssyncadd.s32 $0xFFFFC000  }
0x7f: {  	[tilespmem:s17], [sflag:$0x1] =	stream.indirect.gather [hbm4b:s4+s16], $0x80, s24, s16, $0xb8;
	[tilespmem:$0x1E800] =	vst v63  }
0x80: {  	s25 =	sadd.s32 $0x80, s24  }
0x81: {  	[tilespmem:s18], [sflag:$0x2] =	stream.indirect.gather [hbm4b:s4+s16], $0x80, s25, s16, $0xb8;
	[tilespmem:$0x1E800] =	vst v63  }
0x82: {  	_ =	swait.ge [sflag:s19], $0x4000  }
0x83: {  	[sflag:s19] =	ssyncset.done $0x0  }
0x84: {  	s31 =	sadd.s32 $0x1400, s24;
	[sflag:s19] =	ssyncadd.s32 $0xFFFFC000  }
0x85: {  	[spmem:s2] =	stream.indirect.scatter.add.f32 [tilespmem:s17], [sflag:$0x3], $0x80, s31, s16, $0xb8;
	[tilespmem:$0x1E800] =	vst v63  }
0x86: {  	_ =	swait.ge [sflag:s20], $0x4000  }
0x87: {  	[sflag:s20] =	ssyncset.done $0x0  }
0x88: {  	s24 =	sadd.s32 $0x1480, s24;
	[sflag:s20] =	ssyncadd.s32 $0xFFFFC000  }
0x89: {  	[spmem:s2] =	stream.indirect.scatter.add.f32 [tilespmem:s18], [sflag:$0x4], $0x80, s24, s16, $0xb8;
	[tilespmem:$0x1E800] =	vst v63  }
0x8a: {  	_ =	swait.ge [sflag:s21], $0x4000  }
0x8b: {  	[sflag:s21] =	ssyncset.done $0x0  }
0x8c: {  	[sflag:s21] =	ssyncadd.s32 $0xFFFFC000  }
0x8d: {  	_ =	swait.ge [sflag:s22], $0x4000  }
0x8e: {  	s23 =	sadd.s32 $0x1, s23;
	[sflag:s22] =	ssyncset.done $0x0  }
0x8f: {  	p0 =	sne.s32 s23, s12;
	[sflag:s22] =	ssyncadd.s32 $0xFFFFC000  }
.Ltmp2:
0x90: {  	[bflag:$0x0] =	sbarrier.arrive $0xFFFF;
	(pc) =	sbr.rel @p0 .LBB2_1-.Ltmp2, $4  }
0x91: {  	[hbm:s11], [sflag:s6] =	dma.local [spmem:s13], $0x2800  }
0x92: {  	_ =	swait.ge [sflag:s14], $0x2800  }
0x93: {  	[sflag:s14] =	ssyncset.done $0x0  }
0x94: {  	[sflag:s14] =	ssyncadd.s32 $0xFFFFD800  }
0x95: {  	_ =	sfence.sel $0x180000  }
0x96: {  	[bflag:$0x0] =	sbarrier.arrive $0xFFFF  }
0x97: {  	p0 =	sne.s32 s1, $0x0;
	_ =	strace $0x9000004A  }
0x98: {  	s0 =	sadd.s32 @!p0 $0x100000, s0;
	[bflag:$0x2] =	sbarrier.arrive $0xFFFF  }
0x99: {  	[sflag:s0] =	ssyncadd.tile.s32 @!p0 $0x1;
	_ =	shalt  }
.Lfunc_end2:
_tile_overlayer_lowered:
.L_overlay_start_2:
0x9a: {  	(tag) =	ssettag $0x2  }
0x9b: {  	s0 =	rddreg [dreg:$0x0];
	s2 =	stileid.u32  }
0x9c: {  	s1 =	rddreg [dreg:$0x1];
	p0 =	sne.s32 s2, $0x0  }
0x9d: {  	s3 =	rddreg [dreg:$0x2];
	[bflag:$0x3] =	sbarrier.arrive $0xFFFF;
	s2 =	simm.s32 @!p0 $0x1C05  }
0x9e: {  	[timem:s3], [sflag:s2] =	dma.local @!p0 [hbm:s0], s1  }
0x9f: {  	s0 =	simm.s32 @!p0 $0x5  }
0xa0: {  	_ =	swait.ge @!p0 [sflag:s0], s1  }
0xa1: {  	s1 =	ssub.s32 @!p0 $0x0, s1;
	[sflag:s0] =	ssyncset.done @!p0 $0x0  }
0xa2: {  	[sflag:s0] =	ssyncadd.s32 @!p0 s1  }
0xa3: {  	[bflag:$0x3] =	sbarrier.arrive $0xFFFF  }
0xa4: {  	_ =	shalt  }

// kernel: kernel.26.cloned.1.call-start
scs
__scs_entry_jumppad:
0x0: {  	(pc) =	sbr.rel $0x88, $3  }
0x1: {  	(tag) =	ssettag $0x0;
	lr =	simm.s32 $0x1  }
0x2: {  	[smem:$0x3F76] =	sst lr;
	_ =	strace $0xD0000000  }
0x3: {  	_ = 	snop  }
0x4: {  	_ = 	snop  }
0x5: {  	_ = 	snop  }
0x6: {  	_ = 	snop  }
0x7: {  	_ = 	snop  }
__scs_overlays_trampoline_lowered:
0x8: {  	[smem:$0x3F85] =	sst s0  }
0x9: {  	[smem:$0x3F86] =	sst s1  }
0xa: {  	[smem:$0x3F87] =	sst s2  }
0xb: {  	[smem:$0x3F88] =	sst s3  }
0xc: {  	[smem:$0x3F89] =	sst s4  }
0xd: {  	[smem:$0x3F8A] =	sst s5  }
0xe: {  	[smem:$0x3F8B] =	sst s6  }
0xf: {  	[smem:$0x3F8C] =	sst s7  }
0x10: {  	[smem:$0x3F8D] =	sst s8  }
0x11: {  	[smem:$0x3F8E] =	sst s9;
	s0 =	simm.s32 @!p0 $0x0  }
0x12: {  	s1 =	sld [smem:$0x3F74];
	s0 =	simm.s32 @p0 $0x1  }
0x13: {  	[smem:$0x3F8F] =	sst s0;
	s0 =	simm.s32 @!p1 $0x0  }
0x14: {  	s2 =	sld [smem:$0x3F73];
	s0 =	simm.s32 @p1 $0x1  }
0x15: {  	[smem:$0x3F90] =	sst s0;
	s0 =	simm.s32 @!p2 $0x0  }
0x16: {  	s3 =	sld [smem:$0x3FDB];
	s0 =	simm.s32 @p2 $0x1  }
0x17: {  	s4 =	simm.s32 $0x1BF5;
	[smem:$0x3F92] =	sst s0  }
0x18: {  	s0 =	sld [smem:$0x3F75];
	_ =	swait.ge [sflag:s4], $0x0  }
0x19: {  	s7 =	sld [smem:$0x3F76]  }
0x1a: {  	s8 =	sadd.s32 $0xFFFFE003, lr  }
0x1b: {  	s9 =	sadd.s32 $0xFFFFFEF7, lr;
	s5 =	simm.s32 $0xFFFFFFFF;
	p2 =	slt.u32 s8, $0xFFFFF086  }
0x1c: {  	p1 =	slt.u32 s9, $0xF7A;
	s5 =	simm.s32 @!p2 $0x0  }
0x1d: {  	s5 =	simm.s32 @p1 $0x1;
	p0 =	seq.s32 s7, s2  }
0x1e: {  	s7 =	smul.u32 @!p0 $0xF7A, s2;
	p2 =	seq.s32 @!p0 s5, $0x0  }
0x1f: {  	s9 =	smul.u32 $0xF7A, s1;
	s8 =	simm.s32 @!p0 $0x1BF5;
	p2 =	por !p2, p0  }
0x20: {  	[sflag:s8] =	ssyncset.s32 @!p0 $0xFFFFF086;
	s6 =	sadd.s32 @!p0 s3, s7;
	s7 =	simm.s32 @!p0 $0x108  }
0x21: {  	s3 =	sadd.s32 s3, s9;
	s6 =	sadd.s32 @!p0 $0x88, s6;
	s7 =	simm.s32 @p2 $0x1082  }
0x22: {  	[simem:s7], [sflag:s8] =	dma.local @!p0 [hbm:s6], $0xF7A  }
0x23: {  	s9 =	sor.u32 $0xD0000000, s2;
	s6 =	simm.s32 $0x108;
	_ =	swait.ge @!p0 [sflag:s8], $0x0  }
0x24: {  	s3 =	sadd.s32 $0x88, s3;
	s6 =	simm.s32 @!p1 $0x1082;
	[sflag:s4] =	ssyncset.s32 $0xFFFFF086  }
0x25: {  	[simem:s6], [sflag:s4] =	dma.local [hbm:s3], $0xF7A  }
0x26: {  	[smem:$0x3F76] =	sst s1;
	(tag) =	ssettag s2;
	_ =	strace s9  }
0x27: {  	s1 =	sld [smem:$0x3F86]  }
0x28: {  	s2 =	sld [smem:$0x3F87]  }
0x29: {  	s4 =	sld [smem:$0x3F89]  }
0x2a: {  	p0 =	seq.s32 s5, $0x0;
	s5 =	sld [smem:$0x3F8A]  }
0x2b: {  	s6 =	sld [smem:$0x3F8B]  }
0x2c: {  	s7 =	sld [smem:$0x3F8C]  }
0x2d: {  	s3 =	simm.s32 $0x108;
	s8 =	sld [smem:$0x3F8D]  }
0x2e: {  	s3 =	simm.s32 @!p0 $0x1082;
	s9 =	sld [smem:$0x3F8E]  }
0x2f: {  	lr =	sadd.s32 s0, s3;
	s0 =	sld [smem:$0x3F85]  }
0x30: {  	s3 =	sld [smem:$0x3F88]  }
0x31: {  	[smem:$0x3F91] =	sst s10  }
0x32: {  	s10 =	sld [smem:$0x3F8F];
	_ =	sdelay $0x3  }
0x33: {  	p0 =	seq.s32 s10, $0x1;
	s10 =	sld [smem:$0x3F91];
	_ =	sdelay $0x3  }
0x34: {  	[smem:$0x3F91] =	sst s10  }
0x35: {  	s10 =	sld [smem:$0x3F90];
	_ =	sdelay $0x3  }
0x36: {  	p1 =	seq.s32 s10, $0x1;
	s10 =	sld [smem:$0x3F91];
	_ =	sdelay $0x3  }
0x37: {  	[smem:$0x3F91] =	sst s10  }
0x38: {  	s10 =	sld [smem:$0x3F92]  }
0x39: {  	_ = 	snop;
	(pc) =	sbr.ind lr, $3  }
0x3a: {  	_ = 	snop  }
0x3b: {  	_ = 	snop  }
0x3c: {  	p2 =	seq.s32 s10, $0x1;
	s10 =	sld [smem:$0x3F91]  }
0x3d: {  	_ =	shalt  }
0x3e: {  	_ =	shalt  }
0x3f: {  	_ =	shalt  }
0x40: {  	_ =	shalt  }
0x41: {  	_ =	shalt  }
0x42: {  	_ =	shalt  }
0x43: {  	_ =	shalt  }
0x44: {  	_ =	shalt  }
0x45: {  	_ =	shalt  }
0x46: {  	_ =	shalt  }
0x47: {  	_ =	shalt  }
0x48: {  	_ =	shalt  }
0x49: {  	_ =	shalt  }
0x4a: {  	_ =	shalt  }
0x4b: {  	_ =	shalt  }
0x4c: {  	_ =	shalt  }
0x4d: {  	_ =	shalt  }
0x4e: {  	_ =	shalt  }
0x4f: {  	_ =	shalt  }
0x50: {  	_ =	shalt  }
0x51: {  	_ =	shalt  }
0x52: {  	_ =	shalt  }
0x53: {  	_ =	shalt  }
0x54: {  	_ =	shalt  }
0x55: {  	_ =	shalt  }
0x56: {  	_ =	shalt  }
0x57: {  	_ =	shalt  }
0x58: {  	_ =	shalt  }
0x59: {  	_ =	shalt  }
0x5a: {  	_ =	shalt  }
0x5b: {  	_ =	shalt  }
0x5c: {  	_ =	shalt  }
0x5d: {  	_ =	shalt  }
0x5e: {  	_ =	shalt  }
0x5f: {  	_ =	shalt  }
0x60: {  	_ =	shalt  }
0x61: {  	_ =	shalt  }
0x62: {  	_ =	shalt  }
0x63: {  	_ =	shalt  }
0x64: {  	_ =	shalt  }
0x65: {  	_ =	shalt  }
0x66: {  	_ =	shalt  }
0x67: {  	_ =	shalt  }
0x68: {  	_ =	shalt  }
0x69: {  	_ =	shalt  }
0x6a: {  	_ =	shalt  }
0x6b: {  	_ =	shalt  }
0x6c: {  	_ =	shalt  }
0x6d: {  	_ =	shalt  }
0x6e: {  	_ =	shalt  }
0x6f: {  	_ =	shalt  }
0x70: {  	_ =	shalt  }
0x71: {  	_ =	shalt  }
0x72: {  	_ =	shalt  }
0x73: {  	_ =	shalt  }
0x74: {  	_ =	shalt  }
0x75: {  	_ =	shalt  }
0x76: {  	_ =	shalt  }
0x77: {  	_ =	shalt  }
0x78: {  	_ =	shalt  }
0x79: {  	_ =	shalt  }
0x7a: {  	_ =	shalt  }
0x7b: {  	_ =	shalt  }
0x7c: {  	_ =	shalt  }
0x7d: {  	_ =	shalt  }
0x7e: {  	_ =	shalt  }
0x7f: {  	_ =	shalt  }
0x80: {  	_ =	shalt  }
0x81: {  	_ =	shalt  }
0x82: {  	_ =	shalt  }
0x83: {  	_ =	shalt  }
0x84: {  	_ =	shalt  }
0x85: {  	_ =	shalt  }
0x86: {  	_ =	shalt  }
0x87: {  	_ =	shalt  }
.Lfunc_end0:
.L_simem_size_0:
called_computation.2_lowered:
.L_overlay_start_0:
0x88: {  	s2 =	sld [smem:$0x3FD9]  }
0x89: {  	s3 =	sld [smem:$0x3FFE];
	_ =	sdelay $0x1  }
0x8a: {  	s1 =	srdreg.scid  }
0x8b: {  	s0 =	sand.u32 $0x1, s1  }
0x8c: {  	s16 =	sshll.u32 s0, $0xA;
	s2 =	sadd.s32 s3, s2  }
0x8d: {  	s2 =	sadd.s32 s2, s16  }
0x8e: {  	[smem:$0x3F9D] =	sst s2  }
0x8f: {  	_ = 	snop  }
0x90: {  	(tm) =	ssettm $0x1  }
0x91: {  	s17 =	sld [smem:$0x3FFB];
	_ =	sdelay $0x3  }
0x92: {  	_ =	strace s17  }
0x93: {  	s2 =	sld [smem:$0x3FFC];
	_ =	sdelay $0x3  }
0x94: {  	_ =	strace s2  }
0x95: {  	s2 =	sld [smem:$0x3FFD];
	_ =	sdelay $0x3  }
0x96: {  	_ =	strace s2  }
0x97: {  	_ =	strace $0x8FFFFFFF  }
0x98: {  	s18 =	sld [smem:$0x3FDB];
	_ =	sdelay $0x1  }
0x99: {  	s19 =	simm.s32 $_scs_section_size  }
0x9a: {  	s4 =	simm.s32 $_size__tile_overlayer_lowered;
	s5 =	simm.s32 $_tile_overlayer_lowered  }
0x9b: {  	s22 =	simm.s32 $0x1BFF;
	s21 =	sshll.u32 s5, $0x1;
	s2 =	sadd.s32 s19, s18  }
0x9c: {  	s6 =	simm.s32 $0x0;
	s20 =	sshll.u32 s4, $0x1;
	s4 =	sadd.s32 s21, s2  }
0x9d: {  	[timem:s6], [sflag:s22] =	dma.local [hbm:s4], s20  }
0x9e: {  	_ =	swait.ge [sflag:s22], s20  }
0x9f: {  	s3 =	ssub.s32 $0x0, s20;
	[sflag:s22] =	ssyncset.done $0x0  }
0xa0: {  	[sflag:s22] =	ssyncadd.s32 s3;
	_ =	sdelay $0x1  }
0xa1: {  	s23 =	simm.s32 $0x1B8B  }
0xa2: {  	_ =	swait.ge [sflag:s23], $0x1  }
0xa3: {  	[sflag:s23] =	ssyncset.done $0x0  }
0xa4: {  	s25 =	simm.s32 $0x1B8E;
	s24 =	sld [smem:$0x3FFE];
	[sflag:s23] =	ssyncadd.s32 $0xFFFFFFFF  }
0xa5: {  	s26 =	simm.s32 $execute0_lowered;
	[smem:$0x3FD2] =	sst s25  }
0xa6: {  	s4 =	sshll.u32 s26, $0x1;
	_ =	strace $0x8000004C;
	[dreg:$0x1] =	wrdreg $0xFFFFFFFF  }
0xa7: {  	s28 =	simm.s32 $_size_execute0_lowered;
	s2 =	sadd.s32 s2, s4;
	[dreg:$0x0] =	wrdreg $0x0  }
0xa8: {  	s4 =	sshll.u32 s28, $0x1;
	[dreg:$0x2] =	wrdreg s2  }
0xa9: {  	[dreg:$0x3] =	wrdreg s4  }
0xaa: {  	[dreg:$0x4] =	wrdreg $0xC0  }
0xab: {  	_ =	task [dreg:s6], $0x5FFFF  }
0xac: {  	[dreg:$0x1] =	wrdreg $0xFFFFFFFF  }
0xad: {  	[dreg:$0x0] =	wrdreg $0x60  }
0xae: {  	[dreg:$0x2] =	wrdreg s24  }
0xaf: {  	[dreg:$0x3] =	wrdreg $0xA8000  }
0xb0: {  	[dreg:$0x4] =	wrdreg $0x9  }
0xb1: {  	_ =	task.clear_ibuf [dreg:s6], $0x5FFFF;
	_ =	strace $0x9000004C  }
0xb2: {  	s29 =	simm.s32 $0x9;
	_ =	strace $0x8000004E  }
0xb3: {  	_ =	swait.ge [sflag:s29], $0x1  }
0xb4: {  	[sflag:s29] =	ssyncadd.s32 $0xFFFFFFFF  }
0xb5: {  	_ =	strace $0x9000004E  }
0xb6: {  	_ =	sfence  }
0xb7: {  	s30 =	sld [smem:$0x0];
	_ =	sdelay $0x2  }
0xb8: {  	s31 =	sshll.u32 s1, $0xD;
	s1 =	sshrl.u32 s1, $0x2  }
0xb9: {  	s3 =	sand.u32 $0x4000, s31;
	s1 =	sadd.s32 s1, s30  }
0xba: {  	s0 =	sor.u32 s3, s0;
	s1 =	sshll.u32 s1, $0x11  }
0xbb: {  	s0 =	sor.u32 s1, s0  }
0xbc: {  	s0 =	sadd.s32 $0x8F2B, s0  }
0xbd: {  	[sflag:s0] =	ssyncadd.remote.s32 $0x1  }
0xbe: {  	_ =	sfence.sel $0xFFFF  }
0xbf: {  	[dreg:$0x0] =	wrdreg $0xFFFFFFFF;
	(pc) =	sbr.abs _section_cstart, $3  }
0xc0: {  	[dreg:$0x1] =	wrdreg $0xFFFFFFFF  }
0xc1: {  	_ =	task.clear_ibuf [dreg:s6], $0x2FFFF;
	_ =	strace $0x9FFFFFFF  }
0xc2: {  	(tm) =	ssettm $0x7FFFFFFF  }
0xc3: {  	_ =	shalt  }
tec
execute0_lowered:
.L_overlay_start_1:
0x0: {  	(tag) =	ssettag $0x1  }
0x1: {  	s5 =	rddreg [dreg:$0x0]  }
0x2: {  	s2 =	rddreg [dreg:$0x1]  }
0x3: {  	s0 =	rddreg [dreg:$0x2];
	s3 =	simm.s32 $0x0;
	s1 =	stileid.u32  }
0x4: {  	s4 =	srdreg.scid;
	s16 =	simm.s32 $0x80;
	s17 =	simm.s32 $0x2800  }
0x5: {  	s18 =	simm.s32 $0x6800;
	s19 =	simm.s32 $0x1;
	s20 =	simm.s32 $0x2  }
0x6: {  	s21 =	simm.s32 $0x3;
	s22 =	simm.s32 $0x4;
	s23 =	simm.s32 $0x0  }
0x7: {  	[smem:$0x7FF] =	sst s3;
	s6 =	smul.u32 $0x14000, s1;
	s7 =	sand.u32 $0x1, s4  }
0x8: {  	s4 =	sadd.s32 $0x1D400, s5;
	s9 =	sadd.s32 $0x13400, s5;
	s11 =	sadd.s32 $0x9400, s5  }
0x9: {  	s25 =	smul.u32 $0x50000, s1;
	s12 =	sshll.u32 s1, $0x1;
	s30 =	sshll.u32 s1, $0x6  }
0xa: {  	_ =	strace $0x8000004D;
	s8 =	smul.u32 $0x140000, s7;
	s26 =	ssub.s32 $0x2, s7  }
0xb: {  	s28 =	sor.u32 s7, s12;
	s10 =	sshrl.u32 s6, $0x3;
	s29 =	sshrl.u32 s26, $0x1  }
0xc: {  	s12 =	smul.u32 $0x2800, s28;
	s10 =	sadd.s32 s10, s5;
	s6 =	sadd.s32 s6, s8  }
0xd: {  	s8 =	sshrl.u32 s25, $0x2;
	s14 =	ssub.s32 s26, s29;
	s6 =	sshrl.u32 s6, $0x3  }
0xe: {  	s15 =	sadd.s32 s8, s2;
	s31 =	sshrl.u32 s12, $0x3;
	s12 =	smax.u32 s14, $0x1  }
0xf: {  	s14 =	simm.s32 $0x5;
	s13 =	sadd.s32 s6, s5;
	s5 =	sadd.s32 $0x45400, s10  }
0x10: {  	s6 =	sor.u32 $0x1C05, s30;
	s7 =	sadd.s32 s9, s31;
	s10 =	sadd.s32 $0x280, s31  }
0x11: {  	s8 =	sadd.s32 s11, s31;
	s9 =	sadd.s32 s9, s10;
	s10 =	sadd.s32 s11, s10  }
0x12: {  	s11 =	sadd.s32 $0x6D400, s13;
	s13 =	sshrl.u32 s15, $0x3;
	s15 =	simm.s32 $0x1400  }
.LBB2_1:
0x13: {  	[spmem:s13], [sflag:s6] =	dma.local [hbm:s5], $0x2800  }
0x14: {  	_ =	swait.ge [sflag:s14], $0x2800  }
0x15: {  	[sflag:s14] =	ssyncset.done $0x0  }
0x16: {  	[sflag:s14] =	ssyncadd.s32 $0xFFFFD800  }
0x17: {  	[bflag:$0x0] =	sbarrier.arrive $0xFFFF  }
0x18: {  	[tilespmem:s3], [sflag:$0x5] =	stream.linear.gather [hbm4b:s7+s3], $0x1400, $0x38;
	[tilespmem:$0x1E800] =	vst v63  }
0x19: {  	_ =	swait.ge [sflag:s14], $0x1400  }
0x1a: {  	[sflag:s14] =	ssyncset.done $0x0  }
0x1b: {  	[sflag:s14] =	ssyncadd.s32 $0xFFFFEC00  }
0x1c: {  	[tilespmem:s15], [sflag:$0x5] =	stream.linear.gather [hbm4b:s8+s3], $0x1400, $0x38;
	[tilespmem:$0x1E800] =	vst v63  }
0x1d: {  	_ =	swait.ge [sflag:s14], $0x1400  }
0x1e: {  	[sflag:s14] =	ssyncset.done $0x0  }
0x1f: {  	s24 =	simm.s32 $0x0;
	[sflag:s14] =	ssyncadd.s32 $0xFFFFEC00  }
0x20: {  	[tilespmem:s17], [sflag:$0x1] =	stream.indirect.gather [hbm4b:s4+s16], $0x80, s24, s16, $0xb8;
	[tilespmem:$0x1E800] =	vst v63  }
0x21: {  	s29 =	simm.s32 $0x80  }
0x22: {  	[tilespmem:s18], [sflag:$0x2] =	stream.indirect.gather [hbm4b:s4+s16], $0x80, s29, s16, $0xb8;
	[tilespmem:$0x1E800] =	vst v63  }
0x23: {  	_ =	swait.ge [sflag:s19], $0x4000  }
0x24: {  	[sflag:s19] =	ssyncset.done $0x0  }
0x25: {  	s30 =	simm.s32 $0x1400;
	[sflag:s19] =	ssyncadd.s32 $0xFFFFC000  }
0x26: {  	[spmem:s2] =	stream.indirect.scatter.add.f32 [tilespmem:s17], [sflag:$0x3], $0x80, s30, s16, $0xb8;
	[tilespmem:$0x1E800] =	vst v63  }
0x27: {  	_ =	swait.ge [sflag:s20], $0x4000  }
0x28: {  	[sflag:s20] =	ssyncset.done $0x0  }
0x29: {  	s31 =	simm.s32 $0x1480;
	[sflag:s20] =	ssyncadd.s32 $0xFFFFC000  }
0x2a: {  	[spmem:s2] =	stream.indirect.scatter.add.f32 [tilespmem:s18], [sflag:$0x4], $0x80, s31, s16, $0xb8;
	[tilespmem:$0x1E800] =	vst v63  }
0x2b: {  	_ =	swait.ge [sflag:s21], $0x4000  }
0x2c: {  	[sflag:s21] =	ssyncset.done $0x0  }
0x2d: {  	[sflag:s21] =	ssyncadd.s32 $0xFFFFC000  }
0x2e: {  	_ =	swait.ge [sflag:s22], $0x4000  }
0x2f: {  	s25 =	simm.s32 $0x800;
	s24 =	simm.s32 $0x400;
	[sflag:s22] =	ssyncset.done $0x0  }
.LBB2_2:
0x30: {  	s26 =	sshra.s32 s24, $0x2  }
0x31: {  	[sflag:s22] =	ssyncadd.s32 $0xFFFFC000;
	s24 =	smov.u32 s25;
	s28 =	sadd.s32 $0x400, s25  }
0x32: {  	[tilespmem:s17], [sflag:$0x1] =	stream.indirect.gather [hbm4b:s4+s16], $0x80, s26, s16, $0xb8;
	[tilespmem:$0x1E800] =	vst v63  }
0x33: {  	p0 =	sne.s32 s25, $0x4C00;
	s25 =	sadd.s32 $0x80, s26  }
0x34: {  	[tilespmem:s18], [sflag:$0x2] =	stream.indirect.gather [hbm4b:s4+s16], $0x80, s25, s16, $0xb8;
	[tilespmem:$0x1E800] =	vst v63  }
0x35: {  	_ =	swait.ge [sflag:s19], $0x4000  }
0x36: {  	[sflag:s19] =	ssyncset.done $0x0  }
0x37: {  	s25 =	sadd.s32 $0x1400, s26;
	[sflag:s19] =	ssyncadd.s32 $0xFFFFC000  }
0x38: {  	[spmem:s2] =	stream.indirect.scatter.add.f32 [tilespmem:s17], [sflag:$0x3], $0x80, s25, s16, $0xb8;
	[tilespmem:$0x1E800] =	vst v63  }
0x39: {  	_ =	swait.ge [sflag:s20], $0x4000  }
0x3a: {  	[sflag:s20] =	ssyncset.done $0x0  }
0x3b: {  	s25 =	sadd.s32 $0x1480, s26;
	[sflag:s20] =	ssyncadd.s32 $0xFFFFC000  }
0x3c: {  	[spmem:s2] =	stream.indirect.scatter.add.f32 [tilespmem:s18], [sflag:$0x4], $0x80, s25, s16, $0xb8;
	[tilespmem:$0x1E800] =	vst v63  }
.Ltmp0:
0x3d: {  	_ =	swait.ge [sflag:s21], $0x4000;
	(pc) =	sbr.rel @p0 .LBB2_2-.Ltmp0, $4  }
0x3e: {  	[sflag:s21] =	ssyncset.done $0x0  }
0x3f: {  	[sflag:s21] =	ssyncadd.s32 $0xFFFFC000  }
0x40: {  	_ =	swait.ge [sflag:s22], $0x4000  }
0x41: {  	s25 =	smov.u32 s28;
	[sflag:s22] =	ssyncset.done $0x0  }
0x42: {  	s24 =	sshra.s32 s24, $0x2;
	[sflag:s22] =	ssyncadd.s32 $0xFFFFC000  }
0x43: {  	[tilespmem:s17], [sflag:$0x1] =	stream.indirect.gather [hbm4b:s4+s16], $0x80, s24, s16, $0xb8;
	[tilespmem:$0x1E800] =	vst v63  }
0x44: {  	s25 =	sadd.s32 $0x80, s24  }
0x45: {  	[tilespmem:s18], [sflag:$0x2] =	stream.indirect.gather [hbm4b:s4+s16], $0x80, s25, s16, $0xb8;
	[tilespmem:$0x1E800] =	vst v63  }
0x46: {  	_ =	swait.ge [sflag:s19], $0x4000  }
0x47: {  	[sflag:s19] =	ssyncset.done $0x0  }
0x48: {  	s31 =	sadd.s32 $0x1400, s24;
	[sflag:s19] =	ssyncadd.s32 $0xFFFFC000  }
0x49: {  	[spmem:s2] =	stream.indirect.scatter.add.f32 [tilespmem:s17], [sflag:$0x3], $0x80, s31, s16, $0xb8;
	[tilespmem:$0x1E800] =	vst v63  }
0x4a: {  	_ =	swait.ge [sflag:s20], $0x4000  }
0x4b: {  	[sflag:s20] =	ssyncset.done $0x0  }
0x4c: {  	s24 =	sadd.s32 $0x1480, s24;
	[sflag:s20] =	ssyncadd.s32 $0xFFFFC000  }
0x4d: {  	[spmem:s2] =	stream.indirect.scatter.add.f32 [tilespmem:s18], [sflag:$0x4], $0x80, s24, s16, $0xb8;
	[tilespmem:$0x1E800] =	vst v63  }
0x4e: {  	_ =	swait.ge [sflag:s21], $0x4000  }
0x4f: {  	[sflag:s21] =	ssyncset.done $0x0  }
0x50: {  	[sflag:s21] =	ssyncadd.s32 $0xFFFFC000  }
0x51: {  	_ =	swait.ge [sflag:s22], $0x4000  }
0x52: {  	[sflag:s22] =	ssyncset.done $0x0  }
0x53: {  	s26 =	simm.s32 $0x0;
	[sflag:s22] =	ssyncadd.s32 $0xFFFFC000  }
0x54: {  	[tilespmem:s26], [sflag:$0x5] =	stream.linear.gather [hbm4b:s9+s26], $0x1400, $0x38;
	[tilespmem:$0x1E800] =	vst v63  }
0x55: {  	_ =	swait.ge [sflag:s14], $0x1400  }
0x56: {  	[sflag:s14] =	ssyncset.done $0x0  }
0x57: {  	[sflag:s14] =	ssyncadd.s32 $0xFFFFEC00  }
0x58: {  	[tilespmem:s15], [sflag:$0x5] =	stream.linear.gather [hbm4b:s10+s26], $0x1400, $0x38;
	[tilespmem:$0x1E800] =	vst v63  }
0x59: {  	_ =	swait.ge [sflag:s14], $0x1400  }
0x5a: {  	[sflag:s14] =	ssyncset.done $0x0  }
0x5b: {  	s28 =	simm.s32 $0x0;
	[sflag:s14] =	ssyncadd.s32 $0xFFFFEC00  }
0x5c: {  	[tilespmem:s17], [sflag:$0x1] =	stream.indirect.gather [hbm4b:s4+s16], $0x80, s28, s16, $0xb8;
	[tilespmem:$0x1E800] =	vst v63  }
0x5d: {  	s29 =	simm.s32 $0x80  }
0x5e: {  	[tilespmem:s18], [sflag:$0x2] =	stream.indirect.gather [hbm4b:s4+s16], $0x80, s29, s16, $0xb8;
	[tilespmem:$0x1E800] =	vst v63  }
0x5f: {  	_ =	swait.ge [sflag:s19], $0x4000  }
0x60: {  	[sflag:s19] =	ssyncset.done $0x0  }
0x61: {  	s30 =	simm.s32 $0x1400;
	[sflag:s19] =	ssyncadd.s32 $0xFFFFC000  }
0x62: {  	[spmem:s2] =	stream.indirect.scatter.add.f32 [tilespmem:s17], [sflag:$0x3], $0x80, s30, s16, $0xb8;
	[tilespmem:$0x1E800] =	vst v63  }
0x63: {  	_ =	swait.ge [sflag:s20], $0x4000  }
0x64: {  	[sflag:s20] =	ssyncset.done $0x0  }
0x65: {  	s31 =	simm.s32 $0x1480;
	[sflag:s20] =	ssyncadd.s32 $0xFFFFC000  }
0x66: {  	[spmem:s2] =	stream.indirect.scatter.add.f32 [tilespmem:s18], [sflag:$0x4], $0x80, s31, s16, $0xb8;
	[tilespmem:$0x1E800] =	vst v63  }
0x67: {  	_ =	swait.ge [sflag:s21], $0x4000  }
0x68: {  	[sflag:s21] =	ssyncset.done $0x0  }
0x69: {  	[sflag:s21] =	ssyncadd.s32 $0xFFFFC000  }
0x6a: {  	_ =	swait.ge [sflag:s22], $0x4000  }
0x6b: {  	s25 =	simm.s32 $0x800;
	s24 =	simm.s32 $0x400;
	[sflag:s22] =	ssyncset.done $0x0  }
.LBB2_4:
0x6c: {  	s26 =	sshra.s32 s24, $0x2  }
0x6d: {  	[sflag:s22] =	ssyncadd.s32 $0xFFFFC000;
	s24 =	smov.u32 s25;
	s28 =	sadd.s32 $0x400, s25  }
0x6e: {  	[tilespmem:s17], [sflag:$0x1] =	stream.indirect.gather [hbm4b:s4+s16], $0x80, s26, s16, $0xb8;
	[tilespmem:$0x1E800] =	vst v63  }
0x6f: {  	p0 =	sne.s32 s25, $0x4C00;
	s25 =	sadd.s32 $0x80, s26  }
0x70: {  	[tilespmem:s18], [sflag:$0x2] =	stream.indirect.gather [hbm4b:s4+s16], $0x80, s25, s16, $0xb8;
	[tilespmem:$0x1E800] =	vst v63  }
0x71: {  	_ =	swait.ge [sflag:s19], $0x4000  }
0x72: {  	[sflag:s19] =	ssyncset.done $0x0  }
0x73: {  	s25 =	sadd.s32 $0x1400, s26;
	[sflag:s19] =	ssyncadd.s32 $0xFFFFC000  }
0x74: {  	[spmem:s2] =	stream.indirect.scatter.add.f32 [tilespmem:s17], [sflag:$0x3], $0x80, s25, s16, $0xb8;
	[tilespmem:$0x1E800] =	vst v63  }
0x75: {  	_ =	swait.ge [sflag:s20], $0x4000  }
0x76: {  	[sflag:s20] =	ssyncset.done $0x0  }
0x77: {  	s25 =	sadd.s32 $0x1480, s26;
	[sflag:s20] =	ssyncadd.s32 $0xFFFFC000  }
0x78: {  	[spmem:s2] =	stream.indirect.scatter.add.f32 [tilespmem:s18], [sflag:$0x4], $0x80, s25, s16, $0xb8;
	[tilespmem:$0x1E800] =	vst v63  }
.Ltmp1:
0x79: {  	_ =	swait.ge [sflag:s21], $0x4000;
	(pc) =	sbr.rel @p0 .LBB2_4-.Ltmp1, $4  }
0x7a: {  	[sflag:s21] =	ssyncset.done $0x0  }
0x7b: {  	[sflag:s21] =	ssyncadd.s32 $0xFFFFC000  }
0x7c: {  	_ =	swait.ge [sflag:s22], $0x4000  }
0x7d: {  	s25 =	smov.u32 s28;
	[sflag:s22] =	ssyncset.done $0x0  }
0x7e: {  	s24 =	sshra.s32 s24, $0x2;
	[sflag:s22] =	ssyncadd.s32 $0xFFFFC000  }
0x7f: {  	[tilespmem:s17], [sflag:$0x1] =	stream.indirect.gather [hbm4b:s4+s16], $0x80, s24, s16, $0xb8;
	[tilespmem:$0x1E800] =	vst v63  }
0x80: {  	s25 =	sadd.s32 $0x80, s24  }
0x81: {  	[tilespmem:s18], [sflag:$0x2] =	stream.indirect.gather [hbm4b:s4+s16], $0x80, s25, s16, $0xb8;
	[tilespmem:$0x1E800] =	vst v63  }
0x82: {  	_ =	swait.ge [sflag:s19], $0x4000  }
0x83: {  	[sflag:s19] =	ssyncset.done $0x0  }
0x84: {  	s31 =	sadd.s32 $0x1400, s24;
	[sflag:s19] =	ssyncadd.s32 $0xFFFFC000  }
0x85: {  	[spmem:s2] =	stream.indirect.scatter.add.f32 [tilespmem:s17], [sflag:$0x3], $0x80, s31, s16, $0xb8;
	[tilespmem:$0x1E800] =	vst v63  }
0x86: {  	_ =	swait.ge [sflag:s20], $0x4000  }
0x87: {  	[sflag:s20] =	ssyncset.done $0x0  }
0x88: {  	s24 =	sadd.s32 $0x1480, s24;
	[sflag:s20] =	ssyncadd.s32 $0xFFFFC000  }
0x89: {  	[spmem:s2] =	stream.indirect.scatter.add.f32 [tilespmem:s18], [sflag:$0x4], $0x80, s24, s16, $0xb8;
	[tilespmem:$0x1E800] =	vst v63  }
0x8a: {  	_ =	swait.ge [sflag:s21], $0x4000  }
0x8b: {  	[sflag:s21] =	ssyncset.done $0x0  }
0x8c: {  	[sflag:s21] =	ssyncadd.s32 $0xFFFFC000  }
0x8d: {  	_ =	swait.ge [sflag:s22], $0x4000  }
0x8e: {  	s23 =	sadd.s32 $0x1, s23;
	[sflag:s22] =	ssyncset.done $0x0  }
0x8f: {  	p0 =	sne.s32 s23, s12;
	[sflag:s22] =	ssyncadd.s32 $0xFFFFC000  }
.Ltmp2:
0x90: {  	[bflag:$0x0] =	sbarrier.arrive $0xFFFF;
	(pc) =	sbr.rel @p0 .LBB2_1-.Ltmp2, $4  }
0x91: {  	[hbm:s11], [sflag:s6] =	dma.local [spmem:s13], $0x2800  }
0x92: {  	_ =	swait.ge [sflag:s14], $0x2800  }
0x93: {  	[sflag:s14] =	ssyncset.done $0x0  }
0x94: {  	[sflag:s14] =	ssyncadd.s32 $0xFFFFD800  }
0x95: {  	_ =	sfence.sel $0x180000  }
0x96: {  	[bflag:$0x0] =	sbarrier.arrive $0xFFFF  }
0x97: {  	p0 =	sne.s32 s1, $0x0;
	_ =	strace $0x9000004D  }
0x98: {  	s0 =	sadd.s32 @!p0 $0x100000, s0;
	[bflag:$0x2] =	sbarrier.arrive $0xFFFF  }
0x99: {  	[sflag:s0] =	ssyncadd.tile.s32 @!p0 $0x1;
	_ =	shalt  }
.Lfunc_end2:
_tile_overlayer_lowered:
.L_overlay_start_2:
0x9a: {  	(tag) =	ssettag $0x2  }
0x9b: {  	s0 =	rddreg [dreg:$0x0];
	s2 =	stileid.u32  }
0x9c: {  	s1 =	rddreg [dreg:$0x1];
	p0 =	sne.s32 s2, $0x0  }
0x9d: {  	s3 =	rddreg [dreg:$0x2];
	[bflag:$0x3] =	sbarrier.arrive $0xFFFF;
	s2 =	simm.s32 @!p0 $0x1C05  }
0x9e: {  	[timem:s3], [sflag:s2] =	dma.local @!p0 [hbm:s0], s1  }
0x9f: {  	s0 =	simm.s32 @!p0 $0x5  }
0xa0: {  	_ =	swait.ge @!p0 [sflag:s0], s1  }
0xa1: {  	s1 =	ssub.s32 @!p0 $0x0, s1;
	[sflag:s0] =	ssyncset.done @!p0 $0x0  }
0xa2: {  	[sflag:s0] =	ssyncadd.s32 @!p0 s1  }
0xa3: {  	[bflag:$0x3] =	sbarrier.arrive $0xFFFF  }
0xa4: {  	_ =	shalt  }

// kernel: kernel.29.cloned.1.call-start
scs
__scs_entry_jumppad:
0x0: {  	(pc) =	sbr.rel $0x88, $3  }
0x1: {  	(tag) =	ssettag $0x0;
	lr =	simm.s32 $0x1  }
0x2: {  	[smem:$0x3F76] =	sst lr;
	_ =	strace $0xD0000000  }
0x3: {  	_ = 	snop  }
0x4: {  	_ = 	snop  }
0x5: {  	_ = 	snop  }
0x6: {  	_ = 	snop  }
0x7: {  	_ = 	snop  }
__scs_overlays_trampoline_lowered:
0x8: {  	[smem:$0x3F85] =	sst s0  }
0x9: {  	[smem:$0x3F86] =	sst s1  }
0xa: {  	[smem:$0x3F87] =	sst s2  }
0xb: {  	[smem:$0x3F88] =	sst s3  }
0xc: {  	[smem:$0x3F89] =	sst s4  }
0xd: {  	[smem:$0x3F8A] =	sst s5  }
0xe: {  	[smem:$0x3F8B] =	sst s6  }
0xf: {  	[smem:$0x3F8C] =	sst s7  }
0x10: {  	[smem:$0x3F8D] =	sst s8  }
0x11: {  	[smem:$0x3F8E] =	sst s9;
	s0 =	simm.s32 @!p0 $0x0  }
0x12: {  	s1 =	sld [smem:$0x3F74];
	s0 =	simm.s32 @p0 $0x1  }
0x13: {  	[smem:$0x3F8F] =	sst s0;
	s0 =	simm.s32 @!p1 $0x0  }
0x14: {  	s2 =	sld [smem:$0x3F73];
	s0 =	simm.s32 @p1 $0x1  }
0x15: {  	[smem:$0x3F90] =	sst s0;
	s0 =	simm.s32 @!p2 $0x0  }
0x16: {  	s3 =	sld [smem:$0x3FDB];
	s0 =	simm.s32 @p2 $0x1  }
0x17: {  	s4 =	simm.s32 $0x1BF5;
	[smem:$0x3F92] =	sst s0  }
0x18: {  	s0 =	sld [smem:$0x3F75];
	_ =	swait.ge [sflag:s4], $0x0  }
0x19: {  	s7 =	sld [smem:$0x3F76]  }
0x1a: {  	s8 =	sadd.s32 $0xFFFFE003, lr  }
0x1b: {  	s9 =	sadd.s32 $0xFFFFFEF7, lr;
	s5 =	simm.s32 $0xFFFFFFFF;
	p2 =	slt.u32 s8, $0xFFFFF086  }
0x1c: {  	p1 =	slt.u32 s9, $0xF7A;
	s5 =	simm.s32 @!p2 $0x0  }
0x1d: {  	s5 =	simm.s32 @p1 $0x1;
	p0 =	seq.s32 s7, s2  }
0x1e: {  	s7 =	smul.u32 @!p0 $0xF7A, s2;
	p2 =	seq.s32 @!p0 s5, $0x0  }
0x1f: {  	s9 =	smul.u32 $0xF7A, s1;
	s8 =	simm.s32 @!p0 $0x1BF5;
	p2 =	por !p2, p0  }
0x20: {  	[sflag:s8] =	ssyncset.s32 @!p0 $0xFFFFF086;
	s6 =	sadd.s32 @!p0 s3, s7;
	s7 =	simm.s32 @!p0 $0x108  }
0x21: {  	s3 =	sadd.s32 s3, s9;
	s6 =	sadd.s32 @!p0 $0x88, s6;
	s7 =	simm.s32 @p2 $0x1082  }
0x22: {  	[simem:s7], [sflag:s8] =	dma.local @!p0 [hbm:s6], $0xF7A  }
0x23: {  	s9 =	sor.u32 $0xD0000000, s2;
	s6 =	simm.s32 $0x108;
	_ =	swait.ge @!p0 [sflag:s8], $0x0  }
0x24: {  	s3 =	sadd.s32 $0x88, s3;
	s6 =	simm.s32 @!p1 $0x1082;
	[sflag:s4] =	ssyncset.s32 $0xFFFFF086  }
0x25: {  	[simem:s6], [sflag:s4] =	dma.local [hbm:s3], $0xF7A  }
0x26: {  	[smem:$0x3F76] =	sst s1;
	(tag) =	ssettag s2;
	_ =	strace s9  }
0x27: {  	s1 =	sld [smem:$0x3F86]  }
0x28: {  	s2 =	sld [smem:$0x3F87]  }
0x29: {  	s4 =	sld [smem:$0x3F89]  }
0x2a: {  	p0 =	seq.s32 s5, $0x0;
	s5 =	sld [smem:$0x3F8A]  }
0x2b: {  	s6 =	sld [smem:$0x3F8B]  }
0x2c: {  	s7 =	sld [smem:$0x3F8C]  }
0x2d: {  	s3 =	simm.s32 $0x108;
	s8 =	sld [smem:$0x3F8D]  }
0x2e: {  	s3 =	simm.s32 @!p0 $0x1082;
	s9 =	sld [smem:$0x3F8E]  }
0x2f: {  	lr =	sadd.s32 s0, s3;
	s0 =	sld [smem:$0x3F85]  }
0x30: {  	s3 =	sld [smem:$0x3F88]  }
0x31: {  	[smem:$0x3F91] =	sst s10  }
0x32: {  	s10 =	sld [smem:$0x3F8F];
	_ =	sdelay $0x3  }
0x33: {  	p0 =	seq.s32 s10, $0x1;
	s10 =	sld [smem:$0x3F91];
	_ =	sdelay $0x3  }
0x34: {  	[smem:$0x3F91] =	sst s10  }
0x35: {  	s10 =	sld [smem:$0x3F90];
	_ =	sdelay $0x3  }
0x36: {  	p1 =	seq.s32 s10, $0x1;
	s10 =	sld [smem:$0x3F91];
	_ =	sdelay $0x3  }
0x37: {  	[smem:$0x3F91] =	sst s10  }
0x38: {  	s10 =	sld [smem:$0x3F92]  }
0x39: {  	_ = 	snop;
	(pc) =	sbr.ind lr, $3  }
0x3a: {  	_ = 	snop  }
0x3b: {  	_ = 	snop  }
0x3c: {  	p2 =	seq.s32 s10, $0x1;
	s10 =	sld [smem:$0x3F91]  }
0x3d: {  	_ =	shalt  }
0x3e: {  	_ =	shalt  }
0x3f: {  	_ =	shalt  }
0x40: {  	_ =	shalt  }
0x41: {  	_ =	shalt  }
0x42: {  	_ =	shalt  }
0x43: {  	_ =	shalt  }
0x44: {  	_ =	shalt  }
0x45: {  	_ =	shalt  }
0x46: {  	_ =	shalt  }
0x47: {  	_ =	shalt  }
0x48: {  	_ =	shalt  }
0x49: {  	_ =	shalt  }
0x4a: {  	_ =	shalt  }
0x4b: {  	_ =	shalt  }
0x4c: {  	_ =	shalt  }
0x4d: {  	_ =	shalt  }
0x4e: {  	_ =	shalt  }
0x4f: {  	_ =	shalt  }
0x50: {  	_ =	shalt  }
0x51: {  	_ =	shalt  }
0x52: {  	_ =	shalt  }
0x53: {  	_ =	shalt  }
0x54: {  	_ =	shalt  }
0x55: {  	_ =	shalt  }
0x56: {  	_ =	shalt  }
0x57: {  	_ =	shalt  }
0x58: {  	_ =	shalt  }
0x59: {  	_ =	shalt  }
0x5a: {  	_ =	shalt  }
0x5b: {  	_ =	shalt  }
0x5c: {  	_ =	shalt  }
0x5d: {  	_ =	shalt  }
0x5e: {  	_ =	shalt  }
0x5f: {  	_ =	shalt  }
0x60: {  	_ =	shalt  }
0x61: {  	_ =	shalt  }
0x62: {  	_ =	shalt  }
0x63: {  	_ =	shalt  }
0x64: {  	_ =	shalt  }
0x65: {  	_ =	shalt  }
0x66: {  	_ =	shalt  }
0x67: {  	_ =	shalt  }
0x68: {  	_ =	shalt  }
0x69: {  	_ =	shalt  }
0x6a: {  	_ =	shalt  }
0x6b: {  	_ =	shalt  }
0x6c: {  	_ =	shalt  }
0x6d: {  	_ =	shalt  }
0x6e: {  	_ =	shalt  }
0x6f: {  	_ =	shalt  }
0x70: {  	_ =	shalt  }
0x71: {  	_ =	shalt  }
0x72: {  	_ =	shalt  }
0x73: {  	_ =	shalt  }
0x74: {  	_ =	shalt  }
0x75: {  	_ =	shalt  }
0x76: {  	_ =	shalt  }
0x77: {  	_ =	shalt  }
0x78: {  	_ =	shalt  }
0x79: {  	_ =	shalt  }
0x7a: {  	_ =	shalt  }
0x7b: {  	_ =	shalt  }
0x7c: {  	_ =	shalt  }
0x7d: {  	_ =	shalt  }
0x7e: {  	_ =	shalt  }
0x7f: {  	_ =	shalt  }
0x80: {  	_ =	shalt  }
0x81: {  	_ =	shalt  }
0x82: {  	_ =	shalt  }
0x83: {  	_ =	shalt  }
0x84: {  	_ =	shalt  }
0x85: {  	_ =	shalt  }
0x86: {  	_ =	shalt  }
0x87: {  	_ =	shalt  }
.Lfunc_end0:
.L_simem_size_0:
called_computation.3_lowered:
.L_overlay_start_0:
0x88: {  	s2 =	sld [smem:$0x3FD9]  }
0x89: {  	s3 =	sld [smem:$0x3FFE];
	_ =	sdelay $0x1  }
0x8a: {  	s1 =	srdreg.scid  }
0x8b: {  	s0 =	sand.u32 $0x1, s1  }
0x8c: {  	s16 =	sshll.u32 s0, $0xA;
	s2 =	sadd.s32 s3, s2  }
0x8d: {  	s2 =	sadd.s32 s2, s16  }
0x8e: {  	[smem:$0x3F9D] =	sst s2  }
0x8f: {  	_ = 	snop  }
0x90: {  	(tm) =	ssettm $0x1  }
0x91: {  	s17 =	sld [smem:$0x3FFB];
	_ =	sdelay $0x3  }
0x92: {  	_ =	strace s17  }
0x93: {  	s2 =	sld [smem:$0x3FFC];
	_ =	sdelay $0x3  }
0x94: {  	_ =	strace s2  }
0x95: {  	s2 =	sld [smem:$0x3FFD];
	_ =	sdelay $0x3  }
0x96: {  	_ =	strace s2  }
0x97: {  	_ =	strace $0x8FFFFFFF  }
0x98: {  	s18 =	sld [smem:$0x3FDB];
	_ =	sdelay $0x1  }
0x99: {  	s19 =	simm.s32 $_scs_section_size  }
0x9a: {  	s4 =	simm.s32 $_size__tile_overlayer_lowered;
	s5 =	simm.s32 $_tile_overlayer_lowered  }
0x9b: {  	s22 =	simm.s32 $0x1BFF;
	s21 =	sshll.u32 s5, $0x1;
	s2 =	sadd.s32 s19, s18  }
0x9c: {  	s6 =	simm.s32 $0x0;
	s20 =	sshll.u32 s4, $0x1;
	s4 =	sadd.s32 s21, s2  }
0x9d: {  	[timem:s6], [sflag:s22] =	dma.local [hbm:s4], s20  }
0x9e: {  	_ =	swait.ge [sflag:s22], s20  }
0x9f: {  	s3 =	ssub.s32 $0x0, s20;
	[sflag:s22] =	ssyncset.done $0x0  }
0xa0: {  	[sflag:s22] =	ssyncadd.s32 s3;
	_ =	sdelay $0x1  }
0xa1: {  	s23 =	simm.s32 $0x1B8B  }
0xa2: {  	_ =	swait.ge [sflag:s23], $0x1  }
0xa3: {  	[sflag:s23] =	ssyncset.done $0x0  }
0xa4: {  	s25 =	simm.s32 $0x1B8E;
	s24 =	sld [smem:$0x3FFE];
	[sflag:s23] =	ssyncadd.s32 $0xFFFFFFFF  }
0xa5: {  	s26 =	simm.s32 $execute0_lowered;
	[smem:$0x3FD2] =	sst s25  }
0xa6: {  	s4 =	sshll.u32 s26, $0x1;
	_ =	strace $0x8000004F;
	[dreg:$0x1] =	wrdreg $0xFFFFFFFF  }
0xa7: {  	s28 =	simm.s32 $_size_execute0_lowered;
	s2 =	sadd.s32 s2, s4;
	[dreg:$0x0] =	wrdreg $0x0  }
0xa8: {  	s4 =	sshll.u32 s28, $0x1;
	[dreg:$0x2] =	wrdreg s2  }
0xa9: {  	[dreg:$0x3] =	wrdreg s4  }
0xaa: {  	[dreg:$0x4] =	wrdreg $0xC0  }
0xab: {  	_ =	task [dreg:s6], $0x5FFFF  }
0xac: {  	[dreg:$0x1] =	wrdreg $0xFFFFFFFF  }
0xad: {  	[dreg:$0x0] =	wrdreg $0x60  }
0xae: {  	[dreg:$0x2] =	wrdreg s24  }
0xaf: {  	[dreg:$0x3] =	wrdreg $0xA8000  }
0xb0: {  	[dreg:$0x4] =	wrdreg $0x9  }
0xb1: {  	_ =	task.clear_ibuf [dreg:s6], $0x5FFFF;
	_ =	strace $0x9000004F  }
0xb2: {  	s29 =	simm.s32 $0x9;
	_ =	strace $0x80000051  }
0xb3: {  	_ =	swait.ge [sflag:s29], $0x1  }
0xb4: {  	[sflag:s29] =	ssyncadd.s32 $0xFFFFFFFF  }
0xb5: {  	_ =	strace $0x90000051  }
0xb6: {  	_ =	sfence  }
0xb7: {  	s30 =	sld [smem:$0x0];
	_ =	sdelay $0x2  }
0xb8: {  	s31 =	sshll.u32 s1, $0xD;
	s1 =	sshrl.u32 s1, $0x2  }
0xb9: {  	s3 =	sand.u32 $0x4000, s31;
	s1 =	sadd.s32 s1, s30  }
0xba: {  	s0 =	sor.u32 s3, s0;
	s1 =	sshll.u32 s1, $0x11  }
0xbb: {  	s0 =	sor.u32 s1, s0  }
0xbc: {  	s0 =	sadd.s32 $0x8F2B, s0  }
0xbd: {  	[sflag:s0] =	ssyncadd.remote.s32 $0x1  }
0xbe: {  	_ =	sfence.sel $0xFFFF  }
0xbf: {  	[dreg:$0x0] =	wrdreg $0xFFFFFFFF;
	(pc) =	sbr.abs _section_cstart, $3  }
0xc0: {  	[dreg:$0x1] =	wrdreg $0xFFFFFFFF  }
0xc1: {  	_ =	task.clear_ibuf [dreg:s6], $0x2FFFF;
	_ =	strace $0x9FFFFFFF  }
0xc2: {  	(tm) =	ssettm $0x7FFFFFFF  }
0xc3: {  	_ =	shalt  }
tec
execute0_lowered:
.L_overlay_start_1:
0x0: {  	(tag) =	ssettag $0x1  }
0x1: {  	s5 =	rddreg [dreg:$0x0]  }
0x2: {  	s2 =	rddreg [dreg:$0x1]  }
0x3: {  	s0 =	rddreg [dreg:$0x2];
	s3 =	simm.s32 $0x0;
	s1 =	stileid.u32  }
0x4: {  	s4 =	srdreg.scid;
	s16 =	simm.s32 $0x80;
	s17 =	simm.s32 $0x2800  }
0x5: {  	s18 =	simm.s32 $0x6800;
	s19 =	simm.s32 $0x1;
	s20 =	simm.s32 $0x2  }
0x6: {  	s21 =	simm.s32 $0x3;
	s22 =	simm.s32 $0x4;
	s23 =	simm.s32 $0x0  }
0x7: {  	[smem:$0x7FF] =	sst s3;
	s6 =	smul.u32 $0x14000, s1;
	s7 =	sand.u32 $0x1, s4  }
0x8: {  	s4 =	sadd.s32 $0x1D400, s5;
	s9 =	sadd.s32 $0x13400, s5;
	s11 =	sadd.s32 $0x9400, s5  }
0x9: {  	s25 =	smul.u32 $0x50000, s1;
	s12 =	sshll.u32 s1, $0x1;
	s30 =	sshll.u32 s1, $0x6  }
0xa: {  	_ =	strace $0x80000050;
	s8 =	smul.u32 $0x140000, s7;
	s26 =	ssub.s32 $0x2, s7  }
0xb: {  	s28 =	sor.u32 s7, s12;
	s10 =	sshrl.u32 s6, $0x3;
	s29 =	sshrl.u32 s26, $0x1  }
0xc: {  	s12 =	smul.u32 $0x2800, s28;
	s10 =	sadd.s32 s10, s5;
	s6 =	sadd.s32 s6, s8  }
0xd: {  	s8 =	sshrl.u32 s25, $0x2;
	s14 =	ssub.s32 s26, s29;
	s6 =	sshrl.u32 s6, $0x3  }
0xe: {  	s15 =	sadd.s32 s8, s2;
	s31 =	sshrl.u32 s12, $0x3;
	s12 =	smax.u32 s14, $0x1  }
0xf: {  	s14 =	simm.s32 $0x5;
	s13 =	sadd.s32 s6, s5;
	s5 =	sadd.s32 $0x45400, s10  }
0x10: {  	s6 =	sor.u32 $0x1C05, s30;
	s7 =	sadd.s32 s9, s31;
	s10 =	sadd.s32 $0x280, s31  }
0x11: {  	s8 =	sadd.s32 s11, s31;
	s9 =	sadd.s32 s9, s10;
	s10 =	sadd.s32 s11, s10  }
0x12: {  	s11 =	sadd.s32 $0x6D400, s13;
	s13 =	sshrl.u32 s15, $0x3;
	s15 =	simm.s32 $0x1400  }
.LBB2_1:
0x13: {  	[spmem:s13], [sflag:s6] =	dma.local [hbm:s5], $0x2800  }
0x14: {  	_ =	swait.ge [sflag:s14], $0x2800  }
0x15: {  	[sflag:s14] =	ssyncset.done $0x0  }
0x16: {  	[sflag:s14] =	ssyncadd.s32 $0xFFFFD800  }
0x17: {  	[bflag:$0x0] =	sbarrier.arrive $0xFFFF  }
0x18: {  	[tilespmem:s3], [sflag:$0x5] =	stream.linear.gather [hbm4b:s7+s3], $0x1400, $0x38;
	[tilespmem:$0x1E800] =	vst v63  }
0x19: {  	_ =	swait.ge [sflag:s14], $0x1400  }
0x1a: {  	[sflag:s14] =	ssyncset.done $0x0  }
0x1b: {  	[sflag:s14] =	ssyncadd.s32 $0xFFFFEC00  }
0x1c: {  	[tilespmem:s15], [sflag:$0x5] =	stream.linear.gather [hbm4b:s8+s3], $0x1400, $0x38;
	[tilespmem:$0x1E800] =	vst v63  }
0x1d: {  	_ =	swait.ge [sflag:s14], $0x1400  }
0x1e: {  	[sflag:s14] =	ssyncset.done $0x0  }
0x1f: {  	s24 =	simm.s32 $0x0;
	[sflag:s14] =	ssyncadd.s32 $0xFFFFEC00  }
0x20: {  	[tilespmem:s17], [sflag:$0x1] =	stream.indirect.gather [hbm4b:s4+s16], $0x80, s24, s16, $0xb8;
	[tilespmem:$0x1E800] =	vst v63  }
0x21: {  	s29 =	simm.s32 $0x80  }
0x22: {  	[tilespmem:s18], [sflag:$0x2] =	stream.indirect.gather [hbm4b:s4+s16], $0x80, s29, s16, $0xb8;
	[tilespmem:$0x1E800] =	vst v63  }
0x23: {  	_ =	swait.ge [sflag:s19], $0x4000  }
0x24: {  	[sflag:s19] =	ssyncset.done $0x0  }
0x25: {  	s30 =	simm.s32 $0x1400;
	[sflag:s19] =	ssyncadd.s32 $0xFFFFC000  }
0x26: {  	[spmem:s2] =	stream.indirect.scatter.add.f32 [tilespmem:s17], [sflag:$0x3], $0x80, s30, s16, $0xb8;
	[tilespmem:$0x1E800] =	vst v63  }
0x27: {  	_ =	swait.ge [sflag:s20], $0x4000  }
0x28: {  	[sflag:s20] =	ssyncset.done $0x0  }
0x29: {  	s31 =	simm.s32 $0x1480;
	[sflag:s20] =	ssyncadd.s32 $0xFFFFC000  }
0x2a: {  	[spmem:s2] =	stream.indirect.scatter.add.f32 [tilespmem:s18], [sflag:$0x4], $0x80, s31, s16, $0xb8;
	[tilespmem:$0x1E800] =	vst v63  }
0x2b: {  	_ =	swait.ge [sflag:s21], $0x4000  }
0x2c: {  	[sflag:s21] =	ssyncset.done $0x0  }
0x2d: {  	[sflag:s21] =	ssyncadd.s32 $0xFFFFC000  }
0x2e: {  	_ =	swait.ge [sflag:s22], $0x4000  }
0x2f: {  	s25 =	simm.s32 $0x800;
	s24 =	simm.s32 $0x400;
	[sflag:s22] =	ssyncset.done $0x0  }
.LBB2_2:
0x30: {  	s26 =	sshra.s32 s24, $0x2  }
0x31: {  	[sflag:s22] =	ssyncadd.s32 $0xFFFFC000;
	s24 =	smov.u32 s25;
	s28 =	sadd.s32 $0x400, s25  }
0x32: {  	[tilespmem:s17], [sflag:$0x1] =	stream.indirect.gather [hbm4b:s4+s16], $0x80, s26, s16, $0xb8;
	[tilespmem:$0x1E800] =	vst v63  }
0x33: {  	p0 =	sne.s32 s25, $0x4C00;
	s25 =	sadd.s32 $0x80, s26  }
0x34: {  	[tilespmem:s18], [sflag:$0x2] =	stream.indirect.gather [hbm4b:s4+s16], $0x80, s25, s16, $0xb8;
	[tilespmem:$0x1E800] =	vst v63  }
0x35: {  	_ =	swait.ge [sflag:s19], $0x4000  }
0x36: {  	[sflag:s19] =	ssyncset.done $0x0  }
0x37: {  	s25 =	sadd.s32 $0x1400, s26;
	[sflag:s19] =	ssyncadd.s32 $0xFFFFC000  }
0x38: {  	[spmem:s2] =	stream.indirect.scatter.add.f32 [tilespmem:s17], [sflag:$0x3], $0x80, s25, s16, $0xb8;
	[tilespmem:$0x1E800] =	vst v63  }
0x39: {  	_ =	swait.ge [sflag:s20], $0x4000  }
0x3a: {  	[sflag:s20] =	ssyncset.done $0x0  }
0x3b: {  	s25 =	sadd.s32 $0x1480, s26;
	[sflag:s20] =	ssyncadd.s32 $0xFFFFC000  }
0x3c: {  	[spmem:s2] =	stream.indirect.scatter.add.f32 [tilespmem:s18], [sflag:$0x4], $0x80, s25, s16, $0xb8;
	[tilespmem:$0x1E800] =	vst v63  }
.Ltmp0:
0x3d: {  	_ =	swait.ge [sflag:s21], $0x4000;
	(pc) =	sbr.rel @p0 .LBB2_2-.Ltmp0, $4  }
0x3e: {  	[sflag:s21] =	ssyncset.done $0x0  }
0x3f: {  	[sflag:s21] =	ssyncadd.s32 $0xFFFFC000  }
0x40: {  	_ =	swait.ge [sflag:s22], $0x4000  }
0x41: {  	s25 =	smov.u32 s28;
	[sflag:s22] =	ssyncset.done $0x0  }
0x42: {  	s24 =	sshra.s32 s24, $0x2;
	[sflag:s22] =	ssyncadd.s32 $0xFFFFC000  }
0x43: {  	[tilespmem:s17], [sflag:$0x1] =	stream.indirect.gather [hbm4b:s4+s16], $0x80, s24, s16, $0xb8;
	[tilespmem:$0x1E800] =	vst v63  }
0x44: {  	s25 =	sadd.s32 $0x80, s24  }
0x45: {  	[tilespmem:s18], [sflag:$0x2] =	stream.indirect.gather [hbm4b:s4+s16], $0x80, s25, s16, $0xb8;
	[tilespmem:$0x1E800] =	vst v63  }
0x46: {  	_ =	swait.ge [sflag:s19], $0x4000  }
0x47: {  	[sflag:s19] =	ssyncset.done $0x0  }
0x48: {  	s31 =	sadd.s32 $0x1400, s24;
	[sflag:s19] =	ssyncadd.s32 $0xFFFFC000  }
0x49: {  	[spmem:s2] =	stream.indirect.scatter.add.f32 [tilespmem:s17], [sflag:$0x3], $0x80, s31, s16, $0xb8;
	[tilespmem:$0x1E800] =	vst v63  }
0x4a: {  	_ =	swait.ge [sflag:s20], $0x4000  }
0x4b: {  	[sflag:s20] =	ssyncset.done $0x0  }
0x4c: {  	s24 =	sadd.s32 $0x1480, s24;
	[sflag:s20] =	ssyncadd.s32 $0xFFFFC000  }
0x4d: {  	[spmem:s2] =	stream.indirect.scatter.add.f32 [tilespmem:s18], [sflag:$0x4], $0x80, s24, s16, $0xb8;
	[tilespmem:$0x1E800] =	vst v63  }
0x4e: {  	_ =	swait.ge [sflag:s21], $0x4000  }
0x4f: {  	[sflag:s21] =	ssyncset.done $0x0  }
0x50: {  	[sflag:s21] =	ssyncadd.s32 $0xFFFFC000  }
0x51: {  	_ =	swait.ge [sflag:s22], $0x4000  }
0x52: {  	[sflag:s22] =	ssyncset.done $0x0  }
0x53: {  	s26 =	simm.s32 $0x0;
	[sflag:s22] =	ssyncadd.s32 $0xFFFFC000  }
0x54: {  	[tilespmem:s26], [sflag:$0x5] =	stream.linear.gather [hbm4b:s9+s26], $0x1400, $0x38;
	[tilespmem:$0x1E800] =	vst v63  }
0x55: {  	_ =	swait.ge [sflag:s14], $0x1400  }
0x56: {  	[sflag:s14] =	ssyncset.done $0x0  }
0x57: {  	[sflag:s14] =	ssyncadd.s32 $0xFFFFEC00  }
0x58: {  	[tilespmem:s15], [sflag:$0x5] =	stream.linear.gather [hbm4b:s10+s26], $0x1400, $0x38;
	[tilespmem:$0x1E800] =	vst v63  }
0x59: {  	_ =	swait.ge [sflag:s14], $0x1400  }
0x5a: {  	[sflag:s14] =	ssyncset.done $0x0  }
0x5b: {  	s28 =	simm.s32 $0x0;
	[sflag:s14] =	ssyncadd.s32 $0xFFFFEC00  }
0x5c: {  	[tilespmem:s17], [sflag:$0x1] =	stream.indirect.gather [hbm4b:s4+s16], $0x80, s28, s16, $0xb8;
	[tilespmem:$0x1E800] =	vst v63  }
0x5d: {  	s29 =	simm.s32 $0x80  }
0x5e: {  	[tilespmem:s18], [sflag:$0x2] =	stream.indirect.gather [hbm4b:s4+s16], $0x80, s29, s16, $0xb8;
	[tilespmem:$0x1E800] =	vst v63  }
0x5f: {  	_ =	swait.ge [sflag:s19], $0x4000  }
0x60: {  	[sflag:s19] =	ssyncset.done $0x0  }
0x61: {  	s30 =	simm.s32 $0x1400;
	[sflag:s19] =	ssyncadd.s32 $0xFFFFC000  }
0x62: {  	[spmem:s2] =	stream.indirect.scatter.add.f32 [tilespmem:s17], [sflag:$0x3], $0x80, s30, s16, $0xb8;
	[tilespmem:$0x1E800] =	vst v63  }
0x63: {  	_ =	swait.ge [sflag:s20], $0x4000  }
0x64: {  	[sflag:s20] =	ssyncset.done $0x0  }
0x65: {  	s31 =	simm.s32 $0x1480;
	[sflag:s20] =	ssyncadd.s32 $0xFFFFC000  }
0x66: {  	[spmem:s2] =	stream.indirect.scatter.add.f32 [tilespmem:s18], [sflag:$0x4], $0x80, s31, s16, $0xb8;
	[tilespmem:$0x1E800] =	vst v63  }
0x67: {  	_ =	swait.ge [sflag:s21], $0x4000  }
0x68: {  	[sflag:s21] =	ssyncset.done $0x0  }
0x69: {  	[sflag:s21] =	ssyncadd.s32 $0xFFFFC000  }
0x6a: {  	_ =	swait.ge [sflag:s22], $0x4000  }
0x6b: {  	s25 =	simm.s32 $0x800;
	s24 =	simm.s32 $0x400;
	[sflag:s22] =	ssyncset.done $0x0  }
.LBB2_4:
0x6c: {  	s26 =	sshra.s32 s24, $0x2  }
0x6d: {  	[sflag:s22] =	ssyncadd.s32 $0xFFFFC000;
	s24 =	smov.u32 s25;
	s28 =	sadd.s32 $0x400, s25  }
0x6e: {  	[tilespmem:s17], [sflag:$0x1] =	stream.indirect.gather [hbm4b:s4+s16], $0x80, s26, s16, $0xb8;
	[tilespmem:$0x1E800] =	vst v63  }
0x6f: {  	p0 =	sne.s32 s25, $0x4C00;
	s25 =	sadd.s32 $0x80, s26  }
0x70: {  	[tilespmem:s18], [sflag:$0x2] =	stream.indirect.gather [hbm4b:s4+s16], $0x80, s25, s16, $0xb8;
	[tilespmem:$0x1E800] =	vst v63  }
0x71: {  	_ =	swait.ge [sflag:s19], $0x4000  }
0x72: {  	[sflag:s19] =	ssyncset.done $0x0  }
0x73: {  	s25 =	sadd.s32 $0x1400, s26;
	[sflag:s19] =	ssyncadd.s32 $0xFFFFC000  }
0x74: {  	[spmem:s2] =	stream.indirect.scatter.add.f32 [tilespmem:s17], [sflag:$0x3], $0x80, s25, s16, $0xb8;
	[tilespmem:$0x1E800] =	vst v63  }
0x75: {  	_ =	swait.ge [sflag:s20], $0x4000  }
0x76: {  	[sflag:s20] =	ssyncset.done $0x0  }
0x77: {  	s25 =	sadd.s32 $0x1480, s26;
	[sflag:s20] =	ssyncadd.s32 $0xFFFFC000  }
0x78: {  	[spmem:s2] =	stream.indirect.scatter.add.f32 [tilespmem:s18], [sflag:$0x4], $0x80, s25, s16, $0xb8;
	[tilespmem:$0x1E800] =	vst v63  }
.Ltmp1:
0x79: {  	_ =	swait.ge [sflag:s21], $0x4000;
	(pc) =	sbr.rel @p0 .LBB2_4-.Ltmp1, $4  }
0x7a: {  	[sflag:s21] =	ssyncset.done $0x0  }
0x7b: {  	[sflag:s21] =	ssyncadd.s32 $0xFFFFC000  }
0x7c: {  	_ =	swait.ge [sflag:s22], $0x4000  }
0x7d: {  	s25 =	smov.u32 s28;
	[sflag:s22] =	ssyncset.done $0x0  }
0x7e: {  	s24 =	sshra.s32 s24, $0x2;
	[sflag:s22] =	ssyncadd.s32 $0xFFFFC000  }
0x7f: {  	[tilespmem:s17], [sflag:$0x1] =	stream.indirect.gather [hbm4b:s4+s16], $0x80, s24, s16, $0xb8;
	[tilespmem:$0x1E800] =	vst v63  }
0x80: {  	s25 =	sadd.s32 $0x80, s24  }
0x81: {  	[tilespmem:s18], [sflag:$0x2] =	stream.indirect.gather [hbm4b:s4+s16], $0x80, s25, s16, $0xb8;
	[tilespmem:$0x1E800] =	vst v63  }
0x82: {  	_ =	swait.ge [sflag:s19], $0x4000  }
0x83: {  	[sflag:s19] =	ssyncset.done $0x0  }
0x84: {  	s31 =	sadd.s32 $0x1400, s24;
	[sflag:s19] =	ssyncadd.s32 $0xFFFFC000  }
0x85: {  	[spmem:s2] =	stream.indirect.scatter.add.f32 [tilespmem:s17], [sflag:$0x3], $0x80, s31, s16, $0xb8;
	[tilespmem:$0x1E800] =	vst v63  }
0x86: {  	_ =	swait.ge [sflag:s20], $0x4000  }
0x87: {  	[sflag:s20] =	ssyncset.done $0x0  }
0x88: {  	s24 =	sadd.s32 $0x1480, s24;
	[sflag:s20] =	ssyncadd.s32 $0xFFFFC000  }
0x89: {  	[spmem:s2] =	stream.indirect.scatter.add.f32 [tilespmem:s18], [sflag:$0x4], $0x80, s24, s16, $0xb8;
	[tilespmem:$0x1E800] =	vst v63  }
0x8a: {  	_ =	swait.ge [sflag:s21], $0x4000  }
0x8b: {  	[sflag:s21] =	ssyncset.done $0x0  }
0x8c: {  	[sflag:s21] =	ssyncadd.s32 $0xFFFFC000  }
0x8d: {  	_ =	swait.ge [sflag:s22], $0x4000  }
0x8e: {  	s23 =	sadd.s32 $0x1, s23;
	[sflag:s22] =	ssyncset.done $0x0  }
0x8f: {  	p0 =	sne.s32 s23, s12;
	[sflag:s22] =	ssyncadd.s32 $0xFFFFC000  }
.Ltmp2:
0x90: {  	[bflag:$0x0] =	sbarrier.arrive $0xFFFF;
	(pc) =	sbr.rel @p0 .LBB2_1-.Ltmp2, $4  }
0x91: {  	[hbm:s11], [sflag:s6] =	dma.local [spmem:s13], $0x2800  }
0x92: {  	_ =	swait.ge [sflag:s14], $0x2800  }
0x93: {  	[sflag:s14] =	ssyncset.done $0x0  }
0x94: {  	[sflag:s14] =	ssyncadd.s32 $0xFFFFD800  }
0x95: {  	_ =	sfence.sel $0x180000  }
0x96: {  	[bflag:$0x0] =	sbarrier.arrive $0xFFFF  }
0x97: {  	p0 =	sne.s32 s1, $0x0;
	_ =	strace $0x90000050  }
0x98: {  	s0 =	sadd.s32 @!p0 $0x100000, s0;
	[bflag:$0x2] =	sbarrier.arrive $0xFFFF  }
0x99: {  	[sflag:s0] =	ssyncadd.tile.s32 @!p0 $0x1;
	_ =	shalt  }
.Lfunc_end2:
_tile_overlayer_lowered:
.L_overlay_start_2:
0x9a: {  	(tag) =	ssettag $0x2  }
0x9b: {  	s0 =	rddreg [dreg:$0x0];
	s2 =	stileid.u32  }
0x9c: {  	s1 =	rddreg [dreg:$0x1];
	p0 =	sne.s32 s2, $0x0  }
0x9d: {  	s3 =	rddreg [dreg:$0x2];
	[bflag:$0x3] =	sbarrier.arrive $0xFFFF;
	s2 =	simm.s32 @!p0 $0x1C05  }
0x9e: {  	[timem:s3], [sflag:s2] =	dma.local @!p0 [hbm:s0], s1  }
0x9f: {  	s0 =	simm.s32 @!p0 $0x5  }
0xa0: {  	_ =	swait.ge @!p0 [sflag:s0], s1  }
0xa1: {  	s1 =	ssub.s32 @!p0 $0x0, s1;
	[sflag:s0] =	ssyncset.done @!p0 $0x0  }
0xa2: {  	[sflag:s0] =	ssyncadd.s32 @!p0 s1  }
0xa3: {  	[bflag:$0x3] =	sbarrier.arrive $0xFFFF  }
0xa4: {  	_ =	shalt  }

// kernel: kernel.32.cloned.1.call-start
scs
__scs_entry_jumppad:
0x0: {  	(pc) =	sbr.rel $0x88, $3  }
0x1: {  	(tag) =	ssettag $0x0;
	lr =	simm.s32 $0x1  }
0x2: {  	[smem:$0x3F76] =	sst lr;
	_ =	strace $0xD0000000  }
0x3: {  	_ = 	snop  }
0x4: {  	_ = 	snop  }
0x5: {  	_ = 	snop  }
0x6: {  	_ = 	snop  }
0x7: {  	_ = 	snop  }
__scs_overlays_trampoline_lowered:
0x8: {  	[smem:$0x3F85] =	sst s0  }
0x9: {  	[smem:$0x3F86] =	sst s1  }
0xa: {  	[smem:$0x3F87] =	sst s2  }
0xb: {  	[smem:$0x3F88] =	sst s3  }
0xc: {  	[smem:$0x3F89] =	sst s4  }
0xd: {  	[smem:$0x3F8A] =	sst s5  }
0xe: {  	[smem:$0x3F8B] =	sst s6  }
0xf: {  	[smem:$0x3F8C] =	sst s7  }
0x10: {  	[smem:$0x3F8D] =	sst s8  }
0x11: {  	[smem:$0x3F8E] =	sst s9;
	s0 =	simm.s32 @!p0 $0x0  }
0x12: {  	s1 =	sld [smem:$0x3F74];
	s0 =	simm.s32 @p0 $0x1  }
0x13: {  	[smem:$0x3F8F] =	sst s0;
	s0 =	simm.s32 @!p1 $0x0  }
0x14: {  	s2 =	sld [smem:$0x3F73];
	s0 =	simm.s32 @p1 $0x1  }
0x15: {  	[smem:$0x3F90] =	sst s0;
	s0 =	simm.s32 @!p2 $0x0  }
0x16: {  	s3 =	sld [smem:$0x3FDB];
	s0 =	simm.s32 @p2 $0x1  }
0x17: {  	s4 =	simm.s32 $0x1BF5;
	[smem:$0x3F92] =	sst s0  }
0x18: {  	s0 =	sld [smem:$0x3F75];
	_ =	swait.ge [sflag:s4], $0x0  }
0x19: {  	s7 =	sld [smem:$0x3F76]  }
0x1a: {  	s8 =	sadd.s32 $0xFFFFE003, lr  }
0x1b: {  	s9 =	sadd.s32 $0xFFFFFEF7, lr;
	s5 =	simm.s32 $0xFFFFFFFF;
	p2 =	slt.u32 s8, $0xFFFFF086  }
0x1c: {  	p1 =	slt.u32 s9, $0xF7A;
	s5 =	simm.s32 @!p2 $0x0  }
0x1d: {  	s5 =	simm.s32 @p1 $0x1;
	p0 =	seq.s32 s7, s2  }
0x1e: {  	s7 =	smul.u32 @!p0 $0xF7A, s2;
	p2 =	seq.s32 @!p0 s5, $0x0  }
0x1f: {  	s9 =	smul.u32 $0xF7A, s1;
	s8 =	simm.s32 @!p0 $0x1BF5;
	p2 =	por !p2, p0  }
0x20: {  	[sflag:s8] =	ssyncset.s32 @!p0 $0xFFFFF086;
	s6 =	sadd.s32 @!p0 s3, s7;
	s7 =	simm.s32 @!p0 $0x108  }
0x21: {  	s3 =	sadd.s32 s3, s9;
	s6 =	sadd.s32 @!p0 $0x88, s6;
	s7 =	simm.s32 @p2 $0x1082  }
0x22: {  	[simem:s7], [sflag:s8] =	dma.local @!p0 [hbm:s6], $0xF7A  }
0x23: {  	s9 =	sor.u32 $0xD0000000, s2;
	s6 =	simm.s32 $0x108;
	_ =	swait.ge @!p0 [sflag:s8], $0x0  }
0x24: {  	s3 =	sadd.s32 $0x88, s3;
	s6 =	simm.s32 @!p1 $0x1082;
	[sflag:s4] =	ssyncset.s32 $0xFFFFF086  }
0x25: {  	[simem:s6], [sflag:s4] =	dma.local [hbm:s3], $0xF7A  }
0x26: {  	[smem:$0x3F76] =	sst s1;
	(tag) =	ssettag s2;
	_ =	strace s9  }
0x27: {  	s1 =	sld [smem:$0x3F86]  }
0x28: {  	s2 =	sld [smem:$0x3F87]  }
0x29: {  	s4 =	sld [smem:$0x3F89]  }
0x2a: {  	p0 =	seq.s32 s5, $0x0;
	s5 =	sld [smem:$0x3F8A]  }
0x2b: {  	s6 =	sld [smem:$0x3F8B]  }
0x2c: {  	s7 =	sld [smem:$0x3F8C]  }
0x2d: {  	s3 =	simm.s32 $0x108;
	s8 =	sld [smem:$0x3F8D]  }
0x2e: {  	s3 =	simm.s32 @!p0 $0x1082;
	s9 =	sld [smem:$0x3F8E]  }
0x2f: {  	lr =	sadd.s32 s0, s3;
	s0 =	sld [smem:$0x3F85]  }
0x30: {  	s3 =	sld [smem:$0x3F88]  }
0x31: {  	[smem:$0x3F91] =	sst s10  }
0x32: {  	s10 =	sld [smem:$0x3F8F];
	_ =	sdelay $0x3  }
0x33: {  	p0 =	seq.s32 s10, $0x1;
	s10 =	sld [smem:$0x3F91];
	_ =	sdelay $0x3  }
0x34: {  	[smem:$0x3F91] =	sst s10  }
0x35: {  	s10 =	sld [smem:$0x3F90];
	_ =	sdelay $0x3  }
0x36: {  	p1 =	seq.s32 s10, $0x1;
	s10 =	sld [smem:$0x3F91];
	_ =	sdelay $0x3  }
0x37: {  	[smem:$0x3F91] =	sst s10  }
0x38: {  	s10 =	sld [smem:$0x3F92]  }
0x39: {  	_ = 	snop;
	(pc) =	sbr.ind lr, $3  }
0x3a: {  	_ = 	snop  }
0x3b: {  	_ = 	snop  }
0x3c: {  	p2 =	seq.s32 s10, $0x1;
	s10 =	sld [smem:$0x3F91]  }
0x3d: {  	_ =	shalt  }
0x3e: {  	_ =	shalt  }
0x3f: {  	_ =	shalt  }
0x40: {  	_ =	shalt  }
0x41: {  	_ =	shalt  }
0x42: {  	_ =	shalt  }
0x43: {  	_ =	shalt  }
0x44: {  	_ =	shalt  }
0x45: {  	_ =	shalt  }
0x46: {  	_ =	shalt  }
0x47: {  	_ =	shalt  }
0x48: {  	_ =	shalt  }
0x49: {  	_ =	shalt  }
0x4a: {  	_ =	shalt  }
0x4b: {  	_ =	shalt  }
0x4c: {  	_ =	shalt  }
0x4d: {  	_ =	shalt  }
0x4e: {  	_ =	shalt  }
0x4f: {  	_ =	shalt  }
0x50: {  	_ =	shalt  }
0x51: {  	_ =	shalt  }
0x52: {  	_ =	shalt  }
0x53: {  	_ =	shalt  }
0x54: {  	_ =	shalt  }
0x55: {  	_ =	shalt  }
0x56: {  	_ =	shalt  }
0x57: {  	_ =	shalt  }
0x58: {  	_ =	shalt  }
0x59: {  	_ =	shalt  }
0x5a: {  	_ =	shalt  }
0x5b: {  	_ =	shalt  }
0x5c: {  	_ =	shalt  }
0x5d: {  	_ =	shalt  }
0x5e: {  	_ =	shalt  }
0x5f: {  	_ =	shalt  }
0x60: {  	_ =	shalt  }
0x61: {  	_ =	shalt  }
0x62: {  	_ =	shalt  }
0x63: {  	_ =	shalt  }
0x64: {  	_ =	shalt  }
0x65: {  	_ =	shalt  }
0x66: {  	_ =	shalt  }
0x67: {  	_ =	shalt  }
0x68: {  	_ =	shalt  }
0x69: {  	_ =	shalt  }
0x6a: {  	_ =	shalt  }
0x6b: {  	_ =	shalt  }
0x6c: {  	_ =	shalt  }
0x6d: {  	_ =	shalt  }
0x6e: {  	_ =	shalt  }
0x6f: {  	_ =	shalt  }
0x70: {  	_ =	shalt  }
0x71: {  	_ =	shalt  }
0x72: {  	_ =	shalt  }
0x73: {  	_ =	shalt  }
0x74: {  	_ =	shalt  }
0x75: {  	_ =	shalt  }
0x76: {  	_ =	shalt  }
0x77: {  	_ =	shalt  }
0x78: {  	_ =	shalt  }
0x79: {  	_ =	shalt  }
0x7a: {  	_ =	shalt  }
0x7b: {  	_ =	shalt  }
0x7c: {  	_ =	shalt  }
0x7d: {  	_ =	shalt  }
0x7e: {  	_ =	shalt  }
0x7f: {  	_ =	shalt  }
0x80: {  	_ =	shalt  }
0x81: {  	_ =	shalt  }
0x82: {  	_ =	shalt  }
0x83: {  	_ =	shalt  }
0x84: {  	_ =	shalt  }
0x85: {  	_ =	shalt  }
0x86: {  	_ =	shalt  }
0x87: {  	_ =	shalt  }
.Lfunc_end0:
.L_simem_size_0:
called_computation.4_lowered:
.L_overlay_start_0:
0x88: {  	s2 =	sld [smem:$0x3FD9]  }
0x89: {  	s3 =	sld [smem:$0x3FFE];
	_ =	sdelay $0x1  }
0x8a: {  	s1 =	srdreg.scid  }
0x8b: {  	s0 =	sand.u32 $0x1, s1  }
0x8c: {  	s16 =	sshll.u32 s0, $0xA;
	s2 =	sadd.s32 s3, s2  }
0x8d: {  	s2 =	sadd.s32 s2, s16  }
0x8e: {  	[smem:$0x3F9D] =	sst s2  }
0x8f: {  	_ = 	snop  }
0x90: {  	(tm) =	ssettm $0x1  }
0x91: {  	s17 =	sld [smem:$0x3FFB];
	_ =	sdelay $0x3  }
0x92: {  	_ =	strace s17  }
0x93: {  	s2 =	sld [smem:$0x3FFC];
	_ =	sdelay $0x3  }
0x94: {  	_ =	strace s2  }
0x95: {  	s2 =	sld [smem:$0x3FFD];
	_ =	sdelay $0x3  }
0x96: {  	_ =	strace s2  }
0x97: {  	_ =	strace $0x8FFFFFFF  }
0x98: {  	s18 =	sld [smem:$0x3FDB];
	_ =	sdelay $0x1  }
0x99: {  	s19 =	simm.s32 $_scs_section_size  }
0x9a: {  	s4 =	simm.s32 $_size__tile_overlayer_lowered;
	s5 =	simm.s32 $_tile_overlayer_lowered  }
0x9b: {  	s22 =	simm.s32 $0x1BFF;
	s21 =	sshll.u32 s5, $0x1;
	s2 =	sadd.s32 s19, s18  }
0x9c: {  	s6 =	simm.s32 $0x0;
	s20 =	sshll.u32 s4, $0x1;
	s4 =	sadd.s32 s21, s2  }
0x9d: {  	[timem:s6], [sflag:s22] =	dma.local [hbm:s4], s20  }
0x9e: {  	_ =	swait.ge [sflag:s22], s20  }
0x9f: {  	s3 =	ssub.s32 $0x0, s20;
	[sflag:s22] =	ssyncset.done $0x0  }
0xa0: {  	[sflag:s22] =	ssyncadd.s32 s3;
	_ =	sdelay $0x1  }
0xa1: {  	s23 =	simm.s32 $0x1B8B  }
0xa2: {  	_ =	swait.ge [sflag:s23], $0x1  }
0xa3: {  	[sflag:s23] =	ssyncset.done $0x0  }
0xa4: {  	s25 =	simm.s32 $0x1B8E;
	s24 =	sld [smem:$0x3FFE];
	[sflag:s23] =	ssyncadd.s32 $0xFFFFFFFF  }
0xa5: {  	s26 =	simm.s32 $execute0_lowered;
	[smem:$0x3FD2] =	sst s25  }
0xa6: {  	s4 =	sshll.u32 s26, $0x1;
	_ =	strace $0x80000052;
	[dreg:$0x1] =	wrdreg $0xFFFFFFFF  }
0xa7: {  	s28 =	simm.s32 $_size_execute0_lowered;
	s2 =	sadd.s32 s2, s4;
	[dreg:$0x0] =	wrdreg $0x0  }
0xa8: {  	s4 =	sshll.u32 s28, $0x1;
	[dreg:$0x2] =	wrdreg s2  }
0xa9: {  	[dreg:$0x3] =	wrdreg s4  }
0xaa: {  	[dreg:$0x4] =	wrdreg $0xC0  }
0xab: {  	_ =	task [dreg:s6], $0x5FFFF  }
0xac: {  	[dreg:$0x1] =	wrdreg $0xFFFFFFFF  }
0xad: {  	[dreg:$0x0] =	wrdreg $0x60  }
0xae: {  	[dreg:$0x2] =	wrdreg s24  }
0xaf: {  	[dreg:$0x3] =	wrdreg $0xA8000  }
0xb0: {  	[dreg:$0x4] =	wrdreg $0x9  }
0xb1: {  	_ =	task.clear_ibuf [dreg:s6], $0x5FFFF;
	_ =	strace $0x90000052  }
0xb2: {  	s29 =	simm.s32 $0x9;
	_ =	strace $0x80000054  }
0xb3: {  	_ =	swait.ge [sflag:s29], $0x1  }
0xb4: {  	[sflag:s29] =	ssyncadd.s32 $0xFFFFFFFF  }
0xb5: {  	_ =	strace $0x90000054  }
0xb6: {  	_ =	sfence  }
0xb7: {  	s30 =	sld [smem:$0x0];
	_ =	sdelay $0x2  }
0xb8: {  	s31 =	sshll.u32 s1, $0xD;
	s1 =	sshrl.u32 s1, $0x2  }
0xb9: {  	s3 =	sand.u32 $0x4000, s31;
	s1 =	sadd.s32 s1, s30  }
0xba: {  	s0 =	sor.u32 s3, s0;
	s1 =	sshll.u32 s1, $0x11  }
0xbb: {  	s0 =	sor.u32 s1, s0  }
0xbc: {  	s0 =	sadd.s32 $0x8F2B, s0  }
0xbd: {  	[sflag:s0] =	ssyncadd.remote.s32 $0x1  }
0xbe: {  	_ =	sfence.sel $0xFFFF  }
0xbf: {  	[dreg:$0x0] =	wrdreg $0xFFFFFFFF;
	(pc) =	sbr.abs _section_cstart, $3  }
0xc0: {  	[dreg:$0x1] =	wrdreg $0xFFFFFFFF  }
0xc1: {  	_ =	task.clear_ibuf [dreg:s6], $0x2FFFF;
	_ =	strace $0x9FFFFFFF  }
0xc2: {  	(tm) =	ssettm $0x7FFFFFFF  }
0xc3: {  	_ =	shalt  }
tec
execute0_lowered:
.L_overlay_start_1:
0x0: {  	(tag) =	ssettag $0x1  }
0x1: {  	s5 =	rddreg [dreg:$0x0]  }
0x2: {  	s2 =	rddreg [dreg:$0x1]  }
0x3: {  	s0 =	rddreg [dreg:$0x2];
	s3 =	simm.s32 $0x0;
	s1 =	stileid.u32  }
0x4: {  	s4 =	srdreg.scid;
	s16 =	simm.s32 $0x80;
	s17 =	simm.s32 $0x2800  }
0x5: {  	s18 =	simm.s32 $0x6800;
	s19 =	simm.s32 $0x1;
	s20 =	simm.s32 $0x2  }
0x6: {  	s21 =	simm.s32 $0x3;
	s22 =	simm.s32 $0x4;
	s23 =	simm.s32 $0x0  }
0x7: {  	[smem:$0x7FF] =	sst s3;
	s6 =	smul.u32 $0x14000, s1;
	s7 =	sand.u32 $0x1, s4  }
0x8: {  	s4 =	sadd.s32 $0x1D400, s5;
	s9 =	sadd.s32 $0x13400, s5;
	s11 =	sadd.s32 $0x9400, s5  }
0x9: {  	s25 =	smul.u32 $0x50000, s1;
	s12 =	sshll.u32 s1, $0x1;
	s30 =	sshll.u32 s1, $0x6  }
0xa: {  	_ =	strace $0x80000053;
	s8 =	smul.u32 $0x140000, s7;
	s26 =	ssub.s32 $0x2, s7  }
0xb: {  	s28 =	sor.u32 s7, s12;
	s10 =	sshrl.u32 s6, $0x3;
	s29 =	sshrl.u32 s26, $0x1  }
0xc: {  	s12 =	smul.u32 $0x2800, s28;
	s10 =	sadd.s32 s10, s5;
	s6 =	sadd.s32 s6, s8  }
0xd: {  	s8 =	sshrl.u32 s25, $0x2;
	s14 =	ssub.s32 s26, s29;
	s6 =	sshrl.u32 s6, $0x3  }
0xe: {  	s15 =	sadd.s32 s8, s2;
	s31 =	sshrl.u32 s12, $0x3;
	s12 =	smax.u32 s14, $0x1  }
0xf: {  	s14 =	simm.s32 $0x5;
	s13 =	sadd.s32 s6, s5;
	s5 =	sadd.s32 $0x45400, s10  }
0x10: {  	s6 =	sor.u32 $0x1C05, s30;
	s7 =	sadd.s32 s9, s31;
	s10 =	sadd.s32 $0x280, s31  }
0x11: {  	s8 =	sadd.s32 s11, s31;
	s9 =	sadd.s32 s9, s10;
	s10 =	sadd.s32 s11, s10  }
0x12: {  	s11 =	sadd.s32 $0x6D400, s13;
	s13 =	sshrl.u32 s15, $0x3;
	s15 =	simm.s32 $0x1400  }
.LBB2_1:
0x13: {  	[spmem:s13], [sflag:s6] =	dma.local [hbm:s5], $0x2800  }
0x14: {  	_ =	swait.ge [sflag:s14], $0x2800  }
0x15: {  	[sflag:s14] =	ssyncset.done $0x0  }
0x16: {  	[sflag:s14] =	ssyncadd.s32 $0xFFFFD800  }
0x17: {  	[bflag:$0x0] =	sbarrier.arrive $0xFFFF  }
0x18: {  	[tilespmem:s3], [sflag:$0x5] =	stream.linear.gather [hbm4b:s7+s3], $0x1400, $0x38;
	[tilespmem:$0x1E800] =	vst v63  }
0x19: {  	_ =	swait.ge [sflag:s14], $0x1400  }
0x1a: {  	[sflag:s14] =	ssyncset.done $0x0  }
0x1b: {  	[sflag:s14] =	ssyncadd.s32 $0xFFFFEC00  }
0x1c: {  	[tilespmem:s15], [sflag:$0x5] =	stream.linear.gather [hbm4b:s8+s3], $0x1400, $0x38;
	[tilespmem:$0x1E800] =	vst v63  }
0x1d: {  	_ =	swait.ge [sflag:s14], $0x1400  }
0x1e: {  	[sflag:s14] =	ssyncset.done $0x0  }
0x1f: {  	s24 =	simm.s32 $0x0;
	[sflag:s14] =	ssyncadd.s32 $0xFFFFEC00  }
0x20: {  	[tilespmem:s17], [sflag:$0x1] =	stream.indirect.gather [hbm4b:s4+s16], $0x80, s24, s16, $0xb8;
	[tilespmem:$0x1E800] =	vst v63  }
0x21: {  	s29 =	simm.s32 $0x80  }
0x22: {  	[tilespmem:s18], [sflag:$0x2] =	stream.indirect.gather [hbm4b:s4+s16], $0x80, s29, s16, $0xb8;
	[tilespmem:$0x1E800] =	vst v63  }
0x23: {  	_ =	swait.ge [sflag:s19], $0x4000  }
0x24: {  	[sflag:s19] =	ssyncset.done $0x0  }
0x25: {  	s30 =	simm.s32 $0x1400;
	[sflag:s19] =	ssyncadd.s32 $0xFFFFC000  }
0x26: {  	[spmem:s2] =	stream.indirect.scatter.add.f32 [tilespmem:s17], [sflag:$0x3], $0x80, s30, s16, $0xb8;
	[tilespmem:$0x1E800] =	vst v63  }
0x27: {  	_ =	swait.ge [sflag:s20], $0x4000  }
0x28: {  	[sflag:s20] =	ssyncset.done $0x0  }
0x29: {  	s31 =	simm.s32 $0x1480;
	[sflag:s20] =	ssyncadd.s32 $0xFFFFC000  }
0x2a: {  	[spmem:s2] =	stream.indirect.scatter.add.f32 [tilespmem:s18], [sflag:$0x4], $0x80, s31, s16, $0xb8;
	[tilespmem:$0x1E800] =	vst v63  }
0x2b: {  	_ =	swait.ge [sflag:s21], $0x4000  }
0x2c: {  	[sflag:s21] =	ssyncset.done $0x0  }
0x2d: {  	[sflag:s21] =	ssyncadd.s32 $0xFFFFC000  }
0x2e: {  	_ =	swait.ge [sflag:s22], $0x4000  }
0x2f: {  	s25 =	simm.s32 $0x800;
	s24 =	simm.s32 $0x400;
	[sflag:s22] =	ssyncset.done $0x0  }
.LBB2_2:
0x30: {  	s26 =	sshra.s32 s24, $0x2  }
0x31: {  	[sflag:s22] =	ssyncadd.s32 $0xFFFFC000;
	s24 =	smov.u32 s25;
	s28 =	sadd.s32 $0x400, s25  }
0x32: {  	[tilespmem:s17], [sflag:$0x1] =	stream.indirect.gather [hbm4b:s4+s16], $0x80, s26, s16, $0xb8;
	[tilespmem:$0x1E800] =	vst v63  }
0x33: {  	p0 =	sne.s32 s25, $0x4C00;
	s25 =	sadd.s32 $0x80, s26  }
0x34: {  	[tilespmem:s18], [sflag:$0x2] =	stream.indirect.gather [hbm4b:s4+s16], $0x80, s25, s16, $0xb8;
	[tilespmem:$0x1E800] =	vst v63  }
0x35: {  	_ =	swait.ge [sflag:s19], $0x4000  }
0x36: {  	[sflag:s19] =	ssyncset.done $0x0  }
0x37: {  	s25 =	sadd.s32 $0x1400, s26;
	[sflag:s19] =	ssyncadd.s32 $0xFFFFC000  }
0x38: {  	[spmem:s2] =	stream.indirect.scatter.add.f32 [tilespmem:s17], [sflag:$0x3], $0x80, s25, s16, $0xb8;
	[tilespmem:$0x1E800] =	vst v63  }
0x39: {  	_ =	swait.ge [sflag:s20], $0x4000  }
0x3a: {  	[sflag:s20] =	ssyncset.done $0x0  }
0x3b: {  	s25 =	sadd.s32 $0x1480, s26;
	[sflag:s20] =	ssyncadd.s32 $0xFFFFC000  }
0x3c: {  	[spmem:s2] =	stream.indirect.scatter.add.f32 [tilespmem:s18], [sflag:$0x4], $0x80, s25, s16, $0xb8;
	[tilespmem:$0x1E800] =	vst v63  }
.Ltmp0:
0x3d: {  	_ =	swait.ge [sflag:s21], $0x4000;
	(pc) =	sbr.rel @p0 .LBB2_2-.Ltmp0, $4  }
0x3e: {  	[sflag:s21] =	ssyncset.done $0x0  }
0x3f: {  	[sflag:s21] =	ssyncadd.s32 $0xFFFFC000  }
0x40: {  	_ =	swait.ge [sflag:s22], $0x4000  }
0x41: {  	s25 =	smov.u32 s28;
	[sflag:s22] =	ssyncset.done $0x0  }
0x42: {  	s24 =	sshra.s32 s24, $0x2;
	[sflag:s22] =	ssyncadd.s32 $0xFFFFC000  }
0x43: {  	[tilespmem:s17], [sflag:$0x1] =	stream.indirect.gather [hbm4b:s4+s16], $0x80, s24, s16, $0xb8;
	[tilespmem:$0x1E800] =	vst v63  }
0x44: {  	s25 =	sadd.s32 $0x80, s24  }
0x45: {  	[tilespmem:s18], [sflag:$0x2] =	stream.indirect.gather [hbm4b:s4+s16], $0x80, s25, s16, $0xb8;
	[tilespmem:$0x1E800] =	vst v63  }
0x46: {  	_ =	swait.ge [sflag:s19], $0x4000  }
0x47: {  	[sflag:s19] =	ssyncset.done $0x0  }
0x48: {  	s31 =	sadd.s32 $0x1400, s24;
	[sflag:s19] =	ssyncadd.s32 $0xFFFFC000  }
0x49: {  	[spmem:s2] =	stream.indirect.scatter.add.f32 [tilespmem:s17], [sflag:$0x3], $0x80, s31, s16, $0xb8;
	[tilespmem:$0x1E800] =	vst v63  }
0x4a: {  	_ =	swait.ge [sflag:s20], $0x4000  }
0x4b: {  	[sflag:s20] =	ssyncset.done $0x0  }
0x4c: {  	s24 =	sadd.s32 $0x1480, s24;
	[sflag:s20] =	ssyncadd.s32 $0xFFFFC000  }
0x4d: {  	[spmem:s2] =	stream.indirect.scatter.add.f32 [tilespmem:s18], [sflag:$0x4], $0x80, s24, s16, $0xb8;
	[tilespmem:$0x1E800] =	vst v63  }
0x4e: {  	_ =	swait.ge [sflag:s21], $0x4000  }
0x4f: {  	[sflag:s21] =	ssyncset.done $0x0  }
0x50: {  	[sflag:s21] =	ssyncadd.s32 $0xFFFFC000  }
0x51: {  	_ =	swait.ge [sflag:s22], $0x4000  }
0x52: {  	[sflag:s22] =	ssyncset.done $0x0  }
0x53: {  	s26 =	simm.s32 $0x0;
	[sflag:s22] =	ssyncadd.s32 $0xFFFFC000  }
0x54: {  	[tilespmem:s26], [sflag:$0x5] =	stream.linear.gather [hbm4b:s9+s26], $0x1400, $0x38;
	[tilespmem:$0x1E800] =	vst v63  }
0x55: {  	_ =	swait.ge [sflag:s14], $0x1400  }
0x56: {  	[sflag:s14] =	ssyncset.done $0x0  }
0x57: {  	[sflag:s14] =	ssyncadd.s32 $0xFFFFEC00  }
0x58: {  	[tilespmem:s15], [sflag:$0x5] =	stream.linear.gather [hbm4b:s10+s26], $0x1400, $0x38;
	[tilespmem:$0x1E800] =	vst v63  }
0x59: {  	_ =	swait.ge [sflag:s14], $0x1400  }
0x5a: {  	[sflag:s14] =	ssyncset.done $0x0  }
0x5b: {  	s28 =	simm.s32 $0x0;
	[sflag:s14] =	ssyncadd.s32 $0xFFFFEC00  }
0x5c: {  	[tilespmem:s17], [sflag:$0x1] =	stream.indirect.gather [hbm4b:s4+s16], $0x80, s28, s16, $0xb8;
	[tilespmem:$0x1E800] =	vst v63  }
0x5d: {  	s29 =	simm.s32 $0x80  }
0x5e: {  	[tilespmem:s18], [sflag:$0x2] =	stream.indirect.gather [hbm4b:s4+s16], $0x80, s29, s16, $0xb8;
	[tilespmem:$0x1E800] =	vst v63  }
0x5f: {  	_ =	swait.ge [sflag:s19], $0x4000  }
0x60: {  	[sflag:s19] =	ssyncset.done $0x0  }
0x61: {  	s30 =	simm.s32 $0x1400;
	[sflag:s19] =	ssyncadd.s32 $0xFFFFC000  }
0x62: {  	[spmem:s2] =	stream.indirect.scatter.add.f32 [tilespmem:s17], [sflag:$0x3], $0x80, s30, s16, $0xb8;
	[tilespmem:$0x1E800] =	vst v63  }
0x63: {  	_ =	swait.ge [sflag:s20], $0x4000  }
0x64: {  	[sflag:s20] =	ssyncset.done $0x0  }
0x65: {  	s31 =	simm.s32 $0x1480;
	[sflag:s20] =	ssyncadd.s32 $0xFFFFC000  }
0x66: {  	[spmem:s2] =	stream.indirect.scatter.add.f32 [tilespmem:s18], [sflag:$0x4], $0x80, s31, s16, $0xb8;
	[tilespmem:$0x1E800] =	vst v63  }
0x67: {  	_ =	swait.ge [sflag:s21], $0x4000  }
0x68: {  	[sflag:s21] =	ssyncset.done $0x0  }
0x69: {  	[sflag:s21] =	ssyncadd.s32 $0xFFFFC000  }
0x6a: {  	_ =	swait.ge [sflag:s22], $0x4000  }
0x6b: {  	s25 =	simm.s32 $0x800;
	s24 =	simm.s32 $0x400;
	[sflag:s22] =	ssyncset.done $0x0  }
.LBB2_4:
0x6c: {  	s26 =	sshra.s32 s24, $0x2  }
0x6d: {  	[sflag:s22] =	ssyncadd.s32 $0xFFFFC000;
	s24 =	smov.u32 s25;
	s28 =	sadd.s32 $0x400, s25  }
0x6e: {  	[tilespmem:s17], [sflag:$0x1] =	stream.indirect.gather [hbm4b:s4+s16], $0x80, s26, s16, $0xb8;
	[tilespmem:$0x1E800] =	vst v63  }
0x6f: {  	p0 =	sne.s32 s25, $0x4C00;
	s25 =	sadd.s32 $0x80, s26  }
0x70: {  	[tilespmem:s18], [sflag:$0x2] =	stream.indirect.gather [hbm4b:s4+s16], $0x80, s25, s16, $0xb8;
	[tilespmem:$0x1E800] =	vst v63  }
0x71: {  	_ =	swait.ge [sflag:s19], $0x4000  }
0x72: {  	[sflag:s19] =	ssyncset.done $0x0  }
0x73: {  	s25 =	sadd.s32 $0x1400, s26;
	[sflag:s19] =	ssyncadd.s32 $0xFFFFC000  }
0x74: {  	[spmem:s2] =	stream.indirect.scatter.add.f32 [tilespmem:s17], [sflag:$0x3], $0x80, s25, s16, $0xb8;
	[tilespmem:$0x1E800] =	vst v63  }
0x75: {  	_ =	swait.ge [sflag:s20], $0x4000  }
0x76: {  	[sflag:s20] =	ssyncset.done $0x0  }
0x77: {  	s25 =	sadd.s32 $0x1480, s26;
	[sflag:s20] =	ssyncadd.s32 $0xFFFFC000  }
0x78: {  	[spmem:s2] =	stream.indirect.scatter.add.f32 [tilespmem:s18], [sflag:$0x4], $0x80, s25, s16, $0xb8;
	[tilespmem:$0x1E800] =	vst v63  }
.Ltmp1:
0x79: {  	_ =	swait.ge [sflag:s21], $0x4000;
	(pc) =	sbr.rel @p0 .LBB2_4-.Ltmp1, $4  }
0x7a: {  	[sflag:s21] =	ssyncset.done $0x0  }
0x7b: {  	[sflag:s21] =	ssyncadd.s32 $0xFFFFC000  }
0x7c: {  	_ =	swait.ge [sflag:s22], $0x4000  }
0x7d: {  	s25 =	smov.u32 s28;
	[sflag:s22] =	ssyncset.done $0x0  }
0x7e: {  	s24 =	sshra.s32 s24, $0x2;
	[sflag:s22] =	ssyncadd.s32 $0xFFFFC000  }
0x7f: {  	[tilespmem:s17], [sflag:$0x1] =	stream.indirect.gather [hbm4b:s4+s16], $0x80, s24, s16, $0xb8;
	[tilespmem:$0x1E800] =	vst v63  }
0x80: {  	s25 =	sadd.s32 $0x80, s24  }
0x81: {  	[tilespmem:s18], [sflag:$0x2] =	stream.indirect.gather [hbm4b:s4+s16], $0x80, s25, s16, $0xb8;
	[tilespmem:$0x1E800] =	vst v63  }
0x82: {  	_ =	swait.ge [sflag:s19], $0x4000  }
0x83: {  	[sflag:s19] =	ssyncset.done $0x0  }
0x84: {  	s31 =	sadd.s32 $0x1400, s24;
	[sflag:s19] =	ssyncadd.s32 $0xFFFFC000  }
0x85: {  	[spmem:s2] =	stream.indirect.scatter.add.f32 [tilespmem:s17], [sflag:$0x3], $0x80, s31, s16, $0xb8;
	[tilespmem:$0x1E800] =	vst v63  }
0x86: {  	_ =	swait.ge [sflag:s20], $0x4000  }
0x87: {  	[sflag:s20] =	ssyncset.done $0x0  }
0x88: {  	s24 =	sadd.s32 $0x1480, s24;
	[sflag:s20] =	ssyncadd.s32 $0xFFFFC000  }
0x89: {  	[spmem:s2] =	stream.indirect.scatter.add.f32 [tilespmem:s18], [sflag:$0x4], $0x80, s24, s16, $0xb8;
	[tilespmem:$0x1E800] =	vst v63  }
0x8a: {  	_ =	swait.ge [sflag:s21], $0x4000  }
0x8b: {  	[sflag:s21] =	ssyncset.done $0x0  }
0x8c: {  	[sflag:s21] =	ssyncadd.s32 $0xFFFFC000  }
0x8d: {  	_ =	swait.ge [sflag:s22], $0x4000  }
0x8e: {  	s23 =	sadd.s32 $0x1, s23;
	[sflag:s22] =	ssyncset.done $0x0  }
0x8f: {  	p0 =	sne.s32 s23, s12;
	[sflag:s22] =	ssyncadd.s32 $0xFFFFC000  }
.Ltmp2:
0x90: {  	[bflag:$0x0] =	sbarrier.arrive $0xFFFF;
	(pc) =	sbr.rel @p0 .LBB2_1-.Ltmp2, $4  }
0x91: {  	[hbm:s11], [sflag:s6] =	dma.local [spmem:s13], $0x2800  }
0x92: {  	_ =	swait.ge [sflag:s14], $0x2800  }
0x93: {  	[sflag:s14] =	ssyncset.done $0x0  }
0x94: {  	[sflag:s14] =	ssyncadd.s32 $0xFFFFD800  }
0x95: {  	_ =	sfence.sel $0x180000  }
0x96: {  	[bflag:$0x0] =	sbarrier.arrive $0xFFFF  }
0x97: {  	p0 =	sne.s32 s1, $0x0;
	_ =	strace $0x90000053  }
0x98: {  	s0 =	sadd.s32 @!p0 $0x100000, s0;
	[bflag:$0x2] =	sbarrier.arrive $0xFFFF  }
0x99: {  	[sflag:s0] =	ssyncadd.tile.s32 @!p0 $0x1;
	_ =	shalt  }
.Lfunc_end2:
_tile_overlayer_lowered:
.L_overlay_start_2:
0x9a: {  	(tag) =	ssettag $0x2  }
0x9b: {  	s0 =	rddreg [dreg:$0x0];
	s2 =	stileid.u32  }
0x9c: {  	s1 =	rddreg [dreg:$0x1];
	p0 =	sne.s32 s2, $0x0  }
0x9d: {  	s3 =	rddreg [dreg:$0x2];
	[bflag:$0x3] =	sbarrier.arrive $0xFFFF;
	s2 =	simm.s32 @!p0 $0x1C05  }
0x9e: {  	[timem:s3], [sflag:s2] =	dma.local @!p0 [hbm:s0], s1  }
0x9f: {  	s0 =	simm.s32 @!p0 $0x5  }
0xa0: {  	_ =	swait.ge @!p0 [sflag:s0], s1  }
0xa1: {  	s1 =	ssub.s32 @!p0 $0x0, s1;
	[sflag:s0] =	ssyncset.done @!p0 $0x0  }
0xa2: {  	[sflag:s0] =	ssyncadd.s32 @!p0 s1  }
0xa3: {  	[bflag:$0x3] =	sbarrier.arrive $0xFFFF  }
0xa4: {  	_ =	shalt  }

// kernel: kernel.35.cloned.1.call-start
scs
__scs_entry_jumppad:
0x0: {  	(pc) =	sbr.rel $0x88, $3  }
0x1: {  	(tag) =	ssettag $0x0;
	lr =	simm.s32 $0x1  }
0x2: {  	[smem:$0x3F76] =	sst lr;
	_ =	strace $0xD0000000  }
0x3: {  	_ = 	snop  }
0x4: {  	_ = 	snop  }
0x5: {  	_ = 	snop  }
0x6: {  	_ = 	snop  }
0x7: {  	_ = 	snop  }
__scs_overlays_trampoline_lowered:
0x8: {  	[smem:$0x3F85] =	sst s0  }
0x9: {  	[smem:$0x3F86] =	sst s1  }
0xa: {  	[smem:$0x3F87] =	sst s2  }
0xb: {  	[smem:$0x3F88] =	sst s3  }
0xc: {  	[smem:$0x3F89] =	sst s4  }
0xd: {  	[smem:$0x3F8A] =	sst s5  }
0xe: {  	[smem:$0x3F8B] =	sst s6  }
0xf: {  	[smem:$0x3F8C] =	sst s7  }
0x10: {  	[smem:$0x3F8D] =	sst s8  }
0x11: {  	[smem:$0x3F8E] =	sst s9;
	s0 =	simm.s32 @!p0 $0x0  }
0x12: {  	s1 =	sld [smem:$0x3F74];
	s0 =	simm.s32 @p0 $0x1  }
0x13: {  	[smem:$0x3F8F] =	sst s0;
	s0 =	simm.s32 @!p1 $0x0  }
0x14: {  	s2 =	sld [smem:$0x3F73];
	s0 =	simm.s32 @p1 $0x1  }
0x15: {  	[smem:$0x3F90] =	sst s0;
	s0 =	simm.s32 @!p2 $0x0  }
0x16: {  	s3 =	sld [smem:$0x3FDB];
	s0 =	simm.s32 @p2 $0x1  }
0x17: {  	s4 =	simm.s32 $0x1BF5;
	[smem:$0x3F92] =	sst s0  }
0x18: {  	s0 =	sld [smem:$0x3F75];
	_ =	swait.ge [sflag:s4], $0x0  }
0x19: {  	s7 =	sld [smem:$0x3F76]  }
0x1a: {  	s8 =	sadd.s32 $0xFFFFE003, lr  }
0x1b: {  	s9 =	sadd.s32 $0xFFFFFEF7, lr;
	s5 =	simm.s32 $0xFFFFFFFF;
	p2 =	slt.u32 s8, $0xFFFFF086  }
0x1c: {  	p1 =	slt.u32 s9, $0xF7A;
	s5 =	simm.s32 @!p2 $0x0  }
0x1d: {  	s5 =	simm.s32 @p1 $0x1;
	p0 =	seq.s32 s7, s2  }
0x1e: {  	s7 =	smul.u32 @!p0 $0xF7A, s2;
	p2 =	seq.s32 @!p0 s5, $0x0  }
0x1f: {  	s9 =	smul.u32 $0xF7A, s1;
	s8 =	simm.s32 @!p0 $0x1BF5;
	p2 =	por !p2, p0  }
0x20: {  	[sflag:s8] =	ssyncset.s32 @!p0 $0xFFFFF086;
	s6 =	sadd.s32 @!p0 s3, s7;
	s7 =	simm.s32 @!p0 $0x108  }
0x21: {  	s3 =	sadd.s32 s3, s9;
	s6 =	sadd.s32 @!p0 $0x88, s6;
	s7 =	simm.s32 @p2 $0x1082  }
0x22: {  	[simem:s7], [sflag:s8] =	dma.local @!p0 [hbm:s6], $0xF7A  }
0x23: {  	s9 =	sor.u32 $0xD0000000, s2;
	s6 =	simm.s32 $0x108;
	_ =	swait.ge @!p0 [sflag:s8], $0x0  }
0x24: {  	s3 =	sadd.s32 $0x88, s3;
	s6 =	simm.s32 @!p1 $0x1082;
	[sflag:s4] =	ssyncset.s32 $0xFFFFF086  }
0x25: {  	[simem:s6], [sflag:s4] =	dma.local [hbm:s3], $0xF7A  }
0x26: {  	[smem:$0x3F76] =	sst s1;
	(tag) =	ssettag s2;
	_ =	strace s9  }
0x27: {  	s1 =	sld [smem:$0x3F86]  }
0x28: {  	s2 =	sld [smem:$0x3F87]  }
0x29: {  	s4 =	sld [smem:$0x3F89]  }
0x2a: {  	p0 =	seq.s32 s5, $0x0;
	s5 =	sld [smem:$0x3F8A]  }
0x2b: {  	s6 =	sld [smem:$0x3F8B]  }
0x2c: {  	s7 =	sld [smem:$0x3F8C]  }
0x2d: {  	s3 =	simm.s32 $0x108;
	s8 =	sld [smem:$0x3F8D]  }
0x2e: {  	s3 =	simm.s32 @!p0 $0x1082;
	s9 =	sld [smem:$0x3F8E]  }
0x2f: {  	lr =	sadd.s32 s0, s3;
	s0 =	sld [smem:$0x3F85]  }
0x30: {  	s3 =	sld [smem:$0x3F88]  }
0x31: {  	[smem:$0x3F91] =	sst s10  }
0x32: {  	s10 =	sld [smem:$0x3F8F];
	_ =	sdelay $0x3  }
0x33: {  	p0 =	seq.s32 s10, $0x1;
	s10 =	sld [smem:$0x3F91];
	_ =	sdelay $0x3  }
0x34: {  	[smem:$0x3F91] =	sst s10  }
0x35: {  	s10 =	sld [smem:$0x3F90];
	_ =	sdelay $0x3  }
0x36: {  	p1 =	seq.s32 s10, $0x1;
	s10 =	sld [smem:$0x3F91];
	_ =	sdelay $0x3  }
0x37: {  	[smem:$0x3F91] =	sst s10  }
0x38: {  	s10 =	sld [smem:$0x3F92]  }
0x39: {  	_ = 	snop;
	(pc) =	sbr.ind lr, $3  }
0x3a: {  	_ = 	snop  }
0x3b: {  	_ = 	snop  }
0x3c: {  	p2 =	seq.s32 s10, $0x1;
	s10 =	sld [smem:$0x3F91]  }
0x3d: {  	_ =	shalt  }
0x3e: {  	_ =	shalt  }
0x3f: {  	_ =	shalt  }
0x40: {  	_ =	shalt  }
0x41: {  	_ =	shalt  }
0x42: {  	_ =	shalt  }
0x43: {  	_ =	shalt  }
0x44: {  	_ =	shalt  }
0x45: {  	_ =	shalt  }
0x46: {  	_ =	shalt  }
0x47: {  	_ =	shalt  }
0x48: {  	_ =	shalt  }
0x49: {  	_ =	shalt  }
0x4a: {  	_ =	shalt  }
0x4b: {  	_ =	shalt  }
0x4c: {  	_ =	shalt  }
0x4d: {  	_ =	shalt  }
0x4e: {  	_ =	shalt  }
0x4f: {  	_ =	shalt  }
0x50: {  	_ =	shalt  }
0x51: {  	_ =	shalt  }
0x52: {  	_ =	shalt  }
0x53: {  	_ =	shalt  }
0x54: {  	_ =	shalt  }
0x55: {  	_ =	shalt  }
0x56: {  	_ =	shalt  }
0x57: {  	_ =	shalt  }
0x58: {  	_ =	shalt  }
0x59: {  	_ =	shalt  }
0x5a: {  	_ =	shalt  }
0x5b: {  	_ =	shalt  }
0x5c: {  	_ =	shalt  }
0x5d: {  	_ =	shalt  }
0x5e: {  	_ =	shalt  }
0x5f: {  	_ =	shalt  }
0x60: {  	_ =	shalt  }
0x61: {  	_ =	shalt  }
0x62: {  	_ =	shalt  }
0x63: {  	_ =	shalt  }
0x64: {  	_ =	shalt  }
0x65: {  	_ =	shalt  }
0x66: {  	_ =	shalt  }
0x67: {  	_ =	shalt  }
0x68: {  	_ =	shalt  }
0x69: {  	_ =	shalt  }
0x6a: {  	_ =	shalt  }
0x6b: {  	_ =	shalt  }
0x6c: {  	_ =	shalt  }
0x6d: {  	_ =	shalt  }
0x6e: {  	_ =	shalt  }
0x6f: {  	_ =	shalt  }
0x70: {  	_ =	shalt  }
0x71: {  	_ =	shalt  }
0x72: {  	_ =	shalt  }
0x73: {  	_ =	shalt  }
0x74: {  	_ =	shalt  }
0x75: {  	_ =	shalt  }
0x76: {  	_ =	shalt  }
0x77: {  	_ =	shalt  }
0x78: {  	_ =	shalt  }
0x79: {  	_ =	shalt  }
0x7a: {  	_ =	shalt  }
0x7b: {  	_ =	shalt  }
0x7c: {  	_ =	shalt  }
0x7d: {  	_ =	shalt  }
0x7e: {  	_ =	shalt  }
0x7f: {  	_ =	shalt  }
0x80: {  	_ =	shalt  }
0x81: {  	_ =	shalt  }
0x82: {  	_ =	shalt  }
0x83: {  	_ =	shalt  }
0x84: {  	_ =	shalt  }
0x85: {  	_ =	shalt  }
0x86: {  	_ =	shalt  }
0x87: {  	_ =	shalt  }
.Lfunc_end0:
.L_simem_size_0:
called_computation.5_lowered:
.L_overlay_start_0:
0x88: {  	s2 =	sld [smem:$0x3FD9]  }
0x89: {  	s3 =	sld [smem:$0x3FFE];
	_ =	sdelay $0x1  }
0x8a: {  	s1 =	srdreg.scid  }
0x8b: {  	s0 =	sand.u32 $0x1, s1  }
0x8c: {  	s17 =	sshll.u32 s0, $0xA;
	s2 =	sadd.s32 s3, s2  }
0x8d: {  	s2 =	sadd.s32 s2, s17  }
0x8e: {  	[smem:$0x3F9D] =	sst s2  }
0x8f: {  	_ = 	snop  }
0x90: {  	(tm) =	ssettm $0x1  }
0x91: {  	s18 =	sld [smem:$0x3FFB];
	_ =	sdelay $0x3  }
0x92: {  	_ =	strace s18  }
0x93: {  	s2 =	sld [smem:$0x3FFC];
	_ =	sdelay $0x3  }
0x94: {  	_ =	strace s2  }
0x95: {  	s2 =	sld [smem:$0x3FFD];
	_ =	sdelay $0x3  }
0x96: {  	_ =	strace s2  }
0x97: {  	_ =	strace $0x8FFFFFFF  }
0x98: {  	s19 =	sld [smem:$0x3FDB];
	_ =	sdelay $0x1  }
0x99: {  	s20 =	simm.s32 $_scs_section_size  }
0x9a: {  	s4 =	simm.s32 $_size__tile_overlayer_lowered;
	s5 =	simm.s32 $_tile_overlayer_lowered  }
0x9b: {  	s6 =	simm.s32 $0x1BFF;
	s21 =	sshll.u32 s5, $0x1;
	s3 =	sadd.s32 s20, s19  }
0x9c: {  	s22 =	simm.s32 $0x0;
	s4 =	sshll.u32 s4, $0x1;
	s5 =	sadd.s32 s21, s3  }
0x9d: {  	[timem:s22], [sflag:s6] =	dma.local [hbm:s5], s4  }
0x9e: {  	_ =	swait.ge [sflag:s6], s4  }
0x9f: {  	s4 =	ssub.s32 $0x0, s4;
	[sflag:s6] =	ssyncset.done $0x0  }
0xa0: {  	[sflag:s6] =	ssyncadd.s32 s4;
	_ =	sdelay $0x1  }
0xa1: {  	s23 =	simm.s32 $0x1B8B  }
0xa2: {  	_ =	swait.ge [sflag:s23], $0x1  }
0xa3: {  	[sflag:s23] =	ssyncset.done $0x0  }
0xa4: {  	[sflag:s23] =	ssyncadd.s32 $0xFFFFFFFF  }
0xa5: {  	s4 =	sld [smem:$0x0]  }
0xa6: {  	s5 =	sand.u32 $0xFFFFFFFE, s1  }
0xa7: {  	p0 =	sne.s32 s1, s5  }
0xa8: {  	s5 =	sshll.u32 @p0 s5, $0xE  }
0xa9: {  	s5 =	sadd.s32 @p0 $0x11B8D, s5;
	s6 =	sshll.u32 @p0 s4, $0x11  }
0xaa: {  	s5 =	sor.u32 @p0 s6, s5  }
0xab: {  	[sflag:s5] =	ssyncadd.remote.s32 @p0 $0x1;
	_ =	sdelay $0x1  }
0xac: {  	s5 =	simm.s32 @p0 $0x1B8D  }
0xad: {  	_ =	swait.eq @p0 [sflag:s5], $0x1  }
0xae: {  	[sflag:s5] =	ssyncadd.s32 @p0 $0xFFFFFFFF  }
0xaf: {  	s6 =	sshll.u32 @!p0 s1, $0xE  }
0xb0: {  	s6 =	sor.u32 @!p0 $0x4000, s6;
	s5 =	simm.s32 @!p0 $0x1B8D  }
0xb1: {  	s4 =	sshll.u32 @!p0 s4, $0x11;
	s6 =	sadd.s32 @!p0 $0x11B8D, s6;
	_ =	swait.eq @!p0 [sflag:s5], $0x1  }
0xb2: {  	s4 =	sor.u32 @!p0 s4, s6;
	[sflag:s5] =	ssyncadd.s32 @!p0 $0xFFFFFFFF  }
0xb3: {  	s25 =	simm.s32 $0x1B8E;
	s24 =	sld [smem:$0x3FFE];
	[sflag:s4] =	ssyncadd.remote.s32 @!p0 $0x1  }
0xb4: {  	s26 =	simm.s32 $execute0_lowered;
	[smem:$0x3FD2] =	sst s25  }
0xb5: {  	s5 =	sshll.u32 s26, $0x1;
	_ =	strace $0x80000058;
	[dreg:$0x1] =	wrdreg $0xFFFFFFFF  }
0xb6: {  	s28 =	simm.s32 $_size_execute0_lowered;
	s3 =	sadd.s32 s3, s5;
	[dreg:$0x0] =	wrdreg $0x0  }
0xb7: {  	s5 =	sshll.u32 s28, $0x1;
	[dreg:$0x2] =	wrdreg s3  }
0xb8: {  	[dreg:$0x3] =	wrdreg s5  }
0xb9: {  	[dreg:$0x4] =	wrdreg $0xC0  }
0xba: {  	_ =	task [dreg:s22], $0x5FFFF  }
0xbb: {  	[dreg:$0x1] =	wrdreg $0xFFFFFFFF  }
0xbc: {  	[dreg:$0x0] =	wrdreg $0x60  }
0xbd: {  	[dreg:$0x2] =	wrdreg s24  }
0xbe: {  	[dreg:$0x3] =	wrdreg $0xA8000  }
0xbf: {  	[dreg:$0x4] =	wrdreg $0x9  }
0xc0: {  	_ =	task.clear_ibuf [dreg:s22], $0x5FFFF;
	_ =	strace $0x90000058  }
0xc1: {  	s29 =	simm.s32 $0x9;
	_ =	strace $0x8000005A  }
0xc2: {  	_ =	swait.ge [sflag:s29], $0x1  }
0xc3: {  	[sflag:s29] =	ssyncadd.s32 $0xFFFFFFFF  }
0xc4: {  	_ =	strace $0x9000005A  }
0xc5: {  	_ =	sfence  }
0xc6: {  	s30 =	sld [smem:$0x0];
	_ =	sdelay $0x2  }
0xc7: {  	s31 =	sshll.u32 s1, $0xD;
	s1 =	sshrl.u32 s1, $0x2  }
0xc8: {  	s4 =	sand.u32 $0x4000, s31;
	s1 =	sadd.s32 s1, s30  }
0xc9: {  	s0 =	sor.u32 s4, s0;
	s1 =	sshll.u32 s1, $0x11  }
0xca: {  	s0 =	sor.u32 s1, s0  }
0xcb: {  	s0 =	sadd.s32 $0x8F2B, s0  }
0xcc: {  	[sflag:s0] =	ssyncadd.remote.s32 $0x1  }
0xcd: {  	_ =	sfence.sel $0xFFFF  }
0xce: {  	[dreg:$0x0] =	wrdreg $0xFFFFFFFF;
	(pc) =	sbr.abs _section_cstart, $3  }
0xcf: {  	[dreg:$0x1] =	wrdreg $0xFFFFFFFF  }
0xd0: {  	_ =	task.clear_ibuf [dreg:s22], $0x2FFFF;
	_ =	strace $0x9FFFFFFF  }
0xd1: {  	(tm) =	ssettm $0x7FFFFFFF  }
tec
execute0_lowered:
.L_overlay_start_1:
0x0: {  	(tag) =	ssettag $0x1  }
0x1: {  	s5 =	rddreg [dreg:$0x0]  }
0x2: {  	s2 =	rddreg [dreg:$0x1]  }
0x3: {  	s0 =	rddreg [dreg:$0x2];
	s3 =	simm.s32 $0x0;
	s1 =	stileid.u32  }
0x4: {  	s4 =	srdreg.scid;
	s16 =	simm.s32 $0x80;
	s17 =	simm.s32 $0x2800  }
0x5: {  	s18 =	simm.s32 $0x6800;
	s19 =	simm.s32 $0x1;
	s20 =	simm.s32 $0x2  }
0x6: {  	s21 =	simm.s32 $0x3;
	s22 =	simm.s32 $0x4;
	s23 =	simm.s32 $0x0  }
0x7: {  	[smem:$0x7FF] =	sst s3;
	s6 =	smul.u32 $0x14000, s1;
	s7 =	sand.u32 $0x1, s4  }
0x8: {  	s4 =	sadd.s32 $0xBD400, s5;
	s9 =	sadd.s32 $0x13400, s5;
	s11 =	sadd.s32 $0x9400, s5  }
0x9: {  	s25 =	smul.u32 $0x50000, s1;
	s12 =	sshll.u32 s1, $0x1;
	s30 =	sshll.u32 s1, $0x6  }
0xa: {  	_ =	strace $0x80000059;
	s8 =	smul.u32 $0x140000, s7;
	s26 =	ssub.s32 $0x2, s7  }
0xb: {  	s28 =	sor.u32 s7, s12;
	s10 =	sshrl.u32 s6, $0x3;
	s29 =	sshrl.u32 s26, $0x1  }
0xc: {  	s12 =	smul.u32 $0x2800, s28;
	s10 =	sadd.s32 s10, s5;
	s6 =	sadd.s32 s6, s8  }
0xd: {  	s8 =	sshrl.u32 s25, $0x2;
	s14 =	ssub.s32 s26, s29;
	s6 =	sshrl.u32 s6, $0x3  }
0xe: {  	s15 =	sadd.s32 s8, s2;
	s31 =	sshrl.u32 s12, $0x3;
	s12 =	smax.u32 s14, $0x1  }
0xf: {  	s14 =	simm.s32 $0x5;
	s13 =	sadd.s32 s6, s5;
	s5 =	sadd.s32 $0x45400, s10  }
0x10: {  	s6 =	sor.u32 $0x1C05, s30;
	s7 =	sadd.s32 s9, s31;
	s10 =	sadd.s32 $0x280, s31  }
0x11: {  	s8 =	sadd.s32 s11, s31;
	s9 =	sadd.s32 s9, s10;
	s10 =	sadd.s32 s11, s10  }
0x12: {  	s11 =	sadd.s32 $0xE5400, s13;
	s13 =	sshrl.u32 s15, $0x3;
	s15 =	simm.s32 $0x1400  }
.LBB2_1:
0x13: {  	[spmem:s13], [sflag:s6] =	dma.local [hbm:s5], $0x2800  }
0x14: {  	_ =	swait.ge [sflag:s14], $0x2800  }
0x15: {  	[sflag:s14] =	ssyncset.done $0x0  }
0x16: {  	[sflag:s14] =	ssyncadd.s32 $0xFFFFD800  }
0x17: {  	[bflag:$0x0] =	sbarrier.arrive $0xFFFF  }
0x18: {  	[tilespmem:s3], [sflag:$0x5] =	stream.linear.gather [hbm4b:s7+s3], $0x1400, $0x38;
	[tilespmem:$0x1E800] =	vst v63  }
0x19: {  	_ =	swait.ge [sflag:s14], $0x1400  }
0x1a: {  	[sflag:s14] =	ssyncset.done $0x0  }
0x1b: {  	[sflag:s14] =	ssyncadd.s32 $0xFFFFEC00  }
0x1c: {  	[tilespmem:s15], [sflag:$0x5] =	stream.linear.gather [hbm4b:s8+s3], $0x1400, $0x38;
	[tilespmem:$0x1E800] =	vst v63  }
0x1d: {  	_ =	swait.ge [sflag:s14], $0x1400  }
0x1e: {  	[sflag:s14] =	ssyncset.done $0x0  }
0x1f: {  	s24 =	simm.s32 $0x0;
	[sflag:s14] =	ssyncadd.s32 $0xFFFFEC00  }
0x20: {  	[tilespmem:s17], [sflag:$0x1] =	stream.indirect.gather [hbm4b:s4+s16], $0x80, s24, s16, $0xb8;
	[tilespmem:$0x1E800] =	vst v63  }
0x21: {  	s29 =	simm.s32 $0x80  }
0x22: {  	[tilespmem:s18], [sflag:$0x2] =	stream.indirect.gather [hbm4b:s4+s16], $0x80, s29, s16, $0xb8;
	[tilespmem:$0x1E800] =	vst v63  }
0x23: {  	_ =	swait.ge [sflag:s19], $0x4000  }
0x24: {  	[sflag:s19] =	ssyncset.done $0x0  }
0x25: {  	s30 =	simm.s32 $0x1400;
	[sflag:s19] =	ssyncadd.s32 $0xFFFFC000  }
0x26: {  	[spmem:s2] =	stream.indirect.scatter.add.f32 [tilespmem:s17], [sflag:$0x3], $0x80, s30, s16, $0xb8;
	[tilespmem:$0x1E800] =	vst v63  }
0x27: {  	_ =	swait.ge [sflag:s20], $0x4000  }
0x28: {  	[sflag:s20] =	ssyncset.done $0x0  }
0x29: {  	s31 =	simm.s32 $0x1480;
	[sflag:s20] =	ssyncadd.s32 $0xFFFFC000  }
0x2a: {  	[spmem:s2] =	stream.indirect.scatter.add.f32 [tilespmem:s18], [sflag:$0x4], $0x80, s31, s16, $0xb8;
	[tilespmem:$0x1E800] =	vst v63  }
0x2b: {  	_ =	swait.ge [sflag:s21], $0x4000  }
0x2c: {  	[sflag:s21] =	ssyncset.done $0x0  }
0x2d: {  	[sflag:s21] =	ssyncadd.s32 $0xFFFFC000  }
0x2e: {  	_ =	swait.ge [sflag:s22], $0x4000  }
0x2f: {  	s25 =	simm.s32 $0x800;
	s24 =	simm.s32 $0x400;
	[sflag:s22] =	ssyncset.done $0x0  }
.LBB2_2:
0x30: {  	s26 =	sshra.s32 s24, $0x2  }
0x31: {  	[sflag:s22] =	ssyncadd.s32 $0xFFFFC000;
	s24 =	smov.u32 s25;
	s28 =	sadd.s32 $0x400, s25  }
0x32: {  	[tilespmem:s17], [sflag:$0x1] =	stream.indirect.gather [hbm4b:s4+s16], $0x80, s26, s16, $0xb8;
	[tilespmem:$0x1E800] =	vst v63  }
0x33: {  	p0 =	sne.s32 s25, $0x4C00;
	s25 =	sadd.s32 $0x80, s26  }
0x34: {  	[tilespmem:s18], [sflag:$0x2] =	stream.indirect.gather [hbm4b:s4+s16], $0x80, s25, s16, $0xb8;
	[tilespmem:$0x1E800] =	vst v63  }
0x35: {  	_ =	swait.ge [sflag:s19], $0x4000  }
0x36: {  	[sflag:s19] =	ssyncset.done $0x0  }
0x37: {  	s25 =	sadd.s32 $0x1400, s26;
	[sflag:s19] =	ssyncadd.s32 $0xFFFFC000  }
0x38: {  	[spmem:s2] =	stream.indirect.scatter.add.f32 [tilespmem:s17], [sflag:$0x3], $0x80, s25, s16, $0xb8;
	[tilespmem:$0x1E800] =	vst v63  }
0x39: {  	_ =	swait.ge [sflag:s20], $0x4000  }
0x3a: {  	[sflag:s20] =	ssyncset.done $0x0  }
0x3b: {  	s25 =	sadd.s32 $0x1480, s26;
	[sflag:s20] =	ssyncadd.s32 $0xFFFFC000  }
0x3c: {  	[spmem:s2] =	stream.indirect.scatter.add.f32 [tilespmem:s18], [sflag:$0x4], $0x80, s25, s16, $0xb8;
	[tilespmem:$0x1E800] =	vst v63  }
.Ltmp0:
0x3d: {  	_ =	swait.ge [sflag:s21], $0x4000;
	(pc) =	sbr.rel @p0 .LBB2_2-.Ltmp0, $4  }
0x3e: {  	[sflag:s21] =	ssyncset.done $0x0  }
0x3f: {  	[sflag:s21] =	ssyncadd.s32 $0xFFFFC000  }
0x40: {  	_ =	swait.ge [sflag:s22], $0x4000  }
0x41: {  	s25 =	smov.u32 s28;
	[sflag:s22] =	ssyncset.done $0x0  }
0x42: {  	s24 =	sshra.s32 s24, $0x2;
	[sflag:s22] =	ssyncadd.s32 $0xFFFFC000  }
0x43: {  	[tilespmem:s17], [sflag:$0x1] =	stream.indirect.gather [hbm4b:s4+s16], $0x80, s24, s16, $0xb8;
	[tilespmem:$0x1E800] =	vst v63  }
0x44: {  	s25 =	sadd.s32 $0x80, s24  }
0x45: {  	[tilespmem:s18], [sflag:$0x2] =	stream.indirect.gather [hbm4b:s4+s16], $0x80, s25, s16, $0xb8;
	[tilespmem:$0x1E800] =	vst v63  }
0x46: {  	_ =	swait.ge [sflag:s19], $0x4000  }
0x47: {  	[sflag:s19] =	ssyncset.done $0x0  }
0x48: {  	s31 =	sadd.s32 $0x1400, s24;
	[sflag:s19] =	ssyncadd.s32 $0xFFFFC000  }
0x49: {  	[spmem:s2] =	stream.indirect.scatter.add.f32 [tilespmem:s17], [sflag:$0x3], $0x80, s31, s16, $0xb8;
	[tilespmem:$0x1E800] =	vst v63  }
0x4a: {  	_ =	swait.ge [sflag:s20], $0x4000  }
0x4b: {  	[sflag:s20] =	ssyncset.done $0x0  }
0x4c: {  	s24 =	sadd.s32 $0x1480, s24;
	[sflag:s20] =	ssyncadd.s32 $0xFFFFC000  }
0x4d: {  	[spmem:s2] =	stream.indirect.scatter.add.f32 [tilespmem:s18], [sflag:$0x4], $0x80, s24, s16, $0xb8;
	[tilespmem:$0x1E800] =	vst v63  }
0x4e: {  	_ =	swait.ge [sflag:s21], $0x4000  }
0x4f: {  	[sflag:s21] =	ssyncset.done $0x0  }
0x50: {  	[sflag:s21] =	ssyncadd.s32 $0xFFFFC000  }
0x51: {  	_ =	swait.ge [sflag:s22], $0x4000  }
0x52: {  	[sflag:s22] =	ssyncset.done $0x0  }
0x53: {  	s26 =	simm.s32 $0x0;
	[sflag:s22] =	ssyncadd.s32 $0xFFFFC000  }
0x54: {  	[tilespmem:s26], [sflag:$0x5] =	stream.linear.gather [hbm4b:s9+s26], $0x1400, $0x38;
	[tilespmem:$0x1E800] =	vst v63  }
0x55: {  	_ =	swait.ge [sflag:s14], $0x1400  }
0x56: {  	[sflag:s14] =	ssyncset.done $0x0  }
0x57: {  	[sflag:s14] =	ssyncadd.s32 $0xFFFFEC00  }
0x58: {  	[tilespmem:s15], [sflag:$0x5] =	stream.linear.gather [hbm4b:s10+s26], $0x1400, $0x38;
	[tilespmem:$0x1E800] =	vst v63  }
0x59: {  	_ =	swait.ge [sflag:s14], $0x1400  }
0x5a: {  	[sflag:s14] =	ssyncset.done $0x0  }
0x5b: {  	s28 =	simm.s32 $0x0;
	[sflag:s14] =	ssyncadd.s32 $0xFFFFEC00  }
0x5c: {  	[tilespmem:s17], [sflag:$0x1] =	stream.indirect.gather [hbm4b:s4+s16], $0x80, s28, s16, $0xb8;
	[tilespmem:$0x1E800] =	vst v63  }
0x5d: {  	s29 =	simm.s32 $0x80  }
0x5e: {  	[tilespmem:s18], [sflag:$0x2] =	stream.indirect.gather [hbm4b:s4+s16], $0x80, s29, s16, $0xb8;
	[tilespmem:$0x1E800] =	vst v63  }
0x5f: {  	_ =	swait.ge [sflag:s19], $0x4000  }
0x60: {  	[sflag:s19] =	ssyncset.done $0x0  }
0x61: {  	s30 =	simm.s32 $0x1400;
	[sflag:s19] =	ssyncadd.s32 $0xFFFFC000  }
0x62: {  	[spmem:s2] =	stream.indirect.scatter.add.f32 [tilespmem:s17], [sflag:$0x3], $0x80, s30, s16, $0xb8;
	[tilespmem:$0x1E800] =	vst v63  }
0x63: {  	_ =	swait.ge [sflag:s20], $0x4000  }
0x64: {  	[sflag:s20] =	ssyncset.done $0x0  }
0x65: {  	s31 =	simm.s32 $0x1480;
	[sflag:s20] =	ssyncadd.s32 $0xFFFFC000  }
0x66: {  	[spmem:s2] =	stream.indirect.scatter.add.f32 [tilespmem:s18], [sflag:$0x4], $0x80, s31, s16, $0xb8;
	[tilespmem:$0x1E800] =	vst v63  }
0x67: {  	_ =	swait.ge [sflag:s21], $0x4000  }
0x68: {  	[sflag:s21] =	ssyncset.done $0x0  }
0x69: {  	[sflag:s21] =	ssyncadd.s32 $0xFFFFC000  }
0x6a: {  	_ =	swait.ge [sflag:s22], $0x4000  }
0x6b: {  	s25 =	simm.s32 $0x800;
	s24 =	simm.s32 $0x400;
	[sflag:s22] =	ssyncset.done $0x0  }
.LBB2_4:
0x6c: {  	s26 =	sshra.s32 s24, $0x2  }
0x6d: {  	[sflag:s22] =	ssyncadd.s32 $0xFFFFC000;
	s24 =	smov.u32 s25;
	s28 =	sadd.s32 $0x400, s25  }
0x6e: {  	[tilespmem:s17], [sflag:$0x1] =	stream.indirect.gather [hbm4b:s4+s16], $0x80, s26, s16, $0xb8;
	[tilespmem:$0x1E800] =	vst v63  }
0x6f: {  	p0 =	sne.s32 s25, $0x4C00;
	s25 =	sadd.s32 $0x80, s26  }
0x70: {  	[tilespmem:s18], [sflag:$0x2] =	stream.indirect.gather [hbm4b:s4+s16], $0x80, s25, s16, $0xb8;
	[tilespmem:$0x1E800] =	vst v63  }
0x71: {  	_ =	swait.ge [sflag:s19], $0x4000  }
0x72: {  	[sflag:s19] =	ssyncset.done $0x0  }
0x73: {  	s25 =	sadd.s32 $0x1400, s26;
	[sflag:s19] =	ssyncadd.s32 $0xFFFFC000  }
0x74: {  	[spmem:s2] =	stream.indirect.scatter.add.f32 [tilespmem:s17], [sflag:$0x3], $0x80, s25, s16, $0xb8;
	[tilespmem:$0x1E800] =	vst v63  }
0x75: {  	_ =	swait.ge [sflag:s20], $0x4000  }
0x76: {  	[sflag:s20] =	ssyncset.done $0x0  }
0x77: {  	s25 =	sadd.s32 $0x1480, s26;
	[sflag:s20] =	ssyncadd.s32 $0xFFFFC000  }
0x78: {  	[spmem:s2] =	stream.indirect.scatter.add.f32 [tilespmem:s18], [sflag:$0x4], $0x80, s25, s16, $0xb8;
	[tilespmem:$0x1E800] =	vst v63  }
.Ltmp1:
0x79: {  	_ =	swait.ge [sflag:s21], $0x4000;
	(pc) =	sbr.rel @p0 .LBB2_4-.Ltmp1, $4  }
0x7a: {  	[sflag:s21] =	ssyncset.done $0x0  }
0x7b: {  	[sflag:s21] =	ssyncadd.s32 $0xFFFFC000  }
0x7c: {  	_ =	swait.ge [sflag:s22], $0x4000  }
0x7d: {  	s25 =	smov.u32 s28;
	[sflag:s22] =	ssyncset.done $0x0  }
0x7e: {  	s24 =	sshra.s32 s24, $0x2;
	[sflag:s22] =	ssyncadd.s32 $0xFFFFC000  }
0x7f: {  	[tilespmem:s17], [sflag:$0x1] =	stream.indirect.gather [hbm4b:s4+s16], $0x80, s24, s16, $0xb8;
	[tilespmem:$0x1E800] =	vst v63  }
0x80: {  	s25 =	sadd.s32 $0x80, s24  }
0x81: {  	[tilespmem:s18], [sflag:$0x2] =	stream.indirect.gather [hbm4b:s4+s16], $0x80, s25, s16, $0xb8;
	[tilespmem:$0x1E800] =	vst v63  }
0x82: {  	_ =	swait.ge [sflag:s19], $0x4000  }
0x83: {  	[sflag:s19] =	ssyncset.done $0x0  }
0x84: {  	s31 =	sadd.s32 $0x1400, s24;
	[sflag:s19] =	ssyncadd.s32 $0xFFFFC000  }
0x85: {  	[spmem:s2] =	stream.indirect.scatter.add.f32 [tilespmem:s17], [sflag:$0x3], $0x80, s31, s16, $0xb8;
	[tilespmem:$0x1E800] =	vst v63  }
0x86: {  	_ =	swait.ge [sflag:s20], $0x4000  }
0x87: {  	[sflag:s20] =	ssyncset.done $0x0  }
0x88: {  	s24 =	sadd.s32 $0x1480, s24;
	[sflag:s20] =	ssyncadd.s32 $0xFFFFC000  }
0x89: {  	[spmem:s2] =	stream.indirect.scatter.add.f32 [tilespmem:s18], [sflag:$0x4], $0x80, s24, s16, $0xb8;
	[tilespmem:$0x1E800] =	vst v63  }
0x8a: {  	_ =	swait.ge [sflag:s21], $0x4000  }
0x8b: {  	[sflag:s21] =	ssyncset.done $0x0  }
0x8c: {  	[sflag:s21] =	ssyncadd.s32 $0xFFFFC000  }
0x8d: {  	_ =	swait.ge [sflag:s22], $0x4000  }
0x8e: {  	s23 =	sadd.s32 $0x1, s23;
	[sflag:s22] =	ssyncset.done $0x0  }
0x8f: {  	p0 =	sne.s32 s23, s12;
	[sflag:s22] =	ssyncadd.s32 $0xFFFFC000  }
.Ltmp2:
0x90: {  	[bflag:$0x0] =	sbarrier.arrive $0xFFFF;
	(pc) =	sbr.rel @p0 .LBB2_1-.Ltmp2, $4  }
0x91: {  	[hbm:s11], [sflag:s6] =	dma.local [spmem:s13], $0x2800  }
0x92: {  	_ =	swait.ge [sflag:s14], $0x2800  }
0x93: {  	[sflag:s14] =	ssyncset.done $0x0  }
0x94: {  	[sflag:s14] =	ssyncadd.s32 $0xFFFFD800  }
0x95: {  	_ =	sfence.sel $0x180000  }
0x96: {  	[bflag:$0x0] =	sbarrier.arrive $0xFFFF  }
0x97: {  	p0 =	sne.s32 s1, $0x0;
	_ =	strace $0x90000059  }
0x98: {  	s0 =	sadd.s32 @!p0 $0x100000, s0;
	[bflag:$0x2] =	sbarrier.arrive $0xFFFF  }
0x99: {  	[sflag:s0] =	ssyncadd.tile.s32 @!p0 $0x1;
	_ =	shalt  }
.Lfunc_end2:
_tile_overlayer_lowered:
.L_overlay_start_2:
0x9a: {  	(tag) =	ssettag $0x2  }
0x9b: {  	s0 =	rddreg [dreg:$0x0];
	s2 =	stileid.u32  }
0x9c: {  	s1 =	rddreg [dreg:$0x1];
	p0 =	sne.s32 s2, $0x0  }
0x9d: {  	s3 =	rddreg [dreg:$0x2];
	[bflag:$0x3] =	sbarrier.arrive $0xFFFF;
	s2 =	simm.s32 @!p0 $0x1C05  }
0x9e: {  	[timem:s3], [sflag:s2] =	dma.local @!p0 [hbm:s0], s1  }
0x9f: {  	s0 =	simm.s32 @!p0 $0x5  }
0xa0: {  	_ =	swait.ge @!p0 [sflag:s0], s1  }
0xa1: {  	s1 =	ssub.s32 @!p0 $0x0, s1;
	[sflag:s0] =	ssyncset.done @!p0 $0x0  }
0xa2: {  	[sflag:s0] =	ssyncadd.s32 @!p0 s1  }
0xa3: {  	[bflag:$0x3] =	sbarrier.arrive $0xFFFF  }
0xa4: {  	_ =	shalt  }

// kernel: kernel.38.cloned.1.call-start
scs
__scs_entry_jumppad:
0x0: {  	(pc) =	sbr.rel $0x88, $3  }
0x1: {  	(tag) =	ssettag $0x0;
	lr =	simm.s32 $0x1  }
0x2: {  	[smem:$0x3F76] =	sst lr;
	_ =	strace $0xD0000000  }
0x3: {  	_ = 	snop  }
0x4: {  	_ = 	snop  }
0x5: {  	_ = 	snop  }
0x6: {  	_ = 	snop  }
0x7: {  	_ = 	snop  }
__scs_overlays_trampoline_lowered:
0x8: {  	[smem:$0x3F85] =	sst s0  }
0x9: {  	[smem:$0x3F86] =	sst s1  }
0xa: {  	[smem:$0x3F87] =	sst s2  }
0xb: {  	[smem:$0x3F88] =	sst s3  }
0xc: {  	[smem:$0x3F89] =	sst s4  }
0xd: {  	[smem:$0x3F8A] =	sst s5  }
0xe: {  	[smem:$0x3F8B] =	sst s6  }
0xf: {  	[smem:$0x3F8C] =	sst s7  }
0x10: {  	[smem:$0x3F8D] =	sst s8  }
0x11: {  	[smem:$0x3F8E] =	sst s9;
	s0 =	simm.s32 @!p0 $0x0  }
0x12: {  	s1 =	sld [smem:$0x3F74];
	s0 =	simm.s32 @p0 $0x1  }
0x13: {  	[smem:$0x3F8F] =	sst s0;
	s0 =	simm.s32 @!p1 $0x0  }
0x14: {  	s2 =	sld [smem:$0x3F73];
	s0 =	simm.s32 @p1 $0x1  }
0x15: {  	[smem:$0x3F90] =	sst s0;
	s0 =	simm.s32 @!p2 $0x0  }
0x16: {  	s3 =	sld [smem:$0x3FDB];
	s0 =	simm.s32 @p2 $0x1  }
0x17: {  	s4 =	simm.s32 $0x1BF5;
	[smem:$0x3F92] =	sst s0  }
0x18: {  	s0 =	sld [smem:$0x3F75];
	_ =	swait.ge [sflag:s4], $0x0  }
0x19: {  	s7 =	sld [smem:$0x3F76]  }
0x1a: {  	s8 =	sadd.s32 $0xFFFFE003, lr  }
0x1b: {  	s9 =	sadd.s32 $0xFFFFFEF7, lr;
	s5 =	simm.s32 $0xFFFFFFFF;
	p2 =	slt.u32 s8, $0xFFFFF086  }
0x1c: {  	p1 =	slt.u32 s9, $0xF7A;
	s5 =	simm.s32 @!p2 $0x0  }
0x1d: {  	s5 =	simm.s32 @p1 $0x1;
	p0 =	seq.s32 s7, s2  }
0x1e: {  	s7 =	smul.u32 @!p0 $0xF7A, s2;
	p2 =	seq.s32 @!p0 s5, $0x0  }
0x1f: {  	s9 =	smul.u32 $0xF7A, s1;
	s8 =	simm.s32 @!p0 $0x1BF5;
	p2 =	por !p2, p0  }
0x20: {  	[sflag:s8] =	ssyncset.s32 @!p0 $0xFFFFF086;
	s6 =	sadd.s32 @!p0 s3, s7;
	s7 =	simm.s32 @!p0 $0x108  }
0x21: {  	s3 =	sadd.s32 s3, s9;
	s6 =	sadd.s32 @!p0 $0x88, s6;
	s7 =	simm.s32 @p2 $0x1082  }
0x22: {  	[simem:s7], [sflag:s8] =	dma.local @!p0 [hbm:s6], $0xF7A  }
0x23: {  	s9 =	sor.u32 $0xD0000000, s2;
	s6 =	simm.s32 $0x108;
	_ =	swait.ge @!p0 [sflag:s8], $0x0  }
0x24: {  	s3 =	sadd.s32 $0x88, s3;
	s6 =	simm.s32 @!p1 $0x1082;
	[sflag:s4] =	ssyncset.s32 $0xFFFFF086  }
0x25: {  	[simem:s6], [sflag:s4] =	dma.local [hbm:s3], $0xF7A  }
0x26: {  	[smem:$0x3F76] =	sst s1;
	(tag) =	ssettag s2;
	_ =	strace s9  }
0x27: {  	s1 =	sld [smem:$0x3F86]  }
0x28: {  	s2 =	sld [smem:$0x3F87]  }
0x29: {  	s4 =	sld [smem:$0x3F89]  }
0x2a: {  	p0 =	seq.s32 s5, $0x0;
	s5 =	sld [smem:$0x3F8A]  }
0x2b: {  	s6 =	sld [smem:$0x3F8B]  }
0x2c: {  	s7 =	sld [smem:$0x3F8C]  }
0x2d: {  	s3 =	simm.s32 $0x108;
	s8 =	sld [smem:$0x3F8D]  }
0x2e: {  	s3 =	simm.s32 @!p0 $0x1082;
	s9 =	sld [smem:$0x3F8E]  }
0x2f: {  	lr =	sadd.s32 s0, s3;
	s0 =	sld [smem:$0x3F85]  }
0x30: {  	s3 =	sld [smem:$0x3F88]  }
0x31: {  	[smem:$0x3F91] =	sst s10  }
0x32: {  	s10 =	sld [smem:$0x3F8F];
	_ =	sdelay $0x3  }
0x33: {  	p0 =	seq.s32 s10, $0x1;
	s10 =	sld [smem:$0x3F91];
	_ =	sdelay $0x3  }
0x34: {  	[smem:$0x3F91] =	sst s10  }
0x35: {  	s10 =	sld [smem:$0x3F90];
	_ =	sdelay $0x3  }
0x36: {  	p1 =	seq.s32 s10, $0x1;
	s10 =	sld [smem:$0x3F91];
	_ =	sdelay $0x3  }
0x37: {  	[smem:$0x3F91] =	sst s10  }
0x38: {  	s10 =	sld [smem:$0x3F92]  }
0x39: {  	_ = 	snop;
	(pc) =	sbr.ind lr, $3  }
0x3a: {  	_ = 	snop  }
0x3b: {  	_ = 	snop  }
0x3c: {  	p2 =	seq.s32 s10, $0x1;
	s10 =	sld [smem:$0x3F91]  }
0x3d: {  	_ =	shalt  }
0x3e: {  	_ =	shalt  }
0x3f: {  	_ =	shalt  }
0x40: {  	_ =	shalt  }
0x41: {  	_ =	shalt  }
0x42: {  	_ =	shalt  }
0x43: {  	_ =	shalt  }
0x44: {  	_ =	shalt  }
0x45: {  	_ =	shalt  }
0x46: {  	_ =	shalt  }
0x47: {  	_ =	shalt  }
0x48: {  	_ =	shalt  }
0x49: {  	_ =	shalt  }
0x4a: {  	_ =	shalt  }
0x4b: {  	_ =	shalt  }
0x4c: {  	_ =	shalt  }
0x4d: {  	_ =	shalt  }
0x4e: {  	_ =	shalt  }
0x4f: {  	_ =	shalt  }
0x50: {  	_ =	shalt  }
0x51: {  	_ =	shalt  }
0x52: {  	_ =	shalt  }
0x53: {  	_ =	shalt  }
0x54: {  	_ =	shalt  }
0x55: {  	_ =	shalt  }
0x56: {  	_ =	shalt  }
0x57: {  	_ =	shalt  }
0x58: {  	_ =	shalt  }
0x59: {  	_ =	shalt  }
0x5a: {  	_ =	shalt  }
0x5b: {  	_ =	shalt  }
0x5c: {  	_ =	shalt  }
0x5d: {  	_ =	shalt  }
0x5e: {  	_ =	shalt  }
0x5f: {  	_ =	shalt  }
0x60: {  	_ =	shalt  }
0x61: {  	_ =	shalt  }
0x62: {  	_ =	shalt  }
0x63: {  	_ =	shalt  }
0x64: {  	_ =	shalt  }
0x65: {  	_ =	shalt  }
0x66: {  	_ =	shalt  }
0x67: {  	_ =	shalt  }
0x68: {  	_ =	shalt  }
0x69: {  	_ =	shalt  }
0x6a: {  	_ =	shalt  }
0x6b: {  	_ =	shalt  }
0x6c: {  	_ =	shalt  }
0x6d: {  	_ =	shalt  }
0x6e: {  	_ =	shalt  }
0x6f: {  	_ =	shalt  }
0x70: {  	_ =	shalt  }
0x71: {  	_ =	shalt  }
0x72: {  	_ =	shalt  }
0x73: {  	_ =	shalt  }
0x74: {  	_ =	shalt  }
0x75: {  	_ =	shalt  }
0x76: {  	_ =	shalt  }
0x77: {  	_ =	shalt  }
0x78: {  	_ =	shalt  }
0x79: {  	_ =	shalt  }
0x7a: {  	_ =	shalt  }
0x7b: {  	_ =	shalt  }
0x7c: {  	_ =	shalt  }
0x7d: {  	_ =	shalt  }
0x7e: {  	_ =	shalt  }
0x7f: {  	_ =	shalt  }
0x80: {  	_ =	shalt  }
0x81: {  	_ =	shalt  }
0x82: {  	_ =	shalt  }
0x83: {  	_ =	shalt  }
0x84: {  	_ =	shalt  }
0x85: {  	_ =	shalt  }
0x86: {  	_ =	shalt  }
0x87: {  	_ =	shalt  }
.Lfunc_end0:
.L_simem_size_0:
called_computation.6_lowered:
.L_overlay_start_0:
0x88: {  	s2 =	sld [smem:$0x3FD9]  }
0x89: {  	s3 =	sld [smem:$0x3FFE];
	_ =	sdelay $0x1  }
0x8a: {  	s1 =	srdreg.scid  }
0x8b: {  	s0 =	sand.u32 $0x1, s1  }
0x8c: {  	s16 =	sshll.u32 s0, $0xA;
	s2 =	sadd.s32 s3, s2  }
0x8d: {  	s2 =	sadd.s32 s2, s16  }
0x8e: {  	[smem:$0x3F9D] =	sst s2  }
0x8f: {  	_ = 	snop  }
0x90: {  	(tm) =	ssettm $0x1  }
0x91: {  	s17 =	sld [smem:$0x3FFB];
	_ =	sdelay $0x3  }
0x92: {  	_ =	strace s17  }
0x93: {  	s2 =	sld [smem:$0x3FFC];
	_ =	sdelay $0x3  }
0x94: {  	_ =	strace s2  }
0x95: {  	s2 =	sld [smem:$0x3FFD];
	_ =	sdelay $0x3  }
0x96: {  	_ =	strace s2  }
0x97: {  	_ =	strace $0x8FFFFFFF  }
0x98: {  	s18 =	sld [smem:$0x3FDB];
	_ =	sdelay $0x1  }
0x99: {  	s19 =	simm.s32 $_scs_section_size  }
0x9a: {  	s4 =	simm.s32 $_size__tile_overlayer_lowered;
	s5 =	simm.s32 $_tile_overlayer_lowered  }
0x9b: {  	s22 =	simm.s32 $0x1BFF;
	s21 =	sshll.u32 s5, $0x1;
	s2 =	sadd.s32 s19, s18  }
0x9c: {  	s6 =	simm.s32 $0x0;
	s20 =	sshll.u32 s4, $0x1;
	s4 =	sadd.s32 s21, s2  }
0x9d: {  	[timem:s6], [sflag:s22] =	dma.local [hbm:s4], s20  }
0x9e: {  	_ =	swait.ge [sflag:s22], s20  }
0x9f: {  	s3 =	ssub.s32 $0x0, s20;
	[sflag:s22] =	ssyncset.done $0x0  }
0xa0: {  	[sflag:s22] =	ssyncadd.s32 s3;
	_ =	sdelay $0x1  }
0xa1: {  	s23 =	simm.s32 $0x1B8B  }
0xa2: {  	_ =	swait.ge [sflag:s23], $0x1  }
0xa3: {  	[sflag:s23] =	ssyncset.done $0x0  }
0xa4: {  	s25 =	simm.s32 $0x1B8E;
	s24 =	sld [smem:$0x3FFE];
	[sflag:s23] =	ssyncadd.s32 $0xFFFFFFFF  }
0xa5: {  	s26 =	simm.s32 $execute0_lowered;
	[smem:$0x3FD2] =	sst s25  }
0xa6: {  	s4 =	sshll.u32 s26, $0x1;
	_ =	strace $0x80000055;
	[dreg:$0x1] =	wrdreg $0xFFFFFFFF  }
0xa7: {  	s28 =	simm.s32 $_size_execute0_lowered;
	s2 =	sadd.s32 s2, s4;
	[dreg:$0x0] =	wrdreg $0x0  }
0xa8: {  	s4 =	sshll.u32 s28, $0x1;
	[dreg:$0x2] =	wrdreg s2  }
0xa9: {  	[dreg:$0x3] =	wrdreg s4  }
0xaa: {  	[dreg:$0x4] =	wrdreg $0xC0  }
0xab: {  	_ =	task [dreg:s6], $0x5FFFF  }
0xac: {  	[dreg:$0x1] =	wrdreg $0xFFFFFFFF  }
0xad: {  	[dreg:$0x0] =	wrdreg $0x60  }
0xae: {  	[dreg:$0x2] =	wrdreg s24  }
0xaf: {  	[dreg:$0x3] =	wrdreg $0xA8000  }
0xb0: {  	[dreg:$0x4] =	wrdreg $0xA  }
0xb1: {  	_ =	task.clear_ibuf [dreg:s6], $0x5FFFF;
	_ =	strace $0x90000055  }
0xb2: {  	s29 =	simm.s32 $0xA;
	_ =	strace $0x80000057  }
0xb3: {  	_ =	swait.ge [sflag:s29], $0x1  }
0xb4: {  	[sflag:s29] =	ssyncadd.s32 $0xFFFFFFFF  }
0xb5: {  	_ =	strace $0x90000057  }
0xb6: {  	_ =	sfence  }
0xb7: {  	s30 =	sld [smem:$0x0];
	_ =	sdelay $0x2  }
0xb8: {  	s31 =	sshll.u32 s1, $0xD;
	s1 =	sshrl.u32 s1, $0x2  }
0xb9: {  	s3 =	sand.u32 $0x4000, s31;
	s1 =	sadd.s32 s1, s30  }
0xba: {  	s0 =	sor.u32 s3, s0;
	s1 =	sshll.u32 s1, $0x11  }
0xbb: {  	s0 =	sor.u32 s1, s0  }
0xbc: {  	s0 =	sadd.s32 $0x8F2B, s0  }
0xbd: {  	[sflag:s0] =	ssyncadd.remote.s32 $0x1  }
0xbe: {  	_ =	sfence.sel $0xFFFF  }
0xbf: {  	[dreg:$0x0] =	wrdreg $0xFFFFFFFF;
	(pc) =	sbr.abs _section_cstart, $3  }
0xc0: {  	[dreg:$0x1] =	wrdreg $0xFFFFFFFF  }
0xc1: {  	_ =	task.clear_ibuf [dreg:s6], $0x2FFFF;
	_ =	strace $0x9FFFFFFF  }
0xc2: {  	(tm) =	ssettm $0x7FFFFFFF  }
0xc3: {  	_ =	shalt  }
tec
execute0_lowered:
.L_overlay_start_1:
0x0: {  	(tag) =	ssettag $0x1  }
0x1: {  	s5 =	rddreg [dreg:$0x0]  }
0x2: {  	s2 =	rddreg [dreg:$0x1]  }
0x3: {  	s0 =	rddreg [dreg:$0x2];
	s3 =	simm.s32 $0x0;
	s1 =	stileid.u32  }
0x4: {  	s4 =	srdreg.scid;
	s16 =	simm.s32 $0x80;
	s17 =	simm.s32 $0x2800  }
0x5: {  	s18 =	simm.s32 $0x6800;
	s19 =	simm.s32 $0x1;
	s20 =	simm.s32 $0x2  }
0x6: {  	s21 =	simm.s32 $0x3;
	s22 =	simm.s32 $0x4;
	s23 =	simm.s32 $0x0  }
0x7: {  	[smem:$0x7FF] =	sst s3;
	s6 =	smul.u32 $0x14000, s1;
	s7 =	sand.u32 $0x1, s4  }
0x8: {  	s4 =	sadd.s32 $0x1D400, s5;
	s9 =	sadd.s32 $0x13400, s5;
	s11 =	sadd.s32 $0x9400, s5  }
0x9: {  	s25 =	smul.u32 $0x50000, s1;
	s12 =	sshll.u32 s1, $0x1;
	s30 =	sshll.u32 s1, $0x6  }
0xa: {  	_ =	strace $0x80000056;
	s8 =	smul.u32 $0x140000, s7;
	s26 =	ssub.s32 $0x2, s7  }
0xb: {  	s28 =	sor.u32 s7, s12;
	s10 =	sshrl.u32 s6, $0x3;
	s29 =	sshrl.u32 s26, $0x1  }
0xc: {  	s12 =	smul.u32 $0x2800, s28;
	s10 =	sadd.s32 s10, s5;
	s6 =	sadd.s32 s6, s8  }
0xd: {  	s8 =	sshrl.u32 s25, $0x2;
	s14 =	ssub.s32 s26, s29;
	s6 =	sshrl.u32 s6, $0x3  }
0xe: {  	s15 =	sadd.s32 s8, s2;
	s31 =	sshrl.u32 s12, $0x3;
	s12 =	smax.u32 s14, $0x1  }
0xf: {  	s14 =	simm.s32 $0x5;
	s13 =	sadd.s32 s6, s5;
	s5 =	sadd.s32 $0x45400, s10  }
0x10: {  	s6 =	sor.u32 $0x1C05, s30;
	s7 =	sadd.s32 s9, s31;
	s10 =	sadd.s32 $0x280, s31  }
0x11: {  	s8 =	sadd.s32 s11, s31;
	s9 =	sadd.s32 s9, s10;
	s10 =	sadd.s32 s11, s10  }
0x12: {  	s11 =	sadd.s32 $0x6D400, s13;
	s13 =	sshrl.u32 s15, $0x3;
	s15 =	simm.s32 $0x1400  }
.LBB2_1:
0x13: {  	[spmem:s13], [sflag:s6] =	dma.local [hbm:s5], $0x2800  }
0x14: {  	_ =	swait.ge [sflag:s14], $0x2800  }
0x15: {  	[sflag:s14] =	ssyncset.done $0x0  }
0x16: {  	[sflag:s14] =	ssyncadd.s32 $0xFFFFD800  }
0x17: {  	[bflag:$0x0] =	sbarrier.arrive $0xFFFF  }
0x18: {  	[tilespmem:s3], [sflag:$0x5] =	stream.linear.gather [hbm4b:s7+s3], $0x1400, $0x38;
	[tilespmem:$0x1E800] =	vst v63  }
0x19: {  	_ =	swait.ge [sflag:s14], $0x1400  }
0x1a: {  	[sflag:s14] =	ssyncset.done $0x0  }
0x1b: {  	[sflag:s14] =	ssyncadd.s32 $0xFFFFEC00  }
0x1c: {  	[tilespmem:s15], [sflag:$0x5] =	stream.linear.gather [hbm4b:s8+s3], $0x1400, $0x38;
	[tilespmem:$0x1E800] =	vst v63  }
0x1d: {  	_ =	swait.ge [sflag:s14], $0x1400  }
0x1e: {  	[sflag:s14] =	ssyncset.done $0x0  }
0x1f: {  	s24 =	simm.s32 $0x0;
	[sflag:s14] =	ssyncadd.s32 $0xFFFFEC00  }
0x20: {  	[tilespmem:s17], [sflag:$0x1] =	stream.indirect.gather [hbm4b:s4+s16], $0x80, s24, s16, $0xb8;
	[tilespmem:$0x1E800] =	vst v63  }
0x21: {  	s29 =	simm.s32 $0x80  }
0x22: {  	[tilespmem:s18], [sflag:$0x2] =	stream.indirect.gather [hbm4b:s4+s16], $0x80, s29, s16, $0xb8;
	[tilespmem:$0x1E800] =	vst v63  }
0x23: {  	_ =	swait.ge [sflag:s19], $0x4000  }
0x24: {  	[sflag:s19] =	ssyncset.done $0x0  }
0x25: {  	s30 =	simm.s32 $0x1400;
	[sflag:s19] =	ssyncadd.s32 $0xFFFFC000  }
0x26: {  	[spmem:s2] =	stream.indirect.scatter.add.f32 [tilespmem:s17], [sflag:$0x3], $0x80, s30, s16, $0xb8;
	[tilespmem:$0x1E800] =	vst v63  }
0x27: {  	_ =	swait.ge [sflag:s20], $0x4000  }
0x28: {  	[sflag:s20] =	ssyncset.done $0x0  }
0x29: {  	s31 =	simm.s32 $0x1480;
	[sflag:s20] =	ssyncadd.s32 $0xFFFFC000  }
0x2a: {  	[spmem:s2] =	stream.indirect.scatter.add.f32 [tilespmem:s18], [sflag:$0x4], $0x80, s31, s16, $0xb8;
	[tilespmem:$0x1E800] =	vst v63  }
0x2b: {  	_ =	swait.ge [sflag:s21], $0x4000  }
0x2c: {  	[sflag:s21] =	ssyncset.done $0x0  }
0x2d: {  	[sflag:s21] =	ssyncadd.s32 $0xFFFFC000  }
0x2e: {  	_ =	swait.ge [sflag:s22], $0x4000  }
0x2f: {  	s25 =	simm.s32 $0x800;
	s24 =	simm.s32 $0x400;
	[sflag:s22] =	ssyncset.done $0x0  }
.LBB2_2:
0x30: {  	s26 =	sshra.s32 s24, $0x2  }
0x31: {  	[sflag:s22] =	ssyncadd.s32 $0xFFFFC000;
	s24 =	smov.u32 s25;
	s28 =	sadd.s32 $0x400, s25  }
0x32: {  	[tilespmem:s17], [sflag:$0x1] =	stream.indirect.gather [hbm4b:s4+s16], $0x80, s26, s16, $0xb8;
	[tilespmem:$0x1E800] =	vst v63  }
0x33: {  	p0 =	sne.s32 s25, $0x4C00;
	s25 =	sadd.s32 $0x80, s26  }
0x34: {  	[tilespmem:s18], [sflag:$0x2] =	stream.indirect.gather [hbm4b:s4+s16], $0x80, s25, s16, $0xb8;
	[tilespmem:$0x1E800] =	vst v63  }
0x35: {  	_ =	swait.ge [sflag:s19], $0x4000  }
0x36: {  	[sflag:s19] =	ssyncset.done $0x0  }
0x37: {  	s25 =	sadd.s32 $0x1400, s26;
	[sflag:s19] =	ssyncadd.s32 $0xFFFFC000  }
0x38: {  	[spmem:s2] =	stream.indirect.scatter.add.f32 [tilespmem:s17], [sflag:$0x3], $0x80, s25, s16, $0xb8;
	[tilespmem:$0x1E800] =	vst v63  }
0x39: {  	_ =	swait.ge [sflag:s20], $0x4000  }
0x3a: {  	[sflag:s20] =	ssyncset.done $0x0  }
0x3b: {  	s25 =	sadd.s32 $0x1480, s26;
	[sflag:s20] =	ssyncadd.s32 $0xFFFFC000  }
0x3c: {  	[spmem:s2] =	stream.indirect.scatter.add.f32 [tilespmem:s18], [sflag:$0x4], $0x80, s25, s16, $0xb8;
	[tilespmem:$0x1E800] =	vst v63  }
.Ltmp0:
0x3d: {  	_ =	swait.ge [sflag:s21], $0x4000;
	(pc) =	sbr.rel @p0 .LBB2_2-.Ltmp0, $4  }
0x3e: {  	[sflag:s21] =	ssyncset.done $0x0  }
0x3f: {  	[sflag:s21] =	ssyncadd.s32 $0xFFFFC000  }
0x40: {  	_ =	swait.ge [sflag:s22], $0x4000  }
0x41: {  	s25 =	smov.u32 s28;
	[sflag:s22] =	ssyncset.done $0x0  }
0x42: {  	s24 =	sshra.s32 s24, $0x2;
	[sflag:s22] =	ssyncadd.s32 $0xFFFFC000  }
0x43: {  	[tilespmem:s17], [sflag:$0x1] =	stream.indirect.gather [hbm4b:s4+s16], $0x80, s24, s16, $0xb8;
	[tilespmem:$0x1E800] =	vst v63  }
0x44: {  	s25 =	sadd.s32 $0x80, s24  }
0x45: {  	[tilespmem:s18], [sflag:$0x2] =	stream.indirect.gather [hbm4b:s4+s16], $0x80, s25, s16, $0xb8;
	[tilespmem:$0x1E800] =	vst v63  }
0x46: {  	_ =	swait.ge [sflag:s19], $0x4000  }
0x47: {  	[sflag:s19] =	ssyncset.done $0x0  }
0x48: {  	s31 =	sadd.s32 $0x1400, s24;
	[sflag:s19] =	ssyncadd.s32 $0xFFFFC000  }
0x49: {  	[spmem:s2] =	stream.indirect.scatter.add.f32 [tilespmem:s17], [sflag:$0x3], $0x80, s31, s16, $0xb8;
	[tilespmem:$0x1E800] =	vst v63  }
0x4a: {  	_ =	swait.ge [sflag:s20], $0x4000  }
0x4b: {  	[sflag:s20] =	ssyncset.done $0x0  }
0x4c: {  	s24 =	sadd.s32 $0x1480, s24;
	[sflag:s20] =	ssyncadd.s32 $0xFFFFC000  }
0x4d: {  	[spmem:s2] =	stream.indirect.scatter.add.f32 [tilespmem:s18], [sflag:$0x4], $0x80, s24, s16, $0xb8;
	[tilespmem:$0x1E800] =	vst v63  }
0x4e: {  	_ =	swait.ge [sflag:s21], $0x4000  }
0x4f: {  	[sflag:s21] =	ssyncset.done $0x0  }
0x50: {  	[sflag:s21] =	ssyncadd.s32 $0xFFFFC000  }
0x51: {  	_ =	swait.ge [sflag:s22], $0x4000  }
0x52: {  	[sflag:s22] =	ssyncset.done $0x0  }
0x53: {  	s26 =	simm.s32 $0x0;
	[sflag:s22] =	ssyncadd.s32 $0xFFFFC000  }
0x54: {  	[tilespmem:s26], [sflag:$0x5] =	stream.linear.gather [hbm4b:s9+s26], $0x1400, $0x38;
	[tilespmem:$0x1E800] =	vst v63  }
0x55: {  	_ =	swait.ge [sflag:s14], $0x1400  }
0x56: {  	[sflag:s14] =	ssyncset.done $0x0  }
0x57: {  	[sflag:s14] =	ssyncadd.s32 $0xFFFFEC00  }
0x58: {  	[tilespmem:s15], [sflag:$0x5] =	stream.linear.gather [hbm4b:s10+s26], $0x1400, $0x38;
	[tilespmem:$0x1E800] =	vst v63  }
0x59: {  	_ =	swait.ge [sflag:s14], $0x1400  }
0x5a: {  	[sflag:s14] =	ssyncset.done $0x0  }
0x5b: {  	s28 =	simm.s32 $0x0;
	[sflag:s14] =	ssyncadd.s32 $0xFFFFEC00  }
0x5c: {  	[tilespmem:s17], [sflag:$0x1] =	stream.indirect.gather [hbm4b:s4+s16], $0x80, s28, s16, $0xb8;
	[tilespmem:$0x1E800] =	vst v63  }
0x5d: {  	s29 =	simm.s32 $0x80  }
0x5e: {  	[tilespmem:s18], [sflag:$0x2] =	stream.indirect.gather [hbm4b:s4+s16], $0x80, s29, s16, $0xb8;
	[tilespmem:$0x1E800] =	vst v63  }
0x5f: {  	_ =	swait.ge [sflag:s19], $0x4000  }
0x60: {  	[sflag:s19] =	ssyncset.done $0x0  }
0x61: {  	s30 =	simm.s32 $0x1400;
	[sflag:s19] =	ssyncadd.s32 $0xFFFFC000  }
0x62: {  	[spmem:s2] =	stream.indirect.scatter.add.f32 [tilespmem:s17], [sflag:$0x3], $0x80, s30, s16, $0xb8;
	[tilespmem:$0x1E800] =	vst v63  }
0x63: {  	_ =	swait.ge [sflag:s20], $0x4000  }
0x64: {  	[sflag:s20] =	ssyncset.done $0x0  }
0x65: {  	s31 =	simm.s32 $0x1480;
	[sflag:s20] =	ssyncadd.s32 $0xFFFFC000  }
0x66: {  	[spmem:s2] =	stream.indirect.scatter.add.f32 [tilespmem:s18], [sflag:$0x4], $0x80, s31, s16, $0xb8;
	[tilespmem:$0x1E800] =	vst v63  }
0x67: {  	_ =	swait.ge [sflag:s21], $0x4000  }
0x68: {  	[sflag:s21] =	ssyncset.done $0x0  }
0x69: {  	[sflag:s21] =	ssyncadd.s32 $0xFFFFC000  }
0x6a: {  	_ =	swait.ge [sflag:s22], $0x4000  }
0x6b: {  	s25 =	simm.s32 $0x800;
	s24 =	simm.s32 $0x400;
	[sflag:s22] =	ssyncset.done $0x0  }
.LBB2_4:
0x6c: {  	s26 =	sshra.s32 s24, $0x2  }
0x6d: {  	[sflag:s22] =	ssyncadd.s32 $0xFFFFC000;
	s24 =	smov.u32 s25;
	s28 =	sadd.s32 $0x400, s25  }
0x6e: {  	[tilespmem:s17], [sflag:$0x1] =	stream.indirect.gather [hbm4b:s4+s16], $0x80, s26, s16, $0xb8;
	[tilespmem:$0x1E800] =	vst v63  }
0x6f: {  	p0 =	sne.s32 s25, $0x4C00;
	s25 =	sadd.s32 $0x80, s26  }
0x70: {  	[tilespmem:s18], [sflag:$0x2] =	stream.indirect.gather [hbm4b:s4+s16], $0x80, s25, s16, $0xb8;
	[tilespmem:$0x1E800] =	vst v63  }
0x71: {  	_ =	swait.ge [sflag:s19], $0x4000  }
0x72: {  	[sflag:s19] =	ssyncset.done $0x0  }
0x73: {  	s25 =	sadd.s32 $0x1400, s26;
	[sflag:s19] =	ssyncadd.s32 $0xFFFFC000  }
0x74: {  	[spmem:s2] =	stream.indirect.scatter.add.f32 [tilespmem:s17], [sflag:$0x3], $0x80, s25, s16, $0xb8;
	[tilespmem:$0x1E800] =	vst v63  }
0x75: {  	_ =	swait.ge [sflag:s20], $0x4000  }
0x76: {  	[sflag:s20] =	ssyncset.done $0x0  }
0x77: {  	s25 =	sadd.s32 $0x1480, s26;
	[sflag:s20] =	ssyncadd.s32 $0xFFFFC000  }
0x78: {  	[spmem:s2] =	stream.indirect.scatter.add.f32 [tilespmem:s18], [sflag:$0x4], $0x80, s25, s16, $0xb8;
	[tilespmem:$0x1E800] =	vst v63  }
.Ltmp1:
0x79: {  	_ =	swait.ge [sflag:s21], $0x4000;
	(pc) =	sbr.rel @p0 .LBB2_4-.Ltmp1, $4  }
0x7a: {  	[sflag:s21] =	ssyncset.done $0x0  }
0x7b: {  	[sflag:s21] =	ssyncadd.s32 $0xFFFFC000  }
0x7c: {  	_ =	swait.ge [sflag:s22], $0x4000  }
0x7d: {  	s25 =	smov.u32 s28;
	[sflag:s22] =	ssyncset.done $0x0  }
0x7e: {  	s24 =	sshra.s32 s24, $0x2;
	[sflag:s22] =	ssyncadd.s32 $0xFFFFC000  }
0x7f: {  	[tilespmem:s17], [sflag:$0x1] =	stream.indirect.gather [hbm4b:s4+s16], $0x80, s24, s16, $0xb8;
	[tilespmem:$0x1E800] =	vst v63  }
0x80: {  	s25 =	sadd.s32 $0x80, s24  }
0x81: {  	[tilespmem:s18], [sflag:$0x2] =	stream.indirect.gather [hbm4b:s4+s16], $0x80, s25, s16, $0xb8;
	[tilespmem:$0x1E800] =	vst v63  }
0x82: {  	_ =	swait.ge [sflag:s19], $0x4000  }
0x83: {  	[sflag:s19] =	ssyncset.done $0x0  }
0x84: {  	s31 =	sadd.s32 $0x1400, s24;
	[sflag:s19] =	ssyncadd.s32 $0xFFFFC000  }
0x85: {  	[spmem:s2] =	stream.indirect.scatter.add.f32 [tilespmem:s17], [sflag:$0x3], $0x80, s31, s16, $0xb8;
	[tilespmem:$0x1E800] =	vst v63  }
0x86: {  	_ =	swait.ge [sflag:s20], $0x4000  }
0x87: {  	[sflag:s20] =	ssyncset.done $0x0  }
0x88: {  	s24 =	sadd.s32 $0x1480, s24;
	[sflag:s20] =	ssyncadd.s32 $0xFFFFC000  }
0x89: {  	[spmem:s2] =	stream.indirect.scatter.add.f32 [tilespmem:s18], [sflag:$0x4], $0x80, s24, s16, $0xb8;
	[tilespmem:$0x1E800] =	vst v63  }
0x8a: {  	_ =	swait.ge [sflag:s21], $0x4000  }
0x8b: {  	[sflag:s21] =	ssyncset.done $0x0  }
0x8c: {  	[sflag:s21] =	ssyncadd.s32 $0xFFFFC000  }
0x8d: {  	_ =	swait.ge [sflag:s22], $0x4000  }
0x8e: {  	s23 =	sadd.s32 $0x1, s23;
	[sflag:s22] =	ssyncset.done $0x0  }
0x8f: {  	p0 =	sne.s32 s23, s12;
	[sflag:s22] =	ssyncadd.s32 $0xFFFFC000  }
.Ltmp2:
0x90: {  	[bflag:$0x0] =	sbarrier.arrive $0xFFFF;
	(pc) =	sbr.rel @p0 .LBB2_1-.Ltmp2, $4  }
0x91: {  	[hbm:s11], [sflag:s6] =	dma.local [spmem:s13], $0x2800  }
0x92: {  	_ =	swait.ge [sflag:s14], $0x2800  }
0x93: {  	[sflag:s14] =	ssyncset.done $0x0  }
0x94: {  	[sflag:s14] =	ssyncadd.s32 $0xFFFFD800  }
0x95: {  	_ =	sfence.sel $0x180000  }
0x96: {  	[bflag:$0x0] =	sbarrier.arrive $0xFFFF  }
0x97: {  	p0 =	sne.s32 s1, $0x0;
	_ =	strace $0x90000056  }
0x98: {  	s0 =	sadd.s32 @!p0 $0x100000, s0;
	[bflag:$0x2] =	sbarrier.arrive $0xFFFF  }
0x99: {  	[sflag:s0] =	ssyncadd.tile.s32 @!p0 $0x1;
	_ =	shalt  }
.Lfunc_end2:
_tile_overlayer_lowered:
.L_overlay_start_2:
0x9a: {  	(tag) =	ssettag $0x2  }
0x9b: {  	s0 =	rddreg [dreg:$0x0];
	s2 =	stileid.u32  }
0x9c: {  	s1 =	rddreg [dreg:$0x1];
	p0 =	sne.s32 s2, $0x0  }
0x9d: {  	s3 =	rddreg [dreg:$0x2];
	[bflag:$0x3] =	sbarrier.arrive $0xFFFF;
	s2 =	simm.s32 @!p0 $0x1C05  }
0x9e: {  	[timem:s3], [sflag:s2] =	dma.local @!p0 [hbm:s0], s1  }
0x9f: {  	s0 =	simm.s32 @!p0 $0x5  }
0xa0: {  	_ =	swait.ge @!p0 [sflag:s0], s1  }
0xa1: {  	s1 =	ssub.s32 @!p0 $0x0, s1;
	[sflag:s0] =	ssyncset.done @!p0 $0x0  }
0xa2: {  	[sflag:s0] =	ssyncadd.s32 @!p0 s1  }
0xa3: {  	[bflag:$0x3] =	sbarrier.arrive $0xFFFF  }
0xa4: {  	_ =	shalt  }

</sc_bundles>
